<compile_context>
chip_gen: v7x
topology: tpu7x:2x2x1
jax: 0.10.2.dev20260603
libtpu: 0.0.44.dev20260713+nightly
codegen_flags: <defaults>
</compile_context>

<pallas_src>
import functools

import jax
import jax.numpy as jnp
from jax import lax
from jax.experimental import pallas as pl
from jax.experimental.pallas import tpu as pltpu
from jax.experimental.pallas import tpu_sc as plsc

N = 10000
NP = 10240
F = 128
E = 320000
CPS = 4
EK = 8000
NCHUNK = E // EK
GRP = 16

BLK = 2048



def _prologue_body(x_ref, w0_ref, b0_ref, w1_ref, b1_ref, wp0_ref, bp0_ref,
                   wp1_ref, bp1_ref, wp_ref, bl_ref, wg_ref, bg_ref, wh_ref,
                   g_ref, c_ref, d_ref):
    dot = functools.partial(jnp.dot, preferred_element_type=jnp.float32)
    xb = x_ref[...]
    h0 = jnp.maximum(dot(w0_ref[...], xb) + b0_ref[...], 0.0)
    h = dot(w1_ref[...], h0) + b1_ref[...]
    t = jnp.maximum(dot(wp0_ref[...], h) + bp0_ref[...], 0.0)
    pos = dot(wp1_ref[...], t) + bp1_ref[...]
    p = dot(wp_ref[...], pos)
    c = p + bl_ref[...]
    d_ref[...] = bg_ref[...] - dot(wg_ref[...], p)
    c_ref[...] = c
    g_ref[...] = dot(wh_ref[...], h) + c


def _layer_body(m_ref, c_ref, d_ref, wg_ref, wh_ref, g_ref):
    dot = functools.partial(jnp.dot, preferred_element_type=jnp.float32)
    h = jnp.maximum(dot(wg_ref[...], m_ref[...]) + d_ref[...], 0.0)
    g_ref[...] = dot(wh_ref[...], h) + c_ref[...]


def _final_body(m_ref, d_ref, wg_ref, wf_ref, bf_ref, o_ref):
    dot = functools.partial(jnp.dot, preferred_element_type=jnp.float32)
    h = jnp.maximum(dot(wg_ref[...], m_ref[...]) + d_ref[...], 0.0)
    o_ref[...] = dot(wf_ref[...], h) + bf_ref[...]


def _col_spec():
    return pl.BlockSpec((F, BLK), lambda j: (0, j))


def _fix(shape):
    return pl.BlockSpec(shape, lambda j: (0, 0))


_GRID = (NP // BLK,)
_ACT = jax.ShapeDtypeStruct((F, NP), jnp.float32)

_prologue = pl.pallas_call(
    _prologue_body,
    grid=_GRID,
    in_specs=[
        _col_spec(),
        _fix((F, F)), _fix((F, 1)),
        _fix((F, F)), _fix((F, 1)),
        _fix((F, F)), _fix((F, 1)),
        _fix((3, F)), _fix((3, 1)),
        _fix((F, 3)),
        _fix((F, 1)),
        _fix((F, F)), _fix((F, 1)),
        _fix((F, F)),
    ],
    out_specs=[_col_spec(), _col_spec(), _col_spec()],
    out_shape=[_ACT, _ACT, _ACT],
)

_layer = pl.pallas_call(
    _layer_body,
    grid=_GRID,
    in_specs=[_col_spec(), _col_spec(), _col_spec(), _fix((F, F)), _fix((F, F))],
    out_specs=_col_spec(),
    out_shape=_ACT,
)

_final = pl.pallas_call(
    _final_body,
    grid=_GRID,
    in_specs=[_col_spec(), _col_spec(), _fix((F, F)), _fix((F, F)), _fix((F, 1))],
    out_specs=_col_spec(),
    out_shape=_ACT,
)



_MESH = plsc.VectorSubcoreMesh(core_axis_name="c", subcore_axis_name="s")


@functools.partial(
    pl.kernel,
    out_type=jax.ShapeDtypeStruct((F, NP), jnp.float32),
    mesh=_MESH,
    compiler_params=pltpu.CompilerParams(needs_layout_passes=False),
    scratch_types=(
        [pltpu.VMEM((NP,), jnp.float32) for _ in range(CPS)]
        + [pltpu.VMEM((NP,), jnp.float32) for _ in range(CPS)]
        + [pltpu.VMEM((EK,), jnp.int32) for _ in range(4)]
        + [pltpu.SemaphoreType.DMA for _ in range(4)]
    ),
)
def _segmax(g_hbm, src_hbm, dst_hbm, out_hbm,
            gt0, gt1, gt2, gt3, ac0, ac1, ac2, ac3,
            src0, src1, dst0, dst1, sem0, sem1, sem2, sem3):
    cid = lax.axis_index("c")
    sid = lax.axis_index("s")
    wid = sid * 2 + cid
    c0 = wid * CPS
    gts = (gt0, gt1, gt2, gt3)
    acs = (ac0, ac1, ac2, ac3)
    srcb = (src0, src1)
    dstb = (dst0, dst1)
    sems = ((sem0, sem1), (sem2, sem3))
    for k in range(CPS):
        pltpu.sync_copy(g_hbm.at[c0 + k], gts[k])
        pltpu.sync_copy(g_hbm.at[c0 + k], acs[k])

    def fetch(ci, slot):
        base = ci * EK
        a = pltpu.async_copy(src_hbm.at[pl.ds(base, EK)], srcb[slot],
                             sems[slot][0])
        b = pltpu.async_copy(dst_hbm.at[pl.ds(base, EK)], dstb[slot],
                             sems[slot][1])
        return a, b

    base = jnp.min(plsc.scan_count(jnp.zeros((GRP,), jnp.int32))[0])

    def rmw_round(vals, dstv, m):
        curs = [plsc.load_gather(acs[c], [dstv]) for c in range(CPS)]
        news = [jnp.maximum(curs[c], vals[c]) for c in range(CPS)]
        for c in range(CPS):
            plsc.store_scatter(acs[c], [dstv], news[c], mask=m)

    def process(slot):
        def grp_body(gi, rem_acc):
            off = gi * GRP
            srcv = srcb[slot][pl.ds(off, GRP)]
            dstv = dstb[slot][pl.ds(off, GRP)]
            vals = [plsc.load_gather(gts[c], [srcv]) for c in range(CPS)]
            cnt, last = plsc.scan_count(dstv)
            first = cnt == base
            notlast = jnp.logical_not(last)
            rmw_round(vals, dstv, last)
            rmw_round(vals, dstv, jnp.logical_and(first, notlast))
            rem = jnp.logical_and(notlast, jnp.logical_not(first))
            return jnp.logical_or(rem_acc, rem)

        rem_acc = lax.fori_loop(0, EK // GRP, grp_body,
                                jnp.zeros((GRP,), jnp.bool_), unroll=4)

        @pl.when(jnp.any(rem_acc))
        def _():
            def grp_slow(gi, carry2):
                off = gi * GRP
                srcv = srcb[slot][pl.ds(off, GRP)]
                dstv = dstb[slot][pl.ds(off, GRP)]
                vals = [plsc.load_gather(gts[c], [srcv]) for c in range(CPS)]
                cnt, _ = plsc.scan_count(dstv)
                rhi = jnp.max(cnt)

                def round_body(r, carry3):
                    rmw_round(vals, dstv, cnt == r)
                    return carry3

                lax.fori_loop(base, rhi + 1, round_body, 0)
                return carry2

            lax.fori_loop(0, EK // GRP, grp_slow, 0)

    def wait_slot(slot):
        pltpu.make_async_copy(src_hbm.at[pl.ds(0, EK)], srcb[slot],
                              sems[slot][0]).wait()
        pltpu.make_async_copy(dst_hbm.at[pl.ds(0, EK)], dstb[slot],
                              sems[slot][1]).wait()

    fetch(0, 0)

    def pair_body(i, carry):
        ci = i * 2
        wait_slot(0)
        fetch(ci + 1, 1)
        process(0)
        wait_slot(1)

        @pl.when(ci + 2 < NCHUNK)
        def _():
            fetch(ci + 2, 0)

        process(1)
        return carry

    lax.fori_loop(0, NCHUNK // 2, pair_body, 0)

    for k in range(CPS):
        pltpu.sync_copy(acs[k], out_hbm.at[c0 + k])



def kernel(x, edge_index, W_init0, b_init0, W_init1, b_init1, W_pos0, b_pos0,
           W_pos1, b_pos1, W_local, b_local, W_global, b_global, W_final,
           b_final):
    xt = jnp.pad(x.T, ((0, 0), (0, NP - N)))
    src = edge_index[0]
    dst = edge_index[1]
    col = lambda b: b.reshape(-1, 1)

    g, cmat, dmat = _prologue(
        xt,
        W_init0.T, col(b_init0),
        W_init1.T, col(b_init1),
        W_pos0.T, col(b_pos0),
        W_pos1.T, col(b_pos1),
        W_local[F:].T,
        col(b_local),
        W_global.T, col(b_global),
        W_local[:F].T,
    )
    wgt = W_global.T
    wht = W_local[:F].T
    for i in range(2):
        m = _segmax(g, src, dst)
        g = _layer(m, cmat, dmat, wgt, wht)
    m = _segmax(g, src, dst)
    out_t = _final(m, dmat, wgt, W_final.T, col(b_final))
    return out_t[:, :N].T

# --- scband reference (transcript-rebuilt; emitter-appended) ---
"""Pipeline reference for scband-point-net-58858231824472 (READ-ONLY COPY).

The authoritative reference and input builder live on the scoring server;
editing this copy changes nothing except your own understanding.
"""

import jax, jax.numpy as jnp
import numpy as np

N = 10000
E = 320000
IN_C = 128
HID = 128
OUT_C = 128
NUM_LAYERS = 3

def _glorot(k, fan_in, fan_out):
    limit = (6.0 / (fan_in + fan_out)) ** 0.5
    return jax.random.uniform(k, (fan_in, fan_out), jnp.float32, -limit, limit)

def setup_inputs(seed: int = 0):
    key = jax.random.key(seed)
    ks = jax.random.split(key, 12)
    inp = {}
    inp["x"] = jax.random.normal(ks[0], (N, IN_C), dtype=jnp.float32)
    inp["edge_index"] = jax.random.randint(ks[1], (2, E), 0, N, dtype=jnp.int32)
    inp["W_init0"] = _glorot(ks[2], IN_C, HID)
    inp["b_init0"] = jnp.zeros((HID,), jnp.float32)
    inp["W_init1"] = _glorot(ks[3], HID, HID)
    inp["b_init1"] = jnp.zeros((HID,), jnp.float32)
    inp["W_pos0"] = _glorot(ks[4], HID, HID)
    inp["b_pos0"] = jnp.zeros((HID,), jnp.float32)
    inp["W_pos1"] = _glorot(ks[5], HID, 3)
    inp["b_pos1"] = jnp.zeros((3,), jnp.float32)
    inp["W_local"] = _glorot(ks[6], HID + 3, HID)
    inp["b_local"] = jnp.zeros((HID,), jnp.float32)
    inp["W_global"] = _glorot(ks[7], HID, HID)
    inp["b_global"] = jnp.zeros((HID,), jnp.float32)
    inp["W_final"] = _glorot(ks[8], HID, OUT_C)
    inp["b_final"] = jnp.zeros((OUT_C,), jnp.float32)
    return inp

def _mlp2(x, W0, b0, W1, b1):
    # PyG MLP with norm=None, plain_last=True: lin -> relu -> (dropout=identity in eval) -> lin
    h = jnp.maximum(x @ W0 + b0, 0.0)
    return h @ W1 + b1

def reference(x, edge_index, W_init0, b_init0, W_init1, b_init1, W_pos0, b_pos0, W_pos1, b_pos1, W_local, b_local, W_global, b_global, W_final, b_final):
    n = x.shape[0]
    h = _mlp2(x, W_init0, b_init0, W_init1, b_init1)
    pos = _mlp2(h, W_pos0, b_pos0, W_pos1, b_pos1)
    # PointNetConv adds self loops (remove+add collapses duplicates; identical
    # self messages are idempotent under max, so appending loops is equivalent)
    loop = jnp.arange(n, dtype=edge_index.dtype)
    src = jnp.concatenate([edge_index[0], loop])
    dst = jnp.concatenate([edge_index[1], loop])
    rel = pos[src] - pos[dst]
    for _ in range(NUM_LAYERS):
        # message: local_nn(cat([x_j, pos_j - pos_i])) ; local_nn is a single Linear
        msg = jnp.concatenate([h[src], rel], axis=-1) @ W_local + b_local
        # aggr='max' over destination nodes; every node has a self loop
        agg = jax.ops.segment_max(msg, dst, num_segments=n)
        # global_nn (single Linear), then dropout(eval)=identity, then relu
        h = jnp.maximum(agg @ W_global + b_global, 0.0)
    return h @ W_final + b_final

if __name__ == "__main__":
    import jax
    _d = setup_inputs()
    print(jax.jit(kernel)(*tuple(_d.values())))

</pallas_src>

<mosaic_0001>
#map = affine_map<(d0, d1) -> (0, 0)>
#map1 = affine_map<(d0, d1) -> (0)>
module attributes {stable_mosaic.version = 14 : i64} {
  func.func @_segmax(%arg0: i32, %arg1: i32, %arg2: memref<128x10240xf32, #tpu.memory_space<hbm>>, %arg3: memref<320000xi32, #tpu.memory_space<hbm>>, %arg4: memref<320000xi32, #tpu.memory_space<hbm>>, %arg5: memref<128x10240xf32, #tpu.memory_space<hbm>>, %arg6: memref<10240xf32, #tpu.memory_space<vmem>>, %arg7: memref<10240xf32, #tpu.memory_space<vmem>>, %arg8: memref<10240xf32, #tpu.memory_space<vmem>>, %arg9: memref<10240xf32, #tpu.memory_space<vmem>>, %arg10: memref<10240xf32, #tpu.memory_space<vmem>>, %arg11: memref<10240xf32, #tpu.memory_space<vmem>>, %arg12: memref<10240xf32, #tpu.memory_space<vmem>>, %arg13: memref<10240xf32, #tpu.memory_space<vmem>>, %arg14: memref<8000xi32, #tpu.memory_space<vmem>>, %arg15: memref<8000xi32, #tpu.memory_space<vmem>>, %arg16: memref<8000xi32, #tpu.memory_space<vmem>>, %arg17: memref<8000xi32, #tpu.memory_space<vmem>>, %arg18: memref<!tpu.dma_semaphore, #tpu.memory_space<semaphore_mem>>, %arg19: memref<!tpu.dma_semaphore, #tpu.memory_space<semaphore_mem>>, %arg20: memref<!tpu.dma_semaphore, #tpu.memory_space<semaphore_mem>>, %arg21: memref<!tpu.dma_semaphore, #tpu.memory_space<semaphore_mem>>) attributes {dimension_semantics = [#tpu.dimension_semantics<core_parallel>, #tpu.dimension_semantics<subcore_parallel>], iteration_bounds = array<i64: 2, 16>, scalar_prefetch = 0 : i64, scratch_operands = 16 : i64, tpu.core_type = #tpu.core_type<sc_vector_subcore>, window_params = [{transform_indices = #map}, {transform_indices = #map1}, {transform_indices = #map1}, {transform_indices = #map}]} {
    %mul3A = arith.constant 2 : i32
    %mul3A_0 = arith.muli %arg1, %mul3A : i32
    %add3A = arith.addi %mul3A_0, %arg0 : i32
    %mul3A_1 = arith.constant 4 : i32
    %mul3A_2 = arith.muli %add3A, %mul3A_1 : i32
    %add3A_3 = arith.constant 0 : i32
    %add3A_4 = arith.addi %mul3A_2, %add3A_3 : i32
    "tpu.region"() ({
      %run_scoped3A = tpu.sem_alloc : memref<!tpu.dma_semaphore, #tpu.memory_space<semaphore_mem>>
      %dma_start3A_50 = arith.constant 0 : i32
      %dma_start3A_51 = tpu.memref_slice %arg2[%add3A_4, %dma_start3A_50] : memref<128x10240xf32, #tpu.memory_space<hbm>> -> memref<1x10240xf32, #tpu.memory_space<hbm>>
      %dma_start3A_52 = tpu.memref_squeeze %dma_start3A_51 : memref<1x10240xf32, #tpu.memory_space<hbm>> -> memref<10240xf32, #tpu.memory_space<hbm>>
      %dma_start3A_53 = arith.constant 0 : i32
      %dma_start3A_54 = tpu.memref_slice %arg2[%add3A_4, %dma_start3A_53] : memref<128x10240xf32, #tpu.memory_space<hbm>> -> memref<1x10240xf32, #tpu.memory_space<hbm>>
      %dma_start3A_55 = tpu.memref_squeeze %dma_start3A_54 : memref<1x10240xf32, #tpu.memory_space<hbm>> -> memref<10240xf32, #tpu.memory_space<hbm>>
      tpu.enqueue_dma source(%dma_start3A_55 : memref<10240xf32, #tpu.memory_space<hbm>>) target(%arg6 : memref<10240xf32, #tpu.memory_space<vmem>>) target_semaphore(%run_scoped3A : memref<!tpu.dma_semaphore, #tpu.memory_space<semaphore_mem>>)
      %dma_wait3A = arith.constant 0 : i32
      %dma_wait3A_56 = tpu.memref_slice %arg2[%add3A_4, %dma_wait3A] : memref<128x10240xf32, #tpu.memory_space<hbm>> -> memref<1x10240xf32, #tpu.memory_space<hbm>>
      %dma_wait3A_57 = tpu.memref_squeeze %dma_wait3A_56 : memref<1x10240xf32, #tpu.memory_space<hbm>> -> memref<10240xf32, #tpu.memory_space<hbm>>
      %dma_wait3A_58 = arith.constant 0 : i32
      %dma_wait3A_59 = tpu.memref_slice %arg2[%add3A_4, %dma_wait3A_58] : memref<128x10240xf32, #tpu.memory_space<hbm>> -> memref<1x10240xf32, #tpu.memory_space<hbm>>
      %dma_wait3A_60 = tpu.memref_squeeze %dma_wait3A_59 : memref<1x10240xf32, #tpu.memory_space<hbm>> -> memref<10240xf32, #tpu.memory_space<hbm>>
      tpu.wait_dma2 semaphore(%run_scoped3A : memref<!tpu.dma_semaphore, #tpu.memory_space<semaphore_mem>>) src(%dma_wait3A_60 : memref<10240xf32, #tpu.memory_space<hbm>>) dst(%arg6 : memref<10240xf32, #tpu.memory_space<vmem>>)
      tpu.yield
    }) : () -> ()
    %add3A_5 = arith.constant 0 : i32
    %add3A_6 = arith.addi %mul3A_2, %add3A_5 : i32
    "tpu.region"() ({
      %run_scoped3A = tpu.sem_alloc : memref<!tpu.dma_semaphore, #tpu.memory_space<semaphore_mem>>
      %dma_start3A_50 = arith.constant 0 : i32
      %dma_start3A_51 = tpu.memref_slice %arg2[%add3A_6, %dma_start3A_50] : memref<128x10240xf32, #tpu.memory_space<hbm>> -> memref<1x10240xf32, #tpu.memory_space<hbm>>
      %dma_start3A_52 = tpu.memref_squeeze %dma_start3A_51 : memref<1x10240xf32, #tpu.memory_space<hbm>> -> memref<10240xf32, #tpu.memory_space<hbm>>
      %dma_start3A_53 = arith.constant 0 : i32
      %dma_start3A_54 = tpu.memref_slice %arg2[%add3A_6, %dma_start3A_53] : memref<128x10240xf32, #tpu.memory_space<hbm>> -> memref<1x10240xf32, #tpu.memory_space<hbm>>
      %dma_start3A_55 = tpu.memref_squeeze %dma_start3A_54 : memref<1x10240xf32, #tpu.memory_space<hbm>> -> memref<10240xf32, #tpu.memory_space<hbm>>
      tpu.enqueue_dma source(%dma_start3A_55 : memref<10240xf32, #tpu.memory_space<hbm>>) target(%arg10 : memref<10240xf32, #tpu.memory_space<vmem>>) target_semaphore(%run_scoped3A : memref<!tpu.dma_semaphore, #tpu.memory_space<semaphore_mem>>)
      %dma_wait3A = arith.constant 0 : i32
      %dma_wait3A_56 = tpu.memref_slice %arg2[%add3A_6, %dma_wait3A] : memref<128x10240xf32, #tpu.memory_space<hbm>> -> memref<1x10240xf32, #tpu.memory_space<hbm>>
      %dma_wait3A_57 = tpu.memref_squeeze %dma_wait3A_56 : memref<1x10240xf32, #tpu.memory_space<hbm>> -> memref<10240xf32, #tpu.memory_space<hbm>>
      %dma_wait3A_58 = arith.constant 0 : i32
      %dma_wait3A_59 = tpu.memref_slice %arg2[%add3A_6, %dma_wait3A_58] : memref<128x10240xf32, #tpu.memory_space<hbm>> -> memref<1x10240xf32, #tpu.memory_space<hbm>>
      %dma_wait3A_60 = tpu.memref_squeeze %dma_wait3A_59 : memref<1x10240xf32, #tpu.memory_space<hbm>> -> memref<10240xf32, #tpu.memory_space<hbm>>
      tpu.wait_dma2 semaphore(%run_scoped3A : memref<!tpu.dma_semaphore, #tpu.memory_space<semaphore_mem>>) src(%dma_wait3A_60 : memref<10240xf32, #tpu.memory_space<hbm>>) dst(%arg10 : memref<10240xf32, #tpu.memory_space<vmem>>)
      tpu.yield
    }) : () -> ()
    %add3A_7 = arith.constant 1 : i32
    %add3A_8 = arith.addi %mul3A_2, %add3A_7 : i32
    "tpu.region"() ({
      %run_scoped3A = tpu.sem_alloc : memref<!tpu.dma_semaphore, #tpu.memory_space<semaphore_mem>>
      %dma_start3A_50 = arith.constant 0 : i32
      %dma_start3A_51 = tpu.memref_slice %arg2[%add3A_8, %dma_start3A_50] : memref<128x10240xf32, #tpu.memory_space<hbm>> -> memref<1x10240xf32, #tpu.memory_space<hbm>>
      %dma_start3A_52 = tpu.memref_squeeze %dma_start3A_51 : memref<1x10240xf32, #tpu.memory_space<hbm>> -> memref<10240xf32, #tpu.memory_space<hbm>>
      %dma_start3A_53 = arith.constant 0 : i32
      %dma_start3A_54 = tpu.memref_slice %arg2[%add3A_8, %dma_start3A_53] : memref<128x10240xf32, #tpu.memory_space<hbm>> -> memref<1x10240xf32, #tpu.memory_space<hbm>>
      %dma_start3A_55 = tpu.memref_squeeze %dma_start3A_54 : memref<1x10240xf32, #tpu.memory_space<hbm>> -> memref<10240xf32, #tpu.memory_space<hbm>>
      tpu.enqueue_dma source(%dma_start3A_55 : memref<10240xf32, #tpu.memory_space<hbm>>) target(%arg7 : memref<10240xf32, #tpu.memory_space<vmem>>) target_semaphore(%run_scoped3A : memref<!tpu.dma_semaphore, #tpu.memory_space<semaphore_mem>>)
      %dma_wait3A = arith.constant 0 : i32
      %dma_wait3A_56 = tpu.memref_slice %arg2[%add3A_8, %dma_wait3A] : memref<128x10240xf32, #tpu.memory_space<hbm>> -> memref<1x10240xf32, #tpu.memory_space<hbm>>
      %dma_wait3A_57 = tpu.memref_squeeze %dma_wait3A_56 : memref<1x10240xf32, #tpu.memory_space<hbm>> -> memref<10240xf32, #tpu.memory_space<hbm>>
      %dma_wait3A_58 = arith.constant 0 : i32
      %dma_wait3A_59 = tpu.memref_slice %arg2[%add3A_8, %dma_wait3A_58] : memref<128x10240xf32, #tpu.memory_space<hbm>> -> memref<1x10240xf32, #tpu.memory_space<hbm>>
      %dma_wait3A_60 = tpu.memref_squeeze %dma_wait3A_59 : memref<1x10240xf32, #tpu.memory_space<hbm>> -> memref<10240xf32, #tpu.memory_space<hbm>>
      tpu.wait_dma2 semaphore(%run_scoped3A : memref<!tpu.dma_semaphore, #tpu.memory_space<semaphore_mem>>) src(%dma_wait3A_60 : memref<10240xf32, #tpu.memory_space<hbm>>) dst(%arg7 : memref<10240xf32, #tpu.memory_space<vmem>>)
      tpu.yield
    }) : () -> ()
    %add3A_9 = arith.constant 1 : i32
    %add3A_10 = arith.addi %mul3A_2, %add3A_9 : i32
    "tpu.region"() ({
      %run_scoped3A = tpu.sem_alloc : memref<!tpu.dma_semaphore, #tpu.memory_space<semaphore_mem>>
      %dma_start3A_50 = arith.constant 0 : i32
      %dma_start3A_51 = tpu.memref_slice %arg2[%add3A_10, %dma_start3A_50] : memref<128x10240xf32, #tpu.memory_space<hbm>> -> memref<1x10240xf32, #tpu.memory_space<hbm>>
      %dma_start3A_52 = tpu.memref_squeeze %dma_start3A_51 : memref<1x10240xf32, #tpu.memory_space<hbm>> -> memref<10240xf32, #tpu.memory_space<hbm>>
      %dma_start3A_53 = arith.constant 0 : i32
      %dma_start3A_54 = tpu.memref_slice %arg2[%add3A_10, %dma_start3A_53] : memref<128x10240xf32, #tpu.memory_space<hbm>> -> memref<1x10240xf32, #tpu.memory_space<hbm>>
      %dma_start3A_55 = tpu.memref_squeeze %dma_start3A_54 : memref<1x10240xf32, #tpu.memory_space<hbm>> -> memref<10240xf32, #tpu.memory_space<hbm>>
      tpu.enqueue_dma source(%dma_start3A_55 : memref<10240xf32, #tpu.memory_space<hbm>>) target(%arg11 : memref<10240xf32, #tpu.memory_space<vmem>>) target_semaphore(%run_scoped3A : memref<!tpu.dma_semaphore, #tpu.memory_space<semaphore_mem>>)
      %dma_wait3A = arith.constant 0 : i32
      %dma_wait3A_56 = tpu.memref_slice %arg2[%add3A_10, %dma_wait3A] : memref<128x10240xf32, #tpu.memory_space<hbm>> -> memref<1x10240xf32, #tpu.memory_space<hbm>>
      %dma_wait3A_57 = tpu.memref_squeeze %dma_wait3A_56 : memref<1x10240xf32, #tpu.memory_space<hbm>> -> memref<10240xf32, #tpu.memory_space<hbm>>
      %dma_wait3A_58 = arith.constant 0 : i32
      %dma_wait3A_59 = tpu.memref_slice %arg2[%add3A_10, %dma_wait3A_58] : memref<128x10240xf32, #tpu.memory_space<hbm>> -> memref<1x10240xf32, #tpu.memory_space<hbm>>
      %dma_wait3A_60 = tpu.memref_squeeze %dma_wait3A_59 : memref<1x10240xf32, #tpu.memory_space<hbm>> -> memref<10240xf32, #tpu.memory_space<hbm>>
      tpu.wait_dma2 semaphore(%run_scoped3A : memref<!tpu.dma_semaphore, #tpu.memory_space<semaphore_mem>>) src(%dma_wait3A_60 : memref<10240xf32, #tpu.memory_space<hbm>>) dst(%arg11 : memref<10240xf32, #tpu.memory_space<vmem>>)
      tpu.yield
    }) : () -> ()
    %add3A_11 = arith.constant 2 : i32
    %add3A_12 = arith.addi %mul3A_2, %add3A_11 : i32
    "tpu.region"() ({
      %run_scoped3A = tpu.sem_alloc : memref<!tpu.dma_semaphore, #tpu.memory_space<semaphore_mem>>
      %dma_start3A_50 = arith.constant 0 : i32
      %dma_start3A_51 = tpu.memref_slice %arg2[%add3A_12, %dma_start3A_50] : memref<128x10240xf32, #tpu.memory_space<hbm>> -> memref<1x10240xf32, #tpu.memory_space<hbm>>
      %dma_start3A_52 = tpu.memref_squeeze %dma_start3A_51 : memref<1x10240xf32, #tpu.memory_space<hbm>> -> memref<10240xf32, #tpu.memory_space<hbm>>
      %dma_start3A_53 = arith.constant 0 : i32
      %dma_start3A_54 = tpu.memref_slice %arg2[%add3A_12, %dma_start3A_53] : memref<128x10240xf32, #tpu.memory_space<hbm>> -> memref<1x10240xf32, #tpu.memory_space<hbm>>
      %dma_start3A_55 = tpu.memref_squeeze %dma_start3A_54 : memref<1x10240xf32, #tpu.memory_space<hbm>> -> memref<10240xf32, #tpu.memory_space<hbm>>
      tpu.enqueue_dma source(%dma_start3A_55 : memref<10240xf32, #tpu.memory_space<hbm>>) target(%arg8 : memref<10240xf32, #tpu.memory_space<vmem>>) target_semaphore(%run_scoped3A : memref<!tpu.dma_semaphore, #tpu.memory_space<semaphore_mem>>)
      %dma_wait3A = arith.constant 0 : i32
      %dma_wait3A_56 = tpu.memref_slice %arg2[%add3A_12, %dma_wait3A] : memref<128x10240xf32, #tpu.memory_space<hbm>> -> memref<1x10240xf32, #tpu.memory_space<hbm>>
      %dma_wait3A_57 = tpu.memref_squeeze %dma_wait3A_56 : memref<1x10240xf32, #tpu.memory_space<hbm>> -> memref<10240xf32, #tpu.memory_space<hbm>>
      %dma_wait3A_58 = arith.constant 0 : i32
      %dma_wait3A_59 = tpu.memref_slice %arg2[%add3A_12, %dma_wait3A_58] : memref<128x10240xf32, #tpu.memory_space<hbm>> -> memref<1x10240xf32, #tpu.memory_space<hbm>>
      %dma_wait3A_60 = tpu.memref_squeeze %dma_wait3A_59 : memref<1x10240xf32, #tpu.memory_space<hbm>> -> memref<10240xf32, #tpu.memory_space<hbm>>
      tpu.wait_dma2 semaphore(%run_scoped3A : memref<!tpu.dma_semaphore, #tpu.memory_space<semaphore_mem>>) src(%dma_wait3A_60 : memref<10240xf32, #tpu.memory_space<hbm>>) dst(%arg8 : memref<10240xf32, #tpu.memory_space<vmem>>)
      tpu.yield
    }) : () -> ()
    %add3A_13 = arith.constant 2 : i32
    %add3A_14 = arith.addi %mul3A_2, %add3A_13 : i32
    "tpu.region"() ({
      %run_scoped3A = tpu.sem_alloc : memref<!tpu.dma_semaphore, #tpu.memory_space<semaphore_mem>>
      %dma_start3A_50 = arith.constant 0 : i32
      %dma_start3A_51 = tpu.memref_slice %arg2[%add3A_14, %dma_start3A_50] : memref<128x10240xf32, #tpu.memory_space<hbm>> -> memref<1x10240xf32, #tpu.memory_space<hbm>>
      %dma_start3A_52 = tpu.memref_squeeze %dma_start3A_51 : memref<1x10240xf32, #tpu.memory_space<hbm>> -> memref<10240xf32, #tpu.memory_space<hbm>>
      %dma_start3A_53 = arith.constant 0 : i32
      %dma_start3A_54 = tpu.memref_slice %arg2[%add3A_14, %dma_start3A_53] : memref<128x10240xf32, #tpu.memory_space<hbm>> -> memref<1x10240xf32, #tpu.memory_space<hbm>>
      %dma_start3A_55 = tpu.memref_squeeze %dma_start3A_54 : memref<1x10240xf32, #tpu.memory_space<hbm>> -> memref<10240xf32, #tpu.memory_space<hbm>>
      tpu.enqueue_dma source(%dma_start3A_55 : memref<10240xf32, #tpu.memory_space<hbm>>) target(%arg12 : memref<10240xf32, #tpu.memory_space<vmem>>) target_semaphore(%run_scoped3A : memref<!tpu.dma_semaphore, #tpu.memory_space<semaphore_mem>>)
      %dma_wait3A = arith.constant 0 : i32
      %dma_wait3A_56 = tpu.memref_slice %arg2[%add3A_14, %dma_wait3A] : memref<128x10240xf32, #tpu.memory_space<hbm>> -> memref<1x10240xf32, #tpu.memory_space<hbm>>
      %dma_wait3A_57 = tpu.memref_squeeze %dma_wait3A_56 : memref<1x10240xf32, #tpu.memory_space<hbm>> -> memref<10240xf32, #tpu.memory_space<hbm>>
      %dma_wait3A_58 = arith.constant 0 : i32
      %dma_wait3A_59 = tpu.memref_slice %arg2[%add3A_14, %dma_wait3A_58] : memref<128x10240xf32, #tpu.memory_space<hbm>> -> memref<1x10240xf32, #tpu.memory_space<hbm>>
      %dma_wait3A_60 = tpu.memref_squeeze %dma_wait3A_59 : memref<1x10240xf32, #tpu.memory_space<hbm>> -> memref<10240xf32, #tpu.memory_space<hbm>>
      tpu.wait_dma2 semaphore(%run_scoped3A : memref<!tpu.dma_semaphore, #tpu.memory_space<semaphore_mem>>) src(%dma_wait3A_60 : memref<10240xf32, #tpu.memory_space<hbm>>) dst(%arg12 : memref<10240xf32, #tpu.memory_space<vmem>>)
      tpu.yield
    }) : () -> ()
    %add3A_15 = arith.constant 3 : i32
    %add3A_16 = arith.addi %mul3A_2, %add3A_15 : i32
    "tpu.region"() ({
      %run_scoped3A = tpu.sem_alloc : memref<!tpu.dma_semaphore, #tpu.memory_space<semaphore_mem>>
      %dma_start3A_50 = arith.constant 0 : i32
      %dma_start3A_51 = tpu.memref_slice %arg2[%add3A_16, %dma_start3A_50] : memref<128x10240xf32, #tpu.memory_space<hbm>> -> memref<1x10240xf32, #tpu.memory_space<hbm>>
      %dma_start3A_52 = tpu.memref_squeeze %dma_start3A_51 : memref<1x10240xf32, #tpu.memory_space<hbm>> -> memref<10240xf32, #tpu.memory_space<hbm>>
      %dma_start3A_53 = arith.constant 0 : i32
      %dma_start3A_54 = tpu.memref_slice %arg2[%add3A_16, %dma_start3A_53] : memref<128x10240xf32, #tpu.memory_space<hbm>> -> memref<1x10240xf32, #tpu.memory_space<hbm>>
      %dma_start3A_55 = tpu.memref_squeeze %dma_start3A_54 : memref<1x10240xf32, #tpu.memory_space<hbm>> -> memref<10240xf32, #tpu.memory_space<hbm>>
      tpu.enqueue_dma source(%dma_start3A_55 : memref<10240xf32, #tpu.memory_space<hbm>>) target(%arg9 : memref<10240xf32, #tpu.memory_space<vmem>>) target_semaphore(%run_scoped3A : memref<!tpu.dma_semaphore, #tpu.memory_space<semaphore_mem>>)
      %dma_wait3A = arith.constant 0 : i32
      %dma_wait3A_56 = tpu.memref_slice %arg2[%add3A_16, %dma_wait3A] : memref<128x10240xf32, #tpu.memory_space<hbm>> -> memref<1x10240xf32, #tpu.memory_space<hbm>>
      %dma_wait3A_57 = tpu.memref_squeeze %dma_wait3A_56 : memref<1x10240xf32, #tpu.memory_space<hbm>> -> memref<10240xf32, #tpu.memory_space<hbm>>
      %dma_wait3A_58 = arith.constant 0 : i32
      %dma_wait3A_59 = tpu.memref_slice %arg2[%add3A_16, %dma_wait3A_58] : memref<128x10240xf32, #tpu.memory_space<hbm>> -> memref<1x10240xf32, #tpu.memory_space<hbm>>
      %dma_wait3A_60 = tpu.memref_squeeze %dma_wait3A_59 : memref<1x10240xf32, #tpu.memory_space<hbm>> -> memref<10240xf32, #tpu.memory_space<hbm>>
      tpu.wait_dma2 semaphore(%run_scoped3A : memref<!tpu.dma_semaphore, #tpu.memory_space<semaphore_mem>>) src(%dma_wait3A_60 : memref<10240xf32, #tpu.memory_space<hbm>>) dst(%arg9 : memref<10240xf32, #tpu.memory_space<vmem>>)
      tpu.yield
    }) : () -> ()
    %add3A_17 = arith.constant 3 : i32
    %add3A_18 = arith.addi %mul3A_2, %add3A_17 : i32
    "tpu.region"() ({
      %run_scoped3A = tpu.sem_alloc : memref<!tpu.dma_semaphore, #tpu.memory_space<semaphore_mem>>
      %dma_start3A_50 = arith.constant 0 : i32
      %dma_start3A_51 = tpu.memref_slice %arg2[%add3A_18, %dma_start3A_50] : memref<128x10240xf32, #tpu.memory_space<hbm>> -> memref<1x10240xf32, #tpu.memory_space<hbm>>
      %dma_start3A_52 = tpu.memref_squeeze %dma_start3A_51 : memref<1x10240xf32, #tpu.memory_space<hbm>> -> memref<10240xf32, #tpu.memory_space<hbm>>
      %dma_start3A_53 = arith.constant 0 : i32
      %dma_start3A_54 = tpu.memref_slice %arg2[%add3A_18, %dma_start3A_53] : memref<128x10240xf32, #tpu.memory_space<hbm>> -> memref<1x10240xf32, #tpu.memory_space<hbm>>
      %dma_start3A_55 = tpu.memref_squeeze %dma_start3A_54 : memref<1x10240xf32, #tpu.memory_space<hbm>> -> memref<10240xf32, #tpu.memory_space<hbm>>
      tpu.enqueue_dma source(%dma_start3A_55 : memref<10240xf32, #tpu.memory_space<hbm>>) target(%arg13 : memref<10240xf32, #tpu.memory_space<vmem>>) target_semaphore(%run_scoped3A : memref<!tpu.dma_semaphore, #tpu.memory_space<semaphore_mem>>)
      %dma_wait3A = arith.constant 0 : i32
      %dma_wait3A_56 = tpu.memref_slice %arg2[%add3A_18, %dma_wait3A] : memref<128x10240xf32, #tpu.memory_space<hbm>> -> memref<1x10240xf32, #tpu.memory_space<hbm>>
      %dma_wait3A_57 = tpu.memref_squeeze %dma_wait3A_56 : memref<1x10240xf32, #tpu.memory_space<hbm>> -> memref<10240xf32, #tpu.memory_space<hbm>>
      %dma_wait3A_58 = arith.constant 0 : i32
      %dma_wait3A_59 = tpu.memref_slice %arg2[%add3A_18, %dma_wait3A_58] : memref<128x10240xf32, #tpu.memory_space<hbm>> -> memref<1x10240xf32, #tpu.memory_space<hbm>>
      %dma_wait3A_60 = tpu.memref_squeeze %dma_wait3A_59 : memref<1x10240xf32, #tpu.memory_space<hbm>> -> memref<10240xf32, #tpu.memory_space<hbm>>
      tpu.wait_dma2 semaphore(%run_scoped3A : memref<!tpu.dma_semaphore, #tpu.memory_space<semaphore_mem>>) src(%dma_wait3A_60 : memref<10240xf32, #tpu.memory_space<hbm>>) dst(%arg13 : memref<10240xf32, #tpu.memory_space<vmem>>)
      tpu.yield
    }) : () -> ()
    %broadcast_in_dim3A = arith.constant 0 : i32
    %broadcast_in_dim3A_19 = vector.broadcast %broadcast_in_dim3A : i32 to vector<16xi32>
    %broadcast_in_dim3A_20 = arith.constant true
    %broadcast_in_dim3A_21 = vector.broadcast %broadcast_in_dim3A_20 : i1 to vector<16xi1>
    %unique3A, %unique3A_22 = tpu.scan_count mask(%broadcast_in_dim3A_21 : vector<16xi1>) value(%broadcast_in_dim3A_19 : vector<16xi32>) : vector<16xi1>, vector<16xi32>
    %reduce_min3A = arith.constant true
    %reduce_min3A_23 = vector.broadcast %reduce_min3A : i1 to vector<16xi1>
    %reduce_min3A_24 = arith.constant -2147483648 : i32
    %reduce_min3A_25 = vector.broadcast %reduce_min3A_24 : i32 to vector<16xi32>
    %reduce_min3A_26 = arith.xori %unique3A_22, %reduce_min3A_25 : vector<16xi32>
    %reduce_min3A_27 = tpu.scan <min>, %reduce_min3A_26 masked %reduce_min3A_23 : vector<16xi32>, vector<16xi1> -> vector<16xi32>
    %reduce_min3A_28 = arith.xori %reduce_min3A_27, %reduce_min3A_25 : vector<16xi32>
    %reduce_min3A_29 = vector.extract %reduce_min3A_28[15] : i32 from vector<16xi32>
    %dma_start3A = arith.constant 0 : i32
    %dma_start3A_30 = tpu.memref_slice %arg3[%dma_start3A] : memref<320000xi32, #tpu.memory_space<hbm>> -> memref<8000xi32, #tpu.memory_space<hbm>>
    %dma_start3A_31 = arith.constant 0 : i32
    %dma_start3A_32 = tpu.memref_slice %arg3[%dma_start3A_31] : memref<320000xi32, #tpu.memory_space<hbm>> -> memref<8000xi32, #tpu.memory_space<hbm>>
    tpu.enqueue_dma source(%dma_start3A_32 : memref<8000xi32, #tpu.memory_space<hbm>>) target(%arg14 : memref<8000xi32, #tpu.memory_space<vmem>>) target_semaphore(%arg18 : memref<!tpu.dma_semaphore, #tpu.memory_space<semaphore_mem>>)
    %dma_start3A_33 = arith.constant 0 : i32
    %dma_start3A_34 = tpu.memref_slice %arg4[%dma_start3A_33] : memref<320000xi32, #tpu.memory_space<hbm>> -> memref<8000xi32, #tpu.memory_space<hbm>>
    %dma_start3A_35 = arith.constant 0 : i32
    %dma_start3A_36 = tpu.memref_slice %arg4[%dma_start3A_35] : memref<320000xi32, #tpu.memory_space<hbm>> -> memref<8000xi32, #tpu.memory_space<hbm>>
    tpu.enqueue_dma source(%dma_start3A_36 : memref<8000xi32, #tpu.memory_space<hbm>>) target(%arg16 : memref<8000xi32, #tpu.memory_space<vmem>>) target_semaphore(%arg19 : memref<!tpu.dma_semaphore, #tpu.memory_space<semaphore_mem>>)
    %scan3A = arith.constant 0 : i32
    %scan3A_37 = arith.constant 0 : i32
    %scan3A_38 = arith.constant 20 : i32
    %scan3A_39 = arith.addi %scan3A_37, %scan3A_38 : i32
    %scan3A_40 = arith.constant 1 : i32
    scf.for %scan3A_50 = %scan3A_37 to %scan3A_39 step %scan3A_40  : i32 {
      %mul3A_51 = arith.constant 2 : i32
      %mul3A_52 = arith.muli %scan3A_50, %mul3A_51 : i32
      %dma_wait3A = arith.constant 0 : i32
      %dma_wait3A_53 = tpu.memref_slice %arg3[%dma_wait3A] : memref<320000xi32, #tpu.memory_space<hbm>> -> memref<8000xi32, #tpu.memory_space<hbm>>
      %dma_wait3A_54 = arith.constant 0 : i32
      %dma_wait3A_55 = tpu.memref_slice %arg3[%dma_wait3A_54] : memref<320000xi32, #tpu.memory_space<hbm>> -> memref<8000xi32, #tpu.memory_space<hbm>>
      tpu.wait_dma2 semaphore(%arg18 : memref<!tpu.dma_semaphore, #tpu.memory_space<semaphore_mem>>) src(%dma_wait3A_55 : memref<8000xi32, #tpu.memory_space<hbm>>) dst(%arg14 : memref<8000xi32, #tpu.memory_space<vmem>>)
      %dma_wait3A_56 = arith.constant 0 : i32
      %dma_wait3A_57 = tpu.memref_slice %arg4[%dma_wait3A_56] : memref<320000xi32, #tpu.memory_space<hbm>> -> memref<8000xi32, #tpu.memory_space<hbm>>
      %dma_wait3A_58 = arith.constant 0 : i32
      %dma_wait3A_59 = tpu.memref_slice %arg4[%dma_wait3A_58] : memref<320000xi32, #tpu.memory_space<hbm>> -> memref<8000xi32, #tpu.memory_space<hbm>>
      tpu.wait_dma2 semaphore(%arg19 : memref<!tpu.dma_semaphore, #tpu.memory_space<semaphore_mem>>) src(%dma_wait3A_59 : memref<8000xi32, #tpu.memory_space<hbm>>) dst(%arg16 : memref<8000xi32, #tpu.memory_space<vmem>>)
      %add3A_60 = arith.constant 1 : i32
      %add3A_61 = arith.addi %mul3A_52, %add3A_60 : i32
      %mul3A_62 = arith.constant 8000 : i32
      %mul3A_63 = arith.muli %add3A_61, %mul3A_62 : i32
      %dma_start3A_64 = tpu.memref_slice %arg3[%mul3A_63] : memref<320000xi32, #tpu.memory_space<hbm>> -> memref<8000xi32, #tpu.memory_space<hbm>>
      %dma_start3A_65 = tpu.memref_slice %arg3[%mul3A_63] : memref<320000xi32, #tpu.memory_space<hbm>> -> memref<8000xi32, #tpu.memory_space<hbm>>
      tpu.enqueue_dma source(%dma_start3A_65 : memref<8000xi32, #tpu.memory_space<hbm>>) target(%arg15 : memref<8000xi32, #tpu.memory_space<vmem>>) target_semaphore(%arg20 : memref<!tpu.dma_semaphore, #tpu.memory_space<semaphore_mem>>)
      %dma_start3A_66 = tpu.memref_slice %arg4[%mul3A_63] : memref<320000xi32, #tpu.memory_space<hbm>> -> memref<8000xi32, #tpu.memory_space<hbm>>
      %dma_start3A_67 = tpu.memref_slice %arg4[%mul3A_63] : memref<320000xi32, #tpu.memory_space<hbm>> -> memref<8000xi32, #tpu.memory_space<hbm>>
      tpu.enqueue_dma source(%dma_start3A_67 : memref<8000xi32, #tpu.memory_space<hbm>>) target(%arg17 : memref<8000xi32, #tpu.memory_space<vmem>>) target_semaphore(%arg21 : memref<!tpu.dma_semaphore, #tpu.memory_space<semaphore_mem>>)
      %broadcast_in_dim3A_68 = arith.constant false
      %broadcast_in_dim3A_69 = vector.broadcast %broadcast_in_dim3A_68 : i1 to vector<16xi1>
      %scan3A_70 = arith.constant 0 : i32
      %scan3A_71 = arith.constant 500 : i32
      %scan3A_72 = arith.addi %scan3A_70, %scan3A_71 : i32
      %scan3A_73 = arith.constant 4 : i32
      %scan3A_74 = scf.for %scan3A_123 = %scan3A_70 to %scan3A_72 step %scan3A_73 iter_args(%scan3A_124 = %broadcast_in_dim3A_69) -> (vector<16xi1>)  : i32 {
        %mul3A_125 = arith.constant 16 : i32
        %mul3A_126 = arith.muli %scan3A_123, %mul3A_125 : i32
        %get3A = arith.index_cast %mul3A_126 : i32 to index
        %get3A_127 = tpu.vector_load %arg14[%get3A] {strides = array<i32>} : memref<8000xi32, #tpu.memory_space<vmem>>, vector<16xi32>,
        %get3A_128 = arith.index_cast %mul3A_126 : i32 to index
        %get3A_129 = tpu.vector_load %arg16[%get3A_128] {strides = array<i32>} : memref<8000xi32, #tpu.memory_space<vmem>>, vector<16xi32>,
        %gather3A = tpu.vector_load_idx %arg6[%get3A_127] : memref<10240xf32, #tpu.memory_space<vmem>>[vector<16xi32>], vector<16xf32>,
        %gather3A_130 = tpu.vector_load_idx %arg7[%get3A_127] : memref<10240xf32, #tpu.memory_space<vmem>>[vector<16xi32>], vector<16xf32>,
        %gather3A_131 = tpu.vector_load_idx %arg8[%get3A_127] : memref<10240xf32, #tpu.memory_space<vmem>>[vector<16xi32>], vector<16xf32>,
        %gather3A_132 = tpu.vector_load_idx %arg9[%get3A_127] : memref<10240xf32, #tpu.memory_space<vmem>>[vector<16xi32>], vector<16xf32>,
        %broadcast_in_dim3A_133 = arith.constant true
        %broadcast_in_dim3A_134 = vector.broadcast %broadcast_in_dim3A_133 : i1 to vector<16xi1>
        %unique3A_135, %unique3A_136 = tpu.scan_count mask(%broadcast_in_dim3A_134 : vector<16xi1>) value(%get3A_129 : vector<16xi32>) : vector<16xi1>, vector<16xi32>
        %eq3A = vector.broadcast %reduce_min3A_29 : i32 to vector<16xi32>
        %eq3A_137 = arith.cmpi eq, %unique3A_136, %eq3A : vector<16xi32>
        %not3A = arith.constant dense<true> : vector<16xi1>
        %not3A_138 = arith.xori %unique3A_135, %not3A : vector<16xi1>
        %gather3A_139 = tpu.vector_load_idx %arg10[%get3A_129] : memref<10240xf32, #tpu.memory_space<vmem>>[vector<16xi32>], vector<16xf32>,
        %gather3A_140 = tpu.vector_load_idx %arg11[%get3A_129] : memref<10240xf32, #tpu.memory_space<vmem>>[vector<16xi32>], vector<16xf32>,
        %gather3A_141 = tpu.vector_load_idx %arg12[%get3A_129] : memref<10240xf32, #tpu.memory_space<vmem>>[vector<16xi32>], vector<16xf32>,
        %gather3A_142 = tpu.vector_load_idx %arg13[%get3A_129] : memref<10240xf32, #tpu.memory_space<vmem>>[vector<16xi32>], vector<16xf32>,
        %max3A = arith.maximumf %gather3A_139, %gather3A : vector<16xf32>
        %max3A_143 = arith.maximumf %gather3A_140, %gather3A_130 : vector<16xf32>
        %max3A_144 = arith.maximumf %gather3A_141, %gather3A_131 : vector<16xf32>
        %max3A_145 = arith.maximumf %gather3A_142, %gather3A_132 : vector<16xf32>
        tpu.vector_store_idx %arg10[%get3A_129], %max3A masked %unique3A_135 : memref<10240xf32, #tpu.memory_space<vmem>>[vector<16xi32>], vector<16xf32>, vector<16xi1>
        tpu.vector_store_idx %arg11[%get3A_129], %max3A_143 masked %unique3A_135 : memref<10240xf32, #tpu.memory_space<vmem>>[vector<16xi32>], vector<16xf32>, vector<16xi1>
        tpu.vector_store_idx %arg12[%get3A_129], %max3A_144 masked %unique3A_135 : memref<10240xf32, #tpu.memory_space<vmem>>[vector<16xi32>], vector<16xf32>, vector<16xi1>
        tpu.vector_store_idx %arg13[%get3A_129], %max3A_145 masked %unique3A_135 : memref<10240xf32, #tpu.memory_space<vmem>>[vector<16xi32>], vector<16xf32>, vector<16xi1>
        %and3A = arith.andi %eq3A_137, %not3A_138 : vector<16xi1>
        %gather3A_146 = tpu.vector_load_idx %arg10[%get3A_129] : memref<10240xf32, #tpu.memory_space<vmem>>[vector<16xi32>], vector<16xf32>,
        %gather3A_147 = tpu.vector_load_idx %arg11[%get3A_129] : memref<10240xf32, #tpu.memory_space<vmem>>[vector<16xi32>], vector<16xf32>,
        %gather3A_148 = tpu.vector_load_idx %arg12[%get3A_129] : memref<10240xf32, #tpu.memory_space<vmem>>[vector<16xi32>], vector<16xf32>,
        %gather3A_149 = tpu.vector_load_idx %arg13[%get3A_129] : memref<10240xf32, #tpu.memory_space<vmem>>[vector<16xi32>], vector<16xf32>,
        %max3A_150 = arith.maximumf %gather3A_146, %gather3A : vector<16xf32>
        %max3A_151 = arith.maximumf %gather3A_147, %gather3A_130 : vector<16xf32>
        %max3A_152 = arith.maximumf %gather3A_148, %gather3A_131 : vector<16xf32>
        %max3A_153 = arith.maximumf %gather3A_149, %gather3A_132 : vector<16xf32>
        tpu.vector_store_idx %arg10[%get3A_129], %max3A_150 masked %and3A : memref<10240xf32, #tpu.memory_space<vmem>>[vector<16xi32>], vector<16xf32>, vector<16xi1>
        tpu.vector_store_idx %arg11[%get3A_129], %max3A_151 masked %and3A : memref<10240xf32, #tpu.memory_space<vmem>>[vector<16xi32>], vector<16xf32>, vector<16xi1>
        tpu.vector_store_idx %arg12[%get3A_129], %max3A_152 masked %and3A : memref<10240xf32, #tpu.memory_space<vmem>>[vector<16xi32>], vector<16xf32>, vector<16xi1>
        tpu.vector_store_idx %arg13[%get3A_129], %max3A_153 masked %and3A : memref<10240xf32, #tpu.memory_space<vmem>>[vector<16xi32>], vector<16xf32>, vector<16xi1>
        %not3A_154 = arith.constant dense<true> : vector<16xi1>
        %not3A_155 = arith.xori %eq3A_137, %not3A_154 : vector<16xi1>
        %and3A_156 = arith.andi %not3A_138, %not3A_155 : vector<16xi1>
        %or3A = arith.ori %scan3A_124, %and3A_156 : vector<16xi1>
        %scan3A_157 = arith.constant 1 : i32
        %scan3A_158 = arith.addi %scan3A_123, %scan3A_157 : i32
        %mul3A_159 = arith.constant 16 : i32
        %mul3A_160 = arith.muli %scan3A_158, %mul3A_159 : i32
        %get3A_161 = arith.index_cast %mul3A_160 : i32 to index
        %get3A_162 = tpu.vector_load %arg14[%get3A_161] {strides = array<i32>} : memref<8000xi32, #tpu.memory_space<vmem>>, vector<16xi32>,
        %get3A_163 = arith.index_cast %mul3A_160 : i32 to index
        %get3A_164 = tpu.vector_load %arg16[%get3A_163] {strides = array<i32>} : memref<8000xi32, #tpu.memory_space<vmem>>, vector<16xi32>,
        %gather3A_165 = tpu.vector_load_idx %arg6[%get3A_162] : memref<10240xf32, #tpu.memory_space<vmem>>[vector<16xi32>], vector<16xf32>,
        %gather3A_166 = tpu.vector_load_idx %arg7[%get3A_162] : memref<10240xf32, #tpu.memory_space<vmem>>[vector<16xi32>], vector<16xf32>,
        %gather3A_167 = tpu.vector_load_idx %arg8[%get3A_162] : memref<10240xf32, #tpu.memory_space<vmem>>[vector<16xi32>], vector<16xf32>,
        %gather3A_168 = tpu.vector_load_idx %arg9[%get3A_162] : memref<10240xf32, #tpu.memory_space<vmem>>[vector<16xi32>], vector<16xf32>,
        %broadcast_in_dim3A_169 = arith.constant true
        %broadcast_in_dim3A_170 = vector.broadcast %broadcast_in_dim3A_169 : i1 to vector<16xi1>
        %unique3A_171, %unique3A_172 = tpu.scan_count mask(%broadcast_in_dim3A_170 : vector<16xi1>) value(%get3A_164 : vector<16xi32>) : vector<16xi1>, vector<16xi32>
        %eq3A_173 = vector.broadcast %reduce_min3A_29 : i32 to vector<16xi32>
        %eq3A_174 = arith.cmpi eq, %unique3A_172, %eq3A_173 : vector<16xi32>
        %not3A_175 = arith.constant dense<true> : vector<16xi1>
        %not3A_176 = arith.xori %unique3A_171, %not3A_175 : vector<16xi1>
        %gather3A_177 = tpu.vector_load_idx %arg10[%get3A_164] : memref<10240xf32, #tpu.memory_space<vmem>>[vector<16xi32>], vector<16xf32>,
        %gather3A_178 = tpu.vector_load_idx %arg11[%get3A_164] : memref<10240xf32, #tpu.memory_space<vmem>>[vector<16xi32>], vector<16xf32>,
        %gather3A_179 = tpu.vector_load_idx %arg12[%get3A_164] : memref<10240xf32, #tpu.memory_space<vmem>>[vector<16xi32>], vector<16xf32>,
        %gather3A_180 = tpu.vector_load_idx %arg13[%get3A_164] : memref<10240xf32, #tpu.memory_space<vmem>>[vector<16xi32>], vector<16xf32>,
        %max3A_181 = arith.maximumf %gather3A_177, %gather3A_165 : vector<16xf32>
        %max3A_182 = arith.maximumf %gather3A_178, %gather3A_166 : vector<16xf32>
        %max3A_183 = arith.maximumf %gather3A_179, %gather3A_167 : vector<16xf32>
        %max3A_184 = arith.maximumf %gather3A_180, %gather3A_168 : vector<16xf32>
        tpu.vector_store_idx %arg10[%get3A_164], %max3A_181 masked %unique3A_171 : memref<10240xf32, #tpu.memory_space<vmem>>[vector<16xi32>], vector<16xf32>, vector<16xi1>
        tpu.vector_store_idx %arg11[%get3A_164], %max3A_182 masked %unique3A_171 : memref<10240xf32, #tpu.memory_space<vmem>>[vector<16xi32>], vector<16xf32>, vector<16xi1>
        tpu.vector_store_idx %arg12[%get3A_164], %max3A_183 masked %unique3A_171 : memref<10240xf32, #tpu.memory_space<vmem>>[vector<16xi32>], vector<16xf32>, vector<16xi1>
        tpu.vector_store_idx %arg13[%get3A_164], %max3A_184 masked %unique3A_171 : memref<10240xf32, #tpu.memory_space<vmem>>[vector<16xi32>], vector<16xf32>, vector<16xi1>
        %and3A_185 = arith.andi %eq3A_174, %not3A_176 : vector<16xi1>
        %gather3A_186 = tpu.vector_load_idx %arg10[%get3A_164] : memref<10240xf32, #tpu.memory_space<vmem>>[vector<16xi32>], vector<16xf32>,
        %gather3A_187 = tpu.vector_load_idx %arg11[%get3A_164] : memref<10240xf32, #tpu.memory_space<vmem>>[vector<16xi32>], vector<16xf32>,
        %gather3A_188 = tpu.vector_load_idx %arg12[%get3A_164] : memref<10240xf32, #tpu.memory_space<vmem>>[vector<16xi32>], vector<16xf32>,
        %gather3A_189 = tpu.vector_load_idx %arg13[%get3A_164] : memref<10240xf32, #tpu.memory_space<vmem>>[vector<16xi32>], vector<16xf32>,
        %max3A_190 = arith.maximumf %gather3A_186, %gather3A_165 : vector<16xf32>
        %max3A_191 = arith.maximumf %gather3A_187, %gather3A_166 : vector<16xf32>
        %max3A_192 = arith.maximumf %gather3A_188, %gather3A_167 : vector<16xf32>
        %max3A_193 = arith.maximumf %gather3A_189, %gather3A_168 : vector<16xf32>
        tpu.vector_store_idx %arg10[%get3A_164], %max3A_190 masked %and3A_185 : memref<10240xf32, #tpu.memory_space<vmem>>[vector<16xi32>], vector<16xf32>, vector<16xi1>
        tpu.vector_store_idx %arg11[%get3A_164], %max3A_191 masked %and3A_185 : memref<10240xf32, #tpu.memory_space<vmem>>[vector<16xi32>], vector<16xf32>, vector<16xi1>
        tpu.vector_store_idx %arg12[%get3A_164], %max3A_192 masked %and3A_185 : memref<10240xf32, #tpu.memory_space<vmem>>[vector<16xi32>], vector<16xf32>, vector<16xi1>
        tpu.vector_store_idx %arg13[%get3A_164], %max3A_193 masked %and3A_185 : memref<10240xf32, #tpu.memory_space<vmem>>[vector<16xi32>], vector<16xf32>, vector<16xi1>
        %not3A_194 = arith.constant dense<true> : vector<16xi1>
        %not3A_195 = arith.xori %eq3A_174, %not3A_194 : vector<16xi1>
        %and3A_196 = arith.andi %not3A_176, %not3A_195 : vector<16xi1>
        %or3A_197 = arith.ori %or3A, %and3A_196 : vector<16xi1>
        %scan3A_198 = arith.constant 2 : i32
        %scan3A_199 = arith.addi %scan3A_123, %scan3A_198 : i32
        %mul3A_200 = arith.constant 16 : i32
        %mul3A_201 = arith.muli %scan3A_199, %mul3A_200 : i32
        %get3A_202 = arith.index_cast %mul3A_201 : i32 to index
        %get3A_203 = tpu.vector_load %arg14[%get3A_202] {strides = array<i32>} : memref<8000xi32, #tpu.memory_space<vmem>>, vector<16xi32>,
        %get3A_204 = arith.index_cast %mul3A_201 : i32 to index
        %get3A_205 = tpu.vector_load %arg16[%get3A_204] {strides = array<i32>} : memref<8000xi32, #tpu.memory_space<vmem>>, vector<16xi32>,
        %gather3A_206 = tpu.vector_load_idx %arg6[%get3A_203] : memref<10240xf32, #tpu.memory_space<vmem>>[vector<16xi32>], vector<16xf32>,
        %gather3A_207 = tpu.vector_load_idx %arg7[%get3A_203] : memref<10240xf32, #tpu.memory_space<vmem>>[vector<16xi32>], vector<16xf32>,
        %gather3A_208 = tpu.vector_load_idx %arg8[%get3A_203] : memref<10240xf32, #tpu.memory_space<vmem>>[vector<16xi32>], vector<16xf32>,
        %gather3A_209 = tpu.vector_load_idx %arg9[%get3A_203] : memref<10240xf32, #tpu.memory_space<vmem>>[vector<16xi32>], vector<16xf32>,
        %broadcast_in_dim3A_210 = arith.constant true
        %broadcast_in_dim3A_211 = vector.broadcast %broadcast_in_dim3A_210 : i1 to vector<16xi1>
        %unique3A_212, %unique3A_213 = tpu.scan_count mask(%broadcast_in_dim3A_211 : vector<16xi1>) value(%get3A_205 : vector<16xi32>) : vector<16xi1>, vector<16xi32>
        %eq3A_214 = vector.broadcast %reduce_min3A_29 : i32 to vector<16xi32>
        %eq3A_215 = arith.cmpi eq, %unique3A_213, %eq3A_214 : vector<16xi32>
        %not3A_216 = arith.constant dense<true> : vector<16xi1>
        %not3A_217 = arith.xori %unique3A_212, %not3A_216 : vector<16xi1>
        %gather3A_218 = tpu.vector_load_idx %arg10[%get3A_205] : memref<10240xf32, #tpu.memory_space<vmem>>[vector<16xi32>], vector<16xf32>,
        %gather3A_219 = tpu.vector_load_idx %arg11[%get3A_205] : memref<10240xf32, #tpu.memory_space<vmem>>[vector<16xi32>], vector<16xf32>,
        %gather3A_220 = tpu.vector_load_idx %arg12[%get3A_205] : memref<10240xf32, #tpu.memory_space<vmem>>[vector<16xi32>], vector<16xf32>,
        %gather3A_221 = tpu.vector_load_idx %arg13[%get3A_205] : memref<10240xf32, #tpu.memory_space<vmem>>[vector<16xi32>], vector<16xf32>,
        %max3A_222 = arith.maximumf %gather3A_218, %gather3A_206 : vector<16xf32>
        %max3A_223 = arith.maximumf %gather3A_219, %gather3A_207 : vector<16xf32>
        %max3A_224 = arith.maximumf %gather3A_220, %gather3A_208 : vector<16xf32>
        %max3A_225 = arith.maximumf %gather3A_221, %gather3A_209 : vector<16xf32>
        tpu.vector_store_idx %arg10[%get3A_205], %max3A_222 masked %unique3A_212 : memref<10240xf32, #tpu.memory_space<vmem>>[vector<16xi32>], vector<16xf32>, vector<16xi1>
        tpu.vector_store_idx %arg11[%get3A_205], %max3A_223 masked %unique3A_212 : memref<10240xf32, #tpu.memory_space<vmem>>[vector<16xi32>], vector<16xf32>, vector<16xi1>
        tpu.vector_store_idx %arg12[%get3A_205], %max3A_224 masked %unique3A_212 : memref<10240xf32, #tpu.memory_space<vmem>>[vector<16xi32>], vector<16xf32>, vector<16xi1>
        tpu.vector_store_idx %arg13[%get3A_205], %max3A_225 masked %unique3A_212 : memref<10240xf32, #tpu.memory_space<vmem>>[vector<16xi32>], vector<16xf32>, vector<16xi1>
        %and3A_226 = arith.andi %eq3A_215, %not3A_217 : vector<16xi1>
        %gather3A_227 = tpu.vector_load_idx %arg10[%get3A_205] : memref<10240xf32, #tpu.memory_space<vmem>>[vector<16xi32>], vector<16xf32>,
        %gather3A_228 = tpu.vector_load_idx %arg11[%get3A_205] : memref<10240xf32, #tpu.memory_space<vmem>>[vector<16xi32>], vector<16xf32>,
        %gather3A_229 = tpu.vector_load_idx %arg12[%get3A_205] : memref<10240xf32, #tpu.memory_space<vmem>>[vector<16xi32>], vector<16xf32>,
        %gather3A_230 = tpu.vector_load_idx %arg13[%get3A_205] : memref<10240xf32, #tpu.memory_space<vmem>>[vector<16xi32>], vector<16xf32>,
        %max3A_231 = arith.maximumf %gather3A_227, %gather3A_206 : vector<16xf32>
        %max3A_232 = arith.maximumf %gather3A_228, %gather3A_207 : vector<16xf32>
        %max3A_233 = arith.maximumf %gather3A_229, %gather3A_208 : vector<16xf32>
        %max3A_234 = arith.maximumf %gather3A_230, %gather3A_209 : vector<16xf32>
        tpu.vector_store_idx %arg10[%get3A_205], %max3A_231 masked %and3A_226 : memref<10240xf32, #tpu.memory_space<vmem>>[vector<16xi32>], vector<16xf32>, vector<16xi1>
        tpu.vector_store_idx %arg11[%get3A_205], %max3A_232 masked %and3A_226 : memref<10240xf32, #tpu.memory_space<vmem>>[vector<16xi32>], vector<16xf32>, vector<16xi1>
        tpu.vector_store_idx %arg12[%get3A_205], %max3A_233 masked %and3A_226 : memref<10240xf32, #tpu.memory_space<vmem>>[vector<16xi32>], vector<16xf32>, vector<16xi1>
        tpu.vector_store_idx %arg13[%get3A_205], %max3A_234 masked %and3A_226 : memref<10240xf32, #tpu.memory_space<vmem>>[vector<16xi32>], vector<16xf32>, vector<16xi1>
        %not3A_235 = arith.constant dense<true> : vector<16xi1>
        %not3A_236 = arith.xori %eq3A_215, %not3A_235 : vector<16xi1>
        %and3A_237 = arith.andi %not3A_217, %not3A_236 : vector<16xi1>
        %or3A_238 = arith.ori %or3A_197, %and3A_237 : vector<16xi1>
        %scan3A_239 = arith.constant 3 : i32
        %scan3A_240 = arith.addi %scan3A_123, %scan3A_239 : i32
        %mul3A_241 = arith.constant 16 : i32
        %mul3A_242 = arith.muli %scan3A_240, %mul3A_241 : i32
        %get3A_243 = arith.index_cast %mul3A_242 : i32 to index
        %get3A_244 = tpu.vector_load %arg14[%get3A_243] {strides = array<i32>} : memref<8000xi32, #tpu.memory_space<vmem>>, vector<16xi32>,
        %get3A_245 = arith.index_cast %mul3A_242 : i32 to index
        %get3A_246 = tpu.vector_load %arg16[%get3A_245] {strides = array<i32>} : memref<8000xi32, #tpu.memory_space<vmem>>, vector<16xi32>,
        %gather3A_247 = tpu.vector_load_idx %arg6[%get3A_244] : memref<10240xf32, #tpu.memory_space<vmem>>[vector<16xi32>], vector<16xf32>,
        %gather3A_248 = tpu.vector_load_idx %arg7[%get3A_244] : memref<10240xf32, #tpu.memory_space<vmem>>[vector<16xi32>], vector<16xf32>,
        %gather3A_249 = tpu.vector_load_idx %arg8[%get3A_244] : memref<10240xf32, #tpu.memory_space<vmem>>[vector<16xi32>], vector<16xf32>,
        %gather3A_250 = tpu.vector_load_idx %arg9[%get3A_244] : memref<10240xf32, #tpu.memory_space<vmem>>[vector<16xi32>], vector<16xf32>,
        %broadcast_in_dim3A_251 = arith.constant true
        %broadcast_in_dim3A_252 = vector.broadcast %broadcast_in_dim3A_251 : i1 to vector<16xi1>
        %unique3A_253, %unique3A_254 = tpu.scan_count mask(%broadcast_in_dim3A_252 : vector<16xi1>) value(%get3A_246 : vector<16xi32>) : vector<16xi1>, vector<16xi32>
        %eq3A_255 = vector.broadcast %reduce_min3A_29 : i32 to vector<16xi32>
        %eq3A_256 = arith.cmpi eq, %unique3A_254, %eq3A_255 : vector<16xi32>
        %not3A_257 = arith.constant dense<true> : vector<16xi1>
        %not3A_258 = arith.xori %unique3A_253, %not3A_257 : vector<16xi1>
        %gather3A_259 = tpu.vector_load_idx %arg10[%get3A_246] : memref<10240xf32, #tpu.memory_space<vmem>>[vector<16xi32>], vector<16xf32>,
        %gather3A_260 = tpu.vector_load_idx %arg11[%get3A_246] : memref<10240xf32, #tpu.memory_space<vmem>>[vector<16xi32>], vector<16xf32>,
        %gather3A_261 = tpu.vector_load_idx %arg12[%get3A_246] : memref<10240xf32, #tpu.memory_space<vmem>>[vector<16xi32>], vector<16xf32>,
        %gather3A_262 = tpu.vector_load_idx %arg13[%get3A_246] : memref<10240xf32, #tpu.memory_space<vmem>>[vector<16xi32>], vector<16xf32>,
        %max3A_263 = arith.maximumf %gather3A_259, %gather3A_247 : vector<16xf32>
        %max3A_264 = arith.maximumf %gather3A_260, %gather3A_248 : vector<16xf32>
        %max3A_265 = arith.maximumf %gather3A_261, %gather3A_249 : vector<16xf32>
        %max3A_266 = arith.maximumf %gather3A_262, %gather3A_250 : vector<16xf32>
        tpu.vector_store_idx %arg10[%get3A_246], %max3A_263 masked %unique3A_253 : memref<10240xf32, #tpu.memory_space<vmem>>[vector<16xi32>], vector<16xf32>, vector<16xi1>
        tpu.vector_store_idx %arg11[%get3A_246], %max3A_264 masked %unique3A_253 : memref<10240xf32, #tpu.memory_space<vmem>>[vector<16xi32>], vector<16xf32>, vector<16xi1>
        tpu.vector_store_idx %arg12[%get3A_246], %max3A_265 masked %unique3A_253 : memref<10240xf32, #tpu.memory_space<vmem>>[vector<16xi32>], vector<16xf32>, vector<16xi1>
        tpu.vector_store_idx %arg13[%get3A_246], %max3A_266 masked %unique3A_253 : memref<10240xf32, #tpu.memory_space<vmem>>[vector<16xi32>], vector<16xf32>, vector<16xi1>
        %and3A_267 = arith.andi %eq3A_256, %not3A_258 : vector<16xi1>
        %gather3A_268 = tpu.vector_load_idx %arg10[%get3A_246] : memref<10240xf32, #tpu.memory_space<vmem>>[vector<16xi32>], vector<16xf32>,
        %gather3A_269 = tpu.vector_load_idx %arg11[%get3A_246] : memref<10240xf32, #tpu.memory_space<vmem>>[vector<16xi32>], vector<16xf32>,
        %gather3A_270 = tpu.vector_load_idx %arg12[%get3A_246] : memref<10240xf32, #tpu.memory_space<vmem>>[vector<16xi32>], vector<16xf32>,
        %gather3A_271 = tpu.vector_load_idx %arg13[%get3A_246] : memref<10240xf32, #tpu.memory_space<vmem>>[vector<16xi32>], vector<16xf32>,
        %max3A_272 = arith.maximumf %gather3A_268, %gather3A_247 : vector<16xf32>
        %max3A_273 = arith.maximumf %gather3A_269, %gather3A_248 : vector<16xf32>
        %max3A_274 = arith.maximumf %gather3A_270, %gather3A_249 : vector<16xf32>
        %max3A_275 = arith.maximumf %gather3A_271, %gather3A_250 : vector<16xf32>
        tpu.vector_store_idx %arg10[%get3A_246], %max3A_272 masked %and3A_267 : memref<10240xf32, #tpu.memory_space<vmem>>[vector<16xi32>], vector<16xf32>, vector<16xi1>
        tpu.vector_store_idx %arg11[%get3A_246], %max3A_273 masked %and3A_267 : memref<10240xf32, #tpu.memory_space<vmem>>[vector<16xi32>], vector<16xf32>, vector<16xi1>
        tpu.vector_store_idx %arg12[%get3A_246], %max3A_274 masked %and3A_267 : memref<10240xf32, #tpu.memory_space<vmem>>[vector<16xi32>], vector<16xf32>, vector<16xi1>
        tpu.vector_store_idx %arg13[%get3A_246], %max3A_275 masked %and3A_267 : memref<10240xf32, #tpu.memory_space<vmem>>[vector<16xi32>], vector<16xf32>, vector<16xi1>
        %not3A_276 = arith.constant dense<true> : vector<16xi1>
        %not3A_277 = arith.xori %eq3A_256, %not3A_276 : vector<16xi1>
        %and3A_278 = arith.andi %not3A_258, %not3A_277 : vector<16xi1>
        %or3A_279 = arith.ori %or3A_238, %and3A_278 : vector<16xi1>
        scf.yield %or3A_279 : vector<16xi1>
      }
      %scan3A_75 = arith.constant 500 : i32
      %reduce_or3A = arith.constant 1.000000e+00 : f32
      %reduce_or3A_76 = arith.constant 0.000000e+00 : f32
      %reduce_or3A_77 = vector.broadcast %reduce_or3A : f32 to vector<16xf32>
      %reduce_or3A_78 = vector.broadcast %reduce_or3A_76 : f32 to vector<16xf32>
      %reduce_or3A_79 = arith.select %scan3A_74, %reduce_or3A_77, %reduce_or3A_78 : vector<16xi1>, vector<16xf32>
      %reduce_or3A_80 = arith.constant true
      %reduce_or3A_81 = vector.broadcast %reduce_or3A_80 : i1 to vector<16xi1>
      %reduce_or3A_82 = tpu.scan <max>, %reduce_or3A_79 masked %reduce_or3A_81 : vector<16xf32>, vector<16xi1> -> vector<16xf32>
      %reduce_or3A_83 = vector.extract %reduce_or3A_82[15] : f32 from vector<16xf32>
      %reduce_or3A_84 = arith.constant 0.000000e+00 : f32
      %reduce_or3A_85 = arith.cmpf ogt, %reduce_or3A_83, %reduce_or3A_84 : f32
      %convert_element_type3A = arith.extui %reduce_or3A_85 : i1 to i32
      %cond3A = arith.constant 0 : i32
      %cond3A_86 = arith.cmpi ne, %convert_element_type3A, %cond3A : i32
      scf.if %cond3A_86 {
        %scan3A_123 = arith.constant 0 : i32
        %scan3A_124 = arith.constant 0 : i32
        %scan3A_125 = arith.constant 500 : i32
        %scan3A_126 = arith.addi %scan3A_124, %scan3A_125 : i32
        %scan3A_127 = arith.constant 1 : i32
        scf.for %scan3A_129 = %scan3A_124 to %scan3A_126 step %scan3A_127  : i32 {
          %mul3A_130 = arith.constant 16 : i32
          %mul3A_131 = arith.muli %scan3A_129, %mul3A_130 : i32
          %get3A = arith.index_cast %mul3A_131 : i32 to index
          %get3A_132 = tpu.vector_load %arg14[%get3A] {strides = array<i32>} : memref<8000xi32, #tpu.memory_space<vmem>>, vector<16xi32>,
          %get3A_133 = arith.index_cast %mul3A_131 : i32 to index
          %get3A_134 = tpu.vector_load %arg16[%get3A_133] {strides = array<i32>} : memref<8000xi32, #tpu.memory_space<vmem>>, vector<16xi32>,
          %gather3A = tpu.vector_load_idx %arg6[%get3A_132] : memref<10240xf32, #tpu.memory_space<vmem>>[vector<16xi32>], vector<16xf32>,
          %gather3A_135 = tpu.vector_load_idx %arg7[%get3A_132] : memref<10240xf32, #tpu.memory_space<vmem>>[vector<16xi32>], vector<16xf32>,
          %gather3A_136 = tpu.vector_load_idx %arg8[%get3A_132] : memref<10240xf32, #tpu.memory_space<vmem>>[vector<16xi32>], vector<16xf32>,
          %gather3A_137 = tpu.vector_load_idx %arg9[%get3A_132] : memref<10240xf32, #tpu.memory_space<vmem>>[vector<16xi32>], vector<16xf32>,
          %broadcast_in_dim3A_138 = arith.constant true
          %broadcast_in_dim3A_139 = vector.broadcast %broadcast_in_dim3A_138 : i1 to vector<16xi1>
          %unique3A_140, %unique3A_141 = tpu.scan_count mask(%broadcast_in_dim3A_139 : vector<16xi1>) value(%get3A_134 : vector<16xi32>) : vector<16xi1>, vector<16xi32>
          %reduce_max3A = arith.constant true
          %reduce_max3A_142 = vector.broadcast %reduce_max3A : i1 to vector<16xi1>
          %reduce_max3A_143 = arith.constant -2147483648 : i32
          %reduce_max3A_144 = vector.broadcast %reduce_max3A_143 : i32 to vector<16xi32>
          %reduce_max3A_145 = arith.xori %unique3A_141, %reduce_max3A_144 : vector<16xi32>
          %reduce_max3A_146 = tpu.scan <max>, %reduce_max3A_145 masked %reduce_max3A_142 : vector<16xi32>, vector<16xi1> -> vector<16xi32>
          %reduce_max3A_147 = arith.xori %reduce_max3A_146, %reduce_max3A_144 : vector<16xi32>
          %reduce_max3A_148 = vector.extract %reduce_max3A_147[15] : i32 from vector<16xi32>
          %add3A_149 = arith.constant 1 : i32
          %add3A_150 = arith.addi %reduce_max3A_148, %add3A_149 : i32
          %while3A = arith.constant 0 : i32
          %while3A_151 = arith.subi %add3A_150, %reduce_min3A_29 : i32
          %while3A_152 = arith.addi %reduce_min3A_29, %while3A_151 : i32
          %while3A_153 = arith.constant 1 : i32
          %while3A_154 = arith.divsi %while3A_151, %while3A_153 : i32
          %while3A_155 = arith.muli %while3A_154, %while3A_153 : i32
          %while3A_156 = arith.addi %reduce_min3A_29, %while3A_155 : i32
          %while3A_157 = arith.constant 1 : i32
          scf.for %while3A_159 = %reduce_min3A_29 to %while3A_156 step %while3A_157  : i32 {
            %eq3A = vector.broadcast %while3A_159 : i32 to vector<16xi32>
            %eq3A_160 = arith.cmpi eq, %unique3A_141, %eq3A : vector<16xi32>
            %gather3A_161 = tpu.vector_load_idx %arg10[%get3A_134] : memref<10240xf32, #tpu.memory_space<vmem>>[vector<16xi32>], vector<16xf32>,
            %gather3A_162 = tpu.vector_load_idx %arg11[%get3A_134] : memref<10240xf32, #tpu.memory_space<vmem>>[vector<16xi32>], vector<16xf32>,
            %gather3A_163 = tpu.vector_load_idx %arg12[%get3A_134] : memref<10240xf32, #tpu.memory_space<vmem>>[vector<16xi32>], vector<16xf32>,
            %gather3A_164 = tpu.vector_load_idx %arg13[%get3A_134] : memref<10240xf32, #tpu.memory_space<vmem>>[vector<16xi32>], vector<16xf32>,
            %max3A = arith.maximumf %gather3A_161, %gather3A : vector<16xf32>
            %max3A_165 = arith.maximumf %gather3A_162, %gather3A_135 : vector<16xf32>
            %max3A_166 = arith.maximumf %gather3A_163, %gather3A_136 : vector<16xf32>
            %max3A_167 = arith.maximumf %gather3A_164, %gather3A_137 : vector<16xf32>
            tpu.vector_store_idx %arg10[%get3A_134], %max3A masked %eq3A_160 : memref<10240xf32, #tpu.memory_space<vmem>>[vector<16xi32>], vector<16xf32>, vector<16xi1>
            tpu.vector_store_idx %arg11[%get3A_134], %max3A_165 masked %eq3A_160 : memref<10240xf32, #tpu.memory_space<vmem>>[vector<16xi32>], vector<16xf32>, vector<16xi1>
            tpu.vector_store_idx %arg12[%get3A_134], %max3A_166 masked %eq3A_160 : memref<10240xf32, #tpu.memory_space<vmem>>[vector<16xi32>], vector<16xf32>, vector<16xi1>
            tpu.vector_store_idx %arg13[%get3A_134], %max3A_167 masked %eq3A_160 : memref<10240xf32, #tpu.memory_space<vmem>>[vector<16xi32>], vector<16xf32>, vector<16xi1>
          }
          %while3A_158 = arith.constant 1 : i32
          scf.for %while3A_159 = %while3A_156 to %while3A_152 step %while3A_158  : i32 {
            %eq3A = vector.broadcast %while3A_159 : i32 to vector<16xi32>
            %eq3A_160 = arith.cmpi eq, %unique3A_141, %eq3A : vector<16xi32>
            %gather3A_161 = tpu.vector_load_idx %arg10[%get3A_134] : memref<10240xf32, #tpu.memory_space<vmem>>[vector<16xi32>], vector<16xf32>,
            %gather3A_162 = tpu.vector_load_idx %arg11[%get3A_134] : memref<10240xf32, #tpu.memory_space<vmem>>[vector<16xi32>], vector<16xf32>,
            %gather3A_163 = tpu.vector_load_idx %arg12[%get3A_134] : memref<10240xf32, #tpu.memory_space<vmem>>[vector<16xi32>], vector<16xf32>,
            %gather3A_164 = tpu.vector_load_idx %arg13[%get3A_134] : memref<10240xf32, #tpu.memory_space<vmem>>[vector<16xi32>], vector<16xf32>,
            %max3A = arith.maximumf %gather3A_161, %gather3A : vector<16xf32>
            %max3A_165 = arith.maximumf %gather3A_162, %gather3A_135 : vector<16xf32>
            %max3A_166 = arith.maximumf %gather3A_163, %gather3A_136 : vector<16xf32>
            %max3A_167 = arith.maximumf %gather3A_164, %gather3A_137 : vector<16xf32>
            tpu.vector_store_idx %arg10[%get3A_134], %max3A masked %eq3A_160 : memref<10240xf32, #tpu.memory_space<vmem>>[vector<16xi32>], vector<16xf32>, vector<16xi1>
            tpu.vector_store_idx %arg11[%get3A_134], %max3A_165 masked %eq3A_160 : memref<10240xf32, #tpu.memory_space<vmem>>[vector<16xi32>], vector<16xf32>, vector<16xi1>
            tpu.vector_store_idx %arg12[%get3A_134], %max3A_166 masked %eq3A_160 : memref<10240xf32, #tpu.memory_space<vmem>>[vector<16xi32>], vector<16xf32>, vector<16xi1>
            tpu.vector_store_idx %arg13[%get3A_134], %max3A_167 masked %eq3A_160 : memref<10240xf32, #tpu.memory_space<vmem>>[vector<16xi32>], vector<16xf32>, vector<16xi1>
          }
        }
        %scan3A_128 = arith.constant 500 : i32
      } else {
      }
      %dma_wait3A_87 = arith.constant 0 : i32
      %dma_wait3A_88 = tpu.memref_slice %arg3[%dma_wait3A_87] : memref<320000xi32, #tpu.memory_space<hbm>> -> memref<8000xi32, #tpu.memory_space<hbm>>
      %dma_wait3A_89 = arith.constant 0 : i32
      %dma_wait3A_90 = tpu.memref_slice %arg3[%dma_wait3A_89] : memref<320000xi32, #tpu.memory_space<hbm>> -> memref<8000xi32, #tpu.memory_space<hbm>>
      tpu.wait_dma2 semaphore(%arg20 : memref<!tpu.dma_semaphore, #tpu.memory_space<semaphore_mem>>) src(%dma_wait3A_90 : memref<8000xi32, #tpu.memory_space<hbm>>) dst(%arg15 : memref<8000xi32, #tpu.memory_space<vmem>>)
      %dma_wait3A_91 = arith.constant 0 : i32
      %dma_wait3A_92 = tpu.memref_slice %arg4[%dma_wait3A_91] : memref<320000xi32, #tpu.memory_space<hbm>> -> memref<8000xi32, #tpu.memory_space<hbm>>
      %dma_wait3A_93 = arith.constant 0 : i32
      %dma_wait3A_94 = tpu.memref_slice %arg4[%dma_wait3A_93] : memref<320000xi32, #tpu.memory_space<hbm>> -> memref<8000xi32, #tpu.memory_space<hbm>>
      tpu.wait_dma2 semaphore(%arg21 : memref<!tpu.dma_semaphore, #tpu.memory_space<semaphore_mem>>) src(%dma_wait3A_94 : memref<8000xi32, #tpu.memory_space<hbm>>) dst(%arg17 : memref<8000xi32, #tpu.memory_space<vmem>>)
      %add3A_95 = arith.constant 2 : i32
      %add3A_96 = arith.addi %mul3A_52, %add3A_95 : i32
      %lt3A = arith.constant 40 : i32
      %lt3A_97 = arith.cmpi slt, %add3A_96, %lt3A : i32
      %convert_element_type3A_98 = arith.extui %lt3A_97 : i1 to i32
      %cond3A_99 = arith.constant 0 : i32
      %cond3A_100 = arith.cmpi ne, %convert_element_type3A_98, %cond3A_99 : i32
      scf.if %cond3A_100 {
        %add3A_123 = arith.constant 2 : i32
        %add3A_124 = arith.addi %mul3A_52, %add3A_123 : i32
        %mul3A_125 = arith.constant 8000 : i32
        %mul3A_126 = arith.muli %add3A_124, %mul3A_125 : i32
        %dma_start3A_127 = tpu.memref_slice %arg3[%mul3A_126] : memref<320000xi32, #tpu.memory_space<hbm>> -> memref<8000xi32, #tpu.memory_space<hbm>>
        %dma_start3A_128 = tpu.memref_slice %arg3[%mul3A_126] : memref<320000xi32, #tpu.memory_space<hbm>> -> memref<8000xi32, #tpu.memory_space<hbm>>
        tpu.enqueue_dma source(%dma_start3A_128 : memref<8000xi32, #tpu.memory_space<hbm>>) target(%arg14 : memref<8000xi32, #tpu.memory_space<vmem>>) target_semaphore(%arg18 : memref<!tpu.dma_semaphore, #tpu.memory_space<semaphore_mem>>)
        %dma_start3A_129 = tpu.memref_slice %arg4[%mul3A_126] : memref<320000xi32, #tpu.memory_space<hbm>> -> memref<8000xi32, #tpu.memory_space<hbm>>
        %dma_start3A_130 = tpu.memref_slice %arg4[%mul3A_126] : memref<320000xi32, #tpu.memory_space<hbm>> -> memref<8000xi32, #tpu.memory_space<hbm>>
        tpu.enqueue_dma source(%dma_start3A_130 : memref<8000xi32, #tpu.memory_space<hbm>>) target(%arg16 : memref<8000xi32, #tpu.memory_space<vmem>>) target_semaphore(%arg19 : memref<!tpu.dma_semaphore, #tpu.memory_space<semaphore_mem>>)
      } else {
      }
      %broadcast_in_dim3A_101 = arith.constant false
      %broadcast_in_dim3A_102 = vector.broadcast %broadcast_in_dim3A_101 : i1 to vector<16xi1>
      %scan3A_103 = arith.constant 0 : i32
      %scan3A_104 = arith.constant 500 : i32
      %scan3A_105 = arith.addi %scan3A_103, %scan3A_104 : i32
      %scan3A_106 = arith.constant 4 : i32
      %scan3A_107 = scf.for %scan3A_123 = %scan3A_103 to %scan3A_105 step %scan3A_106 iter_args(%scan3A_124 = %broadcast_in_dim3A_102) -> (vector<16xi1>)  : i32 {
        %mul3A_125 = arith.constant 16 : i32
        %mul3A_126 = arith.muli %scan3A_123, %mul3A_125 : i32
        %get3A = arith.index_cast %mul3A_126 : i32 to index
        %get3A_127 = tpu.vector_load %arg15[%get3A] {strides = array<i32>} : memref<8000xi32, #tpu.memory_space<vmem>>, vector<16xi32>,
        %get3A_128 = arith.index_cast %mul3A_126 : i32 to index
        %get3A_129 = tpu.vector_load %arg17[%get3A_128] {strides = array<i32>} : memref<8000xi32, #tpu.memory_space<vmem>>, vector<16xi32>,
        %gather3A = tpu.vector_load_idx %arg6[%get3A_127] : memref<10240xf32, #tpu.memory_space<vmem>>[vector<16xi32>], vector<16xf32>,
        %gather3A_130 = tpu.vector_load_idx %arg7[%get3A_127] : memref<10240xf32, #tpu.memory_space<vmem>>[vector<16xi32>], vector<16xf32>,
        %gather3A_131 = tpu.vector_load_idx %arg8[%get3A_127] : memref<10240xf32, #tpu.memory_space<vmem>>[vector<16xi32>], vector<16xf32>,
        %gather3A_132 = tpu.vector_load_idx %arg9[%get3A_127] : memref<10240xf32, #tpu.memory_space<vmem>>[vector<16xi32>], vector<16xf32>,
        %broadcast_in_dim3A_133 = arith.constant true
        %broadcast_in_dim3A_134 = vector.broadcast %broadcast_in_dim3A_133 : i1 to vector<16xi1>
        %unique3A_135, %unique3A_136 = tpu.scan_count mask(%broadcast_in_dim3A_134 : vector<16xi1>) value(%get3A_129 : vector<16xi32>) : vector<16xi1>, vector<16xi32>
        %eq3A = vector.broadcast %reduce_min3A_29 : i32 to vector<16xi32>
        %eq3A_137 = arith.cmpi eq, %unique3A_136, %eq3A : vector<16xi32>
        %not3A = arith.constant dense<true> : vector<16xi1>
        %not3A_138 = arith.xori %unique3A_135, %not3A : vector<16xi1>
        %gather3A_139 = tpu.vector_load_idx %arg10[%get3A_129] : memref<10240xf32, #tpu.memory_space<vmem>>[vector<16xi32>], vector<16xf32>,
        %gather3A_140 = tpu.vector_load_idx %arg11[%get3A_129] : memref<10240xf32, #tpu.memory_space<vmem>>[vector<16xi32>], vector<16xf32>,
        %gather3A_141 = tpu.vector_load_idx %arg12[%get3A_129] : memref<10240xf32, #tpu.memory_space<vmem>>[vector<16xi32>], vector<16xf32>,
        %gather3A_142 = tpu.vector_load_idx %arg13[%get3A_129] : memref<10240xf32, #tpu.memory_space<vmem>>[vector<16xi32>], vector<16xf32>,
        %max3A = arith.maximumf %gather3A_139, %gather3A : vector<16xf32>
        %max3A_143 = arith.maximumf %gather3A_140, %gather3A_130 : vector<16xf32>
        %max3A_144 = arith.maximumf %gather3A_141, %gather3A_131 : vector<16xf32>
        %max3A_145 = arith.maximumf %gather3A_142, %gather3A_132 : vector<16xf32>
        tpu.vector_store_idx %arg10[%get3A_129], %max3A masked %unique3A_135 : memref<10240xf32, #tpu.memory_space<vmem>>[vector<16xi32>], vector<16xf32>, vector<16xi1>
        tpu.vector_store_idx %arg11[%get3A_129], %max3A_143 masked %unique3A_135 : memref<10240xf32, #tpu.memory_space<vmem>>[vector<16xi32>], vector<16xf32>, vector<16xi1>
        tpu.vector_store_idx %arg12[%get3A_129], %max3A_144 masked %unique3A_135 : memref<10240xf32, #tpu.memory_space<vmem>>[vector<16xi32>], vector<16xf32>, vector<16xi1>
        tpu.vector_store_idx %arg13[%get3A_129], %max3A_145 masked %unique3A_135 : memref<10240xf32, #tpu.memory_space<vmem>>[vector<16xi32>], vector<16xf32>, vector<16xi1>
        %and3A = arith.andi %eq3A_137, %not3A_138 : vector<16xi1>
        %gather3A_146 = tpu.vector_load_idx %arg10[%get3A_129] : memref<10240xf32, #tpu.memory_space<vmem>>[vector<16xi32>], vector<16xf32>,
        %gather3A_147 = tpu.vector_load_idx %arg11[%get3A_129] : memref<10240xf32, #tpu.memory_space<vmem>>[vector<16xi32>], vector<16xf32>,
        %gather3A_148 = tpu.vector_load_idx %arg12[%get3A_129] : memref<10240xf32, #tpu.memory_space<vmem>>[vector<16xi32>], vector<16xf32>,
        %gather3A_149 = tpu.vector_load_idx %arg13[%get3A_129] : memref<10240xf32, #tpu.memory_space<vmem>>[vector<16xi32>], vector<16xf32>,
        %max3A_150 = arith.maximumf %gather3A_146, %gather3A : vector<16xf32>
        %max3A_151 = arith.maximumf %gather3A_147, %gather3A_130 : vector<16xf32>
        %max3A_152 = arith.maximumf %gather3A_148, %gather3A_131 : vector<16xf32>
        %max3A_153 = arith.maximumf %gather3A_149, %gather3A_132 : vector<16xf32>
        tpu.vector_store_idx %arg10[%get3A_129], %max3A_150 masked %and3A : memref<10240xf32, #tpu.memory_space<vmem>>[vector<16xi32>], vector<16xf32>, vector<16xi1>
        tpu.vector_store_idx %arg11[%get3A_129], %max3A_151 masked %and3A : memref<10240xf32, #tpu.memory_space<vmem>>[vector<16xi32>], vector<16xf32>, vector<16xi1>
        tpu.vector_store_idx %arg12[%get3A_129], %max3A_152 masked %and3A : memref<10240xf32, #tpu.memory_space<vmem>>[vector<16xi32>], vector<16xf32>, vector<16xi1>
        tpu.vector_store_idx %arg13[%get3A_129], %max3A_153 masked %and3A : memref<10240xf32, #tpu.memory_space<vmem>>[vector<16xi32>], vector<16xf32>, vector<16xi1>
        %not3A_154 = arith.constant dense<true> : vector<16xi1>
        %not3A_155 = arith.xori %eq3A_137, %not3A_154 : vector<16xi1>
        %and3A_156 = arith.andi %not3A_138, %not3A_155 : vector<16xi1>
        %or3A = arith.ori %scan3A_124, %and3A_156 : vector<16xi1>
        %scan3A_157 = arith.constant 1 : i32
        %scan3A_158 = arith.addi %scan3A_123, %scan3A_157 : i32
        %mul3A_159 = arith.constant 16 : i32
        %mul3A_160 = arith.muli %scan3A_158, %mul3A_159 : i32
        %get3A_161 = arith.index_cast %mul3A_160 : i32 to index
        %get3A_162 = tpu.vector_load %arg15[%get3A_161] {strides = array<i32>} : memref<8000xi32, #tpu.memory_space<vmem>>, vector<16xi32>,
        %get3A_163 = arith.index_cast %mul3A_160 : i32 to index
        %get3A_164 = tpu.vector_load %arg17[%get3A_163] {strides = array<i32>} : memref<8000xi32, #tpu.memory_space<vmem>>, vector<16xi32>,
        %gather3A_165 = tpu.vector_load_idx %arg6[%get3A_162] : memref<10240xf32, #tpu.memory_space<vmem>>[vector<16xi32>], vector<16xf32>,
        %gather3A_166 = tpu.vector_load_idx %arg7[%get3A_162] : memref<10240xf32, #tpu.memory_space<vmem>>[vector<16xi32>], vector<16xf32>,
        %gather3A_167 = tpu.vector_load_idx %arg8[%get3A_162] : memref<10240xf32, #tpu.memory_space<vmem>>[vector<16xi32>], vector<16xf32>,
        %gather3A_168 = tpu.vector_load_idx %arg9[%get3A_162] : memref<10240xf32, #tpu.memory_space<vmem>>[vector<16xi32>], vector<16xf32>,
        %broadcast_in_dim3A_169 = arith.constant true
        %broadcast_in_dim3A_170 = vector.broadcast %broadcast_in_dim3A_169 : i1 to vector<16xi1>
        %unique3A_171, %unique3A_172 = tpu.scan_count mask(%broadcast_in_dim3A_170 : vector<16xi1>) value(%get3A_164 : vector<16xi32>) : vector<16xi1>, vector<16xi32>
        %eq3A_173 = vector.broadcast %reduce_min3A_29 : i32 to vector<16xi32>
        %eq3A_174 = arith.cmpi eq, %unique3A_172, %eq3A_173 : vector<16xi32>
        %not3A_175 = arith.constant dense<true> : vector<16xi1>
        %not3A_176 = arith.xori %unique3A_171, %not3A_175 : vector<16xi1>
        %gather3A_177 = tpu.vector_load_idx %arg10[%get3A_164] : memref<10240xf32, #tpu.memory_space<vmem>>[vector<16xi32>], vector<16xf32>,
        %gather3A_178 = tpu.vector_load_idx %arg11[%get3A_164] : memref<10240xf32, #tpu.memory_space<vmem>>[vector<16xi32>], vector<16xf32>,
        %gather3A_179 = tpu.vector_load_idx %arg12[%get3A_164] : memref<10240xf32, #tpu.memory_space<vmem>>[vector<16xi32>], vector<16xf32>,
        %gather3A_180 = tpu.vector_load_idx %arg13[%get3A_164] : memref<10240xf32, #tpu.memory_space<vmem>>[vector<16xi32>], vector<16xf32>,
        %max3A_181 = arith.maximumf %gather3A_177, %gather3A_165 : vector<16xf32>
        %max3A_182 = arith.maximumf %gather3A_178, %gather3A_166 : vector<16xf32>
        %max3A_183 = arith.maximumf %gather3A_179, %gather3A_167 : vector<16xf32>
        %max3A_184 = arith.maximumf %gather3A_180, %gather3A_168 : vector<16xf32>
        tpu.vector_store_idx %arg10[%get3A_164], %max3A_181 masked %unique3A_171 : memref<10240xf32, #tpu.memory_space<vmem>>[vector<16xi32>], vector<16xf32>, vector<16xi1>
        tpu.vector_store_idx %arg11[%get3A_164], %max3A_182 masked %unique3A_171 : memref<10240xf32, #tpu.memory_space<vmem>>[vector<16xi32>], vector<16xf32>, vector<16xi1>
        tpu.vector_store_idx %arg12[%get3A_164], %max3A_183 masked %unique3A_171 : memref<10240xf32, #tpu.memory_space<vmem>>[vector<16xi32>], vector<16xf32>, vector<16xi1>
        tpu.vector_store_idx %arg13[%get3A_164], %max3A_184 masked %unique3A_171 : memref<10240xf32, #tpu.memory_space<vmem>>[vector<16xi32>], vector<16xf32>, vector<16xi1>
        %and3A_185 = arith.andi %eq3A_174, %not3A_176 : vector<16xi1>
        %gather3A_186 = tpu.vector_load_idx %arg10[%get3A_164] : memref<10240xf32, #tpu.memory_space<vmem>>[vector<16xi32>], vector<16xf32>,
        %gather3A_187 = tpu.vector_load_idx %arg11[%get3A_164] : memref<10240xf32, #tpu.memory_space<vmem>>[vector<16xi32>], vector<16xf32>,
        %gather3A_188 = tpu.vector_load_idx %arg12[%get3A_164] : memref<10240xf32, #tpu.memory_space<vmem>>[vector<16xi32>], vector<16xf32>,
        %gather3A_189 = tpu.vector_load_idx %arg13[%get3A_164] : memref<10240xf32, #tpu.memory_space<vmem>>[vector<16xi32>], vector<16xf32>,
        %max3A_190 = arith.maximumf %gather3A_186, %gather3A_165 : vector<16xf32>
        %max3A_191 = arith.maximumf %gather3A_187, %gather3A_166 : vector<16xf32>
        %max3A_192 = arith.maximumf %gather3A_188, %gather3A_167 : vector<16xf32>
        %max3A_193 = arith.maximumf %gather3A_189, %gather3A_168 : vector<16xf32>
        tpu.vector_store_idx %arg10[%get3A_164], %max3A_190 masked %and3A_185 : memref<10240xf32, #tpu.memory_space<vmem>>[vector<16xi32>], vector<16xf32>, vector<16xi1>
        tpu.vector_store_idx %arg11[%get3A_164], %max3A_191 masked %and3A_185 : memref<10240xf32, #tpu.memory_space<vmem>>[vector<16xi32>], vector<16xf32>, vector<16xi1>
        tpu.vector_store_idx %arg12[%get3A_164], %max3A_192 masked %and3A_185 : memref<10240xf32, #tpu.memory_space<vmem>>[vector<16xi32>], vector<16xf32>, vector<16xi1>
        tpu.vector_store_idx %arg13[%get3A_164], %max3A_193 masked %and3A_185 : memref<10240xf32, #tpu.memory_space<vmem>>[vector<16xi32>], vector<16xf32>, vector<16xi1>
        %not3A_194 = arith.constant dense<true> : vector<16xi1>
        %not3A_195 = arith.xori %eq3A_174, %not3A_194 : vector<16xi1>
        %and3A_196 = arith.andi %not3A_176, %not3A_195 : vector<16xi1>
        %or3A_197 = arith.ori %or3A, %and3A_196 : vector<16xi1>
        %scan3A_198 = arith.constant 2 : i32
        %scan3A_199 = arith.addi %scan3A_123, %scan3A_198 : i32
        %mul3A_200 = arith.constant 16 : i32
        %mul3A_201 = arith.muli %scan3A_199, %mul3A_200 : i32
        %get3A_202 = arith.index_cast %mul3A_201 : i32 to index
        %get3A_203 = tpu.vector_load %arg15[%get3A_202] {strides = array<i32>} : memref<8000xi32, #tpu.memory_space<vmem>>, vector<16xi32>,
        %get3A_204 = arith.index_cast %mul3A_201 : i32 to index
        %get3A_205 = tpu.vector_load %arg17[%get3A_204] {strides = array<i32>} : memref<8000xi32, #tpu.memory_space<vmem>>, vector<16xi32>,
        %gather3A_206 = tpu.vector_load_idx %arg6[%get3A_203] : memref<10240xf32, #tpu.memory_space<vmem>>[vector<16xi32>], vector<16xf32>,
        %gather3A_207 = tpu.vector_load_idx %arg7[%get3A_203] : memref<10240xf32, #tpu.memory_space<vmem>>[vector<16xi32>], vector<16xf32>,
        %gather3A_208 = tpu.vector_load_idx %arg8[%get3A_203] : memref<10240xf32, #tpu.memory_space<vmem>>[vector<16xi32>], vector<16xf32>,
        %gather3A_209 = tpu.vector_load_idx %arg9[%get3A_203] : memref<10240xf32, #tpu.memory_space<vmem>>[vector<16xi32>], vector<16xf32>,
        %broadcast_in_dim3A_210 = arith.constant true
        %broadcast_in_dim3A_211 = vector.broadcast %broadcast_in_dim3A_210 : i1 to vector<16xi1>
        %unique3A_212, %unique3A_213 = tpu.scan_count mask(%broadcast_in_dim3A_211 : vector<16xi1>) value(%get3A_205 : vector<16xi32>) : vector<16xi1>, vector<16xi32>
        %eq3A_214 = vector.broadcast %reduce_min3A_29 : i32 to vector<16xi32>
        %eq3A_215 = arith.cmpi eq, %unique3A_213, %eq3A_214 : vector<16xi32>
        %not3A_216 = arith.constant dense<true> : vector<16xi1>
        %not3A_217 = arith.xori %unique3A_212, %not3A_216 : vector<16xi1>
        %gather3A_218 = tpu.vector_load_idx %arg10[%get3A_205] : memref<10240xf32, #tpu.memory_space<vmem>>[vector<16xi32>], vector<16xf32>,
        %gather3A_219 = tpu.vector_load_idx %arg11[%get3A_205] : memref<10240xf32, #tpu.memory_space<vmem>>[vector<16xi32>], vector<16xf32>,
        %gather3A_220 = tpu.vector_load_idx %arg12[%get3A_205] : memref<10240xf32, #tpu.memory_space<vmem>>[vector<16xi32>], vector<16xf32>,
        %gather3A_221 = tpu.vector_load_idx %arg13[%get3A_205] : memref<10240xf32, #tpu.memory_space<vmem>>[vector<16xi32>], vector<16xf32>,
        %max3A_222 = arith.maximumf %gather3A_218, %gather3A_206 : vector<16xf32>
        %max3A_223 = arith.maximumf %gather3A_219, %gather3A_207 : vector<16xf32>
        %max3A_224 = arith.maximumf %gather3A_220, %gather3A_208 : vector<16xf32>
        %max3A_225 = arith.maximumf %gather3A_221, %gather3A_209 : vector<16xf32>
        tpu.vector_store_idx %arg10[%get3A_205], %max3A_222 masked %unique3A_212 : memref<10240xf32, #tpu.memory_space<vmem>>[vector<16xi32>], vector<16xf32>, vector<16xi1>
        tpu.vector_store_idx %arg11[%get3A_205], %max3A_223 masked %unique3A_212 : memref<10240xf32, #tpu.memory_space<vmem>>[vector<16xi32>], vector<16xf32>, vector<16xi1>
        tpu.vector_store_idx %arg12[%get3A_205], %max3A_224 masked %unique3A_212 : memref<10240xf32, #tpu.memory_space<vmem>>[vector<16xi32>], vector<16xf32>, vector<16xi1>
        tpu.vector_store_idx %arg13[%get3A_205], %max3A_225 masked %unique3A_212 : memref<10240xf32, #tpu.memory_space<vmem>>[vector<16xi32>], vector<16xf32>, vector<16xi1>
        %and3A_226 = arith.andi %eq3A_215, %not3A_217 : vector<16xi1>
        %gather3A_227 = tpu.vector_load_idx %arg10[%get3A_205] : memref<10240xf32, #tpu.memory_space<vmem>>[vector<16xi32>], vector<16xf32>,
        %gather3A_228 = tpu.vector_load_idx %arg11[%get3A_205] : memref<10240xf32, #tpu.memory_space<vmem>>[vector<16xi32>], vector<16xf32>,
        %gather3A_229 = tpu.vector_load_idx %arg12[%get3A_205] : memref<10240xf32, #tpu.memory_space<vmem>>[vector<16xi32>], vector<16xf32>,
        %gather3A_230 = tpu.vector_load_idx %arg13[%get3A_205] : memref<10240xf32, #tpu.memory_space<vmem>>[vector<16xi32>], vector<16xf32>,
        %max3A_231 = arith.maximumf %gather3A_227, %gather3A_206 : vector<16xf32>
        %max3A_232 = arith.maximumf %gather3A_228, %gather3A_207 : vector<16xf32>
        %max3A_233 = arith.maximumf %gather3A_229, %gather3A_208 : vector<16xf32>
        %max3A_234 = arith.maximumf %gather3A_230, %gather3A_209 : vector<16xf32>
        tpu.vector_store_idx %arg10[%get3A_205], %max3A_231 masked %and3A_226 : memref<10240xf32, #tpu.memory_space<vmem>>[vector<16xi32>], vector<16xf32>, vector<16xi1>
        tpu.vector_store_idx %arg11[%get3A_205], %max3A_232 masked %and3A_226 : memref<10240xf32, #tpu.memory_space<vmem>>[vector<16xi32>], vector<16xf32>, vector<16xi1>
        tpu.vector_store_idx %arg12[%get3A_205], %max3A_233 masked %and3A_226 : memref<10240xf32, #tpu.memory_space<vmem>>[vector<16xi32>], vector<16xf32>, vector<16xi1>
        tpu.vector_store_idx %arg13[%get3A_205], %max3A_234 masked %and3A_226 : memref<10240xf32, #tpu.memory_space<vmem>>[vector<16xi32>], vector<16xf32>, vector<16xi1>
        %not3A_235 = arith.constant dense<true> : vector<16xi1>
        %not3A_236 = arith.xori %eq3A_215, %not3A_235 : vector<16xi1>
        %and3A_237 = arith.andi %not3A_217, %not3A_236 : vector<16xi1>
        %or3A_238 = arith.ori %or3A_197, %and3A_237 : vector<16xi1>
        %scan3A_239 = arith.constant 3 : i32
        %scan3A_240 = arith.addi %scan3A_123, %scan3A_239 : i32
        %mul3A_241 = arith.constant 16 : i32
        %mul3A_242 = arith.muli %scan3A_240, %mul3A_241 : i32
        %get3A_243 = arith.index_cast %mul3A_242 : i32 to index
        %get3A_244 = tpu.vector_load %arg15[%get3A_243] {strides = array<i32>} : memref<8000xi32, #tpu.memory_space<vmem>>, vector<16xi32>,
        %get3A_245 = arith.index_cast %mul3A_242 : i32 to index
        %get3A_246 = tpu.vector_load %arg17[%get3A_245] {strides = array<i32>} : memref<8000xi32, #tpu.memory_space<vmem>>, vector<16xi32>,
        %gather3A_247 = tpu.vector_load_idx %arg6[%get3A_244] : memref<10240xf32, #tpu.memory_space<vmem>>[vector<16xi32>], vector<16xf32>,
        %gather3A_248 = tpu.vector_load_idx %arg7[%get3A_244] : memref<10240xf32, #tpu.memory_space<vmem>>[vector<16xi32>], vector<16xf32>,
        %gather3A_249 = tpu.vector_load_idx %arg8[%get3A_244] : memref<10240xf32, #tpu.memory_space<vmem>>[vector<16xi32>], vector<16xf32>,
        %gather3A_250 = tpu.vector_load_idx %arg9[%get3A_244] : memref<10240xf32, #tpu.memory_space<vmem>>[vector<16xi32>], vector<16xf32>,
        %broadcast_in_dim3A_251 = arith.constant true
        %broadcast_in_dim3A_252 = vector.broadcast %broadcast_in_dim3A_251 : i1 to vector<16xi1>
        %unique3A_253, %unique3A_254 = tpu.scan_count mask(%broadcast_in_dim3A_252 : vector<16xi1>) value(%get3A_246 : vector<16xi32>) : vector<16xi1>, vector<16xi32>
        %eq3A_255 = vector.broadcast %reduce_min3A_29 : i32 to vector<16xi32>
        %eq3A_256 = arith.cmpi eq, %unique3A_254, %eq3A_255 : vector<16xi32>
        %not3A_257 = arith.constant dense<true> : vector<16xi1>
        %not3A_258 = arith.xori %unique3A_253, %not3A_257 : vector<16xi1>
        %gather3A_259 = tpu.vector_load_idx %arg10[%get3A_246] : memref<10240xf32, #tpu.memory_space<vmem>>[vector<16xi32>], vector<16xf32>,
        %gather3A_260 = tpu.vector_load_idx %arg11[%get3A_246] : memref<10240xf32, #tpu.memory_space<vmem>>[vector<16xi32>], vector<16xf32>,
        %gather3A_261 = tpu.vector_load_idx %arg12[%get3A_246] : memref<10240xf32, #tpu.memory_space<vmem>>[vector<16xi32>], vector<16xf32>,
        %gather3A_262 = tpu.vector_load_idx %arg13[%get3A_246] : memref<10240xf32, #tpu.memory_space<vmem>>[vector<16xi32>], vector<16xf32>,
        %max3A_263 = arith.maximumf %gather3A_259, %gather3A_247 : vector<16xf32>
        %max3A_264 = arith.maximumf %gather3A_260, %gather3A_248 : vector<16xf32>
        %max3A_265 = arith.maximumf %gather3A_261, %gather3A_249 : vector<16xf32>
        %max3A_266 = arith.maximumf %gather3A_262, %gather3A_250 : vector<16xf32>
        tpu.vector_store_idx %arg10[%get3A_246], %max3A_263 masked %unique3A_253 : memref<10240xf32, #tpu.memory_space<vmem>>[vector<16xi32>], vector<16xf32>, vector<16xi1>
        tpu.vector_store_idx %arg11[%get3A_246], %max3A_264 masked %unique3A_253 : memref<10240xf32, #tpu.memory_space<vmem>>[vector<16xi32>], vector<16xf32>, vector<16xi1>
        tpu.vector_store_idx %arg12[%get3A_246], %max3A_265 masked %unique3A_253 : memref<10240xf32, #tpu.memory_space<vmem>>[vector<16xi32>], vector<16xf32>, vector<16xi1>
        tpu.vector_store_idx %arg13[%get3A_246], %max3A_266 masked %unique3A_253 : memref<10240xf32, #tpu.memory_space<vmem>>[vector<16xi32>], vector<16xf32>, vector<16xi1>
        %and3A_267 = arith.andi %eq3A_256, %not3A_258 : vector<16xi1>
        %gather3A_268 = tpu.vector_load_idx %arg10[%get3A_246] : memref<10240xf32, #tpu.memory_space<vmem>>[vector<16xi32>], vector<16xf32>,
        %gather3A_269 = tpu.vector_load_idx %arg11[%get3A_246] : memref<10240xf32, #tpu.memory_space<vmem>>[vector<16xi32>], vector<16xf32>,
        %gather3A_270 = tpu.vector_load_idx %arg12[%get3A_246] : memref<10240xf32, #tpu.memory_space<vmem>>[vector<16xi32>], vector<16xf32>,
        %gather3A_271 = tpu.vector_load_idx %arg13[%get3A_246] : memref<10240xf32, #tpu.memory_space<vmem>>[vector<16xi32>], vector<16xf32>,
        %max3A_272 = arith.maximumf %gather3A_268, %gather3A_247 : vector<16xf32>
        %max3A_273 = arith.maximumf %gather3A_269, %gather3A_248 : vector<16xf32>
        %max3A_274 = arith.maximumf %gather3A_270, %gather3A_249 : vector<16xf32>
        %max3A_275 = arith.maximumf %gather3A_271, %gather3A_250 : vector<16xf32>
        tpu.vector_store_idx %arg10[%get3A_246], %max3A_272 masked %and3A_267 : memref<10240xf32, #tpu.memory_space<vmem>>[vector<16xi32>], vector<16xf32>, vector<16xi1>
        tpu.vector_store_idx %arg11[%get3A_246], %max3A_273 masked %and3A_267 : memref<10240xf32, #tpu.memory_space<vmem>>[vector<16xi32>], vector<16xf32>, vector<16xi1>
        tpu.vector_store_idx %arg12[%get3A_246], %max3A_274 masked %and3A_267 : memref<10240xf32, #tpu.memory_space<vmem>>[vector<16xi32>], vector<16xf32>, vector<16xi1>
        tpu.vector_store_idx %arg13[%get3A_246], %max3A_275 masked %and3A_267 : memref<10240xf32, #tpu.memory_space<vmem>>[vector<16xi32>], vector<16xf32>, vector<16xi1>
        %not3A_276 = arith.constant dense<true> : vector<16xi1>
        %not3A_277 = arith.xori %eq3A_256, %not3A_276 : vector<16xi1>
        %and3A_278 = arith.andi %not3A_258, %not3A_277 : vector<16xi1>
        %or3A_279 = arith.ori %or3A_238, %and3A_278 : vector<16xi1>
        scf.yield %or3A_279 : vector<16xi1>
      }
      %scan3A_108 = arith.constant 500 : i32
      %reduce_or3A_109 = arith.constant 1.000000e+00 : f32
      %reduce_or3A_110 = arith.constant 0.000000e+00 : f32
      %reduce_or3A_111 = vector.broadcast %reduce_or3A_109 : f32 to vector<16xf32>
      %reduce_or3A_112 = vector.broadcast %reduce_or3A_110 : f32 to vector<16xf32>
      %reduce_or3A_113 = arith.select %scan3A_107, %reduce_or3A_111, %reduce_or3A_112 : vector<16xi1>, vector<16xf32>
      %reduce_or3A_114 = arith.constant true
      %reduce_or3A_115 = vector.broadcast %reduce_or3A_114 : i1 to vector<16xi1>
      %reduce_or3A_116 = tpu.scan <max>, %reduce_or3A_113 masked %reduce_or3A_115 : vector<16xf32>, vector<16xi1> -> vector<16xf32>
      %reduce_or3A_117 = vector.extract %reduce_or3A_116[15] : f32 from vector<16xf32>
      %reduce_or3A_118 = arith.constant 0.000000e+00 : f32
      %reduce_or3A_119 = arith.cmpf ogt, %reduce_or3A_117, %reduce_or3A_118 : f32
      %convert_element_type3A_120 = arith.extui %reduce_or3A_119 : i1 to i32
      %cond3A_121 = arith.constant 0 : i32
      %cond3A_122 = arith.cmpi ne, %convert_element_type3A_120, %cond3A_121 : i32
      scf.if %cond3A_122 {
        %scan3A_123 = arith.constant 0 : i32
        %scan3A_124 = arith.constant 0 : i32
        %scan3A_125 = arith.constant 500 : i32
        %scan3A_126 = arith.addi %scan3A_124, %scan3A_125 : i32
        %scan3A_127 = arith.constant 1 : i32
        scf.for %scan3A_129 = %scan3A_124 to %scan3A_126 step %scan3A_127  : i32 {
          %mul3A_130 = arith.constant 16 : i32
          %mul3A_131 = arith.muli %scan3A_129, %mul3A_130 : i32
          %get3A = arith.index_cast %mul3A_131 : i32 to index
          %get3A_132 = tpu.vector_load %arg15[%get3A] {strides = array<i32>} : memref<8000xi32, #tpu.memory_space<vmem>>, vector<16xi32>,
          %get3A_133 = arith.index_cast %mul3A_131 : i32 to index
          %get3A_134 = tpu.vector_load %arg17[%get3A_133] {strides = array<i32>} : memref<8000xi32, #tpu.memory_space<vmem>>, vector<16xi32>,
          %gather3A = tpu.vector_load_idx %arg6[%get3A_132] : memref<10240xf32, #tpu.memory_space<vmem>>[vector<16xi32>], vector<16xf32>,
          %gather3A_135 = tpu.vector_load_idx %arg7[%get3A_132] : memref<10240xf32, #tpu.memory_space<vmem>>[vector<16xi32>], vector<16xf32>,
          %gather3A_136 = tpu.vector_load_idx %arg8[%get3A_132] : memref<10240xf32, #tpu.memory_space<vmem>>[vector<16xi32>], vector<16xf32>,
          %gather3A_137 = tpu.vector_load_idx %arg9[%get3A_132] : memref<10240xf32, #tpu.memory_space<vmem>>[vector<16xi32>], vector<16xf32>,
          %broadcast_in_dim3A_138 = arith.constant true
          %broadcast_in_dim3A_139 = vector.broadcast %broadcast_in_dim3A_138 : i1 to vector<16xi1>
          %unique3A_140, %unique3A_141 = tpu.scan_count mask(%broadcast_in_dim3A_139 : vector<16xi1>) value(%get3A_134 : vector<16xi32>) : vector<16xi1>, vector<16xi32>
          %reduce_max3A = arith.constant true
          %reduce_max3A_142 = vector.broadcast %reduce_max3A : i1 to vector<16xi1>
          %reduce_max3A_143 = arith.constant -2147483648 : i32
          %reduce_max3A_144 = vector.broadcast %reduce_max3A_143 : i32 to vector<16xi32>
          %reduce_max3A_145 = arith.xori %unique3A_141, %reduce_max3A_144 : vector<16xi32>
          %reduce_max3A_146 = tpu.scan <max>, %reduce_max3A_145 masked %reduce_max3A_142 : vector<16xi32>, vector<16xi1> -> vector<16xi32>
          %reduce_max3A_147 = arith.xori %reduce_max3A_146, %reduce_max3A_144 : vector<16xi32>
          %reduce_max3A_148 = vector.extract %reduce_max3A_147[15] : i32 from vector<16xi32>
          %add3A_149 = arith.constant 1 : i32
          %add3A_150 = arith.addi %reduce_max3A_148, %add3A_149 : i32
          %while3A = arith.constant 0 : i32
          %while3A_151 = arith.subi %add3A_150, %reduce_min3A_29 : i32
          %while3A_152 = arith.addi %reduce_min3A_29, %while3A_151 : i32
          %while3A_153 = arith.constant 1 : i32
          %while3A_154 = arith.divsi %while3A_151, %while3A_153 : i32
          %while3A_155 = arith.muli %while3A_154, %while3A_153 : i32
          %while3A_156 = arith.addi %reduce_min3A_29, %while3A_155 : i32
          %while3A_157 = arith.constant 1 : i32
          scf.for %while3A_159 = %reduce_min3A_29 to %while3A_156 step %while3A_157  : i32 {
            %eq3A = vector.broadcast %while3A_159 : i32 to vector<16xi32>
            %eq3A_160 = arith.cmpi eq, %unique3A_141, %eq3A : vector<16xi32>
            %gather3A_161 = tpu.vector_load_idx %arg10[%get3A_134] : memref<10240xf32, #tpu.memory_space<vmem>>[vector<16xi32>], vector<16xf32>,
            %gather3A_162 = tpu.vector_load_idx %arg11[%get3A_134] : memref<10240xf32, #tpu.memory_space<vmem>>[vector<16xi32>], vector<16xf32>,
            %gather3A_163 = tpu.vector_load_idx %arg12[%get3A_134] : memref<10240xf32, #tpu.memory_space<vmem>>[vector<16xi32>], vector<16xf32>,
            %gather3A_164 = tpu.vector_load_idx %arg13[%get3A_134] : memref<10240xf32, #tpu.memory_space<vmem>>[vector<16xi32>], vector<16xf32>,
            %max3A = arith.maximumf %gather3A_161, %gather3A : vector<16xf32>
            %max3A_165 = arith.maximumf %gather3A_162, %gather3A_135 : vector<16xf32>
            %max3A_166 = arith.maximumf %gather3A_163, %gather3A_136 : vector<16xf32>
            %max3A_167 = arith.maximumf %gather3A_164, %gather3A_137 : vector<16xf32>
            tpu.vector_store_idx %arg10[%get3A_134], %max3A masked %eq3A_160 : memref<10240xf32, #tpu.memory_space<vmem>>[vector<16xi32>], vector<16xf32>, vector<16xi1>
            tpu.vector_store_idx %arg11[%get3A_134], %max3A_165 masked %eq3A_160 : memref<10240xf32, #tpu.memory_space<vmem>>[vector<16xi32>], vector<16xf32>, vector<16xi1>
            tpu.vector_store_idx %arg12[%get3A_134], %max3A_166 masked %eq3A_160 : memref<10240xf32, #tpu.memory_space<vmem>>[vector<16xi32>], vector<16xf32>, vector<16xi1>
            tpu.vector_store_idx %arg13[%get3A_134], %max3A_167 masked %eq3A_160 : memref<10240xf32, #tpu.memory_space<vmem>>[vector<16xi32>], vector<16xf32>, vector<16xi1>
          }
          %while3A_158 = arith.constant 1 : i32
          scf.for %while3A_159 = %while3A_156 to %while3A_152 step %while3A_158  : i32 {
            %eq3A = vector.broadcast %while3A_159 : i32 to vector<16xi32>
            %eq3A_160 = arith.cmpi eq, %unique3A_141, %eq3A : vector<16xi32>
            %gather3A_161 = tpu.vector_load_idx %arg10[%get3A_134] : memref<10240xf32, #tpu.memory_space<vmem>>[vector<16xi32>], vector<16xf32>,
            %gather3A_162 = tpu.vector_load_idx %arg11[%get3A_134] : memref<10240xf32, #tpu.memory_space<vmem>>[vector<16xi32>], vector<16xf32>,
            %gather3A_163 = tpu.vector_load_idx %arg12[%get3A_134] : memref<10240xf32, #tpu.memory_space<vmem>>[vector<16xi32>], vector<16xf32>,
            %gather3A_164 = tpu.vector_load_idx %arg13[%get3A_134] : memref<10240xf32, #tpu.memory_space<vmem>>[vector<16xi32>], vector<16xf32>,
            %max3A = arith.maximumf %gather3A_161, %gather3A : vector<16xf32>
            %max3A_165 = arith.maximumf %gather3A_162, %gather3A_135 : vector<16xf32>
            %max3A_166 = arith.maximumf %gather3A_163, %gather3A_136 : vector<16xf32>
            %max3A_167 = arith.maximumf %gather3A_164, %gather3A_137 : vector<16xf32>
            tpu.vector_store_idx %arg10[%get3A_134], %max3A masked %eq3A_160 : memref<10240xf32, #tpu.memory_space<vmem>>[vector<16xi32>], vector<16xf32>, vector<16xi1>
            tpu.vector_store_idx %arg11[%get3A_134], %max3A_165 masked %eq3A_160 : memref<10240xf32, #tpu.memory_space<vmem>>[vector<16xi32>], vector<16xf32>, vector<16xi1>
            tpu.vector_store_idx %arg12[%get3A_134], %max3A_166 masked %eq3A_160 : memref<10240xf32, #tpu.memory_space<vmem>>[vector<16xi32>], vector<16xf32>, vector<16xi1>
            tpu.vector_store_idx %arg13[%get3A_134], %max3A_167 masked %eq3A_160 : memref<10240xf32, #tpu.memory_space<vmem>>[vector<16xi32>], vector<16xf32>, vector<16xi1>
          }
        }
        %scan3A_128 = arith.constant 500 : i32
      } else {
      }
    }
    %scan3A_41 = arith.constant 20 : i32
    %add3A_42 = arith.constant 0 : i32
    %add3A_43 = arith.addi %mul3A_2, %add3A_42 : i32
    "tpu.region"() ({
      %run_scoped3A = tpu.sem_alloc : memref<!tpu.dma_semaphore, #tpu.memory_space<semaphore_mem>>
      %dma_start3A_50 = arith.constant 0 : i32
      %dma_start3A_51 = tpu.memref_slice %arg5[%add3A_43, %dma_start3A_50] : memref<128x10240xf32, #tpu.memory_space<hbm>> -> memref<1x10240xf32, #tpu.memory_space<hbm>>
      %dma_start3A_52 = tpu.memref_squeeze %dma_start3A_51 : memref<1x10240xf32, #tpu.memory_space<hbm>> -> memref<10240xf32, #tpu.memory_space<hbm>>
      %dma_start3A_53 = arith.constant 0 : i32
      %dma_start3A_54 = tpu.memref_slice %arg5[%add3A_43, %dma_start3A_53] : memref<128x10240xf32, #tpu.memory_space<hbm>> -> memref<1x10240xf32, #tpu.memory_space<hbm>>
      %dma_start3A_55 = tpu.memref_squeeze %dma_start3A_54 : memref<1x10240xf32, #tpu.memory_space<hbm>> -> memref<10240xf32, #tpu.memory_space<hbm>>
      tpu.enqueue_dma source(%arg10 : memref<10240xf32, #tpu.memory_space<vmem>>) target(%dma_start3A_55 : memref<10240xf32, #tpu.memory_space<hbm>>) target_semaphore(%run_scoped3A : memref<!tpu.dma_semaphore, #tpu.memory_space<semaphore_mem>>)
      %dma_wait3A = arith.constant 0 : i32
      %dma_wait3A_56 = tpu.memref_slice %arg5[%add3A_43, %dma_wait3A] : memref<128x10240xf32, #tpu.memory_space<hbm>> -> memref<1x10240xf32, #tpu.memory_space<hbm>>
      %dma_wait3A_57 = tpu.memref_squeeze %dma_wait3A_56 : memref<1x10240xf32, #tpu.memory_space<hbm>> -> memref<10240xf32, #tpu.memory_space<hbm>>
      %dma_wait3A_58 = arith.constant 0 : i32
      %dma_wait3A_59 = tpu.memref_slice %arg5[%add3A_43, %dma_wait3A_58] : memref<128x10240xf32, #tpu.memory_space<hbm>> -> memref<1x10240xf32, #tpu.memory_space<hbm>>
      %dma_wait3A_60 = tpu.memref_squeeze %dma_wait3A_59 : memref<1x10240xf32, #tpu.memory_space<hbm>> -> memref<10240xf32, #tpu.memory_space<hbm>>
      tpu.wait_dma2 semaphore(%run_scoped3A : memref<!tpu.dma_semaphore, #tpu.memory_space<semaphore_mem>>) src(%arg10 : memref<10240xf32, #tpu.memory_space<vmem>>) dst(%dma_wait3A_60 : memref<10240xf32, #tpu.memory_space<hbm>>)
      tpu.yield
    }) : () -> ()
    %add3A_44 = arith.constant 1 : i32
    %add3A_45 = arith.addi %mul3A_2, %add3A_44 : i32
    "tpu.region"() ({
      %run_scoped3A = tpu.sem_alloc : memref<!tpu.dma_semaphore, #tpu.memory_space<semaphore_mem>>
      %dma_start3A_50 = arith.constant 0 : i32
      %dma_start3A_51 = tpu.memref_slice %arg5[%add3A_45, %dma_start3A_50] : memref<128x10240xf32, #tpu.memory_space<hbm>> -> memref<1x10240xf32, #tpu.memory_space<hbm>>
      %dma_start3A_52 = tpu.memref_squeeze %dma_start3A_51 : memref<1x10240xf32, #tpu.memory_space<hbm>> -> memref<10240xf32, #tpu.memory_space<hbm>>
      %dma_start3A_53 = arith.constant 0 : i32
      %dma_start3A_54 = tpu.memref_slice %arg5[%add3A_45, %dma_start3A_53] : memref<128x10240xf32, #tpu.memory_space<hbm>> -> memref<1x10240xf32, #tpu.memory_space<hbm>>
      %dma_start3A_55 = tpu.memref_squeeze %dma_start3A_54 : memref<1x10240xf32, #tpu.memory_space<hbm>> -> memref<10240xf32, #tpu.memory_space<hbm>>
      tpu.enqueue_dma source(%arg11 : memref<10240xf32, #tpu.memory_space<vmem>>) target(%dma_start3A_55 : memref<10240xf32, #tpu.memory_space<hbm>>) target_semaphore(%run_scoped3A : memref<!tpu.dma_semaphore, #tpu.memory_space<semaphore_mem>>)
      %dma_wait3A = arith.constant 0 : i32
      %dma_wait3A_56 = tpu.memref_slice %arg5[%add3A_45, %dma_wait3A] : memref<128x10240xf32, #tpu.memory_space<hbm>> -> memref<1x10240xf32, #tpu.memory_space<hbm>>
      %dma_wait3A_57 = tpu.memref_squeeze %dma_wait3A_56 : memref<1x10240xf32, #tpu.memory_space<hbm>> -> memref<10240xf32, #tpu.memory_space<hbm>>
      %dma_wait3A_58 = arith.constant 0 : i32
      %dma_wait3A_59 = tpu.memref_slice %arg5[%add3A_45, %dma_wait3A_58] : memref<128x10240xf32, #tpu.memory_space<hbm>> -> memref<1x10240xf32, #tpu.memory_space<hbm>>
      %dma_wait3A_60 = tpu.memref_squeeze %dma_wait3A_59 : memref<1x10240xf32, #tpu.memory_space<hbm>> -> memref<10240xf32, #tpu.memory_space<hbm>>
      tpu.wait_dma2 semaphore(%run_scoped3A : memref<!tpu.dma_semaphore, #tpu.memory_space<semaphore_mem>>) src(%arg11 : memref<10240xf32, #tpu.memory_space<vmem>>) dst(%dma_wait3A_60 : memref<10240xf32, #tpu.memory_space<hbm>>)
      tpu.yield
    }) : () -> ()
    %add3A_46 = arith.constant 2 : i32
    %add3A_47 = arith.addi %mul3A_2, %add3A_46 : i32
    "tpu.region"() ({
      %run_scoped3A = tpu.sem_alloc : memref<!tpu.dma_semaphore, #tpu.memory_space<semaphore_mem>>
      %dma_start3A_50 = arith.constant 0 : i32
      %dma_start3A_51 = tpu.memref_slice %arg5[%add3A_47, %dma_start3A_50] : memref<128x10240xf32, #tpu.memory_space<hbm>> -> memref<1x10240xf32, #tpu.memory_space<hbm>>
      %dma_start3A_52 = tpu.memref_squeeze %dma_start3A_51 : memref<1x10240xf32, #tpu.memory_space<hbm>> -> memref<10240xf32, #tpu.memory_space<hbm>>
      %dma_start3A_53 = arith.constant 0 : i32
      %dma_start3A_54 = tpu.memref_slice %arg5[%add3A_47, %dma_start3A_53] : memref<128x10240xf32, #tpu.memory_space<hbm>> -> memref<1x10240xf32, #tpu.memory_space<hbm>>
      %dma_start3A_55 = tpu.memref_squeeze %dma_start3A_54 : memref<1x10240xf32, #tpu.memory_space<hbm>> -> memref<10240xf32, #tpu.memory_space<hbm>>
      tpu.enqueue_dma source(%arg12 : memref<10240xf32, #tpu.memory_space<vmem>>) target(%dma_start3A_55 : memref<10240xf32, #tpu.memory_space<hbm>>) target_semaphore(%run_scoped3A : memref<!tpu.dma_semaphore, #tpu.memory_space<semaphore_mem>>)
      %dma_wait3A = arith.constant 0 : i32
      %dma_wait3A_56 = tpu.memref_slice %arg5[%add3A_47, %dma_wait3A] : memref<128x10240xf32, #tpu.memory_space<hbm>> -> memref<1x10240xf32, #tpu.memory_space<hbm>>
      %dma_wait3A_57 = tpu.memref_squeeze %dma_wait3A_56 : memref<1x10240xf32, #tpu.memory_space<hbm>> -> memref<10240xf32, #tpu.memory_space<hbm>>
      %dma_wait3A_58 = arith.constant 0 : i32
      %dma_wait3A_59 = tpu.memref_slice %arg5[%add3A_47, %dma_wait3A_58] : memref<128x10240xf32, #tpu.memory_space<hbm>> -> memref<1x10240xf32, #tpu.memory_space<hbm>>
      %dma_wait3A_60 = tpu.memref_squeeze %dma_wait3A_59 : memref<1x10240xf32, #tpu.memory_space<hbm>> -> memref<10240xf32, #tpu.memory_space<hbm>>
      tpu.wait_dma2 semaphore(%run_scoped3A : memref<!tpu.dma_semaphore, #tpu.memory_space<semaphore_mem>>) src(%arg12 : memref<10240xf32, #tpu.memory_space<vmem>>) dst(%dma_wait3A_60 : memref<10240xf32, #tpu.memory_space<hbm>>)
      tpu.yield
    }) : () -> ()
    %add3A_48 = arith.constant 3 : i32
    %add3A_49 = arith.addi %mul3A_2, %add3A_48 : i32
    "tpu.region"() ({
      %run_scoped3A = tpu.sem_alloc : memref<!tpu.dma_semaphore, #tpu.memory_space<semaphore_mem>>
      %dma_start3A_50 = arith.constant 0 : i32
      %dma_start3A_51 = tpu.memref_slice %arg5[%add3A_49, %dma_start3A_50] : memref<128x10240xf32, #tpu.memory_space<hbm>> -> memref<1x10240xf32, #tpu.memory_space<hbm>>
      %dma_start3A_52 = tpu.memref_squeeze %dma_start3A_51 : memref<1x10240xf32, #tpu.memory_space<hbm>> -> memref<10240xf32, #tpu.memory_space<hbm>>
      %dma_start3A_53 = arith.constant 0 : i32
      %dma_start3A_54 = tpu.memref_slice %arg5[%add3A_49, %dma_start3A_53] : memref<128x10240xf32, #tpu.memory_space<hbm>> -> memref<1x10240xf32, #tpu.memory_space<hbm>>
      %dma_start3A_55 = tpu.memref_squeeze %dma_start3A_54 : memref<1x10240xf32, #tpu.memory_space<hbm>> -> memref<10240xf32, #tpu.memory_space<hbm>>
      tpu.enqueue_dma source(%arg13 : memref<10240xf32, #tpu.memory_space<vmem>>) target(%dma_start3A_55 : memref<10240xf32, #tpu.memory_space<hbm>>) target_semaphore(%run_scoped3A : memref<!tpu.dma_semaphore, #tpu.memory_space<semaphore_mem>>)
      %dma_wait3A = arith.constant 0 : i32
      %dma_wait3A_56 = tpu.memref_slice %arg5[%add3A_49, %dma_wait3A] : memref<128x10240xf32, #tpu.memory_space<hbm>> -> memref<1x10240xf32, #tpu.memory_space<hbm>>
      %dma_wait3A_57 = tpu.memref_squeeze %dma_wait3A_56 : memref<1x10240xf32, #tpu.memory_space<hbm>> -> memref<10240xf32, #tpu.memory_space<hbm>>
      %dma_wait3A_58 = arith.constant 0 : i32
      %dma_wait3A_59 = tpu.memref_slice %arg5[%add3A_49, %dma_wait3A_58] : memref<128x10240xf32, #tpu.memory_space<hbm>> -> memref<1x10240xf32, #tpu.memory_space<hbm>>
      %dma_wait3A_60 = tpu.memref_squeeze %dma_wait3A_59 : memref<1x10240xf32, #tpu.memory_space<hbm>> -> memref<10240xf32, #tpu.memory_space<hbm>>
      tpu.wait_dma2 semaphore(%run_scoped3A : memref<!tpu.dma_semaphore, #tpu.memory_space<semaphore_mem>>) src(%arg13 : memref<10240xf32, #tpu.memory_space<vmem>>) dst(%dma_wait3A_60 : memref<10240xf32, #tpu.memory_space<hbm>>)
      tpu.yield
    }) : () -> ()
    return
  }
}

#map = affine_map<(d0, d1) -> (0, 0)>
#map1 = affine_map<(d0, d1) -> (0)>
module attributes {stable_mosaic.version = 14 : i64} {
  func.func @_segmax(%arg0: i32, %arg1: i32, %arg2: memref<128x10240xf32, #tpu.memory_space<hbm>>, %arg3: memref<320000xi32, #tpu.memory_space<hbm>>, %arg4: memref<320000xi32, #tpu.memory_space<hbm>>, %arg5: memref<128x10240xf32, #tpu.memory_space<hbm>>, %arg6: memref<10240xf32, #tpu.memory_space<vmem>>, %arg7: memref<10240xf32, #tpu.memory_space<vmem>>, %arg8: memref<10240xf32, #tpu.memory_space<vmem>>, %arg9: memref<10240xf32, #tpu.memory_space<vmem>>, %arg10: memref<10240xf32, #tpu.memory_space<vmem>>, %arg11: memref<10240xf32, #tpu.memory_space<vmem>>, %arg12: memref<10240xf32, #tpu.memory_space<vmem>>, %arg13: memref<10240xf32, #tpu.memory_space<vmem>>, %arg14: memref<8000xi32, #tpu.memory_space<vmem>>, %arg15: memref<8000xi32, #tpu.memory_space<vmem>>, %arg16: memref<8000xi32, #tpu.memory_space<vmem>>, %arg17: memref<8000xi32, #tpu.memory_space<vmem>>, %arg18: memref<!tpu.dma_semaphore, #tpu.memory_space<semaphore_mem>>, %arg19: memref<!tpu.dma_semaphore, #tpu.memory_space<semaphore_mem>>, %arg20: memref<!tpu.dma_semaphore, #tpu.memory_space<semaphore_mem>>, %arg21: memref<!tpu.dma_semaphore, #tpu.memory_space<semaphore_mem>>) attributes {dimension_semantics = [#tpu.dimension_semantics<core_parallel>, #tpu.dimension_semantics<subcore_parallel>], iteration_bounds = array<i64: 2, 16>, scalar_prefetch = 0 : i64, scratch_operands = 16 : i64, tpu.core_type = #tpu.core_type<sc_vector_subcore>, window_params = [{transform_indices = #map}, {transform_indices = #map1}, {transform_indices = #map1}, {transform_indices = #map}]} {
    %mul3A = arith.constant 2 : i32
    %mul3A_0 = arith.muli %arg1, %mul3A : i32
    %add3A = arith.addi %mul3A_0, %arg0 : i32
    %mul3A_1 = arith.constant 4 : i32
    %mul3A_2 = arith.muli %add3A, %mul3A_1 : i32
    %add3A_3 = arith.constant 0 : i32
    %add3A_4 = arith.addi %mul3A_2, %add3A_3 : i32
    "tpu.region"() ({
      %run_scoped3A = tpu.sem_alloc : memref<!tpu.dma_semaphore, #tpu.memory_space<semaphore_mem>>
      %dma_start3A_50 = arith.constant 0 : i32
      %dma_start3A_51 = tpu.memref_slice %arg2[%add3A_4, %dma_start3A_50] : memref<128x10240xf32, #tpu.memory_space<hbm>> -> memref<1x10240xf32, #tpu.memory_space<hbm>>
      %dma_start3A_52 = tpu.memref_squeeze %dma_start3A_51 : memref<1x10240xf32, #tpu.memory_space<hbm>> -> memref<10240xf32, #tpu.memory_space<hbm>>
      %dma_start3A_53 = arith.constant 0 : i32
      %dma_start3A_54 = tpu.memref_slice %arg2[%add3A_4, %dma_start3A_53] : memref<128x10240xf32, #tpu.memory_space<hbm>> -> memref<1x10240xf32, #tpu.memory_space<hbm>>
      %dma_start3A_55 = tpu.memref_squeeze %dma_start3A_54 : memref<1x10240xf32, #tpu.memory_space<hbm>> -> memref<10240xf32, #tpu.memory_space<hbm>>
      tpu.enqueue_dma source(%dma_start3A_55 : memref<10240xf32, #tpu.memory_space<hbm>>) target(%arg6 : memref<10240xf32, #tpu.memory_space<vmem>>) target_semaphore(%run_scoped3A : memref<!tpu.dma_semaphore, #tpu.memory_space<semaphore_mem>>)
      %dma_wait3A = arith.constant 0 : i32
      %dma_wait3A_56 = tpu.memref_slice %arg2[%add3A_4, %dma_wait3A] : memref<128x10240xf32, #tpu.memory_space<hbm>> -> memref<1x10240xf32, #tpu.memory_space<hbm>>
      %dma_wait3A_57 = tpu.memref_squeeze %dma_wait3A_56 : memref<1x10240xf32, #tpu.memory_space<hbm>> -> memref<10240xf32, #tpu.memory_space<hbm>>
      %dma_wait3A_58 = arith.constant 0 : i32
      %dma_wait3A_59 = tpu.memref_slice %arg2[%add3A_4, %dma_wait3A_58] : memref<128x10240xf32, #tpu.memory_space<hbm>> -> memref<1x10240xf32, #tpu.memory_space<hbm>>
      %dma_wait3A_60 = tpu.memref_squeeze %dma_wait3A_59 : memref<1x10240xf32, #tpu.memory_space<hbm>> -> memref<10240xf32, #tpu.memory_space<hbm>>
      tpu.wait_dma2 semaphore(%run_scoped3A : memref<!tpu.dma_semaphore, #tpu.memory_space<semaphore_mem>>) src(%dma_wait3A_60 : memref<10240xf32, #tpu.memory_space<hbm>>) dst(%arg6 : memref<10240xf32, #tpu.memory_space<vmem>>)
      tpu.yield
    }) : () -> ()
    %add3A_5 = arith.constant 0 : i32
    %add3A_6 = arith.addi %mul3A_2, %add3A_5 : i32
    "tpu.region"() ({
      %run_scoped3A = tpu.sem_alloc : memref<!tpu.dma_semaphore, #tpu.memory_space<semaphore_mem>>
      %dma_start3A_50 = arith.constant 0 : i32
      %dma_start3A_51 = tpu.memref_slice %arg2[%add3A_6, %dma_start3A_50] : memref<128x10240xf32, #tpu.memory_space<hbm>> -> memref<1x10240xf32, #tpu.memory_space<hbm>>
      %dma_start3A_52 = tpu.memref_squeeze %dma_start3A_51 : memref<1x10240xf32, #tpu.memory_space<hbm>> -> memref<10240xf32, #tpu.memory_space<hbm>>
      %dma_start3A_53 = arith.constant 0 : i32
      %dma_start3A_54 = tpu.memref_slice %arg2[%add3A_6, %dma_start3A_53] : memref<128x10240xf32, #tpu.memory_space<hbm>> -> memref<1x10240xf32, #tpu.memory_space<hbm>>
      %dma_start3A_55 = tpu.memref_squeeze %dma_start3A_54 : memref<1x10240xf32, #tpu.memory_space<hbm>> -> memref<10240xf32, #tpu.memory_space<hbm>>
      tpu.enqueue_dma source(%dma_start3A_55 : memref<10240xf32, #tpu.memory_space<hbm>>) target(%arg10 : memref<10240xf32, #tpu.memory_space<vmem>>) target_semaphore(%run_scoped3A : memref<!tpu.dma_semaphore, #tpu.memory_space<semaphore_mem>>)
      %dma_wait3A = arith.constant 0 : i32
      %dma_wait3A_56 = tpu.memref_slice %arg2[%add3A_6, %dma_wait3A] : memref<128x10240xf32, #tpu.memory_space<hbm>> -> memref<1x10240xf32, #tpu.memory_space<hbm>>
      %dma_wait3A_57 = tpu.memref_squeeze %dma_wait3A_56 : memref<1x10240xf32, #tpu.memory_space<hbm>> -> memref<10240xf32, #tpu.memory_space<hbm>>
      %dma_wait3A_58 = arith.constant 0 : i32
      %dma_wait3A_59 = tpu.memref_slice %arg2[%add3A_6, %dma_wait3A_58] : memref<128x10240xf32, #tpu.memory_space<hbm>> -> memref<1x10240xf32, #tpu.memory_space<hbm>>
      %dma_wait3A_60 = tpu.memref_squeeze %dma_wait3A_59 : memref<1x10240xf32, #tpu.memory_space<hbm>> -> memref<10240xf32, #tpu.memory_space<hbm>>
      tpu.wait_dma2 semaphore(%run_scoped3A : memref<!tpu.dma_semaphore, #tpu.memory_space<semaphore_mem>>) src(%dma_wait3A_60 : memref<10240xf32, #tpu.memory_space<hbm>>) dst(%arg10 : memref<10240xf32, #tpu.memory_space<vmem>>)
      tpu.yield
    }) : () -> ()
    %add3A_7 = arith.constant 1 : i32
    %add3A_8 = arith.addi %mul3A_2, %add3A_7 : i32
    "tpu.region"() ({
      %run_scoped3A = tpu.sem_alloc : memref<!tpu.dma_semaphore, #tpu.memory_space<semaphore_mem>>
      %dma_start3A_50 = arith.constant 0 : i32
      %dma_start3A_51 = tpu.memref_slice %arg2[%add3A_8, %dma_start3A_50] : memref<128x10240xf32, #tpu.memory_space<hbm>> -> memref<1x10240xf32, #tpu.memory_space<hbm>>
      %dma_start3A_52 = tpu.memref_squeeze %dma_start3A_51 : memref<1x10240xf32, #tpu.memory_space<hbm>> -> memref<10240xf32, #tpu.memory_space<hbm>>
      %dma_start3A_53 = arith.constant 0 : i32
      %dma_start3A_54 = tpu.memref_slice %arg2[%add3A_8, %dma_start3A_53] : memref<128x10240xf32, #tpu.memory_space<hbm>> -> memref<1x10240xf32, #tpu.memory_space<hbm>>
      %dma_start3A_55 = tpu.memref_squeeze %dma_start3A_54 : memref<1x10240xf32, #tpu.memory_space<hbm>> -> memref<10240xf32, #tpu.memory_space<hbm>>
      tpu.enqueue_dma source(%dma_start3A_55 : memref<10240xf32, #tpu.memory_space<hbm>>) target(%arg7 : memref<10240xf32, #tpu.memory_space<vmem>>) target_semaphore(%run_scoped3A : memref<!tpu.dma_semaphore, #tpu.memory_space<semaphore_mem>>)
      %dma_wait3A = arith.constant 0 : i32
      %dma_wait3A_56 = tpu.memref_slice %arg2[%add3A_8, %dma_wait3A] : memref<128x10240xf32, #tpu.memory_space<hbm>> -> memref<1x10240xf32, #tpu.memory_space<hbm>>
      %dma_wait3A_57 = tpu.memref_squeeze %dma_wait3A_56 : memref<1x10240xf32, #tpu.memory_space<hbm>> -> memref<10240xf32, #tpu.memory_space<hbm>>
      %dma_wait3A_58 = arith.constant 0 : i32
      %dma_wait3A_59 = tpu.memref_slice %arg2[%add3A_8, %dma_wait3A_58] : memref<128x10240xf32, #tpu.memory_space<hbm>> -> memref<1x10240xf32, #tpu.memory_space<hbm>>
      %dma_wait3A_60 = tpu.memref_squeeze %dma_wait3A_59 : memref<1x10240xf32, #tpu.memory_space<hbm>> -> memref<10240xf32, #tpu.memory_space<hbm>>
      tpu.wait_dma2 semaphore(%run_scoped3A : memref<!tpu.dma_semaphore, #tpu.memory_space<semaphore_mem>>) src(%dma_wait3A_60 : memref<10240xf32, #tpu.memory_space<hbm>>) dst(%arg7 : memref<10240xf32, #tpu.memory_space<vmem>>)
      tpu.yield
    }) : () -> ()
    %add3A_9 = arith.constant 1 : i32
    %add3A_10 = arith.addi %mul3A_2, %add3A_9 : i32
    "tpu.region"() ({
      %run_scoped3A = tpu.sem_alloc : memref<!tpu.dma_semaphore, #tpu.memory_space<semaphore_mem>>
      %dma_start3A_50 = arith.constant 0 : i32
      %dma_start3A_51 = tpu.memref_slice %arg2[%add3A_10, %dma_start3A_50] : memref<128x10240xf32, #tpu.memory_space<hbm>> -> memref<1x10240xf32, #tpu.memory_space<hbm>>
      %dma_start3A_52 = tpu.memref_squeeze %dma_start3A_51 : memref<1x10240xf32, #tpu.memory_space<hbm>> -> memref<10240xf32, #tpu.memory_space<hbm>>
      %dma_start3A_53 = arith.constant 0 : i32
      %dma_start3A_54 = tpu.memref_slice %arg2[%add3A_10, %dma_start3A_53] : memref<128x10240xf32, #tpu.memory_space<hbm>> -> memref<1x10240xf32, #tpu.memory_space<hbm>>
      %dma_start3A_55 = tpu.memref_squeeze %dma_start3A_54 : memref<1x10240xf32, #tpu.memory_space<hbm>> -> memref<10240xf32, #tpu.memory_space<hbm>>
      tpu.enqueue_dma source(%dma_start3A_55 : memref<10240xf32, #tpu.memory_space<hbm>>) target(%arg11 : memref<10240xf32, #tpu.memory_space<vmem>>) target_semaphore(%run_scoped3A : memref<!tpu.dma_semaphore, #tpu.memory_space<semaphore_mem>>)
      %dma_wait3A = arith.constant 0 : i32
      %dma_wait3A_56 = tpu.memref_slice %arg2[%add3A_10, %dma_wait3A] : memref<128x10240xf32, #tpu.memory_space<hbm>> -> memref<1x10240xf32, #tpu.memory_space<hbm>>
      %dma_wait3A_57 = tpu.memref_squeeze %dma_wait3A_56 : memref<1x10240xf32, #tpu.memory_space<hbm>> -> memref<10240xf32, #tpu.memory_space<hbm>>
      %dma_wait3A_58 = arith.constant 0 : i32
      %dma_wait3A_59 = tpu.memref_slice %arg2[%add3A_10, %dma_wait3A_58] : memref<128x10240xf32, #tpu.memory_space<hbm>> -> memref<1x10240xf32, #tpu.memory_space<hbm>>
      %dma_wait3A_60 = tpu.memref_squeeze %dma_wait3A_59 : memref<1x10240xf32, #tpu.memory_space<hbm>> -> memref<10240xf32, #tpu.memory_space<hbm>>
      tpu.wait_dma2 semaphore(%run_scoped3A : memref<!tpu.dma_semaphore, #tpu.memory_space<semaphore_mem>>) src(%dma_wait3A_60 : memref<10240xf32, #tpu.memory_space<hbm>>) dst(%arg11 : memref<10240xf32, #tpu.memory_space<vmem>>)
      tpu.yield
    }) : () -> ()
    %add3A_11 = arith.constant 2 : i32
    %add3A_12 = arith.addi %mul3A_2, %add3A_11 : i32
    "tpu.region"() ({
      %run_scoped3A = tpu.sem_alloc : memref<!tpu.dma_semaphore, #tpu.memory_space<semaphore_mem>>
      %dma_start3A_50 = arith.constant 0 : i32
      %dma_start3A_51 = tpu.memref_slice %arg2[%add3A_12, %dma_start3A_50] : memref<128x10240xf32, #tpu.memory_space<hbm>> -> memref<1x10240xf32, #tpu.memory_space<hbm>>
      %dma_start3A_52 = tpu.memref_squeeze %dma_start3A_51 : memref<1x10240xf32, #tpu.memory_space<hbm>> -> memref<10240xf32, #tpu.memory_space<hbm>>
      %dma_start3A_53 = arith.constant 0 : i32
      %dma_start3A_54 = tpu.memref_slice %arg2[%add3A_12, %dma_start3A_53] : memref<128x10240xf32, #tpu.memory_space<hbm>> -> memref<1x10240xf32, #tpu.memory_space<hbm>>
      %dma_start3A_55 = tpu.memref_squeeze %dma_start3A_54 : memref<1x10240xf32, #tpu.memory_space<hbm>> -> memref<10240xf32, #tpu.memory_space<hbm>>
      tpu.enqueue_dma source(%dma_start3A_55 : memref<10240xf32, #tpu.memory_space<hbm>>) target(%arg8 : memref<10240xf32, #tpu.memory_space<vmem>>) target_semaphore(%run_scoped3A : memref<!tpu.dma_semaphore, #tpu.memory_space<semaphore_mem>>)
      %dma_wait3A = arith.constant 0 : i32
      %dma_wait3A_56 = tpu.memref_slice %arg2[%add3A_12, %dma_wait3A] : memref<128x10240xf32, #tpu.memory_space<hbm>> -> memref<1x10240xf32, #tpu.memory_space<hbm>>
      %dma_wait3A_57 = tpu.memref_squeeze %dma_wait3A_56 : memref<1x10240xf32, #tpu.memory_space<hbm>> -> memref<10240xf32, #tpu.memory_space<hbm>>
      %dma_wait3A_58 = arith.constant 0 : i32
      %dma_wait3A_59 = tpu.memref_slice %arg2[%add3A_12, %dma_wait3A_58] : memref<128x10240xf32, #tpu.memory_space<hbm>> -> memref<1x10240xf32, #tpu.memory_space<hbm>>
      %dma_wait3A_60 = tpu.memref_squeeze %dma_wait3A_59 : memref<1x10240xf32, #tpu.memory_space<hbm>> -> memref<10240xf32, #tpu.memory_space<hbm>>
      tpu.wait_dma2 semaphore(%run_scoped3A : memref<!tpu.dma_semaphore, #tpu.memory_space<semaphore_mem>>) src(%dma_wait3A_60 : memref<10240xf32, #tpu.memory_space<hbm>>) dst(%arg8 : memref<10240xf32, #tpu.memory_space<vmem>>)
      tpu.yield
    }) : () -> ()
    %add3A_13 = arith.constant 2 : i32
    %add3A_14 = arith.addi %mul3A_2, %add3A_13 : i32
    "tpu.region"() ({
      %run_scoped3A = tpu.sem_alloc : memref<!tpu.dma_semaphore, #tpu.memory_space<semaphore_mem>>
      %dma_start3A_50 = arith.constant 0 : i32
      %dma_start3A_51 = tpu.memref_slice %arg2[%add3A_14, %dma_start3A_50] : memref<128x10240xf32, #tpu.memory_space<hbm>> -> memref<1x10240xf32, #tpu.memory_space<hbm>>
      %dma_start3A_52 = tpu.memref_squeeze %dma_start3A_51 : memref<1x10240xf32, #tpu.memory_space<hbm>> -> memref<10240xf32, #tpu.memory_space<hbm>>
      %dma_start3A_53 = arith.constant 0 : i32
      %dma_start3A_54 = tpu.memref_slice %arg2[%add3A_14, %dma_start3A_53] : memref<128x10240xf32, #tpu.memory_space<hbm>> -> memref<1x10240xf32, #tpu.memory_space<hbm>>
      %dma_start3A_55 = tpu.memref_squeeze %dma_start3A_54 : memref<1x10240xf32, #tpu.memory_space<hbm>> -> memref<10240xf32, #tpu.memory_space<hbm>>
      tpu.enqueue_dma source(%dma_start3A_55 : memref<10240xf32, #tpu.memory_space<hbm>>) target(%arg12 : memref<10240xf32, #tpu.memory_space<vmem>>) target_semaphore(%run_scoped3A : memref<!tpu.dma_semaphore, #tpu.memory_space<semaphore_mem>>)
      %dma_wait3A = arith.constant 0 : i32
      %dma_wait3A_56 = tpu.memref_slice %arg2[%add3A_14, %dma_wait3A] : memref<128x10240xf32, #tpu.memory_space<hbm>> -> memref<1x10240xf32, #tpu.memory_space<hbm>>
      %dma_wait3A_57 = tpu.memref_squeeze %dma_wait3A_56 : memref<1x10240xf32, #tpu.memory_space<hbm>> -> memref<10240xf32, #tpu.memory_space<hbm>>
      %dma_wait3A_58 = arith.constant 0 : i32
      %dma_wait3A_59 = tpu.memref_slice %arg2[%add3A_14, %dma_wait3A_58] : memref<128x10240xf32, #tpu.memory_space<hbm>> -> memref<1x10240xf32, #tpu.memory_space<hbm>>
      %dma_wait3A_60 = tpu.memref_squeeze %dma_wait3A_59 : memref<1x10240xf32, #tpu.memory_space<hbm>> -> memref<10240xf32, #tpu.memory_space<hbm>>
      tpu.wait_dma2 semaphore(%run_scoped3A : memref<!tpu.dma_semaphore, #tpu.memory_space<semaphore_mem>>) src(%dma_wait3A_60 : memref<10240xf32, #tpu.memory_space<hbm>>) dst(%arg12 : memref<10240xf32, #tpu.memory_space<vmem>>)
      tpu.yield
    }) : () -> ()
    %add3A_15 = arith.constant 3 : i32
    %add3A_16 = arith.addi %mul3A_2, %add3A_15 : i32
    "tpu.region"() ({
      %run_scoped3A = tpu.sem_alloc : memref<!tpu.dma_semaphore, #tpu.memory_space<semaphore_mem>>
      %dma_start3A_50 = arith.constant 0 : i32
      %dma_start3A_51 = tpu.memref_slice %arg2[%add3A_16, %dma_start3A_50] : memref<128x10240xf32, #tpu.memory_space<hbm>> -> memref<1x10240xf32, #tpu.memory_space<hbm>>
      %dma_start3A_52 = tpu.memref_squeeze %dma_start3A_51 : memref<1x10240xf32, #tpu.memory_space<hbm>> -> memref<10240xf32, #tpu.memory_space<hbm>>
      %dma_start3A_53 = arith.constant 0 : i32
      %dma_start3A_54 = tpu.memref_slice %arg2[%add3A_16, %dma_start3A_53] : memref<128x10240xf32, #tpu.memory_space<hbm>> -> memref<1x10240xf32, #tpu.memory_space<hbm>>
      %dma_start3A_55 = tpu.memref_squeeze %dma_start3A_54 : memref<1x10240xf32, #tpu.memory_space<hbm>> -> memref<10240xf32, #tpu.memory_space<hbm>>
      tpu.enqueue_dma source(%dma_start3A_55 : memref<10240xf32, #tpu.memory_space<hbm>>) target(%arg9 : memref<10240xf32, #tpu.memory_space<vmem>>) target_semaphore(%run_scoped3A : memref<!tpu.dma_semaphore, #tpu.memory_space<semaphore_mem>>)
      %dma_wait3A = arith.constant 0 : i32
      %dma_wait3A_56 = tpu.memref_slice %arg2[%add3A_16, %dma_wait3A] : memref<128x10240xf32, #tpu.memory_space<hbm>> -> memref<1x10240xf32, #tpu.memory_space<hbm>>
      %dma_wait3A_57 = tpu.memref_squeeze %dma_wait3A_56 : memref<1x10240xf32, #tpu.memory_space<hbm>> -> memref<10240xf32, #tpu.memory_space<hbm>>
      %dma_wait3A_58 = arith.constant 0 : i32
      %dma_wait3A_59 = tpu.memref_slice %arg2[%add3A_16, %dma_wait3A_58] : memref<128x10240xf32, #tpu.memory_space<hbm>> -> memref<1x10240xf32, #tpu.memory_space<hbm>>
      %dma_wait3A_60 = tpu.memref_squeeze %dma_wait3A_59 : memref<1x10240xf32, #tpu.memory_space<hbm>> -> memref<10240xf32, #tpu.memory_space<hbm>>
      tpu.wait_dma2 semaphore(%run_scoped3A : memref<!tpu.dma_semaphore, #tpu.memory_space<semaphore_mem>>) src(%dma_wait3A_60 : memref<10240xf32, #tpu.memory_space<hbm>>) dst(%arg9 : memref<10240xf32, #tpu.memory_space<vmem>>)
      tpu.yield
    }) : () -> ()
    %add3A_17 = arith.constant 3 : i32
    %add3A_18 = arith.addi %mul3A_2, %add3A_17 : i32
    "tpu.region"() ({
      %run_scoped3A = tpu.sem_alloc : memref<!tpu.dma_semaphore, #tpu.memory_space<semaphore_mem>>
      %dma_start3A_50 = arith.constant 0 : i32
      %dma_start3A_51 = tpu.memref_slice %arg2[%add3A_18, %dma_start3A_50] : memref<128x10240xf32, #tpu.memory_space<hbm>> -> memref<1x10240xf32, #tpu.memory_space<hbm>>
      %dma_start3A_52 = tpu.memref_squeeze %dma_start3A_51 : memref<1x10240xf32, #tpu.memory_space<hbm>> -> memref<10240xf32, #tpu.memory_space<hbm>>
      %dma_start3A_53 = arith.constant 0 : i32
      %dma_start3A_54 = tpu.memref_slice %arg2[%add3A_18, %dma_start3A_53] : memref<128x10240xf32, #tpu.memory_space<hbm>> -> memref<1x10240xf32, #tpu.memory_space<hbm>>
      %dma_start3A_55 = tpu.memref_squeeze %dma_start3A_54 : memref<1x10240xf32, #tpu.memory_space<hbm>> -> memref<10240xf32, #tpu.memory_space<hbm>>
      tpu.enqueue_dma source(%dma_start3A_55 : memref<10240xf32, #tpu.memory_space<hbm>>) target(%arg13 : memref<10240xf32, #tpu.memory_space<vmem>>) target_semaphore(%run_scoped3A : memref<!tpu.dma_semaphore, #tpu.memory_space<semaphore_mem>>)
      %dma_wait3A = arith.constant 0 : i32
      %dma_wait3A_56 = tpu.memref_slice %arg2[%add3A_18, %dma_wait3A] : memref<128x10240xf32, #tpu.memory_space<hbm>> -> memref<1x10240xf32, #tpu.memory_space<hbm>>
      %dma_wait3A_57 = tpu.memref_squeeze %dma_wait3A_56 : memref<1x10240xf32, #tpu.memory_space<hbm>> -> memref<10240xf32, #tpu.memory_space<hbm>>
      %dma_wait3A_58 = arith.constant 0 : i32
      %dma_wait3A_59 = tpu.memref_slice %arg2[%add3A_18, %dma_wait3A_58] : memref<128x10240xf32, #tpu.memory_space<hbm>> -> memref<1x10240xf32, #tpu.memory_space<hbm>>
      %dma_wait3A_60 = tpu.memref_squeeze %dma_wait3A_59 : memref<1x10240xf32, #tpu.memory_space<hbm>> -> memref<10240xf32, #tpu.memory_space<hbm>>
      tpu.wait_dma2 semaphore(%run_scoped3A : memref<!tpu.dma_semaphore, #tpu.memory_space<semaphore_mem>>) src(%dma_wait3A_60 : memref<10240xf32, #tpu.memory_space<hbm>>) dst(%arg13 : memref<10240xf32, #tpu.memory_space<vmem>>)
      tpu.yield
    }) : () -> ()
    %broadcast_in_dim3A = arith.constant 0 : i32
    %broadcast_in_dim3A_19 = vector.broadcast %broadcast_in_dim3A : i32 to vector<16xi32>
    %broadcast_in_dim3A_20 = arith.constant true
    %broadcast_in_dim3A_21 = vector.broadcast %broadcast_in_dim3A_20 : i1 to vector<16xi1>
    %unique3A, %unique3A_22 = tpu.scan_count mask(%broadcast_in_dim3A_21 : vector<16xi1>) value(%broadcast_in_dim3A_19 : vector<16xi32>) : vector<16xi1>, vector<16xi32>
    %reduce_min3A = arith.constant true
    %reduce_min3A_23 = vector.broadcast %reduce_min3A : i1 to vector<16xi1>
    %reduce_min3A_24 = arith.constant -2147483648 : i32
    %reduce_min3A_25 = vector.broadcast %reduce_min3A_24 : i32 to vector<16xi32>
    %reduce_min3A_26 = arith.xori %unique3A_22, %reduce_min3A_25 : vector<16xi32>
    %reduce_min3A_27 = tpu.scan <min>, %reduce_min3A_26 masked %reduce_min3A_23 : vector<16xi32>, vector<16xi1> -> vector<16xi32>
    %reduce_min3A_28 = arith.xori %reduce_min3A_27, %reduce_min3A_25 : vector<16xi32>
    %reduce_min3A_29 = vector.extract %reduce_min3A_28[15] : i32 from vector<16xi32>
    %dma_start3A = arith.constant 0 : i32
    %dma_start3A_30 = tpu.memref_slice %arg3[%dma_start3A] : memref<320000xi32, #tpu.memory_space<hbm>> -> memref<8000xi32, #tpu.memory_space<hbm>>
    %dma_start3A_31 = arith.constant 0 : i32
    %dma_start3A_32 = tpu.memref_slice %arg3[%dma_start3A_31] : memref<320000xi32, #tpu.memory_space<hbm>> -> memref<8000xi32, #tpu.memory_space<hbm>>
    tpu.enqueue_dma source(%dma_start3A_32 : memref<8000xi32, #tpu.memory_space<hbm>>) target(%arg14 : memref<8000xi32, #tpu.memory_space<vmem>>) target_semaphore(%arg18 : memref<!tpu.dma_semaphore, #tpu.memory_space<semaphore_mem>>)
    %dma_start3A_33 = arith.constant 0 : i32
    %dma_start3A_34 = tpu.memref_slice %arg4[%dma_start3A_33] : memref<320000xi32, #tpu.memory_space<hbm>> -> memref<8000xi32, #tpu.memory_space<hbm>>
    %dma_start3A_35 = arith.constant 0 : i32
    %dma_start3A_36 = tpu.memref_slice %arg4[%dma_start3A_35] : memref<320000xi32, #tpu.memory_space<hbm>> -> memref<8000xi32, #tpu.memory_space<hbm>>
    tpu.enqueue_dma source(%dma_start3A_36 : memref<8000xi32, #tpu.memory_space<hbm>>) target(%arg16 : memref<8000xi32, #tpu.memory_space<vmem>>) target_semaphore(%arg19 : memref<!tpu.dma_semaphore, #tpu.memory_space<semaphore_mem>>)
    %scan3A = arith.constant 0 : i32
    %scan3A_37 = arith.constant 0 : i32
    %scan3A_38 = arith.constant 20 : i32
    %scan3A_39 = arith.addi %scan3A_37, %scan3A_38 : i32
    %scan3A_40 = arith.constant 1 : i32
    scf.for %scan3A_50 = %scan3A_37 to %scan3A_39 step %scan3A_40  : i32 {
      %mul3A_51 = arith.constant 2 : i32
      %mul3A_52 = arith.muli %scan3A_50, %mul3A_51 : i32
      %dma_wait3A = arith.constant 0 : i32
      %dma_wait3A_53 = tpu.memref_slice %arg3[%dma_wait3A] : memref<320000xi32, #tpu.memory_space<hbm>> -> memref<8000xi32, #tpu.memory_space<hbm>>
      %dma_wait3A_54 = arith.constant 0 : i32
      %dma_wait3A_55 = tpu.memref_slice %arg3[%dma_wait3A_54] : memref<320000xi32, #tpu.memory_space<hbm>> -> memref<8000xi32, #tpu.memory_space<hbm>>
      tpu.wait_dma2 semaphore(%arg18 : memref<!tpu.dma_semaphore, #tpu.memory_space<semaphore_mem>>) src(%dma_wait3A_55 : memref<8000xi32, #tpu.memory_space<hbm>>) dst(%arg14 : memref<8000xi32, #tpu.memory_space<vmem>>)
      %dma_wait3A_56 = arith.constant 0 : i32
      %dma_wait3A_57 = tpu.memref_slice %arg4[%dma_wait3A_56] : memref<320000xi32, #tpu.memory_space<hbm>> -> memref<8000xi32, #tpu.memory_space<hbm>>
      %dma_wait3A_58 = arith.constant 0 : i32
      %dma_wait3A_59 = tpu.memref_slice %arg4[%dma_wait3A_58] : memref<320000xi32, #tpu.memory_space<hbm>> -> memref<8000xi32, #tpu.memory_space<hbm>>
      tpu.wait_dma2 semaphore(%arg19 : memref<!tpu.dma_semaphore, #tpu.memory_space<semaphore_mem>>) src(%dma_wait3A_59 : memref<8000xi32, #tpu.memory_space<hbm>>) dst(%arg16 : memref<8000xi32, #tpu.memory_space<vmem>>)
      %add3A_60 = arith.constant 1 : i32
      %add3A_61 = arith.addi %mul3A_52, %add3A_60 : i32
      %mul3A_62 = arith.constant 8000 : i32
      %mul3A_63 = arith.muli %add3A_61, %mul3A_62 : i32
      %dma_start3A_64 = tpu.memref_slice %arg3[%mul3A_63] : memref<320000xi32, #tpu.memory_space<hbm>> -> memref<8000xi32, #tpu.memory_space<hbm>>
      %dma_start3A_65 = tpu.memref_slice %arg3[%mul3A_63] : memref<320000xi32, #tpu.memory_space<hbm>> -> memref<8000xi32, #tpu.memory_space<hbm>>
      tpu.enqueue_dma source(%dma_start3A_65 : memref<8000xi32, #tpu.memory_space<hbm>>) target(%arg15 : memref<8000xi32, #tpu.memory_space<vmem>>) target_semaphore(%arg20 : memref<!tpu.dma_semaphore, #tpu.memory_space<semaphore_mem>>)
      %dma_start3A_66 = tpu.memref_slice %arg4[%mul3A_63] : memref<320000xi32, #tpu.memory_space<hbm>> -> memref<8000xi32, #tpu.memory_space<hbm>>
      %dma_start3A_67 = tpu.memref_slice %arg4[%mul3A_63] : memref<320000xi32, #tpu.memory_space<hbm>> -> memref<8000xi32, #tpu.memory_space<hbm>>
      tpu.enqueue_dma source(%dma_start3A_67 : memref<8000xi32, #tpu.memory_space<hbm>>) target(%arg17 : memref<8000xi32, #tpu.memory_space<vmem>>) target_semaphore(%arg21 : memref<!tpu.dma_semaphore, #tpu.memory_space<semaphore_mem>>)
      %broadcast_in_dim3A_68 = arith.constant false
      %broadcast_in_dim3A_69 = vector.broadcast %broadcast_in_dim3A_68 : i1 to vector<16xi1>
      %scan3A_70 = arith.constant 0 : i32
      %scan3A_71 = arith.constant 500 : i32
      %scan3A_72 = arith.addi %scan3A_70, %scan3A_71 : i32
      %scan3A_73 = arith.constant 4 : i32
      %scan3A_74 = scf.for %scan3A_123 = %scan3A_70 to %scan3A_72 step %scan3A_73 iter_args(%scan3A_124 = %broadcast_in_dim3A_69) -> (vector<16xi1>)  : i32 {
        %mul3A_125 = arith.constant 16 : i32
        %mul3A_126 = arith.muli %scan3A_123, %mul3A_125 : i32
        %get3A = arith.index_cast %mul3A_126 : i32 to index
        %get3A_127 = tpu.vector_load %arg14[%get3A] {strides = array<i32>} : memref<8000xi32, #tpu.memory_space<vmem>>, vector<16xi32>,
        %get3A_128 = arith.index_cast %mul3A_126 : i32 to index
        %get3A_129 = tpu.vector_load %arg16[%get3A_128] {strides = array<i32>} : memref<8000xi32, #tpu.memory_space<vmem>>, vector<16xi32>,
        %gather3A = tpu.vector_load_idx %arg6[%get3A_127] : memref<10240xf32, #tpu.memory_space<vmem>>[vector<16xi32>], vector<16xf32>,
        %gather3A_130 = tpu.vector_load_idx %arg7[%get3A_127] : memref<10240xf32, #tpu.memory_space<vmem>>[vector<16xi32>], vector<16xf32>,
        %gather3A_131 = tpu.vector_load_idx %arg8[%get3A_127] : memref<10240xf32, #tpu.memory_space<vmem>>[vector<16xi32>], vector<16xf32>,
        %gather3A_132 = tpu.vector_load_idx %arg9[%get3A_127] : memref<10240xf32, #tpu.memory_space<vmem>>[vector<16xi32>], vector<16xf32>,
        %broadcast_in_dim3A_133 = arith.constant true
        %broadcast_in_dim3A_134 = vector.broadcast %broadcast_in_dim3A_133 : i1 to vector<16xi1>
        %unique3A_135, %unique3A_136 = tpu.scan_count mask(%broadcast_in_dim3A_134 : vector<16xi1>) value(%get3A_129 : vector<16xi32>) : vector<16xi1>, vector<16xi32>
        %eq3A = vector.broadcast %reduce_min3A_29 : i32 to vector<16xi32>
        %eq3A_137 = arith.cmpi eq, %unique3A_136, %eq3A : vector<16xi32>
        %not3A = arith.constant dense<true> : vector<16xi1>
        %not3A_138 = arith.xori %unique3A_135, %not3A : vector<16xi1>
        %gather3A_139 = tpu.vector_load_idx %arg10[%get3A_129] : memref<10240xf32, #tpu.memory_space<vmem>>[vector<16xi32>], vector<16xf32>,
        %gather3A_140 = tpu.vector_load_idx %arg11[%get3A_129] : memref<10240xf32, #tpu.memory_space<vmem>>[vector<16xi32>], vector<16xf32>,
        %gather3A_141 = tpu.vector_load_idx %arg12[%get3A_129] : memref<10240xf32, #tpu.memory_space<vmem>>[vector<16xi32>], vector<16xf32>,
        %gather3A_142 = tpu.vector_load_idx %arg13[%get3A_129] : memref<10240xf32, #tpu.memory_space<vmem>>[vector<16xi32>], vector<16xf32>,
        %max3A = arith.maximumf %gather3A_139, %gather3A : vector<16xf32>
        %max3A_143 = arith.maximumf %gather3A_140, %gather3A_130 : vector<16xf32>
        %max3A_144 = arith.maximumf %gather3A_141, %gather3A_131 : vector<16xf32>
        %max3A_145 = arith.maximumf %gather3A_142, %gather3A_132 : vector<16xf32>
        tpu.vector_store_idx %arg10[%get3A_129], %max3A masked %unique3A_135 : memref<10240xf32, #tpu.memory_space<vmem>>[vector<16xi32>], vector<16xf32>, vector<16xi1>
        tpu.vector_store_idx %arg11[%get3A_129], %max3A_143 masked %unique3A_135 : memref<10240xf32, #tpu.memory_space<vmem>>[vector<16xi32>], vector<16xf32>, vector<16xi1>
        tpu.vector_store_idx %arg12[%get3A_129], %max3A_144 masked %unique3A_135 : memref<10240xf32, #tpu.memory_space<vmem>>[vector<16xi32>], vector<16xf32>, vector<16xi1>
        tpu.vector_store_idx %arg13[%get3A_129], %max3A_145 masked %unique3A_135 : memref<10240xf32, #tpu.memory_space<vmem>>[vector<16xi32>], vector<16xf32>, vector<16xi1>
        %and3A = arith.andi %eq3A_137, %not3A_138 : vector<16xi1>
        %gather3A_146 = tpu.vector_load_idx %arg10[%get3A_129] : memref<10240xf32, #tpu.memory_space<vmem>>[vector<16xi32>], vector<16xf32>,
        %gather3A_147 = tpu.vector_load_idx %arg11[%get3A_129] : memref<10240xf32, #tpu.memory_space<vmem>>[vector<16xi32>], vector<16xf32>,
        %gather3A_148 = tpu.vector_load_idx %arg12[%get3A_129] : memref<10240xf32, #tpu.memory_space<vmem>>[vector<16xi32>], vector<16xf32>,
        %gather3A_149 = tpu.vector_load_idx %arg13[%get3A_129] : memref<10240xf32, #tpu.memory_space<vmem>>[vector<16xi32>], vector<16xf32>,
        %max3A_150 = arith.maximumf %gather3A_146, %gather3A : vector<16xf32>
        %max3A_151 = arith.maximumf %gather3A_147, %gather3A_130 : vector<16xf32>
        %max3A_152 = arith.maximumf %gather3A_148, %gather3A_131 : vector<16xf32>
        %max3A_153 = arith.maximumf %gather3A_149, %gather3A_132 : vector<16xf32>
        tpu.vector_store_idx %arg10[%get3A_129], %max3A_150 masked %and3A : memref<10240xf32, #tpu.memory_space<vmem>>[vector<16xi32>], vector<16xf32>, vector<16xi1>
        tpu.vector_store_idx %arg11[%get3A_129], %max3A_151 masked %and3A : memref<10240xf32, #tpu.memory_space<vmem>>[vector<16xi32>], vector<16xf32>, vector<16xi1>
        tpu.vector_store_idx %arg12[%get3A_129], %max3A_152 masked %and3A : memref<10240xf32, #tpu.memory_space<vmem>>[vector<16xi32>], vector<16xf32>, vector<16xi1>
        tpu.vector_store_idx %arg13[%get3A_129], %max3A_153 masked %and3A : memref<10240xf32, #tpu.memory_space<vmem>>[vector<16xi32>], vector<16xf32>, vector<16xi1>
        %not3A_154 = arith.constant dense<true> : vector<16xi1>
        %not3A_155 = arith.xori %eq3A_137, %not3A_154 : vector<16xi1>
        %and3A_156 = arith.andi %not3A_138, %not3A_155 : vector<16xi1>
        %or3A = arith.ori %scan3A_124, %and3A_156 : vector<16xi1>
        %scan3A_157 = arith.constant 1 : i32
        %scan3A_158 = arith.addi %scan3A_123, %scan3A_157 : i32
        %mul3A_159 = arith.constant 16 : i32
        %mul3A_160 = arith.muli %scan3A_158, %mul3A_159 : i32
        %get3A_161 = arith.index_cast %mul3A_160 : i32 to index
        %get3A_162 = tpu.vector_load %arg14[%get3A_161] {strides = array<i32>} : memref<8000xi32, #tpu.memory_space<vmem>>, vector<16xi32>,
        %get3A_163 = arith.index_cast %mul3A_160 : i32 to index
        %get3A_164 = tpu.vector_load %arg16[%get3A_163] {strides = array<i32>} : memref<8000xi32, #tpu.memory_space<vmem>>, vector<16xi32>,
        %gather3A_165 = tpu.vector_load_idx %arg6[%get3A_162] : memref<10240xf32, #tpu.memory_space<vmem>>[vector<16xi32>], vector<16xf32>,
        %gather3A_166 = tpu.vector_load_idx %arg7[%get3A_162] : memref<10240xf32, #tpu.memory_space<vmem>>[vector<16xi32>], vector<16xf32>,
        %gather3A_167 = tpu.vector_load_idx %arg8[%get3A_162] : memref<10240xf32, #tpu.memory_space<vmem>>[vector<16xi32>], vector<16xf32>,
        %gather3A_168 = tpu.vector_load_idx %arg9[%get3A_162] : memref<10240xf32, #tpu.memory_space<vmem>>[vector<16xi32>], vector<16xf32>,
        %broadcast_in_dim3A_169 = arith.constant true
        %broadcast_in_dim3A_170 = vector.broadcast %broadcast_in_dim3A_169 : i1 to vector<16xi1>
        %unique3A_171, %unique3A_172 = tpu.scan_count mask(%broadcast_in_dim3A_170 : vector<16xi1>) value(%get3A_164 : vector<16xi32>) : vector<16xi1>, vector<16xi32>
        %eq3A_173 = vector.broadcast %reduce_min3A_29 : i32 to vector<16xi32>
        %eq3A_174 = arith.cmpi eq, %unique3A_172, %eq3A_173 : vector<16xi32>
        %not3A_175 = arith.constant dense<true> : vector<16xi1>
        %not3A_176 = arith.xori %unique3A_171, %not3A_175 : vector<16xi1>
        %gather3A_177 = tpu.vector_load_idx %arg10[%get3A_164] : memref<10240xf32, #tpu.memory_space<vmem>>[vector<16xi32>], vector<16xf32>,
        %gather3A_178 = tpu.vector_load_idx %arg11[%get3A_164] : memref<10240xf32, #tpu.memory_space<vmem>>[vector<16xi32>], vector<16xf32>,
        %gather3A_179 = tpu.vector_load_idx %arg12[%get3A_164] : memref<10240xf32, #tpu.memory_space<vmem>>[vector<16xi32>], vector<16xf32>,
        %gather3A_180 = tpu.vector_load_idx %arg13[%get3A_164] : memref<10240xf32, #tpu.memory_space<vmem>>[vector<16xi32>], vector<16xf32>,
        %max3A_181 = arith.maximumf %gather3A_177, %gather3A_165 : vector<16xf32>
        %max3A_182 = arith.maximumf %gather3A_178, %gather3A_166 : vector<16xf32>
        %max3A_183 = arith.maximumf %gather3A_179, %gather3A_167 : vector<16xf32>
        %max3A_184 = arith.maximumf %gather3A_180, %gather3A_168 : vector<16xf32>
        tpu.vector_store_idx %arg10[%get3A_164], %max3A_181 masked %unique3A_171 : memref<10240xf32, #tpu.memory_space<vmem>>[vector<16xi32>], vector<16xf32>, vector<16xi1>
        tpu.vector_store_idx %arg11[%get3A_164], %max3A_182 masked %unique3A_171 : memref<10240xf32, #tpu.memory_space<vmem>>[vector<16xi32>], vector<16xf32>, vector<16xi1>
        tpu.vector_store_idx %arg12[%get3A_164], %max3A_183 masked %unique3A_171 : memref<10240xf32, #tpu.memory_space<vmem>>[vector<16xi32>], vector<16xf32>, vector<16xi1>
        tpu.vector_store_idx %arg13[%get3A_164], %max3A_184 masked %unique3A_171 : memref<10240xf32, #tpu.memory_space<vmem>>[vector<16xi32>], vector<16xf32>, vector<16xi1>
        %and3A_185 = arith.andi %eq3A_174, %not3A_176 : vector<16xi1>
        %gather3A_186 = tpu.vector_load_idx %arg10[%get3A_164] : memref<10240xf32, #tpu.memory_space<vmem>>[vector<16xi32>], vector<16xf32>,
        %gather3A_187 = tpu.vector_load_idx %arg11[%get3A_164] : memref<10240xf32, #tpu.memory_space<vmem>>[vector<16xi32>], vector<16xf32>,
        %gather3A_188 = tpu.vector_load_idx %arg12[%get3A_164] : memref<10240xf32, #tpu.memory_space<vmem>>[vector<16xi32>], vector<16xf32>,
        %gather3A_189 = tpu.vector_load_idx %arg13[%get3A_164] : memref<10240xf32, #tpu.memory_space<vmem>>[vector<16xi32>], vector<16xf32>,
        %max3A_190 = arith.maximumf %gather3A_186, %gather3A_165 : vector<16xf32>
        %max3A_191 = arith.maximumf %gather3A_187, %gather3A_166 : vector<16xf32>
        %max3A_192 = arith.maximumf %gather3A_188, %gather3A_167 : vector<16xf32>
        %max3A_193 = arith.maximumf %gather3A_189, %gather3A_168 : vector<16xf32>
        tpu.vector_store_idx %arg10[%get3A_164], %max3A_190 masked %and3A_185 : memref<10240xf32, #tpu.memory_space<vmem>>[vector<16xi32>], vector<16xf32>, vector<16xi1>
        tpu.vector_store_idx %arg11[%get3A_164], %max3A_191 masked %and3A_185 : memref<10240xf32, #tpu.memory_space<vmem>>[vector<16xi32>], vector<16xf32>, vector<16xi1>
        tpu.vector_store_idx %arg12[%get3A_164], %max3A_192 masked %and3A_185 : memref<10240xf32, #tpu.memory_space<vmem>>[vector<16xi32>], vector<16xf32>, vector<16xi1>
        tpu.vector_store_idx %arg13[%get3A_164], %max3A_193 masked %and3A_185 : memref<10240xf32, #tpu.memory_space<vmem>>[vector<16xi32>], vector<16xf32>, vector<16xi1>
        %not3A_194 = arith.constant dense<true> : vector<16xi1>
        %not3A_195 = arith.xori %eq3A_174, %not3A_194 : vector<16xi1>
        %and3A_196 = arith.andi %not3A_176, %not3A_195 : vector<16xi1>
        %or3A_197 = arith.ori %or3A, %and3A_196 : vector<16xi1>
        %scan3A_198 = arith.constant 2 : i32
        %scan3A_199 = arith.addi %scan3A_123, %scan3A_198 : i32
        %mul3A_200 = arith.constant 16 : i32
        %mul3A_201 = arith.muli %scan3A_199, %mul3A_200 : i32
        %get3A_202 = arith.index_cast %mul3A_201 : i32 to index
        %get3A_203 = tpu.vector_load %arg14[%get3A_202] {strides = array<i32>} : memref<8000xi32, #tpu.memory_space<vmem>>, vector<16xi32>,
        %get3A_204 = arith.index_cast %mul3A_201 : i32 to index
        %get3A_205 = tpu.vector_load %arg16[%get3A_204] {strides = array<i32>} : memref<8000xi32, #tpu.memory_space<vmem>>, vector<16xi32>,
        %gather3A_206 = tpu.vector_load_idx %arg6[%get3A_203] : memref<10240xf32, #tpu.memory_space<vmem>>[vector<16xi32>], vector<16xf32>,
        %gather3A_207 = tpu.vector_load_idx %arg7[%get3A_203] : memref<10240xf32, #tpu.memory_space<vmem>>[vector<16xi32>], vector<16xf32>,
        %gather3A_208 = tpu.vector_load_idx %arg8[%get3A_203] : memref<10240xf32, #tpu.memory_space<vmem>>[vector<16xi32>], vector<16xf32>,
        %gather3A_209 = tpu.vector_load_idx %arg9[%get3A_203] : memref<10240xf32, #tpu.memory_space<vmem>>[vector<16xi32>], vector<16xf32>,
        %broadcast_in_dim3A_210 = arith.constant true
        %broadcast_in_dim3A_211 = vector.broadcast %broadcast_in_dim3A_210 : i1 to vector<16xi1>
        %unique3A_212, %unique3A_213 = tpu.scan_count mask(%broadcast_in_dim3A_211 : vector<16xi1>) value(%get3A_205 : vector<16xi32>) : vector<16xi1>, vector<16xi32>
        %eq3A_214 = vector.broadcast %reduce_min3A_29 : i32 to vector<16xi32>
        %eq3A_215 = arith.cmpi eq, %unique3A_213, %eq3A_214 : vector<16xi32>
        %not3A_216 = arith.constant dense<true> : vector<16xi1>
        %not3A_217 = arith.xori %unique3A_212, %not3A_216 : vector<16xi1>
        %gather3A_218 = tpu.vector_load_idx %arg10[%get3A_205] : memref<10240xf32, #tpu.memory_space<vmem>>[vector<16xi32>], vector<16xf32>,
        %gather3A_219 = tpu.vector_load_idx %arg11[%get3A_205] : memref<10240xf32, #tpu.memory_space<vmem>>[vector<16xi32>], vector<16xf32>,
        %gather3A_220 = tpu.vector_load_idx %arg12[%get3A_205] : memref<10240xf32, #tpu.memory_space<vmem>>[vector<16xi32>], vector<16xf32>,
        %gather3A_221 = tpu.vector_load_idx %arg13[%get3A_205] : memref<10240xf32, #tpu.memory_space<vmem>>[vector<16xi32>], vector<16xf32>,
        %max3A_222 = arith.maximumf %gather3A_218, %gather3A_206 : vector<16xf32>
        %max3A_223 = arith.maximumf %gather3A_219, %gather3A_207 : vector<16xf32>
        %max3A_224 = arith.maximumf %gather3A_220, %gather3A_208 : vector<16xf32>
        %max3A_225 = arith.maximumf %gather3A_221, %gather3A_209 : vector<16xf32>
        tpu.vector_store_idx %arg10[%get3A_205], %max3A_222 masked %unique3A_212 : memref<10240xf32, #tpu.memory_space<vmem>>[vector<16xi32>], vector<16xf32>, vector<16xi1>
        tpu.vector_store_idx %arg11[%get3A_205], %max3A_223 masked %unique3A_212 : memref<10240xf32, #tpu.memory_space<vmem>>[vector<16xi32>], vector<16xf32>, vector<16xi1>
        tpu.vector_store_idx %arg12[%get3A_205], %max3A_224 masked %unique3A_212 : memref<10240xf32, #tpu.memory_space<vmem>>[vector<16xi32>], vector<16xf32>, vector<16xi1>
        tpu.vector_store_idx %arg13[%get3A_205], %max3A_225 masked %unique3A_212 : memref<10240xf32, #tpu.memory_space<vmem>>[vector<16xi32>], vector<16xf32>, vector<16xi1>
        %and3A_226 = arith.andi %eq3A_215, %not3A_217 : vector<16xi1>
        %gather3A_227 = tpu.vector_load_idx %arg10[%get3A_205] : memref<10240xf32, #tpu.memory_space<vmem>>[vector<16xi32>], vector<16xf32>,
        %gather3A_228 = tpu.vector_load_idx %arg11[%get3A_205] : memref<10240xf32, #tpu.memory_space<vmem>>[vector<16xi32>], vector<16xf32>,
        %gather3A_229 = tpu.vector_load_idx %arg12[%get3A_205] : memref<10240xf32, #tpu.memory_space<vmem>>[vector<16xi32>], vector<16xf32>,
        %gather3A_230 = tpu.vector_load_idx %arg13[%get3A_205] : memref<10240xf32, #tpu.memory_space<vmem>>[vector<16xi32>], vector<16xf32>,
        %max3A_231 = arith.maximumf %gather3A_227, %gather3A_206 : vector<16xf32>
        %max3A_232 = arith.maximumf %gather3A_228, %gather3A_207 : vector<16xf32>
        %max3A_233 = arith.maximumf %gather3A_229, %gather3A_208 : vector<16xf32>
        %max3A_234 = arith.maximumf %gather3A_230, %gather3A_209 : vector<16xf32>
        tpu.vector_store_idx %arg10[%get3A_205], %max3A_231 masked %and3A_226 : memref<10240xf32, #tpu.memory_space<vmem>>[vector<16xi32>], vector<16xf32>, vector<16xi1>
        tpu.vector_store_idx %arg11[%get3A_205], %max3A_232 masked %and3A_226 : memref<10240xf32, #tpu.memory_space<vmem>>[vector<16xi32>], vector<16xf32>, vector<16xi1>
        tpu.vector_store_idx %arg12[%get3A_205], %max3A_233 masked %and3A_226 : memref<10240xf32, #tpu.memory_space<vmem>>[vector<16xi32>], vector<16xf32>, vector<16xi1>
        tpu.vector_store_idx %arg13[%get3A_205], %max3A_234 masked %and3A_226 : memref<10240xf32, #tpu.memory_space<vmem>>[vector<16xi32>], vector<16xf32>, vector<16xi1>
        %not3A_235 = arith.constant dense<true> : vector<16xi1>
        %not3A_236 = arith.xori %eq3A_215, %not3A_235 : vector<16xi1>
        %and3A_237 = arith.andi %not3A_217, %not3A_236 : vector<16xi1>
        %or3A_238 = arith.ori %or3A_197, %and3A_237 : vector<16xi1>
        %scan3A_239 = arith.constant 3 : i32
        %scan3A_240 = arith.addi %scan3A_123, %scan3A_239 : i32
        %mul3A_241 = arith.constant 16 : i32
        %mul3A_242 = arith.muli %scan3A_240, %mul3A_241 : i32
        %get3A_243 = arith.index_cast %mul3A_242 : i32 to index
        %get3A_244 = tpu.vector_load %arg14[%get3A_243] {strides = array<i32>} : memref<8000xi32, #tpu.memory_space<vmem>>, vector<16xi32>,
        %get3A_245 = arith.index_cast %mul3A_242 : i32 to index
        %get3A_246 = tpu.vector_load %arg16[%get3A_245] {strides = array<i32>} : memref<8000xi32, #tpu.memory_space<vmem>>, vector<16xi32>,
        %gather3A_247 = tpu.vector_load_idx %arg6[%get3A_244] : memref<10240xf32, #tpu.memory_space<vmem>>[vector<16xi32>], vector<16xf32>,
        %gather3A_248 = tpu.vector_load_idx %arg7[%get3A_244] : memref<10240xf32, #tpu.memory_space<vmem>>[vector<16xi32>], vector<16xf32>,
        %gather3A_249 = tpu.vector_load_idx %arg8[%get3A_244] : memref<10240xf32, #tpu.memory_space<vmem>>[vector<16xi32>], vector<16xf32>,
        %gather3A_250 = tpu.vector_load_idx %arg9[%get3A_244] : memref<10240xf32, #tpu.memory_space<vmem>>[vector<16xi32>], vector<16xf32>,
        %broadcast_in_dim3A_251 = arith.constant true
        %broadcast_in_dim3A_252 = vector.broadcast %broadcast_in_dim3A_251 : i1 to vector<16xi1>
        %unique3A_253, %unique3A_254 = tpu.scan_count mask(%broadcast_in_dim3A_252 : vector<16xi1>) value(%get3A_246 : vector<16xi32>) : vector<16xi1>, vector<16xi32>
        %eq3A_255 = vector.broadcast %reduce_min3A_29 : i32 to vector<16xi32>
        %eq3A_256 = arith.cmpi eq, %unique3A_254, %eq3A_255 : vector<16xi32>
        %not3A_257 = arith.constant dense<true> : vector<16xi1>
        %not3A_258 = arith.xori %unique3A_253, %not3A_257 : vector<16xi1>
        %gather3A_259 = tpu.vector_load_idx %arg10[%get3A_246] : memref<10240xf32, #tpu.memory_space<vmem>>[vector<16xi32>], vector<16xf32>,
        %gather3A_260 = tpu.vector_load_idx %arg11[%get3A_246] : memref<10240xf32, #tpu.memory_space<vmem>>[vector<16xi32>], vector<16xf32>,
        %gather3A_261 = tpu.vector_load_idx %arg12[%get3A_246] : memref<10240xf32, #tpu.memory_space<vmem>>[vector<16xi32>], vector<16xf32>,
        %gather3A_262 = tpu.vector_load_idx %arg13[%get3A_246] : memref<10240xf32, #tpu.memory_space<vmem>>[vector<16xi32>], vector<16xf32>,
        %max3A_263 = arith.maximumf %gather3A_259, %gather3A_247 : vector<16xf32>
        %max3A_264 = arith.maximumf %gather3A_260, %gather3A_248 : vector<16xf32>
        %max3A_265 = arith.maximumf %gather3A_261, %gather3A_249 : vector<16xf32>
        %max3A_266 = arith.maximumf %gather3A_262, %gather3A_250 : vector<16xf32>
        tpu.vector_store_idx %arg10[%get3A_246], %max3A_263 masked %unique3A_253 : memref<10240xf32, #tpu.memory_space<vmem>>[vector<16xi32>], vector<16xf32>, vector<16xi1>
        tpu.vector_store_idx %arg11[%get3A_246], %max3A_264 masked %unique3A_253 : memref<10240xf32, #tpu.memory_space<vmem>>[vector<16xi32>], vector<16xf32>, vector<16xi1>
        tpu.vector_store_idx %arg12[%get3A_246], %max3A_265 masked %unique3A_253 : memref<10240xf32, #tpu.memory_space<vmem>>[vector<16xi32>], vector<16xf32>, vector<16xi1>
        tpu.vector_store_idx %arg13[%get3A_246], %max3A_266 masked %unique3A_253 : memref<10240xf32, #tpu.memory_space<vmem>>[vector<16xi32>], vector<16xf32>, vector<16xi1>
        %and3A_267 = arith.andi %eq3A_256, %not3A_258 : vector<16xi1>
        %gather3A_268 = tpu.vector_load_idx %arg10[%get3A_246] : memref<10240xf32, #tpu.memory_space<vmem>>[vector<16xi32>], vector<16xf32>,
        %gather3A_269 = tpu.vector_load_idx %arg11[%get3A_246] : memref<10240xf32, #tpu.memory_space<vmem>>[vector<16xi32>], vector<16xf32>,
        %gather3A_270 = tpu.vector_load_idx %arg12[%get3A_246] : memref<10240xf32, #tpu.memory_space<vmem>>[vector<16xi32>], vector<16xf32>,
        %gather3A_271 = tpu.vector_load_idx %arg13[%get3A_246] : memref<10240xf32, #tpu.memory_space<vmem>>[vector<16xi32>], vector<16xf32>,
        %max3A_272 = arith.maximumf %gather3A_268, %gather3A_247 : vector<16xf32>
        %max3A_273 = arith.maximumf %gather3A_269, %gather3A_248 : vector<16xf32>
        %max3A_274 = arith.maximumf %gather3A_270, %gather3A_249 : vector<16xf32>
        %max3A_275 = arith.maximumf %gather3A_271, %gather3A_250 : vector<16xf32>
        tpu.vector_store_idx %arg10[%get3A_246], %max3A_272 masked %and3A_267 : memref<10240xf32, #tpu.memory_space<vmem>>[vector<16xi32>], vector<16xf32>, vector<16xi1>
        tpu.vector_store_idx %arg11[%get3A_246], %max3A_273 masked %and3A_267 : memref<10240xf32, #tpu.memory_space<vmem>>[vector<16xi32>], vector<16xf32>, vector<16xi1>
        tpu.vector_store_idx %arg12[%get3A_246], %max3A_274 masked %and3A_267 : memref<10240xf32, #tpu.memory_space<vmem>>[vector<16xi32>], vector<16xf32>, vector<16xi1>
        tpu.vector_store_idx %arg13[%get3A_246], %max3A_275 masked %and3A_267 : memref<10240xf32, #tpu.memory_space<vmem>>[vector<16xi32>], vector<16xf32>, vector<16xi1>
        %not3A_276 = arith.constant dense<true> : vector<16xi1>
        %not3A_277 = arith.xori %eq3A_256, %not3A_276 : vector<16xi1>
        %and3A_278 = arith.andi %not3A_258, %not3A_277 : vector<16xi1>
        %or3A_279 = arith.ori %or3A_238, %and3A_278 : vector<16xi1>
        scf.yield %or3A_279 : vector<16xi1>
      }
      %scan3A_75 = arith.constant 500 : i32
      %reduce_or3A = arith.constant 1.000000e+00 : f32
      %reduce_or3A_76 = arith.constant 0.000000e+00 : f32
      %reduce_or3A_77 = vector.broadcast %reduce_or3A : f32 to vector<16xf32>
      %reduce_or3A_78 = vector.broadcast %reduce_or3A_76 : f32 to vector<16xf32>
      %reduce_or3A_79 = arith.select %scan3A_74, %reduce_or3A_77, %reduce_or3A_78 : vector<16xi1>, vector<16xf32>
      %reduce_or3A_80 = arith.constant true
      %reduce_or3A_81 = vector.broadcast %reduce_or3A_80 : i1 to vector<16xi1>
      %reduce_or3A_82 = tpu.scan <max>, %reduce_or3A_79 masked %reduce_or3A_81 : vector<16xf32>, vector<16xi1> -> vector<16xf32>
      %reduce_or3A_83 = vector.extract %reduce_or3A_82[15] : f32 from vector<16xf32>
      %reduce_or3A_84 = arith.constant 0.000000e+00 : f32
      %reduce_or3A_85 = arith.cmpf ogt, %reduce_or3A_83, %reduce_or3A_84 : f32
      %convert_element_type3A = arith.extui %reduce_or3A_85 : i1 to i32
      %cond3A = arith.constant 0 : i32
      %cond3A_86 = arith.cmpi ne, %convert_element_type3A, %cond3A : i32
      scf.if %cond3A_86 {
        %scan3A_123 = arith.constant 0 : i32
        %scan3A_124 = arith.constant 0 : i32
        %scan3A_125 = arith.constant 500 : i32
        %scan3A_126 = arith.addi %scan3A_124, %scan3A_125 : i32
        %scan3A_127 = arith.constant 1 : i32
        scf.for %scan3A_129 = %scan3A_124 to %scan3A_126 step %scan3A_127  : i32 {
          %mul3A_130 = arith.constant 16 : i32
          %mul3A_131 = arith.muli %scan3A_129, %mul3A_130 : i32
          %get3A = arith.index_cast %mul3A_131 : i32 to index
          %get3A_132 = tpu.vector_load %arg14[%get3A] {strides = array<i32>} : memref<8000xi32, #tpu.memory_space<vmem>>, vector<16xi32>,
          %get3A_133 = arith.index_cast %mul3A_131 : i32 to index
          %get3A_134 = tpu.vector_load %arg16[%get3A_133] {strides = array<i32>} : memref<8000xi32, #tpu.memory_space<vmem>>, vector<16xi32>,
          %gather3A = tpu.vector_load_idx %arg6[%get3A_132] : memref<10240xf32, #tpu.memory_space<vmem>>[vector<16xi32>], vector<16xf32>,
          %gather3A_135 = tpu.vector_load_idx %arg7[%get3A_132] : memref<10240xf32, #tpu.memory_space<vmem>>[vector<16xi32>], vector<16xf32>,
          %gather3A_136 = tpu.vector_load_idx %arg8[%get3A_132] : memref<10240xf32, #tpu.memory_space<vmem>>[vector<16xi32>], vector<16xf32>,
          %gather3A_137 = tpu.vector_load_idx %arg9[%get3A_132] : memref<10240xf32, #tpu.memory_space<vmem>>[vector<16xi32>], vector<16xf32>,
          %broadcast_in_dim3A_138 = arith.constant true
          %broadcast_in_dim3A_139 = vector.broadcast %broadcast_in_dim3A_138 : i1 to vector<16xi1>
          %unique3A_140, %unique3A_141 = tpu.scan_count mask(%broadcast_in_dim3A_139 : vector<16xi1>) value(%get3A_134 : vector<16xi32>) : vector<16xi1>, vector<16xi32>
          %reduce_max3A = arith.constant true
          %reduce_max3A_142 = vector.broadcast %reduce_max3A : i1 to vector<16xi1>
          %reduce_max3A_143 = arith.constant -2147483648 : i32
          %reduce_max3A_144 = vector.broadcast %reduce_max3A_143 : i32 to vector<16xi32>
          %reduce_max3A_145 = arith.xori %unique3A_141, %reduce_max3A_144 : vector<16xi32>
          %reduce_max3A_146 = tpu.scan <max>, %reduce_max3A_145 masked %reduce_max3A_142 : vector<16xi32>, vector<16xi1> -> vector<16xi32>
          %reduce_max3A_147 = arith.xori %reduce_max3A_146, %reduce_max3A_144 : vector<16xi32>
          %reduce_max3A_148 = vector.extract %reduce_max3A_147[15] : i32 from vector<16xi32>
          %add3A_149 = arith.constant 1 : i32
          %add3A_150 = arith.addi %reduce_max3A_148, %add3A_149 : i32
          %while3A = arith.constant 0 : i32
          %while3A_151 = arith.subi %add3A_150, %reduce_min3A_29 : i32
          %while3A_152 = arith.addi %reduce_min3A_29, %while3A_151 : i32
          %while3A_153 = arith.constant 1 : i32
          %while3A_154 = arith.divsi %while3A_151, %while3A_153 : i32
          %while3A_155 = arith.muli %while3A_154, %while3A_153 : i32
          %while3A_156 = arith.addi %reduce_min3A_29, %while3A_155 : i32
          %while3A_157 = arith.constant 1 : i32
          scf.for %while3A_159 = %reduce_min3A_29 to %while3A_156 step %while3A_157  : i32 {
            %eq3A = vector.broadcast %while3A_159 : i32 to vector<16xi32>
            %eq3A_160 = arith.cmpi eq, %unique3A_141, %eq3A : vector<16xi32>
            %gather3A_161 = tpu.vector_load_idx %arg10[%get3A_134] : memref<10240xf32, #tpu.memory_space<vmem>>[vector<16xi32>], vector<16xf32>,
            %gather3A_162 = tpu.vector_load_idx %arg11[%get3A_134] : memref<10240xf32, #tpu.memory_space<vmem>>[vector<16xi32>], vector<16xf32>,
            %gather3A_163 = tpu.vector_load_idx %arg12[%get3A_134] : memref<10240xf32, #tpu.memory_space<vmem>>[vector<16xi32>], vector<16xf32>,
            %gather3A_164 = tpu.vector_load_idx %arg13[%get3A_134] : memref<10240xf32, #tpu.memory_space<vmem>>[vector<16xi32>], vector<16xf32>,
            %max3A = arith.maximumf %gather3A_161, %gather3A : vector<16xf32>
            %max3A_165 = arith.maximumf %gather3A_162, %gather3A_135 : vector<16xf32>
            %max3A_166 = arith.maximumf %gather3A_163, %gather3A_136 : vector<16xf32>
            %max3A_167 = arith.maximumf %gather3A_164, %gather3A_137 : vector<16xf32>
            tpu.vector_store_idx %arg10[%get3A_134], %max3A masked %eq3A_160 : memref<10240xf32, #tpu.memory_space<vmem>>[vector<16xi32>], vector<16xf32>, vector<16xi1>
            tpu.vector_store_idx %arg11[%get3A_134], %max3A_165 masked %eq3A_160 : memref<10240xf32, #tpu.memory_space<vmem>>[vector<16xi32>], vector<16xf32>, vector<16xi1>
            tpu.vector_store_idx %arg12[%get3A_134], %max3A_166 masked %eq3A_160 : memref<10240xf32, #tpu.memory_space<vmem>>[vector<16xi32>], vector<16xf32>, vector<16xi1>
            tpu.vector_store_idx %arg13[%get3A_134], %max3A_167 masked %eq3A_160 : memref<10240xf32, #tpu.memory_space<vmem>>[vector<16xi32>], vector<16xf32>, vector<16xi1>
          }
          %while3A_158 = arith.constant 1 : i32
          scf.for %while3A_159 = %while3A_156 to %while3A_152 step %while3A_158  : i32 {
            %eq3A = vector.broadcast %while3A_159 : i32 to vector<16xi32>
            %eq3A_160 = arith.cmpi eq, %unique3A_141, %eq3A : vector<16xi32>
            %gather3A_161 = tpu.vector_load_idx %arg10[%get3A_134] : memref<10240xf32, #tpu.memory_space<vmem>>[vector<16xi32>], vector<16xf32>,
            %gather3A_162 = tpu.vector_load_idx %arg11[%get3A_134] : memref<10240xf32, #tpu.memory_space<vmem>>[vector<16xi32>], vector<16xf32>,
            %gather3A_163 = tpu.vector_load_idx %arg12[%get3A_134] : memref<10240xf32, #tpu.memory_space<vmem>>[vector<16xi32>], vector<16xf32>,
            %gather3A_164 = tpu.vector_load_idx %arg13[%get3A_134] : memref<10240xf32, #tpu.memory_space<vmem>>[vector<16xi32>], vector<16xf32>,
            %max3A = arith.maximumf %gather3A_161, %gather3A : vector<16xf32>
            %max3A_165 = arith.maximumf %gather3A_162, %gather3A_135 : vector<16xf32>
            %max3A_166 = arith.maximumf %gather3A_163, %gather3A_136 : vector<16xf32>
            %max3A_167 = arith.maximumf %gather3A_164, %gather3A_137 : vector<16xf32>
            tpu.vector_store_idx %arg10[%get3A_134], %max3A masked %eq3A_160 : memref<10240xf32, #tpu.memory_space<vmem>>[vector<16xi32>], vector<16xf32>, vector<16xi1>
            tpu.vector_store_idx %arg11[%get3A_134], %max3A_165 masked %eq3A_160 : memref<10240xf32, #tpu.memory_space<vmem>>[vector<16xi32>], vector<16xf32>, vector<16xi1>
            tpu.vector_store_idx %arg12[%get3A_134], %max3A_166 masked %eq3A_160 : memref<10240xf32, #tpu.memory_space<vmem>>[vector<16xi32>], vector<16xf32>, vector<16xi1>
            tpu.vector_store_idx %arg13[%get3A_134], %max3A_167 masked %eq3A_160 : memref<10240xf32, #tpu.memory_space<vmem>>[vector<16xi32>], vector<16xf32>, vector<16xi1>
          }
        }
        %scan3A_128 = arith.constant 500 : i32
      } else {
      }
      %dma_wait3A_87 = arith.constant 0 : i32
      %dma_wait3A_88 = tpu.memref_slice %arg3[%dma_wait3A_87] : memref<320000xi32, #tpu.memory_space<hbm>> -> memref<8000xi32, #tpu.memory_space<hbm>>
      %dma_wait3A_89 = arith.constant 0 : i32
      %dma_wait3A_90 = tpu.memref_slice %arg3[%dma_wait3A_89] : memref<320000xi32, #tpu.memory_space<hbm>> -> memref<8000xi32, #tpu.memory_space<hbm>>
      tpu.wait_dma2 semaphore(%arg20 : memref<!tpu.dma_semaphore, #tpu.memory_space<semaphore_mem>>) src(%dma_wait3A_90 : memref<8000xi32, #tpu.memory_space<hbm>>) dst(%arg15 : memref<8000xi32, #tpu.memory_space<vmem>>)
      %dma_wait3A_91 = arith.constant 0 : i32
      %dma_wait3A_92 = tpu.memref_slice %arg4[%dma_wait3A_91] : memref<320000xi32, #tpu.memory_space<hbm>> -> memref<8000xi32, #tpu.memory_space<hbm>>
      %dma_wait3A_93 = arith.constant 0 : i32
      %dma_wait3A_94 = tpu.memref_slice %arg4[%dma_wait3A_93] : memref<320000xi32, #tpu.memory_space<hbm>> -> memref<8000xi32, #tpu.memory_space<hbm>>
      tpu.wait_dma2 semaphore(%arg21 : memref<!tpu.dma_semaphore, #tpu.memory_space<semaphore_mem>>) src(%dma_wait3A_94 : memref<8000xi32, #tpu.memory_space<hbm>>) dst(%arg17 : memref<8000xi32, #tpu.memory_space<vmem>>)
      %add3A_95 = arith.constant 2 : i32
      %add3A_96 = arith.addi %mul3A_52, %add3A_95 : i32
      %lt3A = arith.constant 40 : i32
      %lt3A_97 = arith.cmpi slt, %add3A_96, %lt3A : i32
      %convert_element_type3A_98 = arith.extui %lt3A_97 : i1 to i32
      %cond3A_99 = arith.constant 0 : i32
      %cond3A_100 = arith.cmpi ne, %convert_element_type3A_98, %cond3A_99 : i32
      scf.if %cond3A_100 {
        %add3A_123 = arith.constant 2 : i32
        %add3A_124 = arith.addi %mul3A_52, %add3A_123 : i32
        %mul3A_125 = arith.constant 8000 : i32
        %mul3A_126 = arith.muli %add3A_124, %mul3A_125 : i32
        %dma_start3A_127 = tpu.memref_slice %arg3[%mul3A_126] : memref<320000xi32, #tpu.memory_space<hbm>> -> memref<8000xi32, #tpu.memory_space<hbm>>
        %dma_start3A_128 = tpu.memref_slice %arg3[%mul3A_126] : memref<320000xi32, #tpu.memory_space<hbm>> -> memref<8000xi32, #tpu.memory_space<hbm>>
        tpu.enqueue_dma source(%dma_start3A_128 : memref<8000xi32, #tpu.memory_space<hbm>>) target(%arg14 : memref<8000xi32, #tpu.memory_space<vmem>>) target_semaphore(%arg18 : memref<!tpu.dma_semaphore, #tpu.memory_space<semaphore_mem>>)
        %dma_start3A_129 = tpu.memref_slice %arg4[%mul3A_126] : memref<320000xi32, #tpu.memory_space<hbm>> -> memref<8000xi32, #tpu.memory_space<hbm>>
        %dma_start3A_130 = tpu.memref_slice %arg4[%mul3A_126] : memref<320000xi32, #tpu.memory_space<hbm>> -> memref<8000xi32, #tpu.memory_space<hbm>>
        tpu.enqueue_dma source(%dma_start3A_130 : memref<8000xi32, #tpu.memory_space<hbm>>) target(%arg16 : memref<8000xi32, #tpu.memory_space<vmem>>) target_semaphore(%arg19 : memref<!tpu.dma_semaphore, #tpu.memory_space<semaphore_mem>>)
      } else {
      }
      %broadcast_in_dim3A_101 = arith.constant false
      %broadcast_in_dim3A_102 = vector.broadcast %broadcast_in_dim3A_101 : i1 to vector<16xi1>
      %scan3A_103 = arith.constant 0 : i32
      %scan3A_104 = arith.constant 500 : i32
      %scan3A_105 = arith.addi %scan3A_103, %scan3A_104 : i32
      %scan3A_106 = arith.constant 4 : i32
      %scan3A_107 = scf.for %scan3A_123 = %scan3A_103 to %scan3A_105 step %scan3A_106 iter_args(%scan3A_124 = %broadcast_in_dim3A_102) -> (vector<16xi1>)  : i32 {
        %mul3A_125 = arith.constant 16 : i32
        %mul3A_126 = arith.muli %scan3A_123, %mul3A_125 : i32
        %get3A = arith.index_cast %mul3A_126 : i32 to index
        %get3A_127 = tpu.vector_load %arg15[%get3A] {strides = array<i32>} : memref<8000xi32, #tpu.memory_space<vmem>>, vector<16xi32>,
        %get3A_128 = arith.index_cast %mul3A_126 : i32 to index
        %get3A_129 = tpu.vector_load %arg17[%get3A_128] {strides = array<i32>} : memref<8000xi32, #tpu.memory_space<vmem>>, vector<16xi32>,
        %gather3A = tpu.vector_load_idx %arg6[%get3A_127] : memref<10240xf32, #tpu.memory_space<vmem>>[vector<16xi32>], vector<16xf32>,
        %gather3A_130 = tpu.vector_load_idx %arg7[%get3A_127] : memref<10240xf32, #tpu.memory_space<vmem>>[vector<16xi32>], vector<16xf32>,
        %gather3A_131 = tpu.vector_load_idx %arg8[%get3A_127] : memref<10240xf32, #tpu.memory_space<vmem>>[vector<16xi32>], vector<16xf32>,
        %gather3A_132 = tpu.vector_load_idx %arg9[%get3A_127] : memref<10240xf32, #tpu.memory_space<vmem>>[vector<16xi32>], vector<16xf32>,
        %broadcast_in_dim3A_133 = arith.constant true
        %broadcast_in_dim3A_134 = vector.broadcast %broadcast_in_dim3A_133 : i1 to vector<16xi1>
        %unique3A_135, %unique3A_136 = tpu.scan_count mask(%broadcast_in_dim3A_134 : vector<16xi1>) value(%get3A_129 : vector<16xi32>) : vector<16xi1>, vector<16xi32>
        %eq3A = vector.broadcast %reduce_min3A_29 : i32 to vector<16xi32>
        %eq3A_137 = arith.cmpi eq, %unique3A_136, %eq3A : vector<16xi32>
        %not3A = arith.constant dense<true> : vector<16xi1>
        %not3A_138 = arith.xori %unique3A_135, %not3A : vector<16xi1>
        %gather3A_139 = tpu.vector_load_idx %arg10[%get3A_129] : memref<10240xf32, #tpu.memory_space<vmem>>[vector<16xi32>], vector<16xf32>,
        %gather3A_140 = tpu.vector_load_idx %arg11[%get3A_129] : memref<10240xf32, #tpu.memory_space<vmem>>[vector<16xi32>], vector<16xf32>,
        %gather3A_141 = tpu.vector_load_idx %arg12[%get3A_129] : memref<10240xf32, #tpu.memory_space<vmem>>[vector<16xi32>], vector<16xf32>,
        %gather3A_142 = tpu.vector_load_idx %arg13[%get3A_129] : memref<10240xf32, #tpu.memory_space<vmem>>[vector<16xi32>], vector<16xf32>,
        %max3A = arith.maximumf %gather3A_139, %gather3A : vector<16xf32>
        %max3A_143 = arith.maximumf %gather3A_140, %gather3A_130 : vector<16xf32>
        %max3A_144 = arith.maximumf %gather3A_141, %gather3A_131 : vector<16xf32>
        %max3A_145 = arith.maximumf %gather3A_142, %gather3A_132 : vector<16xf32>
        tpu.vector_store_idx %arg10[%get3A_129], %max3A masked %unique3A_135 : memref<10240xf32, #tpu.memory_space<vmem>>[vector<16xi32>], vector<16xf32>, vector<16xi1>
        tpu.vector_store_idx %arg11[%get3A_129], %max3A_143 masked %unique3A_135 : memref<10240xf32, #tpu.memory_space<vmem>>[vector<16xi32>], vector<16xf32>, vector<16xi1>
        tpu.vector_store_idx %arg12[%get3A_129], %max3A_144 masked %unique3A_135 : memref<10240xf32, #tpu.memory_space<vmem>>[vector<16xi32>], vector<16xf32>, vector<16xi1>
        tpu.vector_store_idx %arg13[%get3A_129], %max3A_145 masked %unique3A_135 : memref<10240xf32, #tpu.memory_space<vmem>>[vector<16xi32>], vector<16xf32>, vector<16xi1>
        %and3A = arith.andi %eq3A_137, %not3A_138 : vector<16xi1>
        %gather3A_146 = tpu.vector_load_idx %arg10[%get3A_129] : memref<10240xf32, #tpu.memory_space<vmem>>[vector<16xi32>], vector<16xf32>,
        %gather3A_147 = tpu.vector_load_idx %arg11[%get3A_129] : memref<10240xf32, #tpu.memory_space<vmem>>[vector<16xi32>], vector<16xf32>,
        %gather3A_148 = tpu.vector_load_idx %arg12[%get3A_129] : memref<10240xf32, #tpu.memory_space<vmem>>[vector<16xi32>], vector<16xf32>,
        %gather3A_149 = tpu.vector_load_idx %arg13[%get3A_129] : memref<10240xf32, #tpu.memory_space<vmem>>[vector<16xi32>], vector<16xf32>,
        %max3A_150 = arith.maximumf %gather3A_146, %gather3A : vector<16xf32>
        %max3A_151 = arith.maximumf %gather3A_147, %gather3A_130 : vector<16xf32>
        %max3A_152 = arith.maximumf %gather3A_148, %gather3A_131 : vector<16xf32>
        %max3A_153 = arith.maximumf %gather3A_149, %gather3A_132 : vector<16xf32>
        tpu.vector_store_idx %arg10[%get3A_129], %max3A_150 masked %and3A : memref<10240xf32, #tpu.memory_space<vmem>>[vector<16xi32>], vector<16xf32>, vector<16xi1>
        tpu.vector_store_idx %arg11[%get3A_129], %max3A_151 masked %and3A : memref<10240xf32, #tpu.memory_space<vmem>>[vector<16xi32>], vector<16xf32>, vector<16xi1>
        tpu.vector_store_idx %arg12[%get3A_129], %max3A_152 masked %and3A : memref<10240xf32, #tpu.memory_space<vmem>>[vector<16xi32>], vector<16xf32>, vector<16xi1>
        tpu.vector_store_idx %arg13[%get3A_129], %max3A_153 masked %and3A : memref<10240xf32, #tpu.memory_space<vmem>>[vector<16xi32>], vector<16xf32>, vector<16xi1>
        %not3A_154 = arith.constant dense<true> : vector<16xi1>
        %not3A_155 = arith.xori %eq3A_137, %not3A_154 : vector<16xi1>
        %and3A_156 = arith.andi %not3A_138, %not3A_155 : vector<16xi1>
        %or3A = arith.ori %scan3A_124, %and3A_156 : vector<16xi1>
        %scan3A_157 = arith.constant 1 : i32
        %scan3A_158 = arith.addi %scan3A_123, %scan3A_157 : i32
        %mul3A_159 = arith.constant 16 : i32
        %mul3A_160 = arith.muli %scan3A_158, %mul3A_159 : i32
        %get3A_161 = arith.index_cast %mul3A_160 : i32 to index
        %get3A_162 = tpu.vector_load %arg15[%get3A_161] {strides = array<i32>} : memref<8000xi32, #tpu.memory_space<vmem>>, vector<16xi32>,
        %get3A_163 = arith.index_cast %mul3A_160 : i32 to index
        %get3A_164 = tpu.vector_load %arg17[%get3A_163] {strides = array<i32>} : memref<8000xi32, #tpu.memory_space<vmem>>, vector<16xi32>,
        %gather3A_165 = tpu.vector_load_idx %arg6[%get3A_162] : memref<10240xf32, #tpu.memory_space<vmem>>[vector<16xi32>], vector<16xf32>,
        %gather3A_166 = tpu.vector_load_idx %arg7[%get3A_162] : memref<10240xf32, #tpu.memory_space<vmem>>[vector<16xi32>], vector<16xf32>,
        %gather3A_167 = tpu.vector_load_idx %arg8[%get3A_162] : memref<10240xf32, #tpu.memory_space<vmem>>[vector<16xi32>], vector<16xf32>,
        %gather3A_168 = tpu.vector_load_idx %arg9[%get3A_162] : memref<10240xf32, #tpu.memory_space<vmem>>[vector<16xi32>], vector<16xf32>,
        %broadcast_in_dim3A_169 = arith.constant true
        %broadcast_in_dim3A_170 = vector.broadcast %broadcast_in_dim3A_169 : i1 to vector<16xi1>
        %unique3A_171, %unique3A_172 = tpu.scan_count mask(%broadcast_in_dim3A_170 : vector<16xi1>) value(%get3A_164 : vector<16xi32>) : vector<16xi1>, vector<16xi32>
        %eq3A_173 = vector.broadcast %reduce_min3A_29 : i32 to vector<16xi32>
        %eq3A_174 = arith.cmpi eq, %unique3A_172, %eq3A_173 : vector<16xi32>
        %not3A_175 = arith.constant dense<true> : vector<16xi1>
        %not3A_176 = arith.xori %unique3A_171, %not3A_175 : vector<16xi1>
        %gather3A_177 = tpu.vector_load_idx %arg10[%get3A_164] : memref<10240xf32, #tpu.memory_space<vmem>>[vector<16xi32>], vector<16xf32>,
        %gather3A_178 = tpu.vector_load_idx %arg11[%get3A_164] : memref<10240xf32, #tpu.memory_space<vmem>>[vector<16xi32>], vector<16xf32>,
        %gather3A_179 = tpu.vector_load_idx %arg12[%get3A_164] : memref<10240xf32, #tpu.memory_space<vmem>>[vector<16xi32>], vector<16xf32>,
        %gather3A_180 = tpu.vector_load_idx %arg13[%get3A_164] : memref<10240xf32, #tpu.memory_space<vmem>>[vector<16xi32>], vector<16xf32>,
        %max3A_181 = arith.maximumf %gather3A_177, %gather3A_165 : vector<16xf32>
        %max3A_182 = arith.maximumf %gather3A_178, %gather3A_166 : vector<16xf32>
        %max3A_183 = arith.maximumf %gather3A_179, %gather3A_167 : vector<16xf32>
        %max3A_184 = arith.maximumf %gather3A_180, %gather3A_168 : vector<16xf32>
        tpu.vector_store_idx %arg10[%get3A_164], %max3A_181 masked %unique3A_171 : memref<10240xf32, #tpu.memory_space<vmem>>[vector<16xi32>], vector<16xf32>, vector<16xi1>
        tpu.vector_store_idx %arg11[%get3A_164], %max3A_182 masked %unique3A_171 : memref<10240xf32, #tpu.memory_space<vmem>>[vector<16xi32>], vector<16xf32>, vector<16xi1>
        tpu.vector_store_idx %arg12[%get3A_164], %max3A_183 masked %unique3A_171 : memref<10240xf32, #tpu.memory_space<vmem>>[vector<16xi32>], vector<16xf32>, vector<16xi1>
        tpu.vector_store_idx %arg13[%get3A_164], %max3A_184 masked %unique3A_171 : memref<10240xf32, #tpu.memory_space<vmem>>[vector<16xi32>], vector<16xf32>, vector<16xi1>
        %and3A_185 = arith.andi %eq3A_174, %not3A_176 : vector<16xi1>
        %gather3A_186 = tpu.vector_load_idx %arg10[%get3A_164] : memref<10240xf32, #tpu.memory_space<vmem>>[vector<16xi32>], vector<16xf32>,
        %gather3A_187 = tpu.vector_load_idx %arg11[%get3A_164] : memref<10240xf32, #tpu.memory_space<vmem>>[vector<16xi32>], vector<16xf32>,
        %gather3A_188 = tpu.vector_load_idx %arg12[%get3A_164] : memref<10240xf32, #tpu.memory_space<vmem>>[vector<16xi32>], vector<16xf32>,
        %gather3A_189 = tpu.vector_load_idx %arg13[%get3A_164] : memref<10240xf32, #tpu.memory_space<vmem>>[vector<16xi32>], vector<16xf32>,
        %max3A_190 = arith.maximumf %gather3A_186, %gather3A_165 : vector<16xf32>
        %max3A_191 = arith.maximumf %gather3A_187, %gather3A_166 : vector<16xf32>
        %max3A_192 = arith.maximumf %gather3A_188, %gather3A_167 : vector<16xf32>
        %max3A_193 = arith.maximumf %gather3A_189, %gather3A_168 : vector<16xf32>
        tpu.vector_store_idx %arg10[%get3A_164], %max3A_190 masked %and3A_185 : memref<10240xf32, #tpu.memory_space<vmem>>[vector<16xi32>], vector<16xf32>, vector<16xi1>
        tpu.vector_store_idx %arg11[%get3A_164], %max3A_191 masked %and3A_185 : memref<10240xf32, #tpu.memory_space<vmem>>[vector<16xi32>], vector<16xf32>, vector<16xi1>
        tpu.vector_store_idx %arg12[%get3A_164], %max3A_192 masked %and3A_185 : memref<10240xf32, #tpu.memory_space<vmem>>[vector<16xi32>], vector<16xf32>, vector<16xi1>
        tpu.vector_store_idx %arg13[%get3A_164], %max3A_193 masked %and3A_185 : memref<10240xf32, #tpu.memory_space<vmem>>[vector<16xi32>], vector<16xf32>, vector<16xi1>
        %not3A_194 = arith.constant dense<true> : vector<16xi1>
        %not3A_195 = arith.xori %eq3A_174, %not3A_194 : vector<16xi1>
        %and3A_196 = arith.andi %not3A_176, %not3A_195 : vector<16xi1>
        %or3A_197 = arith.ori %or3A, %and3A_196 : vector<16xi1>
        %scan3A_198 = arith.constant 2 : i32
        %scan3A_199 = arith.addi %scan3A_123, %scan3A_198 : i32
        %mul3A_200 = arith.constant 16 : i32
        %mul3A_201 = arith.muli %scan3A_199, %mul3A_200 : i32
        %get3A_202 = arith.index_cast %mul3A_201 : i32 to index
        %get3A_203 = tpu.vector_load %arg15[%get3A_202] {strides = array<i32>} : memref<8000xi32, #tpu.memory_space<vmem>>, vector<16xi32>,
        %get3A_204 = arith.index_cast %mul3A_201 : i32 to index
        %get3A_205 = tpu.vector_load %arg17[%get3A_204] {strides = array<i32>} : memref<8000xi32, #tpu.memory_space<vmem>>, vector<16xi32>,
        %gather3A_206 = tpu.vector_load_idx %arg6[%get3A_203] : memref<10240xf32, #tpu.memory_space<vmem>>[vector<16xi32>], vector<16xf32>,
        %gather3A_207 = tpu.vector_load_idx %arg7[%get3A_203] : memref<10240xf32, #tpu.memory_space<vmem>>[vector<16xi32>], vector<16xf32>,
        %gather3A_208 = tpu.vector_load_idx %arg8[%get3A_203] : memref<10240xf32, #tpu.memory_space<vmem>>[vector<16xi32>], vector<16xf32>,
        %gather3A_209 = tpu.vector_load_idx %arg9[%get3A_203] : memref<10240xf32, #tpu.memory_space<vmem>>[vector<16xi32>], vector<16xf32>,
        %broadcast_in_dim3A_210 = arith.constant true
        %broadcast_in_dim3A_211 = vector.broadcast %broadcast_in_dim3A_210 : i1 to vector<16xi1>
        %unique3A_212, %unique3A_213 = tpu.scan_count mask(%broadcast_in_dim3A_211 : vector<16xi1>) value(%get3A_205 : vector<16xi32>) : vector<16xi1>, vector<16xi32>
        %eq3A_214 = vector.broadcast %reduce_min3A_29 : i32 to vector<16xi32>
        %eq3A_215 = arith.cmpi eq, %unique3A_213, %eq3A_214 : vector<16xi32>
        %not3A_216 = arith.constant dense<true> : vector<16xi1>
        %not3A_217 = arith.xori %unique3A_212, %not3A_216 : vector<16xi1>
        %gather3A_218 = tpu.vector_load_idx %arg10[%get3A_205] : memref<10240xf32, #tpu.memory_space<vmem>>[vector<16xi32>], vector<16xf32>,
        %gather3A_219 = tpu.vector_load_idx %arg11[%get3A_205] : memref<10240xf32, #tpu.memory_space<vmem>>[vector<16xi32>], vector<16xf32>,
        %gather3A_220 = tpu.vector_load_idx %arg12[%get3A_205] : memref<10240xf32, #tpu.memory_space<vmem>>[vector<16xi32>], vector<16xf32>,
        %gather3A_221 = tpu.vector_load_idx %arg13[%get3A_205] : memref<10240xf32, #tpu.memory_space<vmem>>[vector<16xi32>], vector<16xf32>,
        %max3A_222 = arith.maximumf %gather3A_218, %gather3A_206 : vector<16xf32>
        %max3A_223 = arith.maximumf %gather3A_219, %gather3A_207 : vector<16xf32>
        %max3A_224 = arith.maximumf %gather3A_220, %gather3A_208 : vector<16xf32>
        %max3A_225 = arith.maximumf %gather3A_221, %gather3A_209 : vector<16xf32>
        tpu.vector_store_idx %arg10[%get3A_205], %max3A_222 masked %unique3A_212 : memref<10240xf32, #tpu.memory_space<vmem>>[vector<16xi32>], vector<16xf32>, vector<16xi1>
        tpu.vector_store_idx %arg11[%get3A_205], %max3A_223 masked %unique3A_212 : memref<10240xf32, #tpu.memory_space<vmem>>[vector<16xi32>], vector<16xf32>, vector<16xi1>
        tpu.vector_store_idx %arg12[%get3A_205], %max3A_224 masked %unique3A_212 : memref<10240xf32, #tpu.memory_space<vmem>>[vector<16xi32>], vector<16xf32>, vector<16xi1>
        tpu.vector_store_idx %arg13[%get3A_205], %max3A_225 masked %unique3A_212 : memref<10240xf32, #tpu.memory_space<vmem>>[vector<16xi32>], vector<16xf32>, vector<16xi1>
        %and3A_226 = arith.andi %eq3A_215, %not3A_217 : vector<16xi1>
        %gather3A_227 = tpu.vector_load_idx %arg10[%get3A_205] : memref<10240xf32, #tpu.memory_space<vmem>>[vector<16xi32>], vector<16xf32>,
        %gather3A_228 = tpu.vector_load_idx %arg11[%get3A_205] : memref<10240xf32, #tpu.memory_space<vmem>>[vector<16xi32>], vector<16xf32>,
        %gather3A_229 = tpu.vector_load_idx %arg12[%get3A_205] : memref<10240xf32, #tpu.memory_space<vmem>>[vector<16xi32>], vector<16xf32>,
        %gather3A_230 = tpu.vector_load_idx %arg13[%get3A_205] : memref<10240xf32, #tpu.memory_space<vmem>>[vector<16xi32>], vector<16xf32>,
        %max3A_231 = arith.maximumf %gather3A_227, %gather3A_206 : vector<16xf32>
        %max3A_232 = arith.maximumf %gather3A_228, %gather3A_207 : vector<16xf32>
        %max3A_233 = arith.maximumf %gather3A_229, %gather3A_208 : vector<16xf32>
        %max3A_234 = arith.maximumf %gather3A_230, %gather3A_209 : vector<16xf32>
        tpu.vector_store_idx %arg10[%get3A_205], %max3A_231 masked %and3A_226 : memref<10240xf32, #tpu.memory_space<vmem>>[vector<16xi32>], vector<16xf32>, vector<16xi1>
        tpu.vector_store_idx %arg11[%get3A_205], %max3A_232 masked %and3A_226 : memref<10240xf32, #tpu.memory_space<vmem>>[vector<16xi32>], vector<16xf32>, vector<16xi1>
        tpu.vector_store_idx %arg12[%get3A_205], %max3A_233 masked %and3A_226 : memref<10240xf32, #tpu.memory_space<vmem>>[vector<16xi32>], vector<16xf32>, vector<16xi1>
        tpu.vector_store_idx %arg13[%get3A_205], %max3A_234 masked %and3A_226 : memref<10240xf32, #tpu.memory_space<vmem>>[vector<16xi32>], vector<16xf32>, vector<16xi1>
        %not3A_235 = arith.constant dense<true> : vector<16xi1>
        %not3A_236 = arith.xori %eq3A_215, %not3A_235 : vector<16xi1>
        %and3A_237 = arith.andi %not3A_217, %not3A_236 : vector<16xi1>
        %or3A_238 = arith.ori %or3A_197, %and3A_237 : vector<16xi1>
        %scan3A_239 = arith.constant 3 : i32
        %scan3A_240 = arith.addi %scan3A_123, %scan3A_239 : i32
        %mul3A_241 = arith.constant 16 : i32
        %mul3A_242 = arith.muli %scan3A_240, %mul3A_241 : i32
        %get3A_243 = arith.index_cast %mul3A_242 : i32 to index
        %get3A_244 = tpu.vector_load %arg15[%get3A_243] {strides = array<i32>} : memref<8000xi32, #tpu.memory_space<vmem>>, vector<16xi32>,
        %get3A_245 = arith.index_cast %mul3A_242 : i32 to index
        %get3A_246 = tpu.vector_load %arg17[%get3A_245] {strides = array<i32>} : memref<8000xi32, #tpu.memory_space<vmem>>, vector<16xi32>,
        %gather3A_247 = tpu.vector_load_idx %arg6[%get3A_244] : memref<10240xf32, #tpu.memory_space<vmem>>[vector<16xi32>], vector<16xf32>,
        %gather3A_248 = tpu.vector_load_idx %arg7[%get3A_244] : memref<10240xf32, #tpu.memory_space<vmem>>[vector<16xi32>], vector<16xf32>,
        %gather3A_249 = tpu.vector_load_idx %arg8[%get3A_244] : memref<10240xf32, #tpu.memory_space<vmem>>[vector<16xi32>], vector<16xf32>,
        %gather3A_250 = tpu.vector_load_idx %arg9[%get3A_244] : memref<10240xf32, #tpu.memory_space<vmem>>[vector<16xi32>], vector<16xf32>,
        %broadcast_in_dim3A_251 = arith.constant true
        %broadcast_in_dim3A_252 = vector.broadcast %broadcast_in_dim3A_251 : i1 to vector<16xi1>
        %unique3A_253, %unique3A_254 = tpu.scan_count mask(%broadcast_in_dim3A_252 : vector<16xi1>) value(%get3A_246 : vector<16xi32>) : vector<16xi1>, vector<16xi32>
        %eq3A_255 = vector.broadcast %reduce_min3A_29 : i32 to vector<16xi32>
        %eq3A_256 = arith.cmpi eq, %unique3A_254, %eq3A_255 : vector<16xi32>
        %not3A_257 = arith.constant dense<true> : vector<16xi1>
        %not3A_258 = arith.xori %unique3A_253, %not3A_257 : vector<16xi1>
        %gather3A_259 = tpu.vector_load_idx %arg10[%get3A_246] : memref<10240xf32, #tpu.memory_space<vmem>>[vector<16xi32>], vector<16xf32>,
        %gather3A_260 = tpu.vector_load_idx %arg11[%get3A_246] : memref<10240xf32, #tpu.memory_space<vmem>>[vector<16xi32>], vector<16xf32>,
        %gather3A_261 = tpu.vector_load_idx %arg12[%get3A_246] : memref<10240xf32, #tpu.memory_space<vmem>>[vector<16xi32>], vector<16xf32>,
        %gather3A_262 = tpu.vector_load_idx %arg13[%get3A_246] : memref<10240xf32, #tpu.memory_space<vmem>>[vector<16xi32>], vector<16xf32>,
        %max3A_263 = arith.maximumf %gather3A_259, %gather3A_247 : vector<16xf32>
        %max3A_264 = arith.maximumf %gather3A_260, %gather3A_248 : vector<16xf32>
        %max3A_265 = arith.maximumf %gather3A_261, %gather3A_249 : vector<16xf32>
        %max3A_266 = arith.maximumf %gather3A_262, %gather3A_250 : vector<16xf32>
        tpu.vector_store_idx %arg10[%get3A_246], %max3A_263 masked %unique3A_253 : memref<10240xf32, #tpu.memory_space<vmem>>[vector<16xi32>], vector<16xf32>, vector<16xi1>
        tpu.vector_store_idx %arg11[%get3A_246], %max3A_264 masked %unique3A_253 : memref<10240xf32, #tpu.memory_space<vmem>>[vector<16xi32>], vector<16xf32>, vector<16xi1>
        tpu.vector_store_idx %arg12[%get3A_246], %max3A_265 masked %unique3A_253 : memref<10240xf32, #tpu.memory_space<vmem>>[vector<16xi32>], vector<16xf32>, vector<16xi1>
        tpu.vector_store_idx %arg13[%get3A_246], %max3A_266 masked %unique3A_253 : memref<10240xf32, #tpu.memory_space<vmem>>[vector<16xi32>], vector<16xf32>, vector<16xi1>
        %and3A_267 = arith.andi %eq3A_256, %not3A_258 : vector<16xi1>
        %gather3A_268 = tpu.vector_load_idx %arg10[%get3A_246] : memref<10240xf32, #tpu.memory_space<vmem>>[vector<16xi32>], vector<16xf32>,
        %gather3A_269 = tpu.vector_load_idx %arg11[%get3A_246] : memref<10240xf32, #tpu.memory_space<vmem>>[vector<16xi32>], vector<16xf32>,
        %gather3A_270 = tpu.vector_load_idx %arg12[%get3A_246] : memref<10240xf32, #tpu.memory_space<vmem>>[vector<16xi32>], vector<16xf32>,
        %gather3A_271 = tpu.vector_load_idx %arg13[%get3A_246] : memref<10240xf32, #tpu.memory_space<vmem>>[vector<16xi32>], vector<16xf32>,
        %max3A_272 = arith.maximumf %gather3A_268, %gather3A_247 : vector<16xf32>
        %max3A_273 = arith.maximumf %gather3A_269, %gather3A_248 : vector<16xf32>
        %max3A_274 = arith.maximumf %gather3A_270, %gather3A_249 : vector<16xf32>
        %max3A_275 = arith.maximumf %gather3A_271, %gather3A_250 : vector<16xf32>
        tpu.vector_store_idx %arg10[%get3A_246], %max3A_272 masked %and3A_267 : memref<10240xf32, #tpu.memory_space<vmem>>[vector<16xi32>], vector<16xf32>, vector<16xi1>
        tpu.vector_store_idx %arg11[%get3A_246], %max3A_273 masked %and3A_267 : memref<10240xf32, #tpu.memory_space<vmem>>[vector<16xi32>], vector<16xf32>, vector<16xi1>
        tpu.vector_store_idx %arg12[%get3A_246], %max3A_274 masked %and3A_267 : memref<10240xf32, #tpu.memory_space<vmem>>[vector<16xi32>], vector<16xf32>, vector<16xi1>
        tpu.vector_store_idx %arg13[%get3A_246], %max3A_275 masked %and3A_267 : memref<10240xf32, #tpu.memory_space<vmem>>[vector<16xi32>], vector<16xf32>, vector<16xi1>
        %not3A_276 = arith.constant dense<true> : vector<16xi1>
        %not3A_277 = arith.xori %eq3A_256, %not3A_276 : vector<16xi1>
        %and3A_278 = arith.andi %not3A_258, %not3A_277 : vector<16xi1>
        %or3A_279 = arith.ori %or3A_238, %and3A_278 : vector<16xi1>
        scf.yield %or3A_279 : vector<16xi1>
      }
      %scan3A_108 = arith.constant 500 : i32
      %reduce_or3A_109 = arith.constant 1.000000e+00 : f32
      %reduce_or3A_110 = arith.constant 0.000000e+00 : f32
      %reduce_or3A_111 = vector.broadcast %reduce_or3A_109 : f32 to vector<16xf32>
      %reduce_or3A_112 = vector.broadcast %reduce_or3A_110 : f32 to vector<16xf32>
      %reduce_or3A_113 = arith.select %scan3A_107, %reduce_or3A_111, %reduce_or3A_112 : vector<16xi1>, vector<16xf32>
      %reduce_or3A_114 = arith.constant true
      %reduce_or3A_115 = vector.broadcast %reduce_or3A_114 : i1 to vector<16xi1>
      %reduce_or3A_116 = tpu.scan <max>, %reduce_or3A_113 masked %reduce_or3A_115 : vector<16xf32>, vector<16xi1> -> vector<16xf32>
      %reduce_or3A_117 = vector.extract %reduce_or3A_116[15] : f32 from vector<16xf32>
      %reduce_or3A_118 = arith.constant 0.000000e+00 : f32
      %reduce_or3A_119 = arith.cmpf ogt, %reduce_or3A_117, %reduce_or3A_118 : f32
      %convert_element_type3A_120 = arith.extui %reduce_or3A_119 : i1 to i32
      %cond3A_121 = arith.constant 0 : i32
      %cond3A_122 = arith.cmpi ne, %convert_element_type3A_120, %cond3A_121 : i32
      scf.if %cond3A_122 {
        %scan3A_123 = arith.constant 0 : i32
        %scan3A_124 = arith.constant 0 : i32
        %scan3A_125 = arith.constant 500 : i32
        %scan3A_126 = arith.addi %scan3A_124, %scan3A_125 : i32
        %scan3A_127 = arith.constant 1 : i32
        scf.for %scan3A_129 = %scan3A_124 to %scan3A_126 step %scan3A_127  : i32 {
          %mul3A_130 = arith.constant 16 : i32
          %mul3A_131 = arith.muli %scan3A_129, %mul3A_130 : i32
          %get3A = arith.index_cast %mul3A_131 : i32 to index
          %get3A_132 = tpu.vector_load %arg15[%get3A] {strides = array<i32>} : memref<8000xi32, #tpu.memory_space<vmem>>, vector<16xi32>,
          %get3A_133 = arith.index_cast %mul3A_131 : i32 to index
          %get3A_134 = tpu.vector_load %arg17[%get3A_133] {strides = array<i32>} : memref<8000xi32, #tpu.memory_space<vmem>>, vector<16xi32>,
          %gather3A = tpu.vector_load_idx %arg6[%get3A_132] : memref<10240xf32, #tpu.memory_space<vmem>>[vector<16xi32>], vector<16xf32>,
          %gather3A_135 = tpu.vector_load_idx %arg7[%get3A_132] : memref<10240xf32, #tpu.memory_space<vmem>>[vector<16xi32>], vector<16xf32>,
          %gather3A_136 = tpu.vector_load_idx %arg8[%get3A_132] : memref<10240xf32, #tpu.memory_space<vmem>>[vector<16xi32>], vector<16xf32>,
          %gather3A_137 = tpu.vector_load_idx %arg9[%get3A_132] : memref<10240xf32, #tpu.memory_space<vmem>>[vector<16xi32>], vector<16xf32>,
          %broadcast_in_dim3A_138 = arith.constant true
          %broadcast_in_dim3A_139 = vector.broadcast %broadcast_in_dim3A_138 : i1 to vector<16xi1>
          %unique3A_140, %unique3A_141 = tpu.scan_count mask(%broadcast_in_dim3A_139 : vector<16xi1>) value(%get3A_134 : vector<16xi32>) : vector<16xi1>, vector<16xi32>
          %reduce_max3A = arith.constant true
          %reduce_max3A_142 = vector.broadcast %reduce_max3A : i1 to vector<16xi1>
          %reduce_max3A_143 = arith.constant -2147483648 : i32
          %reduce_max3A_144 = vector.broadcast %reduce_max3A_143 : i32 to vector<16xi32>
          %reduce_max3A_145 = arith.xori %unique3A_141, %reduce_max3A_144 : vector<16xi32>
          %reduce_max3A_146 = tpu.scan <max>, %reduce_max3A_145 masked %reduce_max3A_142 : vector<16xi32>, vector<16xi1> -> vector<16xi32>
          %reduce_max3A_147 = arith.xori %reduce_max3A_146, %reduce_max3A_144 : vector<16xi32>
          %reduce_max3A_148 = vector.extract %reduce_max3A_147[15] : i32 from vector<16xi32>
          %add3A_149 = arith.constant 1 : i32
          %add3A_150 = arith.addi %reduce_max3A_148, %add3A_149 : i32
          %while3A = arith.constant 0 : i32
          %while3A_151 = arith.subi %add3A_150, %reduce_min3A_29 : i32
          %while3A_152 = arith.addi %reduce_min3A_29, %while3A_151 : i32
          %while3A_153 = arith.constant 1 : i32
          %while3A_154 = arith.divsi %while3A_151, %while3A_153 : i32
          %while3A_155 = arith.muli %while3A_154, %while3A_153 : i32
          %while3A_156 = arith.addi %reduce_min3A_29, %while3A_155 : i32
          %while3A_157 = arith.constant 1 : i32
          scf.for %while3A_159 = %reduce_min3A_29 to %while3A_156 step %while3A_157  : i32 {
            %eq3A = vector.broadcast %while3A_159 : i32 to vector<16xi32>
            %eq3A_160 = arith.cmpi eq, %unique3A_141, %eq3A : vector<16xi32>
            %gather3A_161 = tpu.vector_load_idx %arg10[%get3A_134] : memref<10240xf32, #tpu.memory_space<vmem>>[vector<16xi32>], vector<16xf32>,
            %gather3A_162 = tpu.vector_load_idx %arg11[%get3A_134] : memref<10240xf32, #tpu.memory_space<vmem>>[vector<16xi32>], vector<16xf32>,
            %gather3A_163 = tpu.vector_load_idx %arg12[%get3A_134] : memref<10240xf32, #tpu.memory_space<vmem>>[vector<16xi32>], vector<16xf32>,
            %gather3A_164 = tpu.vector_load_idx %arg13[%get3A_134] : memref<10240xf32, #tpu.memory_space<vmem>>[vector<16xi32>], vector<16xf32>,
            %max3A = arith.maximumf %gather3A_161, %gather3A : vector<16xf32>
            %max3A_165 = arith.maximumf %gather3A_162, %gather3A_135 : vector<16xf32>
            %max3A_166 = arith.maximumf %gather3A_163, %gather3A_136 : vector<16xf32>
            %max3A_167 = arith.maximumf %gather3A_164, %gather3A_137 : vector<16xf32>
            tpu.vector_store_idx %arg10[%get3A_134], %max3A masked %eq3A_160 : memref<10240xf32, #tpu.memory_space<vmem>>[vector<16xi32>], vector<16xf32>, vector<16xi1>
            tpu.vector_store_idx %arg11[%get3A_134], %max3A_165 masked %eq3A_160 : memref<10240xf32, #tpu.memory_space<vmem>>[vector<16xi32>], vector<16xf32>, vector<16xi1>
            tpu.vector_store_idx %arg12[%get3A_134], %max3A_166 masked %eq3A_160 : memref<10240xf32, #tpu.memory_space<vmem>>[vector<16xi32>], vector<16xf32>, vector<16xi1>
            tpu.vector_store_idx %arg13[%get3A_134], %max3A_167 masked %eq3A_160 : memref<10240xf32, #tpu.memory_space<vmem>>[vector<16xi32>], vector<16xf32>, vector<16xi1>
          }
          %while3A_158 = arith.constant 1 : i32
          scf.for %while3A_159 = %while3A_156 to %while3A_152 step %while3A_158  : i32 {
            %eq3A = vector.broadcast %while3A_159 : i32 to vector<16xi32>
            %eq3A_160 = arith.cmpi eq, %unique3A_141, %eq3A : vector<16xi32>
            %gather3A_161 = tpu.vector_load_idx %arg10[%get3A_134] : memref<10240xf32, #tpu.memory_space<vmem>>[vector<16xi32>], vector<16xf32>,
            %gather3A_162 = tpu.vector_load_idx %arg11[%get3A_134] : memref<10240xf32, #tpu.memory_space<vmem>>[vector<16xi32>], vector<16xf32>,
            %gather3A_163 = tpu.vector_load_idx %arg12[%get3A_134] : memref<10240xf32, #tpu.memory_space<vmem>>[vector<16xi32>], vector<16xf32>,
            %gather3A_164 = tpu.vector_load_idx %arg13[%get3A_134] : memref<10240xf32, #tpu.memory_space<vmem>>[vector<16xi32>], vector<16xf32>,
            %max3A = arith.maximumf %gather3A_161, %gather3A : vector<16xf32>
            %max3A_165 = arith.maximumf %gather3A_162, %gather3A_135 : vector<16xf32>
            %max3A_166 = arith.maximumf %gather3A_163, %gather3A_136 : vector<16xf32>
            %max3A_167 = arith.maximumf %gather3A_164, %gather3A_137 : vector<16xf32>
            tpu.vector_store_idx %arg10[%get3A_134], %max3A masked %eq3A_160 : memref<10240xf32, #tpu.memory_space<vmem>>[vector<16xi32>], vector<16xf32>, vector<16xi1>
            tpu.vector_store_idx %arg11[%get3A_134], %max3A_165 masked %eq3A_160 : memref<10240xf32, #tpu.memory_space<vmem>>[vector<16xi32>], vector<16xf32>, vector<16xi1>
            tpu.vector_store_idx %arg12[%get3A_134], %max3A_166 masked %eq3A_160 : memref<10240xf32, #tpu.memory_space<vmem>>[vector<16xi32>], vector<16xf32>, vector<16xi1>
            tpu.vector_store_idx %arg13[%get3A_134], %max3A_167 masked %eq3A_160 : memref<10240xf32, #tpu.memory_space<vmem>>[vector<16xi32>], vector<16xf32>, vector<16xi1>
          }
        }
        %scan3A_128 = arith.constant 500 : i32
      } else {
      }
    }
    %scan3A_41 = arith.constant 20 : i32
    %add3A_42 = arith.constant 0 : i32
    %add3A_43 = arith.addi %mul3A_2, %add3A_42 : i32
    "tpu.region"() ({
      %run_scoped3A = tpu.sem_alloc : memref<!tpu.dma_semaphore, #tpu.memory_space<semaphore_mem>>
      %dma_start3A_50 = arith.constant 0 : i32
      %dma_start3A_51 = tpu.memref_slice %arg5[%add3A_43, %dma_start3A_50] : memref<128x10240xf32, #tpu.memory_space<hbm>> -> memref<1x10240xf32, #tpu.memory_space<hbm>>
      %dma_start3A_52 = tpu.memref_squeeze %dma_start3A_51 : memref<1x10240xf32, #tpu.memory_space<hbm>> -> memref<10240xf32, #tpu.memory_space<hbm>>
      %dma_start3A_53 = arith.constant 0 : i32
      %dma_start3A_54 = tpu.memref_slice %arg5[%add3A_43, %dma_start3A_53] : memref<128x10240xf32, #tpu.memory_space<hbm>> -> memref<1x10240xf32, #tpu.memory_space<hbm>>
      %dma_start3A_55 = tpu.memref_squeeze %dma_start3A_54 : memref<1x10240xf32, #tpu.memory_space<hbm>> -> memref<10240xf32, #tpu.memory_space<hbm>>
      tpu.enqueue_dma source(%arg10 : memref<10240xf32, #tpu.memory_space<vmem>>) target(%dma_start3A_55 : memref<10240xf32, #tpu.memory_space<hbm>>) target_semaphore(%run_scoped3A : memref<!tpu.dma_semaphore, #tpu.memory_space<semaphore_mem>>)
      %dma_wait3A = arith.constant 0 : i32
      %dma_wait3A_56 = tpu.memref_slice %arg5[%add3A_43, %dma_wait3A] : memref<128x10240xf32, #tpu.memory_space<hbm>> -> memref<1x10240xf32, #tpu.memory_space<hbm>>
      %dma_wait3A_57 = tpu.memref_squeeze %dma_wait3A_56 : memref<1x10240xf32, #tpu.memory_space<hbm>> -> memref<10240xf32, #tpu.memory_space<hbm>>
      %dma_wait3A_58 = arith.constant 0 : i32
      %dma_wait3A_59 = tpu.memref_slice %arg5[%add3A_43, %dma_wait3A_58] : memref<128x10240xf32, #tpu.memory_space<hbm>> -> memref<1x10240xf32, #tpu.memory_space<hbm>>
      %dma_wait3A_60 = tpu.memref_squeeze %dma_wait3A_59 : memref<1x10240xf32, #tpu.memory_space<hbm>> -> memref<10240xf32, #tpu.memory_space<hbm>>
      tpu.wait_dma2 semaphore(%run_scoped3A : memref<!tpu.dma_semaphore, #tpu.memory_space<semaphore_mem>>) src(%arg10 : memref<10240xf32, #tpu.memory_space<vmem>>) dst(%dma_wait3A_60 : memref<10240xf32, #tpu.memory_space<hbm>>)
      tpu.yield
    }) : () -> ()
    %add3A_44 = arith.constant 1 : i32
    %add3A_45 = arith.addi %mul3A_2, %add3A_44 : i32
    "tpu.region"() ({
      %run_scoped3A = tpu.sem_alloc : memref<!tpu.dma_semaphore, #tpu.memory_space<semaphore_mem>>
      %dma_start3A_50 = arith.constant 0 : i32
      %dma_start3A_51 = tpu.memref_slice %arg5[%add3A_45, %dma_start3A_50] : memref<128x10240xf32, #tpu.memory_space<hbm>> -> memref<1x10240xf32, #tpu.memory_space<hbm>>
      %dma_start3A_52 = tpu.memref_squeeze %dma_start3A_51 : memref<1x10240xf32, #tpu.memory_space<hbm>> -> memref<10240xf32, #tpu.memory_space<hbm>>
      %dma_start3A_53 = arith.constant 0 : i32
      %dma_start3A_54 = tpu.memref_slice %arg5[%add3A_45, %dma_start3A_53] : memref<128x10240xf32, #tpu.memory_space<hbm>> -> memref<1x10240xf32, #tpu.memory_space<hbm>>
      %dma_start3A_55 = tpu.memref_squeeze %dma_start3A_54 : memref<1x10240xf32, #tpu.memory_space<hbm>> -> memref<10240xf32, #tpu.memory_space<hbm>>
      tpu.enqueue_dma source(%arg11 : memref<10240xf32, #tpu.memory_space<vmem>>) target(%dma_start3A_55 : memref<10240xf32, #tpu.memory_space<hbm>>) target_semaphore(%run_scoped3A : memref<!tpu.dma_semaphore, #tpu.memory_space<semaphore_mem>>)
      %dma_wait3A = arith.constant 0 : i32
      %dma_wait3A_56 = tpu.memref_slice %arg5[%add3A_45, %dma_wait3A] : memref<128x10240xf32, #tpu.memory_space<hbm>> -> memref<1x10240xf32, #tpu.memory_space<hbm>>
      %dma_wait3A_57 = tpu.memref_squeeze %dma_wait3A_56 : memref<1x10240xf32, #tpu.memory_space<hbm>> -> memref<10240xf32, #tpu.memory_space<hbm>>
      %dma_wait3A_58 = arith.constant 0 : i32
      %dma_wait3A_59 = tpu.memref_slice %arg5[%add3A_45, %dma_wait3A_58] : memref<128x10240xf32, #tpu.memory_space<hbm>> -> memref<1x10240xf32, #tpu.memory_space<hbm>>
      %dma_wait3A_60 = tpu.memref_squeeze %dma_wait3A_59 : memref<1x10240xf32, #tpu.memory_space<hbm>> -> memref<10240xf32, #tpu.memory_space<hbm>>
      tpu.wait_dma2 semaphore(%run_scoped3A : memref<!tpu.dma_semaphore, #tpu.memory_space<semaphore_mem>>) src(%arg11 : memref<10240xf32, #tpu.memory_space<vmem>>) dst(%dma_wait3A_60 : memref<10240xf32, #tpu.memory_space<hbm>>)
      tpu.yield
    }) : () -> ()
    %add3A_46 = arith.constant 2 : i32
    %add3A_47 = arith.addi %mul3A_2, %add3A_46 : i32
    "tpu.region"() ({
      %run_scoped3A = tpu.sem_alloc : memref<!tpu.dma_semaphore, #tpu.memory_space<semaphore_mem>>
      %dma_start3A_50 = arith.constant 0 : i32
      %dma_start3A_51 = tpu.memref_slice %arg5[%add3A_47, %dma_start3A_50] : memref<128x10240xf32, #tpu.memory_space<hbm>> -> memref<1x10240xf32, #tpu.memory_space<hbm>>
      %dma_start3A_52 = tpu.memref_squeeze %dma_start3A_51 : memref<1x10240xf32, #tpu.memory_space<hbm>> -> memref<10240xf32, #tpu.memory_space<hbm>>
      %dma_start3A_53 = arith.constant 0 : i32
      %dma_start3A_54 = tpu.memref_slice %arg5[%add3A_47, %dma_start3A_53] : memref<128x10240xf32, #tpu.memory_space<hbm>> -> memref<1x10240xf32, #tpu.memory_space<hbm>>
      %dma_start3A_55 = tpu.memref_squeeze %dma_start3A_54 : memref<1x10240xf32, #tpu.memory_space<hbm>> -> memref<10240xf32, #tpu.memory_space<hbm>>
      tpu.enqueue_dma source(%arg12 : memref<10240xf32, #tpu.memory_space<vmem>>) target(%dma_start3A_55 : memref<10240xf32, #tpu.memory_space<hbm>>) target_semaphore(%run_scoped3A : memref<!tpu.dma_semaphore, #tpu.memory_space<semaphore_mem>>)
      %dma_wait3A = arith.constant 0 : i32
      %dma_wait3A_56 = tpu.memref_slice %arg5[%add3A_47, %dma_wait3A] : memref<128x10240xf32, #tpu.memory_space<hbm>> -> memref<1x10240xf32, #tpu.memory_space<hbm>>
      %dma_wait3A_57 = tpu.memref_squeeze %dma_wait3A_56 : memref<1x10240xf32, #tpu.memory_space<hbm>> -> memref<10240xf32, #tpu.memory_space<hbm>>
      %dma_wait3A_58 = arith.constant 0 : i32
      %dma_wait3A_59 = tpu.memref_slice %arg5[%add3A_47, %dma_wait3A_58] : memref<128x10240xf32, #tpu.memory_space<hbm>> -> memref<1x10240xf32, #tpu.memory_space<hbm>>
      %dma_wait3A_60 = tpu.memref_squeeze %dma_wait3A_59 : memref<1x10240xf32, #tpu.memory_space<hbm>> -> memref<10240xf32, #tpu.memory_space<hbm>>
      tpu.wait_dma2 semaphore(%run_scoped3A : memref<!tpu.dma_semaphore, #tpu.memory_space<semaphore_mem>>) src(%arg12 : memref<10240xf32, #tpu.memory_space<vmem>>) dst(%dma_wait3A_60 : memref<10240xf32, #tpu.memory_space<hbm>>)
      tpu.yield
    }) : () -> ()
    %add3A_48 = arith.constant 3 : i32
    %add3A_49 = arith.addi %mul3A_2, %add3A_48 : i32
    "tpu.region"() ({
      %run_scoped3A = tpu.sem_alloc : memref<!tpu.dma_semaphore, #tpu.memory_space<semaphore_mem>>
      %dma_start3A_50 = arith.constant 0 : i32
      %dma_start3A_51 = tpu.memref_slice %arg5[%add3A_49, %dma_start3A_50] : memref<128x10240xf32, #tpu.memory_space<hbm>> -> memref<1x10240xf32, #tpu.memory_space<hbm>>
      %dma_start3A_52 = tpu.memref_squeeze %dma_start3A_51 : memref<1x10240xf32, #tpu.memory_space<hbm>> -> memref<10240xf32, #tpu.memory_space<hbm>>
      %dma_start3A_53 = arith.constant 0 : i32
      %dma_start3A_54 = tpu.memref_slice %arg5[%add3A_49, %dma_start3A_53] : memref<128x10240xf32, #tpu.memory_space<hbm>> -> memref<1x10240xf32, #tpu.memory_space<hbm>>
      %dma_start3A_55 = tpu.memref_squeeze %dma_start3A_54 : memref<1x10240xf32, #tpu.memory_space<hbm>> -> memref<10240xf32, #tpu.memory_space<hbm>>
      tpu.enqueue_dma source(%arg13 : memref<10240xf32, #tpu.memory_space<vmem>>) target(%dma_start3A_55 : memref<10240xf32, #tpu.memory_space<hbm>>) target_semaphore(%run_scoped3A : memref<!tpu.dma_semaphore, #tpu.memory_space<semaphore_mem>>)
      %dma_wait3A = arith.constant 0 : i32
      %dma_wait3A_56 = tpu.memref_slice %arg5[%add3A_49, %dma_wait3A] : memref<128x10240xf32, #tpu.memory_space<hbm>> -> memref<1x10240xf32, #tpu.memory_space<hbm>>
      %dma_wait3A_57 = tpu.memref_squeeze %dma_wait3A_56 : memref<1x10240xf32, #tpu.memory_space<hbm>> -> memref<10240xf32, #tpu.memory_space<hbm>>
      %dma_wait3A_58 = arith.constant 0 : i32
      %dma_wait3A_59 = tpu.memref_slice %arg5[%add3A_49, %dma_wait3A_58] : memref<128x10240xf32, #tpu.memory_space<hbm>> -> memref<1x10240xf32, #tpu.memory_space<hbm>>
      %dma_wait3A_60 = tpu.memref_squeeze %dma_wait3A_59 : memref<1x10240xf32, #tpu.memory_space<hbm>> -> memref<10240xf32, #tpu.memory_space<hbm>>
      tpu.wait_dma2 semaphore(%run_scoped3A : memref<!tpu.dma_semaphore, #tpu.memory_space<semaphore_mem>>) src(%arg13 : memref<10240xf32, #tpu.memory_space<vmem>>) dst(%dma_wait3A_60 : memref<10240xf32, #tpu.memory_space<hbm>>)
      tpu.yield
    }) : () -> ()
    return
  }
}

#map = affine_map<(d0, d1) -> (0, 0)>
#map1 = affine_map<(d0, d1) -> (0)>
module attributes {stable_mosaic.version = 14 : i64} {
  func.func @_segmax(%arg0: i32, %arg1: i32, %arg2: memref<128x10240xf32, #tpu.memory_space<hbm>>, %arg3: memref<320000xi32, #tpu.memory_space<hbm>>, %arg4: memref<320000xi32, #tpu.memory_space<hbm>>, %arg5: memref<128x10240xf32, #tpu.memory_space<hbm>>, %arg6: memref<10240xf32, #tpu.memory_space<vmem>>, %arg7: memref<10240xf32, #tpu.memory_space<vmem>>, %arg8: memref<10240xf32, #tpu.memory_space<vmem>>, %arg9: memref<10240xf32, #tpu.memory_space<vmem>>, %arg10: memref<10240xf32, #tpu.memory_space<vmem>>, %arg11: memref<10240xf32, #tpu.memory_space<vmem>>, %arg12: memref<10240xf32, #tpu.memory_space<vmem>>, %arg13: memref<10240xf32, #tpu.memory_space<vmem>>, %arg14: memref<8000xi32, #tpu.memory_space<vmem>>, %arg15: memref<8000xi32, #tpu.memory_space<vmem>>, %arg16: memref<8000xi32, #tpu.memory_space<vmem>>, %arg17: memref<8000xi32, #tpu.memory_space<vmem>>, %arg18: memref<!tpu.dma_semaphore, #tpu.memory_space<semaphore_mem>>, %arg19: memref<!tpu.dma_semaphore, #tpu.memory_space<semaphore_mem>>, %arg20: memref<!tpu.dma_semaphore, #tpu.memory_space<semaphore_mem>>, %arg21: memref<!tpu.dma_semaphore, #tpu.memory_space<semaphore_mem>>) attributes {dimension_semantics = [#tpu.dimension_semantics<core_parallel>, #tpu.dimension_semantics<subcore_parallel>], iteration_bounds = array<i64: 2, 16>, scalar_prefetch = 0 : i64, scratch_operands = 16 : i64, tpu.core_type = #tpu.core_type<sc_vector_subcore>, window_params = [{transform_indices = #map}, {transform_indices = #map1}, {transform_indices = #map1}, {transform_indices = #map}]} {
    %mul3A = arith.constant 2 : i32
    %mul3A_0 = arith.muli %arg1, %mul3A : i32
    %add3A = arith.addi %mul3A_0, %arg0 : i32
    %mul3A_1 = arith.constant 4 : i32
    %mul3A_2 = arith.muli %add3A, %mul3A_1 : i32
    %add3A_3 = arith.constant 0 : i32
    %add3A_4 = arith.addi %mul3A_2, %add3A_3 : i32
    "tpu.region"() ({
      %run_scoped3A = tpu.sem_alloc : memref<!tpu.dma_semaphore, #tpu.memory_space<semaphore_mem>>
      %dma_start3A_50 = arith.constant 0 : i32
      %dma_start3A_51 = tpu.memref_slice %arg2[%add3A_4, %dma_start3A_50] : memref<128x10240xf32, #tpu.memory_space<hbm>> -> memref<1x10240xf32, #tpu.memory_space<hbm>>
      %dma_start3A_52 = tpu.memref_squeeze %dma_start3A_51 : memref<1x10240xf32, #tpu.memory_space<hbm>> -> memref<10240xf32, #tpu.memory_space<hbm>>
      %dma_start3A_53 = arith.constant 0 : i32
      %dma_start3A_54 = tpu.memref_slice %arg2[%add3A_4, %dma_start3A_53] : memref<128x10240xf32, #tpu.memory_space<hbm>> -> memref<1x10240xf32, #tpu.memory_space<hbm>>
      %dma_start3A_55 = tpu.memref_squeeze %dma_start3A_54 : memref<1x10240xf32, #tpu.memory_space<hbm>> -> memref<10240xf32, #tpu.memory_space<hbm>>
      tpu.enqueue_dma source(%dma_start3A_55 : memref<10240xf32, #tpu.memory_space<hbm>>) target(%arg6 : memref<10240xf32, #tpu.memory_space<vmem>>) target_semaphore(%run_scoped3A : memref<!tpu.dma_semaphore, #tpu.memory_space<semaphore_mem>>)
      %dma_wait3A = arith.constant 0 : i32
      %dma_wait3A_56 = tpu.memref_slice %arg2[%add3A_4, %dma_wait3A] : memref<128x10240xf32, #tpu.memory_space<hbm>> -> memref<1x10240xf32, #tpu.memory_space<hbm>>
      %dma_wait3A_57 = tpu.memref_squeeze %dma_wait3A_56 : memref<1x10240xf32, #tpu.memory_space<hbm>> -> memref<10240xf32, #tpu.memory_space<hbm>>
      %dma_wait3A_58 = arith.constant 0 : i32
      %dma_wait3A_59 = tpu.memref_slice %arg2[%add3A_4, %dma_wait3A_58] : memref<128x10240xf32, #tpu.memory_space<hbm>> -> memref<1x10240xf32, #tpu.memory_space<hbm>>
      %dma_wait3A_60 = tpu.memref_squeeze %dma_wait3A_59 : memref<1x10240xf32, #tpu.memory_space<hbm>> -> memref<10240xf32, #tpu.memory_space<hbm>>
      tpu.wait_dma2 semaphore(%run_scoped3A : memref<!tpu.dma_semaphore, #tpu.memory_space<semaphore_mem>>) src(%dma_wait3A_60 : memref<10240xf32, #tpu.memory_space<hbm>>) dst(%arg6 : memref<10240xf32, #tpu.memory_space<vmem>>)
      tpu.yield
    }) : () -> ()
    %add3A_5 = arith.constant 0 : i32
    %add3A_6 = arith.addi %mul3A_2, %add3A_5 : i32
    "tpu.region"() ({
      %run_scoped3A = tpu.sem_alloc : memref<!tpu.dma_semaphore, #tpu.memory_space<semaphore_mem>>
      %dma_start3A_50 = arith.constant 0 : i32
      %dma_start3A_51 = tpu.memref_slice %arg2[%add3A_6, %dma_start3A_50] : memref<128x10240xf32, #tpu.memory_space<hbm>> -> memref<1x10240xf32, #tpu.memory_space<hbm>>
      %dma_start3A_52 = tpu.memref_squeeze %dma_start3A_51 : memref<1x10240xf32, #tpu.memory_space<hbm>> -> memref<10240xf32, #tpu.memory_space<hbm>>
      %dma_start3A_53 = arith.constant 0 : i32
      %dma_start3A_54 = tpu.memref_slice %arg2[%add3A_6, %dma_start3A_53] : memref<128x10240xf32, #tpu.memory_space<hbm>> -> memref<1x10240xf32, #tpu.memory_space<hbm>>
      %dma_start3A_55 = tpu.memref_squeeze %dma_start3A_54 : memref<1x10240xf32, #tpu.memory_space<hbm>> -> memref<10240xf32, #tpu.memory_space<hbm>>
      tpu.enqueue_dma source(%dma_start3A_55 : memref<10240xf32, #tpu.memory_space<hbm>>) target(%arg10 : memref<10240xf32, #tpu.memory_space<vmem>>) target_semaphore(%run_scoped3A : memref<!tpu.dma_semaphore, #tpu.memory_space<semaphore_mem>>)
      %dma_wait3A = arith.constant 0 : i32
      %dma_wait3A_56 = tpu.memref_slice %arg2[%add3A_6, %dma_wait3A] : memref<128x10240xf32, #tpu.memory_space<hbm>> -> memref<1x10240xf32, #tpu.memory_space<hbm>>
      %dma_wait3A_57 = tpu.memref_squeeze %dma_wait3A_56 : memref<1x10240xf32, #tpu.memory_space<hbm>> -> memref<10240xf32, #tpu.memory_space<hbm>>
      %dma_wait3A_58 = arith.constant 0 : i32
      %dma_wait3A_59 = tpu.memref_slice %arg2[%add3A_6, %dma_wait3A_58] : memref<128x10240xf32, #tpu.memory_space<hbm>> -> memref<1x10240xf32, #tpu.memory_space<hbm>>
      %dma_wait3A_60 = tpu.memref_squeeze %dma_wait3A_59 : memref<1x10240xf32, #tpu.memory_space<hbm>> -> memref<10240xf32, #tpu.memory_space<hbm>>
      tpu.wait_dma2 semaphore(%run_scoped3A : memref<!tpu.dma_semaphore, #tpu.memory_space<semaphore_mem>>) src(%dma_wait3A_60 : memref<10240xf32, #tpu.memory_space<hbm>>) dst(%arg10 : memref<10240xf32, #tpu.memory_space<vmem>>)
      tpu.yield
    }) : () -> ()
    %add3A_7 = arith.constant 1 : i32
    %add3A_8 = arith.addi %mul3A_2, %add3A_7 : i32
    "tpu.region"() ({
      %run_scoped3A = tpu.sem_alloc : memref<!tpu.dma_semaphore, #tpu.memory_space<semaphore_mem>>
      %dma_start3A_50 = arith.constant 0 : i32
      %dma_start3A_51 = tpu.memref_slice %arg2[%add3A_8, %dma_start3A_50] : memref<128x10240xf32, #tpu.memory_space<hbm>> -> memref<1x10240xf32, #tpu.memory_space<hbm>>
      %dma_start3A_52 = tpu.memref_squeeze %dma_start3A_51 : memref<1x10240xf32, #tpu.memory_space<hbm>> -> memref<10240xf32, #tpu.memory_space<hbm>>
      %dma_start3A_53 = arith.constant 0 : i32
      %dma_start3A_54 = tpu.memref_slice %arg2[%add3A_8, %dma_start3A_53] : memref<128x10240xf32, #tpu.memory_space<hbm>> -> memref<1x10240xf32, #tpu.memory_space<hbm>>
      %dma_start3A_55 = tpu.memref_squeeze %dma_start3A_54 : memref<1x10240xf32, #tpu.memory_space<hbm>> -> memref<10240xf32, #tpu.memory_space<hbm>>
      tpu.enqueue_dma source(%dma_start3A_55 : memref<10240xf32, #tpu.memory_space<hbm>>) target(%arg7 : memref<10240xf32, #tpu.memory_space<vmem>>) target_semaphore(%run_scoped3A : memref<!tpu.dma_semaphore, #tpu.memory_space<semaphore_mem>>)
      %dma_wait3A = arith.constant 0 : i32
      %dma_wait3A_56 = tpu.memref_slice %arg2[%add3A_8, %dma_wait3A] : memref<128x10240xf32, #tpu.memory_space<hbm>> -> memref<1x10240xf32, #tpu.memory_space<hbm>>
      %dma_wait3A_57 = tpu.memref_squeeze %dma_wait3A_56 : memref<1x10240xf32, #tpu.memory_space<hbm>> -> memref<10240xf32, #tpu.memory_space<hbm>>
      %dma_wait3A_58 = arith.constant 0 : i32
      %dma_wait3A_59 = tpu.memref_slice %arg2[%add3A_8, %dma_wait3A_58] : memref<128x10240xf32, #tpu.memory_space<hbm>> -> memref<1x10240xf32, #tpu.memory_space<hbm>>
      %dma_wait3A_60 = tpu.memref_squeeze %dma_wait3A_59 : memref<1x10240xf32, #tpu.memory_space<hbm>> -> memref<10240xf32, #tpu.memory_space<hbm>>
      tpu.wait_dma2 semaphore(%run_scoped3A : memref<!tpu.dma_semaphore, #tpu.memory_space<semaphore_mem>>) src(%dma_wait3A_60 : memref<10240xf32, #tpu.memory_space<hbm>>) dst(%arg7 : memref<10240xf32, #tpu.memory_space<vmem>>)
      tpu.yield
    }) : () -> ()
    %add3A_9 = arith.constant 1 : i32
    %add3A_10 = arith.addi %mul3A_2, %add3A_9 : i32
    "tpu.region"() ({
      %run_scoped3A = tpu.sem_alloc : memref<!tpu.dma_semaphore, #tpu.memory_space<semaphore_mem>>
      %dma_start3A_50 = arith.constant 0 : i32
      %dma_start3A_51 = tpu.memref_slice %arg2[%add3A_10, %dma_start3A_50] : memref<128x10240xf32, #tpu.memory_space<hbm>> -> memref<1x10240xf32, #tpu.memory_space<hbm>>
      %dma_start3A_52 = tpu.memref_squeeze %dma_start3A_51 : memref<1x10240xf32, #tpu.memory_space<hbm>> -> memref<10240xf32, #tpu.memory_space<hbm>>
      %dma_start3A_53 = arith.constant 0 : i32
      %dma_start3A_54 = tpu.memref_slice %arg2[%add3A_10, %dma_start3A_53] : memref<128x10240xf32, #tpu.memory_space<hbm>> -> memref<1x10240xf32, #tpu.memory_space<hbm>>
      %dma_start3A_55 = tpu.memref_squeeze %dma_start3A_54 : memref<1x10240xf32, #tpu.memory_space<hbm>> -> memref<10240xf32, #tpu.memory_space<hbm>>
      tpu.enqueue_dma source(%dma_start3A_55 : memref<10240xf32, #tpu.memory_space<hbm>>) target(%arg11 : memref<10240xf32, #tpu.memory_space<vmem>>) target_semaphore(%run_scoped3A : memref<!tpu.dma_semaphore, #tpu.memory_space<semaphore_mem>>)
      %dma_wait3A = arith.constant 0 : i32
      %dma_wait3A_56 = tpu.memref_slice %arg2[%add3A_10, %dma_wait3A] : memref<128x10240xf32, #tpu.memory_space<hbm>> -> memref<1x10240xf32, #tpu.memory_space<hbm>>
      %dma_wait3A_57 = tpu.memref_squeeze %dma_wait3A_56 : memref<1x10240xf32, #tpu.memory_space<hbm>> -> memref<10240xf32, #tpu.memory_space<hbm>>
      %dma_wait3A_58 = arith.constant 0 : i32
      %dma_wait3A_59 = tpu.memref_slice %arg2[%add3A_10, %dma_wait3A_58] : memref<128x10240xf32, #tpu.memory_space<hbm>> -> memref<1x10240xf32, #tpu.memory_space<hbm>>
      %dma_wait3A_60 = tpu.memref_squeeze %dma_wait3A_59 : memref<1x10240xf32, #tpu.memory_space<hbm>> -> memref<10240xf32, #tpu.memory_space<hbm>>
      tpu.wait_dma2 semaphore(%run_scoped3A : memref<!tpu.dma_semaphore, #tpu.memory_space<semaphore_mem>>) src(%dma_wait3A_60 : memref<10240xf32, #tpu.memory_space<hbm>>) dst(%arg11 : memref<10240xf32, #tpu.memory_space<vmem>>)
      tpu.yield
    }) : () -> ()
    %add3A_11 = arith.constant 2 : i32
    %add3A_12 = arith.addi %mul3A_2, %add3A_11 : i32
    "tpu.region"() ({
      %run_scoped3A = tpu.sem_alloc : memref<!tpu.dma_semaphore, #tpu.memory_space<semaphore_mem>>
      %dma_start3A_50 = arith.constant 0 : i32
      %dma_start3A_51 = tpu.memref_slice %arg2[%add3A_12, %dma_start3A_50] : memref<128x10240xf32, #tpu.memory_space<hbm>> -> memref<1x10240xf32, #tpu.memory_space<hbm>>
      %dma_start3A_52 = tpu.memref_squeeze %dma_start3A_51 : memref<1x10240xf32, #tpu.memory_space<hbm>> -> memref<10240xf32, #tpu.memory_space<hbm>>
      %dma_start3A_53 = arith.constant 0 : i32
      %dma_start3A_54 = tpu.memref_slice %arg2[%add3A_12, %dma_start3A_53] : memref<128x10240xf32, #tpu.memory_space<hbm>> -> memref<1x10240xf32, #tpu.memory_space<hbm>>
      %dma_start3A_55 = tpu.memref_squeeze %dma_start3A_54 : memref<1x10240xf32, #tpu.memory_space<hbm>> -> memref<10240xf32, #tpu.memory_space<hbm>>
      tpu.enqueue_dma source(%dma_start3A_55 : memref<10240xf32, #tpu.memory_space<hbm>>) target(%arg8 : memref<10240xf32, #tpu.memory_space<vmem>>) target_semaphore(%run_scoped3A : memref<!tpu.dma_semaphore, #tpu.memory_space<semaphore_mem>>)
      %dma_wait3A = arith.constant 0 : i32
      %dma_wait3A_56 = tpu.memref_slice %arg2[%add3A_12, %dma_wait3A] : memref<128x10240xf32, #tpu.memory_space<hbm>> -> memref<1x10240xf32, #tpu.memory_space<hbm>>
      %dma_wait3A_57 = tpu.memref_squeeze %dma_wait3A_56 : memref<1x10240xf32, #tpu.memory_space<hbm>> -> memref<10240xf32, #tpu.memory_space<hbm>>
      %dma_wait3A_58 = arith.constant 0 : i32
      %dma_wait3A_59 = tpu.memref_slice %arg2[%add3A_12, %dma_wait3A_58] : memref<128x10240xf32, #tpu.memory_space<hbm>> -> memref<1x10240xf32, #tpu.memory_space<hbm>>
      %dma_wait3A_60 = tpu.memref_squeeze %dma_wait3A_59 : memref<1x10240xf32, #tpu.memory_space<hbm>> -> memref<10240xf32, #tpu.memory_space<hbm>>
      tpu.wait_dma2 semaphore(%run_scoped3A : memref<!tpu.dma_semaphore, #tpu.memory_space<semaphore_mem>>) src(%dma_wait3A_60 : memref<10240xf32, #tpu.memory_space<hbm>>) dst(%arg8 : memref<10240xf32, #tpu.memory_space<vmem>>)
      tpu.yield
    }) : () -> ()
    %add3A_13 = arith.constant 2 : i32
    %add3A_14 = arith.addi %mul3A_2, %add3A_13 : i32
    "tpu.region"() ({
      %run_scoped3A = tpu.sem_alloc : memref<!tpu.dma_semaphore, #tpu.memory_space<semaphore_mem>>
      %dma_start3A_50 = arith.constant 0 : i32
      %dma_start3A_51 = tpu.memref_slice %arg2[%add3A_14, %dma_start3A_50] : memref<128x10240xf32, #tpu.memory_space<hbm>> -> memref<1x10240xf32, #tpu.memory_space<hbm>>
      %dma_start3A_52 = tpu.memref_squeeze %dma_start3A_51 : memref<1x10240xf32, #tpu.memory_space<hbm>> -> memref<10240xf32, #tpu.memory_space<hbm>>
      %dma_start3A_53 = arith.constant 0 : i32
      %dma_start3A_54 = tpu.memref_slice %arg2[%add3A_14, %dma_start3A_53] : memref<128x10240xf32, #tpu.memory_space<hbm>> -> memref<1x10240xf32, #tpu.memory_space<hbm>>
      %dma_start3A_55 = tpu.memref_squeeze %dma_start3A_54 : memref<1x10240xf32, #tpu.memory_space<hbm>> -> memref<10240xf32, #tpu.memory_space<hbm>>
      tpu.enqueue_dma source(%dma_start3A_55 : memref<10240xf32, #tpu.memory_space<hbm>>) target(%arg12 : memref<10240xf32, #tpu.memory_space<vmem>>) target_semaphore(%run_scoped3A : memref<!tpu.dma_semaphore, #tpu.memory_space<semaphore_mem>>)
      %dma_wait3A = arith.constant 0 : i32
      %dma_wait3A_56 = tpu.memref_slice %arg2[%add3A_14, %dma_wait3A] : memref<128x10240xf32, #tpu.memory_space<hbm>> -> memref<1x10240xf32, #tpu.memory_space<hbm>>
      %dma_wait3A_57 = tpu.memref_squeeze %dma_wait3A_56 : memref<1x10240xf32, #tpu.memory_space<hbm>> -> memref<10240xf32, #tpu.memory_space<hbm>>
      %dma_wait3A_58 = arith.constant 0 : i32
      %dma_wait3A_59 = tpu.memref_slice %arg2[%add3A_14, %dma_wait3A_58] : memref<128x10240xf32, #tpu.memory_space<hbm>> -> memref<1x10240xf32, #tpu.memory_space<hbm>>
      %dma_wait3A_60 = tpu.memref_squeeze %dma_wait3A_59 : memref<1x10240xf32, #tpu.memory_space<hbm>> -> memref<10240xf32, #tpu.memory_space<hbm>>
      tpu.wait_dma2 semaphore(%run_scoped3A : memref<!tpu.dma_semaphore, #tpu.memory_space<semaphore_mem>>) src(%dma_wait3A_60 : memref<10240xf32, #tpu.memory_space<hbm>>) dst(%arg12 : memref<10240xf32, #tpu.memory_space<vmem>>)
      tpu.yield
    }) : () -> ()
    %add3A_15 = arith.constant 3 : i32
    %add3A_16 = arith.addi %mul3A_2, %add3A_15 : i32
    "tpu.region"() ({
      %run_scoped3A = tpu.sem_alloc : memref<!tpu.dma_semaphore, #tpu.memory_space<semaphore_mem>>
      %dma_start3A_50 = arith.constant 0 : i32
      %dma_start3A_51 = tpu.memref_slice %arg2[%add3A_16, %dma_start3A_50] : memref<128x10240xf32, #tpu.memory_space<hbm>> -> memref<1x10240xf32, #tpu.memory_space<hbm>>
      %dma_start3A_52 = tpu.memref_squeeze %dma_start3A_51 : memref<1x10240xf32, #tpu.memory_space<hbm>> -> memref<10240xf32, #tpu.memory_space<hbm>>
      %dma_start3A_53 = arith.constant 0 : i32
      %dma_start3A_54 = tpu.memref_slice %arg2[%add3A_16, %dma_start3A_53] : memref<128x10240xf32, #tpu.memory_space<hbm>> -> memref<1x10240xf32, #tpu.memory_space<hbm>>
      %dma_start3A_55 = tpu.memref_squeeze %dma_start3A_54 : memref<1x10240xf32, #tpu.memory_space<hbm>> -> memref<10240xf32, #tpu.memory_space<hbm>>
      tpu.enqueue_dma source(%dma_start3A_55 : memref<10240xf32, #tpu.memory_space<hbm>>) target(%arg9 : memref<10240xf32, #tpu.memory_space<vmem>>) target_semaphore(%run_scoped3A : memref<!tpu.dma_semaphore, #tpu.memory_space<semaphore_mem>>)
      %dma_wait3A = arith.constant 0 : i32
      %dma_wait3A_56 = tpu.memref_slice %arg2[%add3A_16, %dma_wait3A] : memref<128x10240xf32, #tpu.memory_space<hbm>> -> memref<1x10240xf32, #tpu.memory_space<hbm>>
      %dma_wait3A_57 = tpu.memref_squeeze %dma_wait3A_56 : memref<1x10240xf32, #tpu.memory_space<hbm>> -> memref<10240xf32, #tpu.memory_space<hbm>>
      %dma_wait3A_58 = arith.constant 0 : i32
      %dma_wait3A_59 = tpu.memref_slice %arg2[%add3A_16, %dma_wait3A_58] : memref<128x10240xf32, #tpu.memory_space<hbm>> -> memref<1x10240xf32, #tpu.memory_space<hbm>>
      %dma_wait3A_60 = tpu.memref_squeeze %dma_wait3A_59 : memref<1x10240xf32, #tpu.memory_space<hbm>> -> memref<10240xf32, #tpu.memory_space<hbm>>
      tpu.wait_dma2 semaphore(%run_scoped3A : memref<!tpu.dma_semaphore, #tpu.memory_space<semaphore_mem>>) src(%dma_wait3A_60 : memref<10240xf32, #tpu.memory_space<hbm>>) dst(%arg9 : memref<10240xf32, #tpu.memory_space<vmem>>)
      tpu.yield
    }) : () -> ()
    %add3A_17 = arith.constant 3 : i32
    %add3A_18 = arith.addi %mul3A_2, %add3A_17 : i32
    "tpu.region"() ({
      %run_scoped3A = tpu.sem_alloc : memref<!tpu.dma_semaphore, #tpu.memory_space<semaphore_mem>>
      %dma_start3A_50 = arith.constant 0 : i32
      %dma_start3A_51 = tpu.memref_slice %arg2[%add3A_18, %dma_start3A_50] : memref<128x10240xf32, #tpu.memory_space<hbm>> -> memref<1x10240xf32, #tpu.memory_space<hbm>>
      %dma_start3A_52 = tpu.memref_squeeze %dma_start3A_51 : memref<1x10240xf32, #tpu.memory_space<hbm>> -> memref<10240xf32, #tpu.memory_space<hbm>>
      %dma_start3A_53 = arith.constant 0 : i32
      %dma_start3A_54 = tpu.memref_slice %arg2[%add3A_18, %dma_start3A_53] : memref<128x10240xf32, #tpu.memory_space<hbm>> -> memref<1x10240xf32, #tpu.memory_space<hbm>>
      %dma_start3A_55 = tpu.memref_squeeze %dma_start3A_54 : memref<1x10240xf32, #tpu.memory_space<hbm>> -> memref<10240xf32, #tpu.memory_space<hbm>>
      tpu.enqueue_dma source(%dma_start3A_55 : memref<10240xf32, #tpu.memory_space<hbm>>) target(%arg13 : memref<10240xf32, #tpu.memory_space<vmem>>) target_semaphore(%run_scoped3A : memref<!tpu.dma_semaphore, #tpu.memory_space<semaphore_mem>>)
      %dma_wait3A = arith.constant 0 : i32
      %dma_wait3A_56 = tpu.memref_slice %arg2[%add3A_18, %dma_wait3A] : memref<128x10240xf32, #tpu.memory_space<hbm>> -> memref<1x10240xf32, #tpu.memory_space<hbm>>
      %dma_wait3A_57 = tpu.memref_squeeze %dma_wait3A_56 : memref<1x10240xf32, #tpu.memory_space<hbm>> -> memref<10240xf32, #tpu.memory_space<hbm>>
      %dma_wait3A_58 = arith.constant 0 : i32
      %dma_wait3A_59 = tpu.memref_slice %arg2[%add3A_18, %dma_wait3A_58] : memref<128x10240xf32, #tpu.memory_space<hbm>> -> memref<1x10240xf32, #tpu.memory_space<hbm>>
      %dma_wait3A_60 = tpu.memref_squeeze %dma_wait3A_59 : memref<1x10240xf32, #tpu.memory_space<hbm>> -> memref<10240xf32, #tpu.memory_space<hbm>>
      tpu.wait_dma2 semaphore(%run_scoped3A : memref<!tpu.dma_semaphore, #tpu.memory_space<semaphore_mem>>) src(%dma_wait3A_60 : memref<10240xf32, #tpu.memory_space<hbm>>) dst(%arg13 : memref<10240xf32, #tpu.memory_space<vmem>>)
      tpu.yield
    }) : () -> ()
    %broadcast_in_dim3A = arith.constant 0 : i32
    %broadcast_in_dim3A_19 = vector.broadcast %broadcast_in_dim3A : i32 to vector<16xi32>
    %broadcast_in_dim3A_20 = arith.constant true
    %broadcast_in_dim3A_21 = vector.broadcast %broadcast_in_dim3A_20 : i1 to vector<16xi1>
    %unique3A, %unique3A_22 = tpu.scan_count mask(%broadcast_in_dim3A_21 : vector<16xi1>) value(%broadcast_in_dim3A_19 : vector<16xi32>) : vector<16xi1>, vector<16xi32>
    %reduce_min3A = arith.constant true
    %reduce_min3A_23 = vector.broadcast %reduce_min3A : i1 to vector<16xi1>
    %reduce_min3A_24 = arith.constant -2147483648 : i32
    %reduce_min3A_25 = vector.broadcast %reduce_min3A_24 : i32 to vector<16xi32>
    %reduce_min3A_26 = arith.xori %unique3A_22, %reduce_min3A_25 : vector<16xi32>
    %reduce_min3A_27 = tpu.scan <min>, %reduce_min3A_26 masked %reduce_min3A_23 : vector<16xi32>, vector<16xi1> -> vector<16xi32>
    %reduce_min3A_28 = arith.xori %reduce_min3A_27, %reduce_min3A_25 : vector<16xi32>
    %reduce_min3A_29 = vector.extract %reduce_min3A_28[15] : i32 from vector<16xi32>
    %dma_start3A = arith.constant 0 : i32
    %dma_start3A_30 = tpu.memref_slice %arg3[%dma_start3A] : memref<320000xi32, #tpu.memory_space<hbm>> -> memref<8000xi32, #tpu.memory_space<hbm>>
    %dma_start3A_31 = arith.constant 0 : i32
    %dma_start3A_32 = tpu.memref_slice %arg3[%dma_start3A_31] : memref<320000xi32, #tpu.memory_space<hbm>> -> memref<8000xi32, #tpu.memory_space<hbm>>
    tpu.enqueue_dma source(%dma_start3A_32 : memref<8000xi32, #tpu.memory_space<hbm>>) target(%arg14 : memref<8000xi32, #tpu.memory_space<vmem>>) target_semaphore(%arg18 : memref<!tpu.dma_semaphore, #tpu.memory_space<semaphore_mem>>)
    %dma_start3A_33 = arith.constant 0 : i32
    %dma_start3A_34 = tpu.memref_slice %arg4[%dma_start3A_33] : memref<320000xi32, #tpu.memory_space<hbm>> -> memref<8000xi32, #tpu.memory_space<hbm>>
    %dma_start3A_35 = arith.constant 0 : i32
    %dma_start3A_36 = tpu.memref_slice %arg4[%dma_start3A_35] : memref<320000xi32, #tpu.memory_space<hbm>> -> memref<8000xi32, #tpu.memory_space<hbm>>
    tpu.enqueue_dma source(%dma_start3A_36 : memref<8000xi32, #tpu.memory_space<hbm>>) target(%arg16 : memref<8000xi32, #tpu.memory_space<vmem>>) target_semaphore(%arg19 : memref<!tpu.dma_semaphore, #tpu.memory_space<semaphore_mem>>)
    %scan3A = arith.constant 0 : i32
    %scan3A_37 = arith.constant 0 : i32
    %scan3A_38 = arith.constant 20 : i32
    %scan3A_39 = arith.addi %scan3A_37, %scan3A_38 : i32
    %scan3A_40 = arith.constant 1 : i32
    scf.for %scan3A_50 = %scan3A_37 to %scan3A_39 step %scan3A_40  : i32 {
      %mul3A_51 = arith.constant 2 : i32
      %mul3A_52 = arith.muli %scan3A_50, %mul3A_51 : i32
      %dma_wait3A = arith.constant 0 : i32
      %dma_wait3A_53 = tpu.memref_slice %arg3[%dma_wait3A] : memref<320000xi32, #tpu.memory_space<hbm>> -> memref<8000xi32, #tpu.memory_space<hbm>>
      %dma_wait3A_54 = arith.constant 0 : i32
      %dma_wait3A_55 = tpu.memref_slice %arg3[%dma_wait3A_54] : memref<320000xi32, #tpu.memory_space<hbm>> -> memref<8000xi32, #tpu.memory_space<hbm>>
      tpu.wait_dma2 semaphore(%arg18 : memref<!tpu.dma_semaphore, #tpu.memory_space<semaphore_mem>>) src(%dma_wait3A_55 : memref<8000xi32, #tpu.memory_space<hbm>>) dst(%arg14 : memref<8000xi32, #tpu.memory_space<vmem>>)
      %dma_wait3A_56 = arith.constant 0 : i32
      %dma_wait3A_57 = tpu.memref_slice %arg4[%dma_wait3A_56] : memref<320000xi32, #tpu.memory_space<hbm>> -> memref<8000xi32, #tpu.memory_space<hbm>>
      %dma_wait3A_58 = arith.constant 0 : i32
      %dma_wait3A_59 = tpu.memref_slice %arg4[%dma_wait3A_58] : memref<320000xi32, #tpu.memory_space<hbm>> -> memref<8000xi32, #tpu.memory_space<hbm>>
      tpu.wait_dma2 semaphore(%arg19 : memref<!tpu.dma_semaphore, #tpu.memory_space<semaphore_mem>>) src(%dma_wait3A_59 : memref<8000xi32, #tpu.memory_space<hbm>>) dst(%arg16 : memref<8000xi32, #tpu.memory_space<vmem>>)
      %add3A_60 = arith.constant 1 : i32
      %add3A_61 = arith.addi %mul3A_52, %add3A_60 : i32
      %mul3A_62 = arith.constant 8000 : i32
      %mul3A_63 = arith.muli %add3A_61, %mul3A_62 : i32
      %dma_start3A_64 = tpu.memref_slice %arg3[%mul3A_63] : memref<320000xi32, #tpu.memory_space<hbm>> -> memref<8000xi32, #tpu.memory_space<hbm>>
      %dma_start3A_65 = tpu.memref_slice %arg3[%mul3A_63] : memref<320000xi32, #tpu.memory_space<hbm>> -> memref<8000xi32, #tpu.memory_space<hbm>>
      tpu.enqueue_dma source(%dma_start3A_65 : memref<8000xi32, #tpu.memory_space<hbm>>) target(%arg15 : memref<8000xi32, #tpu.memory_space<vmem>>) target_semaphore(%arg20 : memref<!tpu.dma_semaphore, #tpu.memory_space<semaphore_mem>>)
      %dma_start3A_66 = tpu.memref_slice %arg4[%mul3A_63] : memref<320000xi32, #tpu.memory_space<hbm>> -> memref<8000xi32, #tpu.memory_space<hbm>>
      %dma_start3A_67 = tpu.memref_slice %arg4[%mul3A_63] : memref<320000xi32, #tpu.memory_space<hbm>> -> memref<8000xi32, #tpu.memory_space<hbm>>
      tpu.enqueue_dma source(%dma_start3A_67 : memref<8000xi32, #tpu.memory_space<hbm>>) target(%arg17 : memref<8000xi32, #tpu.memory_space<vmem>>) target_semaphore(%arg21 : memref<!tpu.dma_semaphore, #tpu.memory_space<semaphore_mem>>)
      %broadcast_in_dim3A_68 = arith.constant false
      %broadcast_in_dim3A_69 = vector.broadcast %broadcast_in_dim3A_68 : i1 to vector<16xi1>
      %scan3A_70 = arith.constant 0 : i32
      %scan3A_71 = arith.constant 500 : i32
      %scan3A_72 = arith.addi %scan3A_70, %scan3A_71 : i32
      %scan3A_73 = arith.constant 4 : i32
      %scan3A_74 = scf.for %scan3A_123 = %scan3A_70 to %scan3A_72 step %scan3A_73 iter_args(%scan3A_124 = %broadcast_in_dim3A_69) -> (vector<16xi1>)  : i32 {
        %mul3A_125 = arith.constant 16 : i32
        %mul3A_126 = arith.muli %scan3A_123, %mul3A_125 : i32
        %get3A = arith.index_cast %mul3A_126 : i32 to index
        %get3A_127 = tpu.vector_load %arg14[%get3A] {strides = array<i32>} : memref<8000xi32, #tpu.memory_space<vmem>>, vector<16xi32>,
        %get3A_128 = arith.index_cast %mul3A_126 : i32 to index
        %get3A_129 = tpu.vector_load %arg16[%get3A_128] {strides = array<i32>} : memref<8000xi32, #tpu.memory_space<vmem>>, vector<16xi32>,
        %gather3A = tpu.vector_load_idx %arg6[%get3A_127] : memref<10240xf32, #tpu.memory_space<vmem>>[vector<16xi32>], vector<16xf32>,
        %gather3A_130 = tpu.vector_load_idx %arg7[%get3A_127] : memref<10240xf32, #tpu.memory_space<vmem>>[vector<16xi32>], vector<16xf32>,
        %gather3A_131 = tpu.vector_load_idx %arg8[%get3A_127] : memref<10240xf32, #tpu.memory_space<vmem>>[vector<16xi32>], vector<16xf32>,
        %gather3A_132 = tpu.vector_load_idx %arg9[%get3A_127] : memref<10240xf32, #tpu.memory_space<vmem>>[vector<16xi32>], vector<16xf32>,
        %broadcast_in_dim3A_133 = arith.constant true
        %broadcast_in_dim3A_134 = vector.broadcast %broadcast_in_dim3A_133 : i1 to vector<16xi1>
        %unique3A_135, %unique3A_136 = tpu.scan_count mask(%broadcast_in_dim3A_134 : vector<16xi1>) value(%get3A_129 : vector<16xi32>) : vector<16xi1>, vector<16xi32>
        %eq3A = vector.broadcast %reduce_min3A_29 : i32 to vector<16xi32>
        %eq3A_137 = arith.cmpi eq, %unique3A_136, %eq3A : vector<16xi32>
        %not3A = arith.constant dense<true> : vector<16xi1>
        %not3A_138 = arith.xori %unique3A_135, %not3A : vector<16xi1>
        %gather3A_139 = tpu.vector_load_idx %arg10[%get3A_129] : memref<10240xf32, #tpu.memory_space<vmem>>[vector<16xi32>], vector<16xf32>,
        %gather3A_140 = tpu.vector_load_idx %arg11[%get3A_129] : memref<10240xf32, #tpu.memory_space<vmem>>[vector<16xi32>], vector<16xf32>,
        %gather3A_141 = tpu.vector_load_idx %arg12[%get3A_129] : memref<10240xf32, #tpu.memory_space<vmem>>[vector<16xi32>], vector<16xf32>,
        %gather3A_142 = tpu.vector_load_idx %arg13[%get3A_129] : memref<10240xf32, #tpu.memory_space<vmem>>[vector<16xi32>], vector<16xf32>,
        %max3A = arith.maximumf %gather3A_139, %gather3A : vector<16xf32>
        %max3A_143 = arith.maximumf %gather3A_140, %gather3A_130 : vector<16xf32>
        %max3A_144 = arith.maximumf %gather3A_141, %gather3A_131 : vector<16xf32>
        %max3A_145 = arith.maximumf %gather3A_142, %gather3A_132 : vector<16xf32>
        tpu.vector_store_idx %arg10[%get3A_129], %max3A masked %unique3A_135 : memref<10240xf32, #tpu.memory_space<vmem>>[vector<16xi32>], vector<16xf32>, vector<16xi1>
        tpu.vector_store_idx %arg11[%get3A_129], %max3A_143 masked %unique3A_135 : memref<10240xf32, #tpu.memory_space<vmem>>[vector<16xi32>], vector<16xf32>, vector<16xi1>
        tpu.vector_store_idx %arg12[%get3A_129], %max3A_144 masked %unique3A_135 : memref<10240xf32, #tpu.memory_space<vmem>>[vector<16xi32>], vector<16xf32>, vector<16xi1>
        tpu.vector_store_idx %arg13[%get3A_129], %max3A_145 masked %unique3A_135 : memref<10240xf32, #tpu.memory_space<vmem>>[vector<16xi32>], vector<16xf32>, vector<16xi1>
        %and3A = arith.andi %eq3A_137, %not3A_138 : vector<16xi1>
        %gather3A_146 = tpu.vector_load_idx %arg10[%get3A_129] : memref<10240xf32, #tpu.memory_space<vmem>>[vector<16xi32>], vector<16xf32>,
        %gather3A_147 = tpu.vector_load_idx %arg11[%get3A_129] : memref<10240xf32, #tpu.memory_space<vmem>>[vector<16xi32>], vector<16xf32>,
        %gather3A_148 = tpu.vector_load_idx %arg12[%get3A_129] : memref<10240xf32, #tpu.memory_space<vmem>>[vector<16xi32>], vector<16xf32>,
        %gather3A_149 = tpu.vector_load_idx %arg13[%get3A_129] : memref<10240xf32, #tpu.memory_space<vmem>>[vector<16xi32>], vector<16xf32>,
        %max3A_150 = arith.maximumf %gather3A_146, %gather3A : vector<16xf32>
        %max3A_151 = arith.maximumf %gather3A_147, %gather3A_130 : vector<16xf32>
        %max3A_152 = arith.maximumf %gather3A_148, %gather3A_131 : vector<16xf32>
        %max3A_153 = arith.maximumf %gather3A_149, %gather3A_132 : vector<16xf32>
        tpu.vector_store_idx %arg10[%get3A_129], %max3A_150 masked %and3A : memref<10240xf32, #tpu.memory_space<vmem>>[vector<16xi32>], vector<16xf32>, vector<16xi1>
        tpu.vector_store_idx %arg11[%get3A_129], %max3A_151 masked %and3A : memref<10240xf32, #tpu.memory_space<vmem>>[vector<16xi32>], vector<16xf32>, vector<16xi1>
        tpu.vector_store_idx %arg12[%get3A_129], %max3A_152 masked %and3A : memref<10240xf32, #tpu.memory_space<vmem>>[vector<16xi32>], vector<16xf32>, vector<16xi1>
        tpu.vector_store_idx %arg13[%get3A_129], %max3A_153 masked %and3A : memref<10240xf32, #tpu.memory_space<vmem>>[vector<16xi32>], vector<16xf32>, vector<16xi1>
        %not3A_154 = arith.constant dense<true> : vector<16xi1>
        %not3A_155 = arith.xori %eq3A_137, %not3A_154 : vector<16xi1>
        %and3A_156 = arith.andi %not3A_138, %not3A_155 : vector<16xi1>
        %or3A = arith.ori %scan3A_124, %and3A_156 : vector<16xi1>
        %scan3A_157 = arith.constant 1 : i32
        %scan3A_158 = arith.addi %scan3A_123, %scan3A_157 : i32
        %mul3A_159 = arith.constant 16 : i32
        %mul3A_160 = arith.muli %scan3A_158, %mul3A_159 : i32
        %get3A_161 = arith.index_cast %mul3A_160 : i32 to index
        %get3A_162 = tpu.vector_load %arg14[%get3A_161] {strides = array<i32>} : memref<8000xi32, #tpu.memory_space<vmem>>, vector<16xi32>,
        %get3A_163 = arith.index_cast %mul3A_160 : i32 to index
        %get3A_164 = tpu.vector_load %arg16[%get3A_163] {strides = array<i32>} : memref<8000xi32, #tpu.memory_space<vmem>>, vector<16xi32>,
        %gather3A_165 = tpu.vector_load_idx %arg6[%get3A_162] : memref<10240xf32, #tpu.memory_space<vmem>>[vector<16xi32>], vector<16xf32>,
        %gather3A_166 = tpu.vector_load_idx %arg7[%get3A_162] : memref<10240xf32, #tpu.memory_space<vmem>>[vector<16xi32>], vector<16xf32>,
        %gather3A_167 = tpu.vector_load_idx %arg8[%get3A_162] : memref<10240xf32, #tpu.memory_space<vmem>>[vector<16xi32>], vector<16xf32>,
        %gather3A_168 = tpu.vector_load_idx %arg9[%get3A_162] : memref<10240xf32, #tpu.memory_space<vmem>>[vector<16xi32>], vector<16xf32>,
        %broadcast_in_dim3A_169 = arith.constant true
        %broadcast_in_dim3A_170 = vector.broadcast %broadcast_in_dim3A_169 : i1 to vector<16xi1>
        %unique3A_171, %unique3A_172 = tpu.scan_count mask(%broadcast_in_dim3A_170 : vector<16xi1>) value(%get3A_164 : vector<16xi32>) : vector<16xi1>, vector<16xi32>
        %eq3A_173 = vector.broadcast %reduce_min3A_29 : i32 to vector<16xi32>
        %eq3A_174 = arith.cmpi eq, %unique3A_172, %eq3A_173 : vector<16xi32>
        %not3A_175 = arith.constant dense<true> : vector<16xi1>
        %not3A_176 = arith.xori %unique3A_171, %not3A_175 : vector<16xi1>
        %gather3A_177 = tpu.vector_load_idx %arg10[%get3A_164] : memref<10240xf32, #tpu.memory_space<vmem>>[vector<16xi32>], vector<16xf32>,
        %gather3A_178 = tpu.vector_load_idx %arg11[%get3A_164] : memref<10240xf32, #tpu.memory_space<vmem>>[vector<16xi32>], vector<16xf32>,
        %gather3A_179 = tpu.vector_load_idx %arg12[%get3A_164] : memref<10240xf32, #tpu.memory_space<vmem>>[vector<16xi32>], vector<16xf32>,
        %gather3A_180 = tpu.vector_load_idx %arg13[%get3A_164] : memref<10240xf32, #tpu.memory_space<vmem>>[vector<16xi32>], vector<16xf32>,
        %max3A_181 = arith.maximumf %gather3A_177, %gather3A_165 : vector<16xf32>
        %max3A_182 = arith.maximumf %gather3A_178, %gather3A_166 : vector<16xf32>
        %max3A_183 = arith.maximumf %gather3A_179, %gather3A_167 : vector<16xf32>
        %max3A_184 = arith.maximumf %gather3A_180, %gather3A_168 : vector<16xf32>
        tpu.vector_store_idx %arg10[%get3A_164], %max3A_181 masked %unique3A_171 : memref<10240xf32, #tpu.memory_space<vmem>>[vector<16xi32>], vector<16xf32>, vector<16xi1>
        tpu.vector_store_idx %arg11[%get3A_164], %max3A_182 masked %unique3A_171 : memref<10240xf32, #tpu.memory_space<vmem>>[vector<16xi32>], vector<16xf32>, vector<16xi1>
        tpu.vector_store_idx %arg12[%get3A_164], %max3A_183 masked %unique3A_171 : memref<10240xf32, #tpu.memory_space<vmem>>[vector<16xi32>], vector<16xf32>, vector<16xi1>
        tpu.vector_store_idx %arg13[%get3A_164], %max3A_184 masked %unique3A_171 : memref<10240xf32, #tpu.memory_space<vmem>>[vector<16xi32>], vector<16xf32>, vector<16xi1>
        %and3A_185 = arith.andi %eq3A_174, %not3A_176 : vector<16xi1>
        %gather3A_186 = tpu.vector_load_idx %arg10[%get3A_164] : memref<10240xf32, #tpu.memory_space<vmem>>[vector<16xi32>], vector<16xf32>,
        %gather3A_187 = tpu.vector_load_idx %arg11[%get3A_164] : memref<10240xf32, #tpu.memory_space<vmem>>[vector<16xi32>], vector<16xf32>,
        %gather3A_188 = tpu.vector_load_idx %arg12[%get3A_164] : memref<10240xf32, #tpu.memory_space<vmem>>[vector<16xi32>], vector<16xf32>,
        %gather3A_189 = tpu.vector_load_idx %arg13[%get3A_164] : memref<10240xf32, #tpu.memory_space<vmem>>[vector<16xi32>], vector<16xf32>,
        %max3A_190 = arith.maximumf %gather3A_186, %gather3A_165 : vector<16xf32>
        %max3A_191 = arith.maximumf %gather3A_187, %gather3A_166 : vector<16xf32>
        %max3A_192 = arith.maximumf %gather3A_188, %gather3A_167 : vector<16xf32>
        %max3A_193 = arith.maximumf %gather3A_189, %gather3A_168 : vector<16xf32>
        tpu.vector_store_idx %arg10[%get3A_164], %max3A_190 masked %and3A_185 : memref<10240xf32, #tpu.memory_space<vmem>>[vector<16xi32>], vector<16xf32>, vector<16xi1>
        tpu.vector_store_idx %arg11[%get3A_164], %max3A_191 masked %and3A_185 : memref<10240xf32, #tpu.memory_space<vmem>>[vector<16xi32>], vector<16xf32>, vector<16xi1>
        tpu.vector_store_idx %arg12[%get3A_164], %max3A_192 masked %and3A_185 : memref<10240xf32, #tpu.memory_space<vmem>>[vector<16xi32>], vector<16xf32>, vector<16xi1>
        tpu.vector_store_idx %arg13[%get3A_164], %max3A_193 masked %and3A_185 : memref<10240xf32, #tpu.memory_space<vmem>>[vector<16xi32>], vector<16xf32>, vector<16xi1>
        %not3A_194 = arith.constant dense<true> : vector<16xi1>
        %not3A_195 = arith.xori %eq3A_174, %not3A_194 : vector<16xi1>
        %and3A_196 = arith.andi %not3A_176, %not3A_195 : vector<16xi1>
        %or3A_197 = arith.ori %or3A, %and3A_196 : vector<16xi1>
        %scan3A_198 = arith.constant 2 : i32
        %scan3A_199 = arith.addi %scan3A_123, %scan3A_198 : i32
        %mul3A_200 = arith.constant 16 : i32
        %mul3A_201 = arith.muli %scan3A_199, %mul3A_200 : i32
        %get3A_202 = arith.index_cast %mul3A_201 : i32 to index
        %get3A_203 = tpu.vector_load %arg14[%get3A_202] {strides = array<i32>} : memref<8000xi32, #tpu.memory_space<vmem>>, vector<16xi32>,
        %get3A_204 = arith.index_cast %mul3A_201 : i32 to index
        %get3A_205 = tpu.vector_load %arg16[%get3A_204] {strides = array<i32>} : memref<8000xi32, #tpu.memory_space<vmem>>, vector<16xi32>,
        %gather3A_206 = tpu.vector_load_idx %arg6[%get3A_203] : memref<10240xf32, #tpu.memory_space<vmem>>[vector<16xi32>], vector<16xf32>,
        %gather3A_207 = tpu.vector_load_idx %arg7[%get3A_203] : memref<10240xf32, #tpu.memory_space<vmem>>[vector<16xi32>], vector<16xf32>,
        %gather3A_208 = tpu.vector_load_idx %arg8[%get3A_203] : memref<10240xf32, #tpu.memory_space<vmem>>[vector<16xi32>], vector<16xf32>,
        %gather3A_209 = tpu.vector_load_idx %arg9[%get3A_203] : memref<10240xf32, #tpu.memory_space<vmem>>[vector<16xi32>], vector<16xf32>,
        %broadcast_in_dim3A_210 = arith.constant true
        %broadcast_in_dim3A_211 = vector.broadcast %broadcast_in_dim3A_210 : i1 to vector<16xi1>
        %unique3A_212, %unique3A_213 = tpu.scan_count mask(%broadcast_in_dim3A_211 : vector<16xi1>) value(%get3A_205 : vector<16xi32>) : vector<16xi1>, vector<16xi32>
        %eq3A_214 = vector.broadcast %reduce_min3A_29 : i32 to vector<16xi32>
        %eq3A_215 = arith.cmpi eq, %unique3A_213, %eq3A_214 : vector<16xi32>
        %not3A_216 = arith.constant dense<true> : vector<16xi1>
        %not3A_217 = arith.xori %unique3A_212, %not3A_216 : vector<16xi1>
        %gather3A_218 = tpu.vector_load_idx %arg10[%get3A_205] : memref<10240xf32, #tpu.memory_space<vmem>>[vector<16xi32>], vector<16xf32>,
        %gather3A_219 = tpu.vector_load_idx %arg11[%get3A_205] : memref<10240xf32, #tpu.memory_space<vmem>>[vector<16xi32>], vector<16xf32>,
        %gather3A_220 = tpu.vector_load_idx %arg12[%get3A_205] : memref<10240xf32, #tpu.memory_space<vmem>>[vector<16xi32>], vector<16xf32>,
        %gather3A_221 = tpu.vector_load_idx %arg13[%get3A_205] : memref<10240xf32, #tpu.memory_space<vmem>>[vector<16xi32>], vector<16xf32>,
        %max3A_222 = arith.maximumf %gather3A_218, %gather3A_206 : vector<16xf32>
        %max3A_223 = arith.maximumf %gather3A_219, %gather3A_207 : vector<16xf32>
        %max3A_224 = arith.maximumf %gather3A_220, %gather3A_208 : vector<16xf32>
        %max3A_225 = arith.maximumf %gather3A_221, %gather3A_209 : vector<16xf32>
        tpu.vector_store_idx %arg10[%get3A_205], %max3A_222 masked %unique3A_212 : memref<10240xf32, #tpu.memory_space<vmem>>[vector<16xi32>], vector<16xf32>, vector<16xi1>
        tpu.vector_store_idx %arg11[%get3A_205], %max3A_223 masked %unique3A_212 : memref<10240xf32, #tpu.memory_space<vmem>>[vector<16xi32>], vector<16xf32>, vector<16xi1>
        tpu.vector_store_idx %arg12[%get3A_205], %max3A_224 masked %unique3A_212 : memref<10240xf32, #tpu.memory_space<vmem>>[vector<16xi32>], vector<16xf32>, vector<16xi1>
        tpu.vector_store_idx %arg13[%get3A_205], %max3A_225 masked %unique3A_212 : memref<10240xf32, #tpu.memory_space<vmem>>[vector<16xi32>], vector<16xf32>, vector<16xi1>
        %and3A_226 = arith.andi %eq3A_215, %not3A_217 : vector<16xi1>
        %gather3A_227 = tpu.vector_load_idx %arg10[%get3A_205] : memref<10240xf32, #tpu.memory_space<vmem>>[vector<16xi32>], vector<16xf32>,
        %gather3A_228 = tpu.vector_load_idx %arg11[%get3A_205] : memref<10240xf32, #tpu.memory_space<vmem>>[vector<16xi32>], vector<16xf32>,
        %gather3A_229 = tpu.vector_load_idx %arg12[%get3A_205] : memref<10240xf32, #tpu.memory_space<vmem>>[vector<16xi32>], vector<16xf32>,
        %gather3A_230 = tpu.vector_load_idx %arg13[%get3A_205] : memref<10240xf32, #tpu.memory_space<vmem>>[vector<16xi32>], vector<16xf32>,
        %max3A_231 = arith.maximumf %gather3A_227, %gather3A_206 : vector<16xf32>
        %max3A_232 = arith.maximumf %gather3A_228, %gather3A_207 : vector<16xf32>
        %max3A_233 = arith.maximumf %gather3A_229, %gather3A_208 : vector<16xf32>
        %max3A_234 = arith.maximumf %gather3A_230, %gather3A_209 : vector<16xf32>
        tpu.vector_store_idx %arg10[%get3A_205], %max3A_231 masked %and3A_226 : memref<10240xf32, #tpu.memory_space<vmem>>[vector<16xi32>], vector<16xf32>, vector<16xi1>
        tpu.vector_store_idx %arg11[%get3A_205], %max3A_232 masked %and3A_226 : memref<10240xf32, #tpu.memory_space<vmem>>[vector<16xi32>], vector<16xf32>, vector<16xi1>
        tpu.vector_store_idx %arg12[%get3A_205], %max3A_233 masked %and3A_226 : memref<10240xf32, #tpu.memory_space<vmem>>[vector<16xi32>], vector<16xf32>, vector<16xi1>
        tpu.vector_store_idx %arg13[%get3A_205], %max3A_234 masked %and3A_226 : memref<10240xf32, #tpu.memory_space<vmem>>[vector<16xi32>], vector<16xf32>, vector<16xi1>
        %not3A_235 = arith.constant dense<true> : vector<16xi1>
        %not3A_236 = arith.xori %eq3A_215, %not3A_235 : vector<16xi1>
        %and3A_237 = arith.andi %not3A_217, %not3A_236 : vector<16xi1>
        %or3A_238 = arith.ori %or3A_197, %and3A_237 : vector<16xi1>
        %scan3A_239 = arith.constant 3 : i32
        %scan3A_240 = arith.addi %scan3A_123, %scan3A_239 : i32
        %mul3A_241 = arith.constant 16 : i32
        %mul3A_242 = arith.muli %scan3A_240, %mul3A_241 : i32
        %get3A_243 = arith.index_cast %mul3A_242 : i32 to index
        %get3A_244 = tpu.vector_load %arg14[%get3A_243] {strides = array<i32>} : memref<8000xi32, #tpu.memory_space<vmem>>, vector<16xi32>,
        %get3A_245 = arith.index_cast %mul3A_242 : i32 to index
        %get3A_246 = tpu.vector_load %arg16[%get3A_245] {strides = array<i32>} : memref<8000xi32, #tpu.memory_space<vmem>>, vector<16xi32>,
        %gather3A_247 = tpu.vector_load_idx %arg6[%get3A_244] : memref<10240xf32, #tpu.memory_space<vmem>>[vector<16xi32>], vector<16xf32>,
        %gather3A_248 = tpu.vector_load_idx %arg7[%get3A_244] : memref<10240xf32, #tpu.memory_space<vmem>>[vector<16xi32>], vector<16xf32>,
        %gather3A_249 = tpu.vector_load_idx %arg8[%get3A_244] : memref<10240xf32, #tpu.memory_space<vmem>>[vector<16xi32>], vector<16xf32>,
        %gather3A_250 = tpu.vector_load_idx %arg9[%get3A_244] : memref<10240xf32, #tpu.memory_space<vmem>>[vector<16xi32>], vector<16xf32>,
        %broadcast_in_dim3A_251 = arith.constant true
        %broadcast_in_dim3A_252 = vector.broadcast %broadcast_in_dim3A_251 : i1 to vector<16xi1>
        %unique3A_253, %unique3A_254 = tpu.scan_count mask(%broadcast_in_dim3A_252 : vector<16xi1>) value(%get3A_246 : vector<16xi32>) : vector<16xi1>, vector<16xi32>
        %eq3A_255 = vector.broadcast %reduce_min3A_29 : i32 to vector<16xi32>
        %eq3A_256 = arith.cmpi eq, %unique3A_254, %eq3A_255 : vector<16xi32>
        %not3A_257 = arith.constant dense<true> : vector<16xi1>
        %not3A_258 = arith.xori %unique3A_253, %not3A_257 : vector<16xi1>
        %gather3A_259 = tpu.vector_load_idx %arg10[%get3A_246] : memref<10240xf32, #tpu.memory_space<vmem>>[vector<16xi32>], vector<16xf32>,
        %gather3A_260 = tpu.vector_load_idx %arg11[%get3A_246] : memref<10240xf32, #tpu.memory_space<vmem>>[vector<16xi32>], vector<16xf32>,
        %gather3A_261 = tpu.vector_load_idx %arg12[%get3A_246] : memref<10240xf32, #tpu.memory_space<vmem>>[vector<16xi32>], vector<16xf32>,
        %gather3A_262 = tpu.vector_load_idx %arg13[%get3A_246] : memref<10240xf32, #tpu.memory_space<vmem>>[vector<16xi32>], vector<16xf32>,
        %max3A_263 = arith.maximumf %gather3A_259, %gather3A_247 : vector<16xf32>
        %max3A_264 = arith.maximumf %gather3A_260, %gather3A_248 : vector<16xf32>
        %max3A_265 = arith.maximumf %gather3A_261, %gather3A_249 : vector<16xf32>
        %max3A_266 = arith.maximumf %gather3A_262, %gather3A_250 : vector<16xf32>
        tpu.vector_store_idx %arg10[%get3A_246], %max3A_263 masked %unique3A_253 : memref<10240xf32, #tpu.memory_space<vmem>>[vector<16xi32>], vector<16xf32>, vector<16xi1>
        tpu.vector_store_idx %arg11[%get3A_246], %max3A_264 masked %unique3A_253 : memref<10240xf32, #tpu.memory_space<vmem>>[vector<16xi32>], vector<16xf32>, vector<16xi1>
        tpu.vector_store_idx %arg12[%get3A_246], %max3A_265 masked %unique3A_253 : memref<10240xf32, #tpu.memory_space<vmem>>[vector<16xi32>], vector<16xf32>, vector<16xi1>
        tpu.vector_store_idx %arg13[%get3A_246], %max3A_266 masked %unique3A_253 : memref<10240xf32, #tpu.memory_space<vmem>>[vector<16xi32>], vector<16xf32>, vector<16xi1>
        %and3A_267 = arith.andi %eq3A_256, %not3A_258 : vector<16xi1>
        %gather3A_268 = tpu.vector_load_idx %arg10[%get3A_246] : memref<10240xf32, #tpu.memory_space<vmem>>[vector<16xi32>], vector<16xf32>,
        %gather3A_269 = tpu.vector_load_idx %arg11[%get3A_246] : memref<10240xf32, #tpu.memory_space<vmem>>[vector<16xi32>], vector<16xf32>,
        %gather3A_270 = tpu.vector_load_idx %arg12[%get3A_246] : memref<10240xf32, #tpu.memory_space<vmem>>[vector<16xi32>], vector<16xf32>,
        %gather3A_271 = tpu.vector_load_idx %arg13[%get3A_246] : memref<10240xf32, #tpu.memory_space<vmem>>[vector<16xi32>], vector<16xf32>,
        %max3A_272 = arith.maximumf %gather3A_268, %gather3A_247 : vector<16xf32>
        %max3A_273 = arith.maximumf %gather3A_269, %gather3A_248 : vector<16xf32>
        %max3A_274 = arith.maximumf %gather3A_270, %gather3A_249 : vector<16xf32>
        %max3A_275 = arith.maximumf %gather3A_271, %gather3A_250 : vector<16xf32>
        tpu.vector_store_idx %arg10[%get3A_246], %max3A_272 masked %and3A_267 : memref<10240xf32, #tpu.memory_space<vmem>>[vector<16xi32>], vector<16xf32>, vector<16xi1>
        tpu.vector_store_idx %arg11[%get3A_246], %max3A_273 masked %and3A_267 : memref<10240xf32, #tpu.memory_space<vmem>>[vector<16xi32>], vector<16xf32>, vector<16xi1>
        tpu.vector_store_idx %arg12[%get3A_246], %max3A_274 masked %and3A_267 : memref<10240xf32, #tpu.memory_space<vmem>>[vector<16xi32>], vector<16xf32>, vector<16xi1>
        tpu.vector_store_idx %arg13[%get3A_246], %max3A_275 masked %and3A_267 : memref<10240xf32, #tpu.memory_space<vmem>>[vector<16xi32>], vector<16xf32>, vector<16xi1>
        %not3A_276 = arith.constant dense<true> : vector<16xi1>
        %not3A_277 = arith.xori %eq3A_256, %not3A_276 : vector<16xi1>
        %and3A_278 = arith.andi %not3A_258, %not3A_277 : vector<16xi1>
        %or3A_279 = arith.ori %or3A_238, %and3A_278 : vector<16xi1>
        scf.yield %or3A_279 : vector<16xi1>
      }
      %scan3A_75 = arith.constant 500 : i32
      %reduce_or3A = arith.constant 1.000000e+00 : f32
      %reduce_or3A_76 = arith.constant 0.000000e+00 : f32
      %reduce_or3A_77 = vector.broadcast %reduce_or3A : f32 to vector<16xf32>
      %reduce_or3A_78 = vector.broadcast %reduce_or3A_76 : f32 to vector<16xf32>
      %reduce_or3A_79 = arith.select %scan3A_74, %reduce_or3A_77, %reduce_or3A_78 : vector<16xi1>, vector<16xf32>
      %reduce_or3A_80 = arith.constant true
      %reduce_or3A_81 = vector.broadcast %reduce_or3A_80 : i1 to vector<16xi1>
      %reduce_or3A_82 = tpu.scan <max>, %reduce_or3A_79 masked %reduce_or3A_81 : vector<16xf32>, vector<16xi1> -> vector<16xf32>
      %reduce_or3A_83 = vector.extract %reduce_or3A_82[15] : f32 from vector<16xf32>
      %reduce_or3A_84 = arith.constant 0.000000e+00 : f32
      %reduce_or3A_85 = arith.cmpf ogt, %reduce_or3A_83, %reduce_or3A_84 : f32
      %convert_element_type3A = arith.extui %reduce_or3A_85 : i1 to i32
      %cond3A = arith.constant 0 : i32
      %cond3A_86 = arith.cmpi ne, %convert_element_type3A, %cond3A : i32
      scf.if %cond3A_86 {
        %scan3A_123 = arith.constant 0 : i32
        %scan3A_124 = arith.constant 0 : i32
        %scan3A_125 = arith.constant 500 : i32
        %scan3A_126 = arith.addi %scan3A_124, %scan3A_125 : i32
        %scan3A_127 = arith.constant 1 : i32
        scf.for %scan3A_129 = %scan3A_124 to %scan3A_126 step %scan3A_127  : i32 {
          %mul3A_130 = arith.constant 16 : i32
          %mul3A_131 = arith.muli %scan3A_129, %mul3A_130 : i32
          %get3A = arith.index_cast %mul3A_131 : i32 to index
          %get3A_132 = tpu.vector_load %arg14[%get3A] {strides = array<i32>} : memref<8000xi32, #tpu.memory_space<vmem>>, vector<16xi32>,
          %get3A_133 = arith.index_cast %mul3A_131 : i32 to index
          %get3A_134 = tpu.vector_load %arg16[%get3A_133] {strides = array<i32>} : memref<8000xi32, #tpu.memory_space<vmem>>, vector<16xi32>,
          %gather3A = tpu.vector_load_idx %arg6[%get3A_132] : memref<10240xf32, #tpu.memory_space<vmem>>[vector<16xi32>], vector<16xf32>,
          %gather3A_135 = tpu.vector_load_idx %arg7[%get3A_132] : memref<10240xf32, #tpu.memory_space<vmem>>[vector<16xi32>], vector<16xf32>,
          %gather3A_136 = tpu.vector_load_idx %arg8[%get3A_132] : memref<10240xf32, #tpu.memory_space<vmem>>[vector<16xi32>], vector<16xf32>,
          %gather3A_137 = tpu.vector_load_idx %arg9[%get3A_132] : memref<10240xf32, #tpu.memory_space<vmem>>[vector<16xi32>], vector<16xf32>,
          %broadcast_in_dim3A_138 = arith.constant true
          %broadcast_in_dim3A_139 = vector.broadcast %broadcast_in_dim3A_138 : i1 to vector<16xi1>
          %unique3A_140, %unique3A_141 = tpu.scan_count mask(%broadcast_in_dim3A_139 : vector<16xi1>) value(%get3A_134 : vector<16xi32>) : vector<16xi1>, vector<16xi32>
          %reduce_max3A = arith.constant true
          %reduce_max3A_142 = vector.broadcast %reduce_max3A : i1 to vector<16xi1>
          %reduce_max3A_143 = arith.constant -2147483648 : i32
          %reduce_max3A_144 = vector.broadcast %reduce_max3A_143 : i32 to vector<16xi32>
          %reduce_max3A_145 = arith.xori %unique3A_141, %reduce_max3A_144 : vector<16xi32>
          %reduce_max3A_146 = tpu.scan <max>, %reduce_max3A_145 masked %reduce_max3A_142 : vector<16xi32>, vector<16xi1> -> vector<16xi32>
          %reduce_max3A_147 = arith.xori %reduce_max3A_146, %reduce_max3A_144 : vector<16xi32>
          %reduce_max3A_148 = vector.extract %reduce_max3A_147[15] : i32 from vector<16xi32>
          %add3A_149 = arith.constant 1 : i32
          %add3A_150 = arith.addi %reduce_max3A_148, %add3A_149 : i32
          %while3A = arith.constant 0 : i32
          %while3A_151 = arith.subi %add3A_150, %reduce_min3A_29 : i32
          %while3A_152 = arith.addi %reduce_min3A_29, %while3A_151 : i32
          %while3A_153 = arith.constant 1 : i32
          %while3A_154 = arith.divsi %while3A_151, %while3A_153 : i32
          %while3A_155 = arith.muli %while3A_154, %while3A_153 : i32
          %while3A_156 = arith.addi %reduce_min3A_29, %while3A_155 : i32
          %while3A_157 = arith.constant 1 : i32
          scf.for %while3A_159 = %reduce_min3A_29 to %while3A_156 step %while3A_157  : i32 {
            %eq3A = vector.broadcast %while3A_159 : i32 to vector<16xi32>
            %eq3A_160 = arith.cmpi eq, %unique3A_141, %eq3A : vector<16xi32>
            %gather3A_161 = tpu.vector_load_idx %arg10[%get3A_134] : memref<10240xf32, #tpu.memory_space<vmem>>[vector<16xi32>], vector<16xf32>,
            %gather3A_162 = tpu.vector_load_idx %arg11[%get3A_134] : memref<10240xf32, #tpu.memory_space<vmem>>[vector<16xi32>], vector<16xf32>,
            %gather3A_163 = tpu.vector_load_idx %arg12[%get3A_134] : memref<10240xf32, #tpu.memory_space<vmem>>[vector<16xi32>], vector<16xf32>,
            %gather3A_164 = tpu.vector_load_idx %arg13[%get3A_134] : memref<10240xf32, #tpu.memory_space<vmem>>[vector<16xi32>], vector<16xf32>,
            %max3A = arith.maximumf %gather3A_161, %gather3A : vector<16xf32>
            %max3A_165 = arith.maximumf %gather3A_162, %gather3A_135 : vector<16xf32>
            %max3A_166 = arith.maximumf %gather3A_163, %gather3A_136 : vector<16xf32>
            %max3A_167 = arith.maximumf %gather3A_164, %gather3A_137 : vector<16xf32>
            tpu.vector_store_idx %arg10[%get3A_134], %max3A masked %eq3A_160 : memref<10240xf32, #tpu.memory_space<vmem>>[vector<16xi32>], vector<16xf32>, vector<16xi1>
            tpu.vector_store_idx %arg11[%get3A_134], %max3A_165 masked %eq3A_160 : memref<10240xf32, #tpu.memory_space<vmem>>[vector<16xi32>], vector<16xf32>, vector<16xi1>
            tpu.vector_store_idx %arg12[%get3A_134], %max3A_166 masked %eq3A_160 : memref<10240xf32, #tpu.memory_space<vmem>>[vector<16xi32>], vector<16xf32>, vector<16xi1>
            tpu.vector_store_idx %arg13[%get3A_134], %max3A_167 masked %eq3A_160 : memref<10240xf32, #tpu.memory_space<vmem>>[vector<16xi32>], vector<16xf32>, vector<16xi1>
          }
          %while3A_158 = arith.constant 1 : i32
          scf.for %while3A_159 = %while3A_156 to %while3A_152 step %while3A_158  : i32 {
            %eq3A = vector.broadcast %while3A_159 : i32 to vector<16xi32>
            %eq3A_160 = arith.cmpi eq, %unique3A_141, %eq3A : vector<16xi32>
            %gather3A_161 = tpu.vector_load_idx %arg10[%get3A_134] : memref<10240xf32, #tpu.memory_space<vmem>>[vector<16xi32>], vector<16xf32>,
            %gather3A_162 = tpu.vector_load_idx %arg11[%get3A_134] : memref<10240xf32, #tpu.memory_space<vmem>>[vector<16xi32>], vector<16xf32>,
            %gather3A_163 = tpu.vector_load_idx %arg12[%get3A_134] : memref<10240xf32, #tpu.memory_space<vmem>>[vector<16xi32>], vector<16xf32>,
            %gather3A_164 = tpu.vector_load_idx %arg13[%get3A_134] : memref<10240xf32, #tpu.memory_space<vmem>>[vector<16xi32>], vector<16xf32>,
            %max3A = arith.maximumf %gather3A_161, %gather3A : vector<16xf32>
            %max3A_165 = arith.maximumf %gather3A_162, %gather3A_135 : vector<16xf32>
            %max3A_166 = arith.maximumf %gather3A_163, %gather3A_136 : vector<16xf32>
            %max3A_167 = arith.maximumf %gather3A_164, %gather3A_137 : vector<16xf32>
            tpu.vector_store_idx %arg10[%get3A_134], %max3A masked %eq3A_160 : memref<10240xf32, #tpu.memory_space<vmem>>[vector<16xi32>], vector<16xf32>, vector<16xi1>
            tpu.vector_store_idx %arg11[%get3A_134], %max3A_165 masked %eq3A_160 : memref<10240xf32, #tpu.memory_space<vmem>>[vector<16xi32>], vector<16xf32>, vector<16xi1>
            tpu.vector_store_idx %arg12[%get3A_134], %max3A_166 masked %eq3A_160 : memref<10240xf32, #tpu.memory_space<vmem>>[vector<16xi32>], vector<16xf32>, vector<16xi1>
            tpu.vector_store_idx %arg13[%get3A_134], %max3A_167 masked %eq3A_160 : memref<10240xf32, #tpu.memory_space<vmem>>[vector<16xi32>], vector<16xf32>, vector<16xi1>
          }
        }
        %scan3A_128 = arith.constant 500 : i32
      } else {
      }
      %dma_wait3A_87 = arith.constant 0 : i32
      %dma_wait3A_88 = tpu.memref_slice %arg3[%dma_wait3A_87] : memref<320000xi32, #tpu.memory_space<hbm>> -> memref<8000xi32, #tpu.memory_space<hbm>>
      %dma_wait3A_89 = arith.constant 0 : i32
      %dma_wait3A_90 = tpu.memref_slice %arg3[%dma_wait3A_89] : memref<320000xi32, #tpu.memory_space<hbm>> -> memref<8000xi32, #tpu.memory_space<hbm>>
      tpu.wait_dma2 semaphore(%arg20 : memref<!tpu.dma_semaphore, #tpu.memory_space<semaphore_mem>>) src(%dma_wait3A_90 : memref<8000xi32, #tpu.memory_space<hbm>>) dst(%arg15 : memref<8000xi32, #tpu.memory_space<vmem>>)
      %dma_wait3A_91 = arith.constant 0 : i32
      %dma_wait3A_92 = tpu.memref_slice %arg4[%dma_wait3A_91] : memref<320000xi32, #tpu.memory_space<hbm>> -> memref<8000xi32, #tpu.memory_space<hbm>>
      %dma_wait3A_93 = arith.constant 0 : i32
      %dma_wait3A_94 = tpu.memref_slice %arg4[%dma_wait3A_93] : memref<320000xi32, #tpu.memory_space<hbm>> -> memref<8000xi32, #tpu.memory_space<hbm>>
      tpu.wait_dma2 semaphore(%arg21 : memref<!tpu.dma_semaphore, #tpu.memory_space<semaphore_mem>>) src(%dma_wait3A_94 : memref<8000xi32, #tpu.memory_space<hbm>>) dst(%arg17 : memref<8000xi32, #tpu.memory_space<vmem>>)
      %add3A_95 = arith.constant 2 : i32
      %add3A_96 = arith.addi %mul3A_52, %add3A_95 : i32
      %lt3A = arith.constant 40 : i32
      %lt3A_97 = arith.cmpi slt, %add3A_96, %lt3A : i32
      %convert_element_type3A_98 = arith.extui %lt3A_97 : i1 to i32
      %cond3A_99 = arith.constant 0 : i32
      %cond3A_100 = arith.cmpi ne, %convert_element_type3A_98, %cond3A_99 : i32
      scf.if %cond3A_100 {
        %add3A_123 = arith.constant 2 : i32
        %add3A_124 = arith.addi %mul3A_52, %add3A_123 : i32
        %mul3A_125 = arith.constant 8000 : i32
        %mul3A_126 = arith.muli %add3A_124, %mul3A_125 : i32
        %dma_start3A_127 = tpu.memref_slice %arg3[%mul3A_126] : memref<320000xi32, #tpu.memory_space<hbm>> -> memref<8000xi32, #tpu.memory_space<hbm>>
        %dma_start3A_128 = tpu.memref_slice %arg3[%mul3A_126] : memref<320000xi32, #tpu.memory_space<hbm>> -> memref<8000xi32, #tpu.memory_space<hbm>>
        tpu.enqueue_dma source(%dma_start3A_128 : memref<8000xi32, #tpu.memory_space<hbm>>) target(%arg14 : memref<8000xi32, #tpu.memory_space<vmem>>) target_semaphore(%arg18 : memref<!tpu.dma_semaphore, #tpu.memory_space<semaphore_mem>>)
        %dma_start3A_129 = tpu.memref_slice %arg4[%mul3A_126] : memref<320000xi32, #tpu.memory_space<hbm>> -> memref<8000xi32, #tpu.memory_space<hbm>>
        %dma_start3A_130 = tpu.memref_slice %arg4[%mul3A_126] : memref<320000xi32, #tpu.memory_space<hbm>> -> memref<8000xi32, #tpu.memory_space<hbm>>
        tpu.enqueue_dma source(%dma_start3A_130 : memref<8000xi32, #tpu.memory_space<hbm>>) target(%arg16 : memref<8000xi32, #tpu.memory_space<vmem>>) target_semaphore(%arg19 : memref<!tpu.dma_semaphore, #tpu.memory_space<semaphore_mem>>)
      } else {
      }
      %broadcast_in_dim3A_101 = arith.constant false
      %broadcast_in_dim3A_102 = vector.broadcast %broadcast_in_dim3A_101 : i1 to vector<16xi1>
      %scan3A_103 = arith.constant 0 : i32
      %scan3A_104 = arith.constant 500 : i32
      %scan3A_105 = arith.addi %scan3A_103, %scan3A_104 : i32
      %scan3A_106 = arith.constant 4 : i32
      %scan3A_107 = scf.for %scan3A_123 = %scan3A_103 to %scan3A_105 step %scan3A_106 iter_args(%scan3A_124 = %broadcast_in_dim3A_102) -> (vector<16xi1>)  : i32 {
        %mul3A_125 = arith.constant 16 : i32
        %mul3A_126 = arith.muli %scan3A_123, %mul3A_125 : i32
        %get3A = arith.index_cast %mul3A_126 : i32 to index
        %get3A_127 = tpu.vector_load %arg15[%get3A] {strides = array<i32>} : memref<8000xi32, #tpu.memory_space<vmem>>, vector<16xi32>,
        %get3A_128 = arith.index_cast %mul3A_126 : i32 to index
        %get3A_129 = tpu.vector_load %arg17[%get3A_128] {strides = array<i32>} : memref<8000xi32, #tpu.memory_space<vmem>>, vector<16xi32>,
        %gather3A = tpu.vector_load_idx %arg6[%get3A_127] : memref<10240xf32, #tpu.memory_space<vmem>>[vector<16xi32>], vector<16xf32>,
        %gather3A_130 = tpu.vector_load_idx %arg7[%get3A_127] : memref<10240xf32, #tpu.memory_space<vmem>>[vector<16xi32>], vector<16xf32>,
        %gather3A_131 = tpu.vector_load_idx %arg8[%get3A_127] : memref<10240xf32, #tpu.memory_space<vmem>>[vector<16xi32>], vector<16xf32>,
        %gather3A_132 = tpu.vector_load_idx %arg9[%get3A_127] : memref<10240xf32, #tpu.memory_space<vmem>>[vector<16xi32>], vector<16xf32>,
        %broadcast_in_dim3A_133 = arith.constant true
        %broadcast_in_dim3A_134 = vector.broadcast %broadcast_in_dim3A_133 : i1 to vector<16xi1>
        %unique3A_135, %unique3A_136 = tpu.scan_count mask(%broadcast_in_dim3A_134 : vector<16xi1>) value(%get3A_129 : vector<16xi32>) : vector<16xi1>, vector<16xi32>
        %eq3A = vector.broadcast %reduce_min3A_29 : i32 to vector<16xi32>
        %eq3A_137 = arith.cmpi eq, %unique3A_136, %eq3A : vector<16xi32>
        %not3A = arith.constant dense<true> : vector<16xi1>
        %not3A_138 = arith.xori %unique3A_135, %not3A : vector<16xi1>
        %gather3A_139 = tpu.vector_load_idx %arg10[%get3A_129] : memref<10240xf32, #tpu.memory_space<vmem>>[vector<16xi32>], vector<16xf32>,
        %gather3A_140 = tpu.vector_load_idx %arg11[%get3A_129] : memref<10240xf32, #tpu.memory_space<vmem>>[vector<16xi32>], vector<16xf32>,
        %gather3A_141 = tpu.vector_load_idx %arg12[%get3A_129] : memref<10240xf32, #tpu.memory_space<vmem>>[vector<16xi32>], vector<16xf32>,
        %gather3A_142 = tpu.vector_load_idx %arg13[%get3A_129] : memref<10240xf32, #tpu.memory_space<vmem>>[vector<16xi32>], vector<16xf32>,
        %max3A = arith.maximumf %gather3A_139, %gather3A : vector<16xf32>
        %max3A_143 = arith.maximumf %gather3A_140, %gather3A_130 : vector<16xf32>
        %max3A_144 = arith.maximumf %gather3A_141, %gather3A_131 : vector<16xf32>
        %max3A_145 = arith.maximumf %gather3A_142, %gather3A_132 : vector<16xf32>
        tpu.vector_store_idx %arg10[%get3A_129], %max3A masked %unique3A_135 : memref<10240xf32, #tpu.memory_space<vmem>>[vector<16xi32>], vector<16xf32>, vector<16xi1>
        tpu.vector_store_idx %arg11[%get3A_129], %max3A_143 masked %unique3A_135 : memref<10240xf32, #tpu.memory_space<vmem>>[vector<16xi32>], vector<16xf32>, vector<16xi1>
        tpu.vector_store_idx %arg12[%get3A_129], %max3A_144 masked %unique3A_135 : memref<10240xf32, #tpu.memory_space<vmem>>[vector<16xi32>], vector<16xf32>, vector<16xi1>
        tpu.vector_store_idx %arg13[%get3A_129], %max3A_145 masked %unique3A_135 : memref<10240xf32, #tpu.memory_space<vmem>>[vector<16xi32>], vector<16xf32>, vector<16xi1>
        %and3A = arith.andi %eq3A_137, %not3A_138 : vector<16xi1>
        %gather3A_146 = tpu.vector_load_idx %arg10[%get3A_129] : memref<10240xf32, #tpu.memory_space<vmem>>[vector<16xi32>], vector<16xf32>,
        %gather3A_147 = tpu.vector_load_idx %arg11[%get3A_129] : memref<10240xf32, #tpu.memory_space<vmem>>[vector<16xi32>], vector<16xf32>,
        %gather3A_148 = tpu.vector_load_idx %arg12[%get3A_129] : memref<10240xf32, #tpu.memory_space<vmem>>[vector<16xi32>], vector<16xf32>,
        %gather3A_149 = tpu.vector_load_idx %arg13[%get3A_129] : memref<10240xf32, #tpu.memory_space<vmem>>[vector<16xi32>], vector<16xf32>,
        %max3A_150 = arith.maximumf %gather3A_146, %gather3A : vector<16xf32>
        %max3A_151 = arith.maximumf %gather3A_147, %gather3A_130 : vector<16xf32>
        %max3A_152 = arith.maximumf %gather3A_148, %gather3A_131 : vector<16xf32>
        %max3A_153 = arith.maximumf %gather3A_149, %gather3A_132 : vector<16xf32>
        tpu.vector_store_idx %arg10[%get3A_129], %max3A_150 masked %and3A : memref<10240xf32, #tpu.memory_space<vmem>>[vector<16xi32>], vector<16xf32>, vector<16xi1>
        tpu.vector_store_idx %arg11[%get3A_129], %max3A_151 masked %and3A : memref<10240xf32, #tpu.memory_space<vmem>>[vector<16xi32>], vector<16xf32>, vector<16xi1>
        tpu.vector_store_idx %arg12[%get3A_129], %max3A_152 masked %and3A : memref<10240xf32, #tpu.memory_space<vmem>>[vector<16xi32>], vector<16xf32>, vector<16xi1>
        tpu.vector_store_idx %arg13[%get3A_129], %max3A_153 masked %and3A : memref<10240xf32, #tpu.memory_space<vmem>>[vector<16xi32>], vector<16xf32>, vector<16xi1>
        %not3A_154 = arith.constant dense<true> : vector<16xi1>
        %not3A_155 = arith.xori %eq3A_137, %not3A_154 : vector<16xi1>
        %and3A_156 = arith.andi %not3A_138, %not3A_155 : vector<16xi1>
        %or3A = arith.ori %scan3A_124, %and3A_156 : vector<16xi1>
        %scan3A_157 = arith.constant 1 : i32
        %scan3A_158 = arith.addi %scan3A_123, %scan3A_157 : i32
        %mul3A_159 = arith.constant 16 : i32
        %mul3A_160 = arith.muli %scan3A_158, %mul3A_159 : i32
        %get3A_161 = arith.index_cast %mul3A_160 : i32 to index
        %get3A_162 = tpu.vector_load %arg15[%get3A_161] {strides = array<i32>} : memref<8000xi32, #tpu.memory_space<vmem>>, vector<16xi32>,
        %get3A_163 = arith.index_cast %mul3A_160 : i32 to index
        %get3A_164 = tpu.vector_load %arg17[%get3A_163] {strides = array<i32>} : memref<8000xi32, #tpu.memory_space<vmem>>, vector<16xi32>,
        %gather3A_165 = tpu.vector_load_idx %arg6[%get3A_162] : memref<10240xf32, #tpu.memory_space<vmem>>[vector<16xi32>], vector<16xf32>,
        %gather3A_166 = tpu.vector_load_idx %arg7[%get3A_162] : memref<10240xf32, #tpu.memory_space<vmem>>[vector<16xi32>], vector<16xf32>,
        %gather3A_167 = tpu.vector_load_idx %arg8[%get3A_162] : memref<10240xf32, #tpu.memory_space<vmem>>[vector<16xi32>], vector<16xf32>,
        %gather3A_168 = tpu.vector_load_idx %arg9[%get3A_162] : memref<10240xf32, #tpu.memory_space<vmem>>[vector<16xi32>], vector<16xf32>,
        %broadcast_in_dim3A_169 = arith.constant true
        %broadcast_in_dim3A_170 = vector.broadcast %broadcast_in_dim3A_169 : i1 to vector<16xi1>
        %unique3A_171, %unique3A_172 = tpu.scan_count mask(%broadcast_in_dim3A_170 : vector<16xi1>) value(%get3A_164 : vector<16xi32>) : vector<16xi1>, vector<16xi32>
        %eq3A_173 = vector.broadcast %reduce_min3A_29 : i32 to vector<16xi32>
        %eq3A_174 = arith.cmpi eq, %unique3A_172, %eq3A_173 : vector<16xi32>
        %not3A_175 = arith.constant dense<true> : vector<16xi1>
        %not3A_176 = arith.xori %unique3A_171, %not3A_175 : vector<16xi1>
        %gather3A_177 = tpu.vector_load_idx %arg10[%get3A_164] : memref<10240xf32, #tpu.memory_space<vmem>>[vector<16xi32>], vector<16xf32>,
        %gather3A_178 = tpu.vector_load_idx %arg11[%get3A_164] : memref<10240xf32, #tpu.memory_space<vmem>>[vector<16xi32>], vector<16xf32>,
        %gather3A_179 = tpu.vector_load_idx %arg12[%get3A_164] : memref<10240xf32, #tpu.memory_space<vmem>>[vector<16xi32>], vector<16xf32>,
        %gather3A_180 = tpu.vector_load_idx %arg13[%get3A_164] : memref<10240xf32, #tpu.memory_space<vmem>>[vector<16xi32>], vector<16xf32>,
        %max3A_181 = arith.maximumf %gather3A_177, %gather3A_165 : vector<16xf32>
        %max3A_182 = arith.maximumf %gather3A_178, %gather3A_166 : vector<16xf32>
        %max3A_183 = arith.maximumf %gather3A_179, %gather3A_167 : vector<16xf32>
        %max3A_184 = arith.maximumf %gather3A_180, %gather3A_168 : vector<16xf32>
        tpu.vector_store_idx %arg10[%get3A_164], %max3A_181 masked %unique3A_171 : memref<10240xf32, #tpu.memory_space<vmem>>[vector<16xi32>], vector<16xf32>, vector<16xi1>
        tpu.vector_store_idx %arg11[%get3A_164], %max3A_182 masked %unique3A_171 : memref<10240xf32, #tpu.memory_space<vmem>>[vector<16xi32>], vector<16xf32>, vector<16xi1>
        tpu.vector_store_idx %arg12[%get3A_164], %max3A_183 masked %unique3A_171 : memref<10240xf32, #tpu.memory_space<vmem>>[vector<16xi32>], vector<16xf32>, vector<16xi1>
        tpu.vector_store_idx %arg13[%get3A_164], %max3A_184 masked %unique3A_171 : memref<10240xf32, #tpu.memory_space<vmem>>[vector<16xi32>], vector<16xf32>, vector<16xi1>
        %and3A_185 = arith.andi %eq3A_174, %not3A_176 : vector<16xi1>
        %gather3A_186 = tpu.vector_load_idx %arg10[%get3A_164] : memref<10240xf32, #tpu.memory_space<vmem>>[vector<16xi32>], vector<16xf32>,
        %gather3A_187 = tpu.vector_load_idx %arg11[%get3A_164] : memref<10240xf32, #tpu.memory_space<vmem>>[vector<16xi32>], vector<16xf32>,
        %gather3A_188 = tpu.vector_load_idx %arg12[%get3A_164] : memref<10240xf32, #tpu.memory_space<vmem>>[vector<16xi32>], vector<16xf32>,
        %gather3A_189 = tpu.vector_load_idx %arg13[%get3A_164] : memref<10240xf32, #tpu.memory_space<vmem>>[vector<16xi32>], vector<16xf32>,
        %max3A_190 = arith.maximumf %gather3A_186, %gather3A_165 : vector<16xf32>
        %max3A_191 = arith.maximumf %gather3A_187, %gather3A_166 : vector<16xf32>
        %max3A_192 = arith.maximumf %gather3A_188, %gather3A_167 : vector<16xf32>
        %max3A_193 = arith.maximumf %gather3A_189, %gather3A_168 : vector<16xf32>
        tpu.vector_store_idx %arg10[%get3A_164], %max3A_190 masked %and3A_185 : memref<10240xf32, #tpu.memory_space<vmem>>[vector<16xi32>], vector<16xf32>, vector<16xi1>
        tpu.vector_store_idx %arg11[%get3A_164], %max3A_191 masked %and3A_185 : memref<10240xf32, #tpu.memory_space<vmem>>[vector<16xi32>], vector<16xf32>, vector<16xi1>
        tpu.vector_store_idx %arg12[%get3A_164], %max3A_192 masked %and3A_185 : memref<10240xf32, #tpu.memory_space<vmem>>[vector<16xi32>], vector<16xf32>, vector<16xi1>
        tpu.vector_store_idx %arg13[%get3A_164], %max3A_193 masked %and3A_185 : memref<10240xf32, #tpu.memory_space<vmem>>[vector<16xi32>], vector<16xf32>, vector<16xi1>
        %not3A_194 = arith.constant dense<true> : vector<16xi1>
        %not3A_195 = arith.xori %eq3A_174, %not3A_194 : vector<16xi1>
        %and3A_196 = arith.andi %not3A_176, %not3A_195 : vector<16xi1>
        %or3A_197 = arith.ori %or3A, %and3A_196 : vector<16xi1>
        %scan3A_198 = arith.constant 2 : i32
        %scan3A_199 = arith.addi %scan3A_123, %scan3A_198 : i32
        %mul3A_200 = arith.constant 16 : i32
        %mul3A_201 = arith.muli %scan3A_199, %mul3A_200 : i32
        %get3A_202 = arith.index_cast %mul3A_201 : i32 to index
        %get3A_203 = tpu.vector_load %arg15[%get3A_202] {strides = array<i32>} : memref<8000xi32, #tpu.memory_space<vmem>>, vector<16xi32>,
        %get3A_204 = arith.index_cast %mul3A_201 : i32 to index
        %get3A_205 = tpu.vector_load %arg17[%get3A_204] {strides = array<i32>} : memref<8000xi32, #tpu.memory_space<vmem>>, vector<16xi32>,
        %gather3A_206 = tpu.vector_load_idx %arg6[%get3A_203] : memref<10240xf32, #tpu.memory_space<vmem>>[vector<16xi32>], vector<16xf32>,
        %gather3A_207 = tpu.vector_load_idx %arg7[%get3A_203] : memref<10240xf32, #tpu.memory_space<vmem>>[vector<16xi32>], vector<16xf32>,
        %gather3A_208 = tpu.vector_load_idx %arg8[%get3A_203] : memref<10240xf32, #tpu.memory_space<vmem>>[vector<16xi32>], vector<16xf32>,
        %gather3A_209 = tpu.vector_load_idx %arg9[%get3A_203] : memref<10240xf32, #tpu.memory_space<vmem>>[vector<16xi32>], vector<16xf32>,
        %broadcast_in_dim3A_210 = arith.constant true
        %broadcast_in_dim3A_211 = vector.broadcast %broadcast_in_dim3A_210 : i1 to vector<16xi1>
        %unique3A_212, %unique3A_213 = tpu.scan_count mask(%broadcast_in_dim3A_211 : vector<16xi1>) value(%get3A_205 : vector<16xi32>) : vector<16xi1>, vector<16xi32>
        %eq3A_214 = vector.broadcast %reduce_min3A_29 : i32 to vector<16xi32>
        %eq3A_215 = arith.cmpi eq, %unique3A_213, %eq3A_214 : vector<16xi32>
        %not3A_216 = arith.constant dense<true> : vector<16xi1>
        %not3A_217 = arith.xori %unique3A_212, %not3A_216 : vector<16xi1>
        %gather3A_218 = tpu.vector_load_idx %arg10[%get3A_205] : memref<10240xf32, #tpu.memory_space<vmem>>[vector<16xi32>], vector<16xf32>,
        %gather3A_219 = tpu.vector_load_idx %arg11[%get3A_205] : memref<10240xf32, #tpu.memory_space<vmem>>[vector<16xi32>], vector<16xf32>,
        %gather3A_220 = tpu.vector_load_idx %arg12[%get3A_205] : memref<10240xf32, #tpu.memory_space<vmem>>[vector<16xi32>], vector<16xf32>,
        %gather3A_221 = tpu.vector_load_idx %arg13[%get3A_205] : memref<10240xf32, #tpu.memory_space<vmem>>[vector<16xi32>], vector<16xf32>,
        %max3A_222 = arith.maximumf %gather3A_218, %gather3A_206 : vector<16xf32>
        %max3A_223 = arith.maximumf %gather3A_219, %gather3A_207 : vector<16xf32>
        %max3A_224 = arith.maximumf %gather3A_220, %gather3A_208 : vector<16xf32>
        %max3A_225 = arith.maximumf %gather3A_221, %gather3A_209 : vector<16xf32>
        tpu.vector_store_idx %arg10[%get3A_205], %max3A_222 masked %unique3A_212 : memref<10240xf32, #tpu.memory_space<vmem>>[vector<16xi32>], vector<16xf32>, vector<16xi1>
        tpu.vector_store_idx %arg11[%get3A_205], %max3A_223 masked %unique3A_212 : memref<10240xf32, #tpu.memory_space<vmem>>[vector<16xi32>], vector<16xf32>, vector<16xi1>
        tpu.vector_store_idx %arg12[%get3A_205], %max3A_224 masked %unique3A_212 : memref<10240xf32, #tpu.memory_space<vmem>>[vector<16xi32>], vector<16xf32>, vector<16xi1>
        tpu.vector_store_idx %arg13[%get3A_205], %max3A_225 masked %unique3A_212 : memref<10240xf32, #tpu.memory_space<vmem>>[vector<16xi32>], vector<16xf32>, vector<16xi1>
        %and3A_226 = arith.andi %eq3A_215, %not3A_217 : vector<16xi1>
        %gather3A_227 = tpu.vector_load_idx %arg10[%get3A_205] : memref<10240xf32, #tpu.memory_space<vmem>>[vector<16xi32>], vector<16xf32>,
        %gather3A_228 = tpu.vector_load_idx %arg11[%get3A_205] : memref<10240xf32, #tpu.memory_space<vmem>>[vector<16xi32>], vector<16xf32>,
        %gather3A_229 = tpu.vector_load_idx %arg12[%get3A_205] : memref<10240xf32, #tpu.memory_space<vmem>>[vector<16xi32>], vector<16xf32>,
        %gather3A_230 = tpu.vector_load_idx %arg13[%get3A_205] : memref<10240xf32, #tpu.memory_space<vmem>>[vector<16xi32>], vector<16xf32>,
        %max3A_231 = arith.maximumf %gather3A_227, %gather3A_206 : vector<16xf32>
        %max3A_232 = arith.maximumf %gather3A_228, %gather3A_207 : vector<16xf32>
        %max3A_233 = arith.maximumf %gather3A_229, %gather3A_208 : vector<16xf32>
        %max3A_234 = arith.maximumf %gather3A_230, %gather3A_209 : vector<16xf32>
        tpu.vector_store_idx %arg10[%get3A_205], %max3A_231 masked %and3A_226 : memref<10240xf32, #tpu.memory_space<vmem>>[vector<16xi32>], vector<16xf32>, vector<16xi1>
        tpu.vector_store_idx %arg11[%get3A_205], %max3A_232 masked %and3A_226 : memref<10240xf32, #tpu.memory_space<vmem>>[vector<16xi32>], vector<16xf32>, vector<16xi1>
        tpu.vector_store_idx %arg12[%get3A_205], %max3A_233 masked %and3A_226 : memref<10240xf32, #tpu.memory_space<vmem>>[vector<16xi32>], vector<16xf32>, vector<16xi1>
        tpu.vector_store_idx %arg13[%get3A_205], %max3A_234 masked %and3A_226 : memref<10240xf32, #tpu.memory_space<vmem>>[vector<16xi32>], vector<16xf32>, vector<16xi1>
        %not3A_235 = arith.constant dense<true> : vector<16xi1>
        %not3A_236 = arith.xori %eq3A_215, %not3A_235 : vector<16xi1>
        %and3A_237 = arith.andi %not3A_217, %not3A_236 : vector<16xi1>
        %or3A_238 = arith.ori %or3A_197, %and3A_237 : vector<16xi1>
        %scan3A_239 = arith.constant 3 : i32
        %scan3A_240 = arith.addi %scan3A_123, %scan3A_239 : i32
        %mul3A_241 = arith.constant 16 : i32
        %mul3A_242 = arith.muli %scan3A_240, %mul3A_241 : i32
        %get3A_243 = arith.index_cast %mul3A_242 : i32 to index
        %get3A_244 = tpu.vector_load %arg15[%get3A_243] {strides = array<i32>} : memref<8000xi32, #tpu.memory_space<vmem>>, vector<16xi32>,
        %get3A_245 = arith.index_cast %mul3A_242 : i32 to index
        %get3A_246 = tpu.vector_load %arg17[%get3A_245] {strides = array<i32>} : memref<8000xi32, #tpu.memory_space<vmem>>, vector<16xi32>,
        %gather3A_247 = tpu.vector_load_idx %arg6[%get3A_244] : memref<10240xf32, #tpu.memory_space<vmem>>[vector<16xi32>], vector<16xf32>,
        %gather3A_248 = tpu.vector_load_idx %arg7[%get3A_244] : memref<10240xf32, #tpu.memory_space<vmem>>[vector<16xi32>], vector<16xf32>,
        %gather3A_249 = tpu.vector_load_idx %arg8[%get3A_244] : memref<10240xf32, #tpu.memory_space<vmem>>[vector<16xi32>], vector<16xf32>,
        %gather3A_250 = tpu.vector_load_idx %arg9[%get3A_244] : memref<10240xf32, #tpu.memory_space<vmem>>[vector<16xi32>], vector<16xf32>,
        %broadcast_in_dim3A_251 = arith.constant true
        %broadcast_in_dim3A_252 = vector.broadcast %broadcast_in_dim3A_251 : i1 to vector<16xi1>
        %unique3A_253, %unique3A_254 = tpu.scan_count mask(%broadcast_in_dim3A_252 : vector<16xi1>) value(%get3A_246 : vector<16xi32>) : vector<16xi1>, vector<16xi32>
        %eq3A_255 = vector.broadcast %reduce_min3A_29 : i32 to vector<16xi32>
        %eq3A_256 = arith.cmpi eq, %unique3A_254, %eq3A_255 : vector<16xi32>
        %not3A_257 = arith.constant dense<true> : vector<16xi1>
        %not3A_258 = arith.xori %unique3A_253, %not3A_257 : vector<16xi1>
        %gather3A_259 = tpu.vector_load_idx %arg10[%get3A_246] : memref<10240xf32, #tpu.memory_space<vmem>>[vector<16xi32>], vector<16xf32>,
        %gather3A_260 = tpu.vector_load_idx %arg11[%get3A_246] : memref<10240xf32, #tpu.memory_space<vmem>>[vector<16xi32>], vector<16xf32>,
        %gather3A_261 = tpu.vector_load_idx %arg12[%get3A_246] : memref<10240xf32, #tpu.memory_space<vmem>>[vector<16xi32>], vector<16xf32>,
        %gather3A_262 = tpu.vector_load_idx %arg13[%get3A_246] : memref<10240xf32, #tpu.memory_space<vmem>>[vector<16xi32>], vector<16xf32>,
        %max3A_263 = arith.maximumf %gather3A_259, %gather3A_247 : vector<16xf32>
        %max3A_264 = arith.maximumf %gather3A_260, %gather3A_248 : vector<16xf32>
        %max3A_265 = arith.maximumf %gather3A_261, %gather3A_249 : vector<16xf32>
        %max3A_266 = arith.maximumf %gather3A_262, %gather3A_250 : vector<16xf32>
        tpu.vector_store_idx %arg10[%get3A_246], %max3A_263 masked %unique3A_253 : memref<10240xf32, #tpu.memory_space<vmem>>[vector<16xi32>], vector<16xf32>, vector<16xi1>
        tpu.vector_store_idx %arg11[%get3A_246], %max3A_264 masked %unique3A_253 : memref<10240xf32, #tpu.memory_space<vmem>>[vector<16xi32>], vector<16xf32>, vector<16xi1>
        tpu.vector_store_idx %arg12[%get3A_246], %max3A_265 masked %unique3A_253 : memref<10240xf32, #tpu.memory_space<vmem>>[vector<16xi32>], vector<16xf32>, vector<16xi1>
        tpu.vector_store_idx %arg13[%get3A_246], %max3A_266 masked %unique3A_253 : memref<10240xf32, #tpu.memory_space<vmem>>[vector<16xi32>], vector<16xf32>, vector<16xi1>
        %and3A_267 = arith.andi %eq3A_256, %not3A_258 : vector<16xi1>
        %gather3A_268 = tpu.vector_load_idx %arg10[%get3A_246] : memref<10240xf32, #tpu.memory_space<vmem>>[vector<16xi32>], vector<16xf32>,
        %gather3A_269 = tpu.vector_load_idx %arg11[%get3A_246] : memref<10240xf32, #tpu.memory_space<vmem>>[vector<16xi32>], vector<16xf32>,
        %gather3A_270 = tpu.vector_load_idx %arg12[%get3A_246] : memref<10240xf32, #tpu.memory_space<vmem>>[vector<16xi32>], vector<16xf32>,
        %gather3A_271 = tpu.vector_load_idx %arg13[%get3A_246] : memref<10240xf32, #tpu.memory_space<vmem>>[vector<16xi32>], vector<16xf32>,
        %max3A_272 = arith.maximumf %gather3A_268, %gather3A_247 : vector<16xf32>
        %max3A_273 = arith.maximumf %gather3A_269, %gather3A_248 : vector<16xf32>
        %max3A_274 = arith.maximumf %gather3A_270, %gather3A_249 : vector<16xf32>
        %max3A_275 = arith.maximumf %gather3A_271, %gather3A_250 : vector<16xf32>
        tpu.vector_store_idx %arg10[%get3A_246], %max3A_272 masked %and3A_267 : memref<10240xf32, #tpu.memory_space<vmem>>[vector<16xi32>], vector<16xf32>, vector<16xi1>
        tpu.vector_store_idx %arg11[%get3A_246], %max3A_273 masked %and3A_267 : memref<10240xf32, #tpu.memory_space<vmem>>[vector<16xi32>], vector<16xf32>, vector<16xi1>
        tpu.vector_store_idx %arg12[%get3A_246], %max3A_274 masked %and3A_267 : memref<10240xf32, #tpu.memory_space<vmem>>[vector<16xi32>], vector<16xf32>, vector<16xi1>
        tpu.vector_store_idx %arg13[%get3A_246], %max3A_275 masked %and3A_267 : memref<10240xf32, #tpu.memory_space<vmem>>[vector<16xi32>], vector<16xf32>, vector<16xi1>
        %not3A_276 = arith.constant dense<true> : vector<16xi1>
        %not3A_277 = arith.xori %eq3A_256, %not3A_276 : vector<16xi1>
        %and3A_278 = arith.andi %not3A_258, %not3A_277 : vector<16xi1>
        %or3A_279 = arith.ori %or3A_238, %and3A_278 : vector<16xi1>
        scf.yield %or3A_279 : vector<16xi1>
      }
      %scan3A_108 = arith.constant 500 : i32
      %reduce_or3A_109 = arith.constant 1.000000e+00 : f32
      %reduce_or3A_110 = arith.constant 0.000000e+00 : f32
      %reduce_or3A_111 = vector.broadcast %reduce_or3A_109 : f32 to vector<16xf32>
      %reduce_or3A_112 = vector.broadcast %reduce_or3A_110 : f32 to vector<16xf32>
      %reduce_or3A_113 = arith.select %scan3A_107, %reduce_or3A_111, %reduce_or3A_112 : vector<16xi1>, vector<16xf32>
      %reduce_or3A_114 = arith.constant true
      %reduce_or3A_115 = vector.broadcast %reduce_or3A_114 : i1 to vector<16xi1>
      %reduce_or3A_116 = tpu.scan <max>, %reduce_or3A_113 masked %reduce_or3A_115 : vector<16xf32>, vector<16xi1> -> vector<16xf32>
      %reduce_or3A_117 = vector.extract %reduce_or3A_116[15] : f32 from vector<16xf32>
      %reduce_or3A_118 = arith.constant 0.000000e+00 : f32
      %reduce_or3A_119 = arith.cmpf ogt, %reduce_or3A_117, %reduce_or3A_118 : f32
      %convert_element_type3A_120 = arith.extui %reduce_or3A_119 : i1 to i32
      %cond3A_121 = arith.constant 0 : i32
      %cond3A_122 = arith.cmpi ne, %convert_element_type3A_120, %cond3A_121 : i32
      scf.if %cond3A_122 {
        %scan3A_123 = arith.constant 0 : i32
        %scan3A_124 = arith.constant 0 : i32
        %scan3A_125 = arith.constant 500 : i32
        %scan3A_126 = arith.addi %scan3A_124, %scan3A_125 : i32
        %scan3A_127 = arith.constant 1 : i32
        scf.for %scan3A_129 = %scan3A_124 to %scan3A_126 step %scan3A_127  : i32 {
          %mul3A_130 = arith.constant 16 : i32
          %mul3A_131 = arith.muli %scan3A_129, %mul3A_130 : i32
          %get3A = arith.index_cast %mul3A_131 : i32 to index
          %get3A_132 = tpu.vector_load %arg15[%get3A] {strides = array<i32>} : memref<8000xi32, #tpu.memory_space<vmem>>, vector<16xi32>,
          %get3A_133 = arith.index_cast %mul3A_131 : i32 to index
          %get3A_134 = tpu.vector_load %arg17[%get3A_133] {strides = array<i32>} : memref<8000xi32, #tpu.memory_space<vmem>>, vector<16xi32>,
          %gather3A = tpu.vector_load_idx %arg6[%get3A_132] : memref<10240xf32, #tpu.memory_space<vmem>>[vector<16xi32>], vector<16xf32>,
          %gather3A_135 = tpu.vector_load_idx %arg7[%get3A_132] : memref<10240xf32, #tpu.memory_space<vmem>>[vector<16xi32>], vector<16xf32>,
          %gather3A_136 = tpu.vector_load_idx %arg8[%get3A_132] : memref<10240xf32, #tpu.memory_space<vmem>>[vector<16xi32>], vector<16xf32>,
          %gather3A_137 = tpu.vector_load_idx %arg9[%get3A_132] : memref<10240xf32, #tpu.memory_space<vmem>>[vector<16xi32>], vector<16xf32>,
          %broadcast_in_dim3A_138 = arith.constant true
          %broadcast_in_dim3A_139 = vector.broadcast %broadcast_in_dim3A_138 : i1 to vector<16xi1>
          %unique3A_140, %unique3A_141 = tpu.scan_count mask(%broadcast_in_dim3A_139 : vector<16xi1>) value(%get3A_134 : vector<16xi32>) : vector<16xi1>, vector<16xi32>
          %reduce_max3A = arith.constant true
          %reduce_max3A_142 = vector.broadcast %reduce_max3A : i1 to vector<16xi1>
          %reduce_max3A_143 = arith.constant -2147483648 : i32
          %reduce_max3A_144 = vector.broadcast %reduce_max3A_143 : i32 to vector<16xi32>
          %reduce_max3A_145 = arith.xori %unique3A_141, %reduce_max3A_144 : vector<16xi32>
          %reduce_max3A_146 = tpu.scan <max>, %reduce_max3A_145 masked %reduce_max3A_142 : vector<16xi32>, vector<16xi1> -> vector<16xi32>
          %reduce_max3A_147 = arith.xori %reduce_max3A_146, %reduce_max3A_144 : vector<16xi32>
          %reduce_max3A_148 = vector.extract %reduce_max3A_147[15] : i32 from vector<16xi32>
          %add3A_149 = arith.constant 1 : i32
          %add3A_150 = arith.addi %reduce_max3A_148, %add3A_149 : i32
          %while3A = arith.constant 0 : i32
          %while3A_151 = arith.subi %add3A_150, %reduce_min3A_29 : i32
          %while3A_152 = arith.addi %reduce_min3A_29, %while3A_151 : i32
          %while3A_153 = arith.constant 1 : i32
          %while3A_154 = arith.divsi %while3A_151, %while3A_153 : i32
          %while3A_155 = arith.muli %while3A_154, %while3A_153 : i32
          %while3A_156 = arith.addi %reduce_min3A_29, %while3A_155 : i32
          %while3A_157 = arith.constant 1 : i32
          scf.for %while3A_159 = %reduce_min3A_29 to %while3A_156 step %while3A_157  : i32 {
            %eq3A = vector.broadcast %while3A_159 : i32 to vector<16xi32>
            %eq3A_160 = arith.cmpi eq, %unique3A_141, %eq3A : vector<16xi32>
            %gather3A_161 = tpu.vector_load_idx %arg10[%get3A_134] : memref<10240xf32, #tpu.memory_space<vmem>>[vector<16xi32>], vector<16xf32>,
            %gather3A_162 = tpu.vector_load_idx %arg11[%get3A_134] : memref<10240xf32, #tpu.memory_space<vmem>>[vector<16xi32>], vector<16xf32>,
            %gather3A_163 = tpu.vector_load_idx %arg12[%get3A_134] : memref<10240xf32, #tpu.memory_space<vmem>>[vector<16xi32>], vector<16xf32>,
            %gather3A_164 = tpu.vector_load_idx %arg13[%get3A_134] : memref<10240xf32, #tpu.memory_space<vmem>>[vector<16xi32>], vector<16xf32>,
            %max3A = arith.maximumf %gather3A_161, %gather3A : vector<16xf32>
            %max3A_165 = arith.maximumf %gather3A_162, %gather3A_135 : vector<16xf32>
            %max3A_166 = arith.maximumf %gather3A_163, %gather3A_136 : vector<16xf32>
            %max3A_167 = arith.maximumf %gather3A_164, %gather3A_137 : vector<16xf32>
            tpu.vector_store_idx %arg10[%get3A_134], %max3A masked %eq3A_160 : memref<10240xf32, #tpu.memory_space<vmem>>[vector<16xi32>], vector<16xf32>, vector<16xi1>
            tpu.vector_store_idx %arg11[%get3A_134], %max3A_165 masked %eq3A_160 : memref<10240xf32, #tpu.memory_space<vmem>>[vector<16xi32>], vector<16xf32>, vector<16xi1>
            tpu.vector_store_idx %arg12[%get3A_134], %max3A_166 masked %eq3A_160 : memref<10240xf32, #tpu.memory_space<vmem>>[vector<16xi32>], vector<16xf32>, vector<16xi1>
            tpu.vector_store_idx %arg13[%get3A_134], %max3A_167 masked %eq3A_160 : memref<10240xf32, #tpu.memory_space<vmem>>[vector<16xi32>], vector<16xf32>, vector<16xi1>
          }
          %while3A_158 = arith.constant 1 : i32
          scf.for %while3A_159 = %while3A_156 to %while3A_152 step %while3A_158  : i32 {
            %eq3A = vector.broadcast %while3A_159 : i32 to vector<16xi32>
            %eq3A_160 = arith.cmpi eq, %unique3A_141, %eq3A : vector<16xi32>
            %gather3A_161 = tpu.vector_load_idx %arg10[%get3A_134] : memref<10240xf32, #tpu.memory_space<vmem>>[vector<16xi32>], vector<16xf32>,
            %gather3A_162 = tpu.vector_load_idx %arg11[%get3A_134] : memref<10240xf32, #tpu.memory_space<vmem>>[vector<16xi32>], vector<16xf32>,
            %gather3A_163 = tpu.vector_load_idx %arg12[%get3A_134] : memref<10240xf32, #tpu.memory_space<vmem>>[vector<16xi32>], vector<16xf32>,
            %gather3A_164 = tpu.vector_load_idx %arg13[%get3A_134] : memref<10240xf32, #tpu.memory_space<vmem>>[vector<16xi32>], vector<16xf32>,
            %max3A = arith.maximumf %gather3A_161, %gather3A : vector<16xf32>
            %max3A_165 = arith.maximumf %gather3A_162, %gather3A_135 : vector<16xf32>
            %max3A_166 = arith.maximumf %gather3A_163, %gather3A_136 : vector<16xf32>
            %max3A_167 = arith.maximumf %gather3A_164, %gather3A_137 : vector<16xf32>
            tpu.vector_store_idx %arg10[%get3A_134], %max3A masked %eq3A_160 : memref<10240xf32, #tpu.memory_space<vmem>>[vector<16xi32>], vector<16xf32>, vector<16xi1>
            tpu.vector_store_idx %arg11[%get3A_134], %max3A_165 masked %eq3A_160 : memref<10240xf32, #tpu.memory_space<vmem>>[vector<16xi32>], vector<16xf32>, vector<16xi1>
            tpu.vector_store_idx %arg12[%get3A_134], %max3A_166 masked %eq3A_160 : memref<10240xf32, #tpu.memory_space<vmem>>[vector<16xi32>], vector<16xf32>, vector<16xi1>
            tpu.vector_store_idx %arg13[%get3A_134], %max3A_167 masked %eq3A_160 : memref<10240xf32, #tpu.memory_space<vmem>>[vector<16xi32>], vector<16xf32>, vector<16xi1>
          }
        }
        %scan3A_128 = arith.constant 500 : i32
      } else {
      }
    }
    %scan3A_41 = arith.constant 20 : i32
    %add3A_42 = arith.constant 0 : i32
    %add3A_43 = arith.addi %mul3A_2, %add3A_42 : i32
    "tpu.region"() ({
      %run_scoped3A = tpu.sem_alloc : memref<!tpu.dma_semaphore, #tpu.memory_space<semaphore_mem>>
      %dma_start3A_50 = arith.constant 0 : i32
      %dma_start3A_51 = tpu.memref_slice %arg5[%add3A_43, %dma_start3A_50] : memref<128x10240xf32, #tpu.memory_space<hbm>> -> memref<1x10240xf32, #tpu.memory_space<hbm>>
      %dma_start3A_52 = tpu.memref_squeeze %dma_start3A_51 : memref<1x10240xf32, #tpu.memory_space<hbm>> -> memref<10240xf32, #tpu.memory_space<hbm>>
      %dma_start3A_53 = arith.constant 0 : i32
      %dma_start3A_54 = tpu.memref_slice %arg5[%add3A_43, %dma_start3A_53] : memref<128x10240xf32, #tpu.memory_space<hbm>> -> memref<1x10240xf32, #tpu.memory_space<hbm>>
      %dma_start3A_55 = tpu.memref_squeeze %dma_start3A_54 : memref<1x10240xf32, #tpu.memory_space<hbm>> -> memref<10240xf32, #tpu.memory_space<hbm>>
      tpu.enqueue_dma source(%arg10 : memref<10240xf32, #tpu.memory_space<vmem>>) target(%dma_start3A_55 : memref<10240xf32, #tpu.memory_space<hbm>>) target_semaphore(%run_scoped3A : memref<!tpu.dma_semaphore, #tpu.memory_space<semaphore_mem>>)
      %dma_wait3A = arith.constant 0 : i32
      %dma_wait3A_56 = tpu.memref_slice %arg5[%add3A_43, %dma_wait3A] : memref<128x10240xf32, #tpu.memory_space<hbm>> -> memref<1x10240xf32, #tpu.memory_space<hbm>>
      %dma_wait3A_57 = tpu.memref_squeeze %dma_wait3A_56 : memref<1x10240xf32, #tpu.memory_space<hbm>> -> memref<10240xf32, #tpu.memory_space<hbm>>
      %dma_wait3A_58 = arith.constant 0 : i32
      %dma_wait3A_59 = tpu.memref_slice %arg5[%add3A_43, %dma_wait3A_58] : memref<128x10240xf32, #tpu.memory_space<hbm>> -> memref<1x10240xf32, #tpu.memory_space<hbm>>
      %dma_wait3A_60 = tpu.memref_squeeze %dma_wait3A_59 : memref<1x10240xf32, #tpu.memory_space<hbm>> -> memref<10240xf32, #tpu.memory_space<hbm>>
      tpu.wait_dma2 semaphore(%run_scoped3A : memref<!tpu.dma_semaphore, #tpu.memory_space<semaphore_mem>>) src(%arg10 : memref<10240xf32, #tpu.memory_space<vmem>>) dst(%dma_wait3A_60 : memref<10240xf32, #tpu.memory_space<hbm>>)
      tpu.yield
    }) : () -> ()
    %add3A_44 = arith.constant 1 : i32
    %add3A_45 = arith.addi %mul3A_2, %add3A_44 : i32
    "tpu.region"() ({
      %run_scoped3A = tpu.sem_alloc : memref<!tpu.dma_semaphore, #tpu.memory_space<semaphore_mem>>
      %dma_start3A_50 = arith.constant 0 : i32
      %dma_start3A_51 = tpu.memref_slice %arg5[%add3A_45, %dma_start3A_50] : memref<128x10240xf32, #tpu.memory_space<hbm>> -> memref<1x10240xf32, #tpu.memory_space<hbm>>
      %dma_start3A_52 = tpu.memref_squeeze %dma_start3A_51 : memref<1x10240xf32, #tpu.memory_space<hbm>> -> memref<10240xf32, #tpu.memory_space<hbm>>
      %dma_start3A_53 = arith.constant 0 : i32
      %dma_start3A_54 = tpu.memref_slice %arg5[%add3A_45, %dma_start3A_53] : memref<128x10240xf32, #tpu.memory_space<hbm>> -> memref<1x10240xf32, #tpu.memory_space<hbm>>
      %dma_start3A_55 = tpu.memref_squeeze %dma_start3A_54 : memref<1x10240xf32, #tpu.memory_space<hbm>> -> memref<10240xf32, #tpu.memory_space<hbm>>
      tpu.enqueue_dma source(%arg11 : memref<10240xf32, #tpu.memory_space<vmem>>) target(%dma_start3A_55 : memref<10240xf32, #tpu.memory_space<hbm>>) target_semaphore(%run_scoped3A : memref<!tpu.dma_semaphore, #tpu.memory_space<semaphore_mem>>)
      %dma_wait3A = arith.constant 0 : i32
      %dma_wait3A_56 = tpu.memref_slice %arg5[%add3A_45, %dma_wait3A] : memref<128x10240xf32, #tpu.memory_space<hbm>> -> memref<1x10240xf32, #tpu.memory_space<hbm>>
      %dma_wait3A_57 = tpu.memref_squeeze %dma_wait3A_56 : memref<1x10240xf32, #tpu.memory_space<hbm>> -> memref<10240xf32, #tpu.memory_space<hbm>>
      %dma_wait3A_58 = arith.constant 0 : i32
      %dma_wait3A_59 = tpu.memref_slice %arg5[%add3A_45, %dma_wait3A_58] : memref<128x10240xf32, #tpu.memory_space<hbm>> -> memref<1x10240xf32, #tpu.memory_space<hbm>>
      %dma_wait3A_60 = tpu.memref_squeeze %dma_wait3A_59 : memref<1x10240xf32, #tpu.memory_space<hbm>> -> memref<10240xf32, #tpu.memory_space<hbm>>
      tpu.wait_dma2 semaphore(%run_scoped3A : memref<!tpu.dma_semaphore, #tpu.memory_space<semaphore_mem>>) src(%arg11 : memref<10240xf32, #tpu.memory_space<vmem>>) dst(%dma_wait3A_60 : memref<10240xf32, #tpu.memory_space<hbm>>)
      tpu.yield
    }) : () -> ()
    %add3A_46 = arith.constant 2 : i32
    %add3A_47 = arith.addi %mul3A_2, %add3A_46 : i32
    "tpu.region"() ({
      %run_scoped3A = tpu.sem_alloc : memref<!tpu.dma_semaphore, #tpu.memory_space<semaphore_mem>>
      %dma_start3A_50 = arith.constant 0 : i32
      %dma_start3A_51 = tpu.memref_slice %arg5[%add3A_47, %dma_start3A_50] : memref<128x10240xf32, #tpu.memory_space<hbm>> -> memref<1x10240xf32, #tpu.memory_space<hbm>>
      %dma_start3A_52 = tpu.memref_squeeze %dma_start3A_51 : memref<1x10240xf32, #tpu.memory_space<hbm>> -> memref<10240xf32, #tpu.memory_space<hbm>>
      %dma_start3A_53 = arith.constant 0 : i32
      %dma_start3A_54 = tpu.memref_slice %arg5[%add3A_47, %dma_start3A_53] : memref<128x10240xf32, #tpu.memory_space<hbm>> -> memref<1x10240xf32, #tpu.memory_space<hbm>>
      %dma_start3A_55 = tpu.memref_squeeze %dma_start3A_54 : memref<1x10240xf32, #tpu.memory_space<hbm>> -> memref<10240xf32, #tpu.memory_space<hbm>>
      tpu.enqueue_dma source(%arg12 : memref<10240xf32, #tpu.memory_space<vmem>>) target(%dma_start3A_55 : memref<10240xf32, #tpu.memory_space<hbm>>) target_semaphore(%run_scoped3A : memref<!tpu.dma_semaphore, #tpu.memory_space<semaphore_mem>>)
      %dma_wait3A = arith.constant 0 : i32
      %dma_wait3A_56 = tpu.memref_slice %arg5[%add3A_47, %dma_wait3A] : memref<128x10240xf32, #tpu.memory_space<hbm>> -> memref<1x10240xf32, #tpu.memory_space<hbm>>
      %dma_wait3A_57 = tpu.memref_squeeze %dma_wait3A_56 : memref<1x10240xf32, #tpu.memory_space<hbm>> -> memref<10240xf32, #tpu.memory_space<hbm>>
      %dma_wait3A_58 = arith.constant 0 : i32
      %dma_wait3A_59 = tpu.memref_slice %arg5[%add3A_47, %dma_wait3A_58] : memref<128x10240xf32, #tpu.memory_space<hbm>> -> memref<1x10240xf32, #tpu.memory_space<hbm>>
      %dma_wait3A_60 = tpu.memref_squeeze %dma_wait3A_59 : memref<1x10240xf32, #tpu.memory_space<hbm>> -> memref<10240xf32, #tpu.memory_space<hbm>>
      tpu.wait_dma2 semaphore(%run_scoped3A : memref<!tpu.dma_semaphore, #tpu.memory_space<semaphore_mem>>) src(%arg12 : memref<10240xf32, #tpu.memory_space<vmem>>) dst(%dma_wait3A_60 : memref<10240xf32, #tpu.memory_space<hbm>>)
      tpu.yield
    }) : () -> ()
    %add3A_48 = arith.constant 3 : i32
    %add3A_49 = arith.addi %mul3A_2, %add3A_48 : i32
    "tpu.region"() ({
      %run_scoped3A = tpu.sem_alloc : memref<!tpu.dma_semaphore, #tpu.memory_space<semaphore_mem>>
      %dma_start3A_50 = arith.constant 0 : i32
      %dma_start3A_51 = tpu.memref_slice %arg5[%add3A_49, %dma_start3A_50] : memref<128x10240xf32, #tpu.memory_space<hbm>> -> memref<1x10240xf32, #tpu.memory_space<hbm>>
      %dma_start3A_52 = tpu.memref_squeeze %dma_start3A_51 : memref<1x10240xf32, #tpu.memory_space<hbm>> -> memref<10240xf32, #tpu.memory_space<hbm>>
      %dma_start3A_53 = arith.constant 0 : i32
      %dma_start3A_54 = tpu.memref_slice %arg5[%add3A_49, %dma_start3A_53] : memref<128x10240xf32, #tpu.memory_space<hbm>> -> memref<1x10240xf32, #tpu.memory_space<hbm>>
      %dma_start3A_55 = tpu.memref_squeeze %dma_start3A_54 : memref<1x10240xf32, #tpu.memory_space<hbm>> -> memref<10240xf32, #tpu.memory_space<hbm>>
      tpu.enqueue_dma source(%arg13 : memref<10240xf32, #tpu.memory_space<vmem>>) target(%dma_start3A_55 : memref<10240xf32, #tpu.memory_space<hbm>>) target_semaphore(%run_scoped3A : memref<!tpu.dma_semaphore, #tpu.memory_space<semaphore_mem>>)
      %dma_wait3A = arith.constant 0 : i32
      %dma_wait3A_56 = tpu.memref_slice %arg5[%add3A_49, %dma_wait3A] : memref<128x10240xf32, #tpu.memory_space<hbm>> -> memref<1x10240xf32, #tpu.memory_space<hbm>>
      %dma_wait3A_57 = tpu.memref_squeeze %dma_wait3A_56 : memref<1x10240xf32, #tpu.memory_space<hbm>> -> memref<10240xf32, #tpu.memory_space<hbm>>
      %dma_wait3A_58 = arith.constant 0 : i32
      %dma_wait3A_59 = tpu.memref_slice %arg5[%add3A_49, %dma_wait3A_58] : memref<128x10240xf32, #tpu.memory_space<hbm>> -> memref<1x10240xf32, #tpu.memory_space<hbm>>
      %dma_wait3A_60 = tpu.memref_squeeze %dma_wait3A_59 : memref<1x10240xf32, #tpu.memory_space<hbm>> -> memref<10240xf32, #tpu.memory_space<hbm>>
      tpu.wait_dma2 semaphore(%run_scoped3A : memref<!tpu.dma_semaphore, #tpu.memory_space<semaphore_mem>>) src(%arg13 : memref<10240xf32, #tpu.memory_space<vmem>>) dst(%dma_wait3A_60 : memref<10240xf32, #tpu.memory_space<hbm>>)
      tpu.yield
    }) : () -> ()
    return
  }
}

module attributes {stable_mosaic.version = 14 : i64} {
  func.func @_prologue_body(%arg0: i32, %arg1: memref<128x2048xf32, #tpu.memory_space<vmem>>, %arg2: memref<128x128xf32, #tpu.memory_space<vmem>>, %arg3: memref<128x1xf32, #tpu.memory_space<vmem>>, %arg4: memref<128x128xf32, #tpu.memory_space<vmem>>, %arg5: memref<128x1xf32, #tpu.memory_space<vmem>>, %arg6: memref<128x128xf32, #tpu.memory_space<vmem>>, %arg7: memref<128x1xf32, #tpu.memory_space<vmem>>, %arg8: memref<3x128xf32, #tpu.memory_space<vmem>>, %arg9: memref<3x1xf32, #tpu.memory_space<vmem>>, %arg10: memref<128x3xf32, #tpu.memory_space<vmem>>, %arg11: memref<128x1xf32, #tpu.memory_space<vmem>>, %arg12: memref<128x128xf32, #tpu.memory_space<vmem>>, %arg13: memref<128x1xf32, #tpu.memory_space<vmem>>, %arg14: memref<128x128xf32, #tpu.memory_space<vmem>>, %arg15: memref<128x2048xf32, #tpu.memory_space<vmem>>, %arg16: memref<128x2048xf32, #tpu.memory_space<vmem>>, %arg17: memref<128x2048xf32, #tpu.memory_space<vmem>>) attributes {dimension_semantics = [#tpu.dimension_semantics<arbitrary>], iteration_bounds = array<i64: 5>, scalar_prefetch = 0 : i64, scratch_operands = 0 : i64, tpu.core_type = #tpu.core_type<tc>, window_params = [{transform_indices = @transform_0, window_bounds = array<i64: 128, 2048>}, {pipeline_mode = #tpu.pipeline_mode<synchronous>, transform_indices = @transform_1, window_bounds = array<i64: 128, 128>}, {pipeline_mode = #tpu.pipeline_mode<synchronous>, transform_indices = @transform_2, window_bounds = array<i64: 128, 1>}, {pipeline_mode = #tpu.pipeline_mode<synchronous>, transform_indices = @transform_3, window_bounds = array<i64: 128, 128>}, {pipeline_mode = #tpu.pipeline_mode<synchronous>, transform_indices = @transform_4, window_bounds = array<i64: 128, 1>}, {pipeline_mode = #tpu.pipeline_mode<synchronous>, transform_indices = @transform_5, window_bounds = array<i64: 128, 128>}, {pipeline_mode = #tpu.pipeline_mode<synchronous>, transform_indices = @transform_6, window_bounds = array<i64: 128, 1>}, {pipeline_mode = #tpu.pipeline_mode<synchronous>, transform_indices = @transform_7, window_bounds = array<i64: 3, 128>}, {pipeline_mode = #tpu.pipeline_mode<synchronous>, transform_indices = @transform_8, window_bounds = array<i64: 3, 1>}, {pipeline_mode = #tpu.pipeline_mode<synchronous>, transform_indices = @transform_9, window_bounds = array<i64: 128, 3>}, {pipeline_mode = #tpu.pipeline_mode<synchronous>, transform_indices = @transform_10, window_bounds = array<i64: 128, 1>}, {pipeline_mode = #tpu.pipeline_mode<synchronous>, transform_indices = @transform_11, window_bounds = array<i64: 128, 128>}, {pipeline_mode = #tpu.pipeline_mode<synchronous>, transform_indices = @transform_12, window_bounds = array<i64: 128, 1>}, {pipeline_mode = #tpu.pipeline_mode<synchronous>, transform_indices = @transform_13, window_bounds = array<i64: 128, 128>}, {transform_indices = @transform_14, window_bounds = array<i64: 128, 2048>}, {transform_indices = @transform_15, window_bounds = array<i64: 128, 2048>}, {transform_indices = @transform_16, window_bounds = array<i64: 128, 2048>}]} {
    %get3A = arith.constant 0 : index
    %get3A_0 = arith.constant 0 : index
    %get3A_1 = vector.load %arg1[%get3A, %get3A_0] : memref<128x2048xf32, #tpu.memory_space<vmem>>, vector<128x2048xf32>
    %get3A_2 = arith.constant 0 : index
    %get3A_3 = arith.constant 0 : index
    %get3A_4 = vector.load %arg2[%get3A_2, %get3A_3] : memref<128x128xf32, #tpu.memory_space<vmem>>, vector<128x128xf32>
    %dot_general3A = arith.constant dense<0.000000e+00> : vector<128x2048xf32>
    %dot_general3A_5 = tpu.matmul %get3A_4, %get3A_1, %dot_general3A {dimension_numbers = #tpu.dot_dimension_numbers<[1], [0], [0], [1], [0, 0, 1, 1], [], []>, transpose_lhs_hint = false} : vector<128x128xf32>, vector<128x2048xf32>, vector<128x2048xf32> -> vector<128x2048xf32>
    %get3A_6 = arith.constant 0 : index
    %get3A_7 = arith.constant 0 : index
    %get3A_8 = vector.load %arg3[%get3A_6, %get3A_7] : memref<128x1xf32, #tpu.memory_space<vmem>>, vector<128x1xf32>
    %add3A = vector.broadcast %get3A_8 : vector<128x1xf32> to vector<128x2048xf32>
    %add3A_9 = arith.addf %dot_general3A_5, %add3A : vector<128x2048xf32>
    %max3A = arith.constant 0.000000e+00 : f32
    %max3A_10 = vector.broadcast %max3A : f32 to vector<128x2048xf32>
    %max3A_11 = arith.maximumf %add3A_9, %max3A_10 : vector<128x2048xf32>
    %get3A_12 = arith.constant 0 : index
    %get3A_13 = arith.constant 0 : index
    %get3A_14 = vector.load %arg4[%get3A_12, %get3A_13] : memref<128x128xf32, #tpu.memory_space<vmem>>, vector<128x128xf32>
    %dot_general3A_15 = arith.constant dense<0.000000e+00> : vector<128x2048xf32>
    %dot_general3A_16 = tpu.matmul %get3A_14, %max3A_11, %dot_general3A_15 {dimension_numbers = #tpu.dot_dimension_numbers<[1], [0], [0], [1], [0, 0, 1, 1], [], []>, transpose_lhs_hint = false} : vector<128x128xf32>, vector<128x2048xf32>, vector<128x2048xf32> -> vector<128x2048xf32>
    %get3A_17 = arith.constant 0 : index
    %get3A_18 = arith.constant 0 : index
    %get3A_19 = vector.load %arg5[%get3A_17, %get3A_18] : memref<128x1xf32, #tpu.memory_space<vmem>>, vector<128x1xf32>
    %add3A_20 = vector.broadcast %get3A_19 : vector<128x1xf32> to vector<128x2048xf32>
    %add3A_21 = arith.addf %dot_general3A_16, %add3A_20 : vector<128x2048xf32>
    %get3A_22 = arith.constant 0 : index
    %get3A_23 = arith.constant 0 : index
    %get3A_24 = vector.load %arg6[%get3A_22, %get3A_23] : memref<128x128xf32, #tpu.memory_space<vmem>>, vector<128x128xf32>
    %dot_general3A_25 = arith.constant dense<0.000000e+00> : vector<128x2048xf32>
    %dot_general3A_26 = tpu.matmul %get3A_24, %add3A_21, %dot_general3A_25 {dimension_numbers = #tpu.dot_dimension_numbers<[1], [0], [0], [1], [0, 0, 1, 1], [], []>, transpose_lhs_hint = false} : vector<128x128xf32>, vector<128x2048xf32>, vector<128x2048xf32> -> vector<128x2048xf32>
    %get3A_27 = arith.constant 0 : index
    %get3A_28 = arith.constant 0 : index
    %get3A_29 = vector.load %arg7[%get3A_27, %get3A_28] : memref<128x1xf32, #tpu.memory_space<vmem>>, vector<128x1xf32>
    %add3A_30 = vector.broadcast %get3A_29 : vector<128x1xf32> to vector<128x2048xf32>
    %add3A_31 = arith.addf %dot_general3A_26, %add3A_30 : vector<128x2048xf32>
    %max3A_32 = arith.constant 0.000000e+00 : f32
    %max3A_33 = vector.broadcast %max3A_32 : f32 to vector<128x2048xf32>
    %max3A_34 = arith.maximumf %add3A_31, %max3A_33 : vector<128x2048xf32>
    %get3A_35 = arith.constant 0 : index
    %get3A_36 = arith.constant 0 : index
    %get3A_37 = vector.load %arg8[%get3A_35, %get3A_36] : memref<3x128xf32, #tpu.memory_space<vmem>>, vector<3x128xf32>
    %dot_general3A_38 = arith.constant dense<0.000000e+00> : vector<3x2048xf32>
    %dot_general3A_39 = tpu.matmul %get3A_37, %max3A_34, %dot_general3A_38 {dimension_numbers = #tpu.dot_dimension_numbers<[1], [0], [0], [1], [0, 0, 1, 1], [], []>, transpose_lhs_hint = false} : vector<3x128xf32>, vector<128x2048xf32>, vector<3x2048xf32> -> vector<3x2048xf32>
    %get3A_40 = arith.constant 0 : index
    %get3A_41 = arith.constant 0 : index
    %get3A_42 = vector.load %arg9[%get3A_40, %get3A_41] : memref<3x1xf32, #tpu.memory_space<vmem>>, vector<3x1xf32>
    %add3A_43 = vector.broadcast %get3A_42 : vector<3x1xf32> to vector<3x2048xf32>
    %add3A_44 = arith.addf %dot_general3A_39, %add3A_43 : vector<3x2048xf32>
    %get3A_45 = arith.constant 0 : index
    %get3A_46 = arith.constant 0 : index
    %get3A_47 = vector.load %arg10[%get3A_45, %get3A_46] : memref<128x3xf32, #tpu.memory_space<vmem>>, vector<128x3xf32>
    %dot_general3A_48 = arith.constant dense<0.000000e+00> : vector<128x2048xf32>
    %dot_general3A_49 = tpu.matmul %get3A_47, %add3A_44, %dot_general3A_48 {dimension_numbers = #tpu.dot_dimension_numbers<[1], [0], [0], [1], [0, 0, 1, 1], [], []>, transpose_lhs_hint = false} : vector<128x3xf32>, vector<3x2048xf32>, vector<128x2048xf32> -> vector<128x2048xf32>
    %get3A_50 = arith.constant 0 : index
    %get3A_51 = arith.constant 0 : index
    %get3A_52 = vector.load %arg11[%get3A_50, %get3A_51] : memref<128x1xf32, #tpu.memory_space<vmem>>, vector<128x1xf32>
    %add3A_53 = vector.broadcast %get3A_52 : vector<128x1xf32> to vector<128x2048xf32>
    %add3A_54 = arith.addf %dot_general3A_49, %add3A_53 : vector<128x2048xf32>
    %get3A_55 = arith.constant 0 : index
    %get3A_56 = arith.constant 0 : index
    %get3A_57 = vector.load %arg13[%get3A_55, %get3A_56] : memref<128x1xf32, #tpu.memory_space<vmem>>, vector<128x1xf32>
    %get3A_58 = arith.constant 0 : index
    %get3A_59 = arith.constant 0 : index
    %get3A_60 = vector.load %arg12[%get3A_58, %get3A_59] : memref<128x128xf32, #tpu.memory_space<vmem>>, vector<128x128xf32>
    %dot_general3A_61 = arith.constant dense<0.000000e+00> : vector<128x2048xf32>
    %dot_general3A_62 = tpu.matmul %get3A_60, %dot_general3A_49, %dot_general3A_61 {dimension_numbers = #tpu.dot_dimension_numbers<[1], [0], [0], [1], [0, 0, 1, 1], [], []>, transpose_lhs_hint = false} : vector<128x128xf32>, vector<128x2048xf32>, vector<128x2048xf32> -> vector<128x2048xf32>
    %sub3A = vector.broadcast %get3A_57 : vector<128x1xf32> to vector<128x2048xf32>
    %sub3A_63 = arith.subf %sub3A, %dot_general3A_62 : vector<128x2048xf32>
    %swap3A = arith.constant 0 : index
    %swap3A_64 = arith.constant 0 : index
    %swap3A_65 = vector.load %arg17[%swap3A, %swap3A_64] : memref<128x2048xf32, #tpu.memory_space<vmem>>, vector<128x2048xf32>
    tpu.vector_store %arg17[%swap3A, %swap3A_64], %sub3A_63 {strides = array<i32>} : memref<128x2048xf32, #tpu.memory_space<vmem>>, vector<128x2048xf32>,
    %swap3A_66 = arith.constant 0 : index
    %swap3A_67 = arith.constant 0 : index
    %swap3A_68 = vector.load %arg16[%swap3A_66, %swap3A_67] : memref<128x2048xf32, #tpu.memory_space<vmem>>, vector<128x2048xf32>
    tpu.vector_store %arg16[%swap3A_66, %swap3A_67], %add3A_54 {strides = array<i32>} : memref<128x2048xf32, #tpu.memory_space<vmem>>, vector<128x2048xf32>,
    %get3A_69 = arith.constant 0 : index
    %get3A_70 = arith.constant 0 : index
    %get3A_71 = vector.load %arg14[%get3A_69, %get3A_70] : memref<128x128xf32, #tpu.memory_space<vmem>>, vector<128x128xf32>
    %dot_general3A_72 = arith.constant dense<0.000000e+00> : vector<128x2048xf32>
    %dot_general3A_73 = tpu.matmul %get3A_71, %add3A_21, %dot_general3A_72 {dimension_numbers = #tpu.dot_dimension_numbers<[1], [0], [0], [1], [0, 0, 1, 1], [], []>, transpose_lhs_hint = false} : vector<128x128xf32>, vector<128x2048xf32>, vector<128x2048xf32> -> vector<128x2048xf32>
    %add3A_74 = arith.addf %dot_general3A_73, %add3A_54 : vector<128x2048xf32>
    %swap3A_75 = arith.constant 0 : index
    %swap3A_76 = arith.constant 0 : index
    %swap3A_77 = vector.load %arg15[%swap3A_75, %swap3A_76] : memref<128x2048xf32, #tpu.memory_space<vmem>>, vector<128x2048xf32>
    tpu.vector_store %arg15[%swap3A_75, %swap3A_76], %add3A_74 {strides = array<i32>} : memref<128x2048xf32, #tpu.memory_space<vmem>>, vector<128x2048xf32>,
    return
  }
  func.func @transform_0(%arg0: i32) -> (i32, i32) {
    %c0_i32 = arith.constant 0 : i32
    %c0_i32_0 = arith.constant 0 : i32
    return %c0_i32, %arg0 : i32, i32
  }
  func.func @transform_1(%arg0: i32) -> (i32, i32) {
    %c0_i32 = arith.constant 0 : i32
    %c0_i32_0 = arith.constant 0 : i32
    %c0_i32_1 = arith.constant 0 : i32
    return %c0_i32, %c0_i32_0 : i32, i32
  }
  func.func @transform_2(%arg0: i32) -> (i32, i32) {
    %c0_i32 = arith.constant 0 : i32
    %c0_i32_0 = arith.constant 0 : i32
    %c0_i32_1 = arith.constant 0 : i32
    return %c0_i32, %c0_i32_0 : i32, i32
  }
  func.func @transform_3(%arg0: i32) -> (i32, i32) {
    %c0_i32 = arith.constant 0 : i32
    %c0_i32_0 = arith.constant 0 : i32
    %c0_i32_1 = arith.constant 0 : i32
    return %c0_i32, %c0_i32_0 : i32, i32
  }
  func.func @transform_4(%arg0: i32) -> (i32, i32) {
    %c0_i32 = arith.constant 0 : i32
    %c0_i32_0 = arith.constant 0 : i32
    %c0_i32_1 = arith.constant 0 : i32
    return %c0_i32, %c0_i32_0 : i32, i32
  }
  func.func @transform_5(%arg0: i32) -> (i32, i32) {
    %c0_i32 = arith.constant 0 : i32
    %c0_i32_0 = arith.constant 0 : i32
    %c0_i32_1 = arith.constant 0 : i32
    return %c0_i32, %c0_i32_0 : i32, i32
  }
  func.func @transform_6(%arg0: i32) -> (i32, i32) {
    %c0_i32 = arith.constant 0 : i32
    %c0_i32_0 = arith.constant 0 : i32
    %c0_i32_1 = arith.constant 0 : i32
    return %c0_i32, %c0_i32_0 : i32, i32
  }
  func.func @transform_7(%arg0: i32) -> (i32, i32) {
    %c0_i32 = arith.constant 0 : i32
    %c0_i32_0 = arith.constant 0 : i32
    %c0_i32_1 = arith.constant 0 : i32
    return %c0_i32, %c0_i32_0 : i32, i32
  }
  func.func @transform_8(%arg0: i32) -> (i32, i32) {
    %c0_i32 = arith.constant 0 : i32
    %c0_i32_0 = arith.constant 0 : i32
    %c0_i32_1 = arith.constant 0 : i32
    return %c0_i32, %c0_i32_0 : i32, i32
  }
  func.func @transform_9(%arg0: i32) -> (i32, i32) {
    %c0_i32 = arith.constant 0 : i32
    %c0_i32_0 = arith.constant 0 : i32
    %c0_i32_1 = arith.constant 0 : i32
    return %c0_i32, %c0_i32_0 : i32, i32
  }
  func.func @transform_10(%arg0: i32) -> (i32, i32) {
    %c0_i32 = arith.constant 0 : i32
    %c0_i32_0 = arith.constant 0 : i32
    %c0_i32_1 = arith.constant 0 : i32
    return %c0_i32, %c0_i32_0 : i32, i32
  }
  func.func @transform_11(%arg0: i32) -> (i32, i32) {
    %c0_i32 = arith.constant 0 : i32
    %c0_i32_0 = arith.constant 0 : i32
    %c0_i32_1 = arith.constant 0 : i32
    return %c0_i32, %c0_i32_0 : i32, i32
  }
  func.func @transform_12(%arg0: i32) -> (i32, i32) {
    %c0_i32 = arith.constant 0 : i32
    %c0_i32_0 = arith.constant 0 : i32
    %c0_i32_1 = arith.constant 0 : i32
    return %c0_i32, %c0_i32_0 : i32, i32
  }
  func.func @transform_13(%arg0: i32) -> (i32, i32) {
    %c0_i32 = arith.constant 0 : i32
    %c0_i32_0 = arith.constant 0 : i32
    %c0_i32_1 = arith.constant 0 : i32
    return %c0_i32, %c0_i32_0 : i32, i32
  }
  func.func @transform_14(%arg0: i32) -> (i32, i32) {
    %c0_i32 = arith.constant 0 : i32
    %c0_i32_0 = arith.constant 0 : i32
    return %c0_i32, %arg0 : i32, i32
  }
  func.func @transform_15(%arg0: i32) -> (i32, i32) {
    %c0_i32 = arith.constant 0 : i32
    %c0_i32_0 = arith.constant 0 : i32
    return %c0_i32, %arg0 : i32, i32
  }
  func.func @transform_16(%arg0: i32) -> (i32, i32) {
    %c0_i32 = arith.constant 0 : i32
    %c0_i32_0 = arith.constant 0 : i32
    return %c0_i32, %arg0 : i32, i32
  }
}

module attributes {stable_mosaic.version = 14 : i64} {
  func.func @_layer_body(%arg0: i32, %arg1: memref<128x2048xf32, #tpu.memory_space<vmem>>, %arg2: memref<128x2048xf32, #tpu.memory_space<vmem>>, %arg3: memref<128x2048xf32, #tpu.memory_space<vmem>>, %arg4: memref<128x128xf32, #tpu.memory_space<vmem>>, %arg5: memref<128x128xf32, #tpu.memory_space<vmem>>, %arg6: memref<128x2048xf32, #tpu.memory_space<vmem>>) attributes {dimension_semantics = [#tpu.dimension_semantics<arbitrary>], iteration_bounds = array<i64: 5>, scalar_prefetch = 0 : i64, scratch_operands = 0 : i64, tpu.core_type = #tpu.core_type<tc>, window_params = [{transform_indices = @transform_0, window_bounds = array<i64: 128, 2048>}, {transform_indices = @transform_1, window_bounds = array<i64: 128, 2048>}, {transform_indices = @transform_2, window_bounds = array<i64: 128, 2048>}, {pipeline_mode = #tpu.pipeline_mode<synchronous>, transform_indices = @transform_3, window_bounds = array<i64: 128, 128>}, {pipeline_mode = #tpu.pipeline_mode<synchronous>, transform_indices = @transform_4, window_bounds = array<i64: 128, 128>}, {transform_indices = @transform_5, window_bounds = array<i64: 128, 2048>}]} {
    %get3A = arith.constant 0 : index
    %get3A_0 = arith.constant 0 : index
    %get3A_1 = vector.load %arg4[%get3A, %get3A_0] : memref<128x128xf32, #tpu.memory_space<vmem>>, vector<128x128xf32>
    %get3A_2 = arith.constant 0 : index
    %get3A_3 = arith.constant 0 : index
    %get3A_4 = vector.load %arg1[%get3A_2, %get3A_3] : memref<128x2048xf32, #tpu.memory_space<vmem>>, vector<128x2048xf32>
    %dot_general3A = arith.constant dense<0.000000e+00> : vector<128x2048xf32>
    %dot_general3A_5 = tpu.matmul %get3A_1, %get3A_4, %dot_general3A {dimension_numbers = #tpu.dot_dimension_numbers<[1], [0], [0], [1], [0, 0, 1, 1], [], []>, transpose_lhs_hint = false} : vector<128x128xf32>, vector<128x2048xf32>, vector<128x2048xf32> -> vector<128x2048xf32>
    %get3A_6 = arith.constant 0 : index
    %get3A_7 = arith.constant 0 : index
    %get3A_8 = vector.load %arg3[%get3A_6, %get3A_7] : memref<128x2048xf32, #tpu.memory_space<vmem>>, vector<128x2048xf32>
    %add3A = arith.addf %dot_general3A_5, %get3A_8 : vector<128x2048xf32>
    %max3A = arith.constant 0.000000e+00 : f32
    %max3A_9 = vector.broadcast %max3A : f32 to vector<128x2048xf32>
    %max3A_10 = arith.maximumf %add3A, %max3A_9 : vector<128x2048xf32>
    %get3A_11 = arith.constant 0 : index
    %get3A_12 = arith.constant 0 : index
    %get3A_13 = vector.load %arg5[%get3A_11, %get3A_12] : memref<128x128xf32, #tpu.memory_space<vmem>>, vector<128x128xf32>
    %dot_general3A_14 = arith.constant dense<0.000000e+00> : vector<128x2048xf32>
    %dot_general3A_15 = tpu.matmul %get3A_13, %max3A_10, %dot_general3A_14 {dimension_numbers = #tpu.dot_dimension_numbers<[1], [0], [0], [1], [0, 0, 1, 1], [], []>, transpose_lhs_hint = false} : vector<128x128xf32>, vector<128x2048xf32>, vector<128x2048xf32> -> vector<128x2048xf32>
    %get3A_16 = arith.constant 0 : index
    %get3A_17 = arith.constant 0 : index
    %get3A_18 = vector.load %arg2[%get3A_16, %get3A_17] : memref<128x2048xf32, #tpu.memory_space<vmem>>, vector<128x2048xf32>
    %add3A_19 = arith.addf %dot_general3A_15, %get3A_18 : vector<128x2048xf32>
    %swap3A = arith.constant 0 : index
    %swap3A_20 = arith.constant 0 : index
    %swap3A_21 = vector.load %arg6[%swap3A, %swap3A_20] : memref<128x2048xf32, #tpu.memory_space<vmem>>, vector<128x2048xf32>
    tpu.vector_store %arg6[%swap3A, %swap3A_20], %add3A_19 {strides = array<i32>} : memref<128x2048xf32, #tpu.memory_space<vmem>>, vector<128x2048xf32>,
    return
  }
  func.func @transform_0(%arg0: i32) -> (i32, i32) {
    %c0_i32 = arith.constant 0 : i32
    %c0_i32_0 = arith.constant 0 : i32
    return %c0_i32, %arg0 : i32, i32
  }
  func.func @transform_1(%arg0: i32) -> (i32, i32) {
    %c0_i32 = arith.constant 0 : i32
    %c0_i32_0 = arith.constant 0 : i32
    return %c0_i32, %arg0 : i32, i32
  }
  func.func @transform_2(%arg0: i32) -> (i32, i32) {
    %c0_i32 = arith.constant 0 : i32
    %c0_i32_0 = arith.constant 0 : i32
    return %c0_i32, %arg0 : i32, i32
  }
  func.func @transform_3(%arg0: i32) -> (i32, i32) {
    %c0_i32 = arith.constant 0 : i32
    %c0_i32_0 = arith.constant 0 : i32
    %c0_i32_1 = arith.constant 0 : i32
    return %c0_i32, %c0_i32_0 : i32, i32
  }
  func.func @transform_4(%arg0: i32) -> (i32, i32) {
    %c0_i32 = arith.constant 0 : i32
    %c0_i32_0 = arith.constant 0 : i32
    %c0_i32_1 = arith.constant 0 : i32
    return %c0_i32, %c0_i32_0 : i32, i32
  }
  func.func @transform_5(%arg0: i32) -> (i32, i32) {
    %c0_i32 = arith.constant 0 : i32
    %c0_i32_0 = arith.constant 0 : i32
    return %c0_i32, %arg0 : i32, i32
  }
}

module attributes {stable_mosaic.version = 14 : i64} {
  func.func @_final_body(%arg0: i32, %arg1: memref<128x2048xf32, #tpu.memory_space<vmem>>, %arg2: memref<128x2048xf32, #tpu.memory_space<vmem>>, %arg3: memref<128x128xf32, #tpu.memory_space<vmem>>, %arg4: memref<128x128xf32, #tpu.memory_space<vmem>>, %arg5: memref<128x1xf32, #tpu.memory_space<vmem>>, %arg6: memref<128x2048xf32, #tpu.memory_space<vmem>>) attributes {dimension_semantics = [#tpu.dimension_semantics<arbitrary>], iteration_bounds = array<i64: 5>, scalar_prefetch = 0 : i64, scratch_operands = 0 : i64, tpu.core_type = #tpu.core_type<tc>, window_params = [{transform_indices = @transform_0, window_bounds = array<i64: 128, 2048>}, {transform_indices = @transform_1, window_bounds = array<i64: 128, 2048>}, {pipeline_mode = #tpu.pipeline_mode<synchronous>, transform_indices = @transform_2, window_bounds = array<i64: 128, 128>}, {pipeline_mode = #tpu.pipeline_mode<synchronous>, transform_indices = @transform_3, window_bounds = array<i64: 128, 128>}, {pipeline_mode = #tpu.pipeline_mode<synchronous>, transform_indices = @transform_4, window_bounds = array<i64: 128, 1>}, {transform_indices = @transform_5, window_bounds = array<i64: 128, 2048>}]} {
    %get3A = arith.constant 0 : index
    %get3A_0 = arith.constant 0 : index
    %get3A_1 = vector.load %arg3[%get3A, %get3A_0] : memref<128x128xf32, #tpu.memory_space<vmem>>, vector<128x128xf32>
    %get3A_2 = arith.constant 0 : index
    %get3A_3 = arith.constant 0 : index
    %get3A_4 = vector.load %arg1[%get3A_2, %get3A_3] : memref<128x2048xf32, #tpu.memory_space<vmem>>, vector<128x2048xf32>
    %dot_general3A = arith.constant dense<0.000000e+00> : vector<128x2048xf32>
    %dot_general3A_5 = tpu.matmul %get3A_1, %get3A_4, %dot_general3A {dimension_numbers = #tpu.dot_dimension_numbers<[1], [0], [0], [1], [0, 0, 1, 1], [], []>, transpose_lhs_hint = false} : vector<128x128xf32>, vector<128x2048xf32>, vector<128x2048xf32> -> vector<128x2048xf32>
    %get3A_6 = arith.constant 0 : index
    %get3A_7 = arith.constant 0 : index
    %get3A_8 = vector.load %arg2[%get3A_6, %get3A_7] : memref<128x2048xf32, #tpu.memory_space<vmem>>, vector<128x2048xf32>
    %add3A = arith.addf %dot_general3A_5, %get3A_8 : vector<128x2048xf32>
    %max3A = arith.constant 0.000000e+00 : f32
    %max3A_9 = vector.broadcast %max3A : f32 to vector<128x2048xf32>
    %max3A_10 = arith.maximumf %add3A, %max3A_9 : vector<128x2048xf32>
    %get3A_11 = arith.constant 0 : index
    %get3A_12 = arith.constant 0 : index
    %get3A_13 = vector.load %arg4[%get3A_11, %get3A_12] : memref<128x128xf32, #tpu.memory_space<vmem>>, vector<128x128xf32>
    %dot_general3A_14 = arith.constant dense<0.000000e+00> : vector<128x2048xf32>
    %dot_general3A_15 = tpu.matmul %get3A_13, %max3A_10, %dot_general3A_14 {dimension_numbers = #tpu.dot_dimension_numbers<[1], [0], [0], [1], [0, 0, 1, 1], [], []>, transpose_lhs_hint = false} : vector<128x128xf32>, vector<128x2048xf32>, vector<128x2048xf32> -> vector<128x2048xf32>
    %get3A_16 = arith.constant 0 : index
    %get3A_17 = arith.constant 0 : index
    %get3A_18 = vector.load %arg5[%get3A_16, %get3A_17] : memref<128x1xf32, #tpu.memory_space<vmem>>, vector<128x1xf32>
    %add3A_19 = vector.broadcast %get3A_18 : vector<128x1xf32> to vector<128x2048xf32>
    %add3A_20 = arith.addf %dot_general3A_15, %add3A_19 : vector<128x2048xf32>
    %swap3A = arith.constant 0 : index
    %swap3A_21 = arith.constant 0 : index
    %swap3A_22 = vector.load %arg6[%swap3A, %swap3A_21] : memref<128x2048xf32, #tpu.memory_space<vmem>>, vector<128x2048xf32>
    tpu.vector_store %arg6[%swap3A, %swap3A_21], %add3A_20 {strides = array<i32>} : memref<128x2048xf32, #tpu.memory_space<vmem>>, vector<128x2048xf32>,
    return
  }
  func.func @transform_0(%arg0: i32) -> (i32, i32) {
    %c0_i32 = arith.constant 0 : i32
    %c0_i32_0 = arith.constant 0 : i32
    return %c0_i32, %arg0 : i32, i32
  }
  func.func @transform_1(%arg0: i32) -> (i32, i32) {
    %c0_i32 = arith.constant 0 : i32
    %c0_i32_0 = arith.constant 0 : i32
    return %c0_i32, %arg0 : i32, i32
  }
  func.func @transform_2(%arg0: i32) -> (i32, i32) {
    %c0_i32 = arith.constant 0 : i32
    %c0_i32_0 = arith.constant 0 : i32
    %c0_i32_1 = arith.constant 0 : i32
    return %c0_i32, %c0_i32_0 : i32, i32
  }
  func.func @transform_3(%arg0: i32) -> (i32, i32) {
    %c0_i32 = arith.constant 0 : i32
    %c0_i32_0 = arith.constant 0 : i32
    %c0_i32_1 = arith.constant 0 : i32
    return %c0_i32, %c0_i32_0 : i32, i32
  }
  func.func @transform_4(%arg0: i32) -> (i32, i32) {
    %c0_i32 = arith.constant 0 : i32
    %c0_i32_0 = arith.constant 0 : i32
    %c0_i32_1 = arith.constant 0 : i32
    return %c0_i32, %c0_i32_0 : i32, i32
  }
  func.func @transform_5(%arg0: i32) -> (i32, i32) {
    %c0_i32 = arith.constant 0 : i32
    %c0_i32_0 = arith.constant 0 : i32
    return %c0_i32, %arg0 : i32, i32
  }
}

</mosaic_0001>

<sc_bundles>
// kernel: kernel.12.cloned.1.call-start
scs
__scs_entry_jumppad:
0x0: {  	(pc) =	sbr.rel $0x88, $3  }
0x1: {  	(tag) =	ssettag $0x0;
	lr =	simm.s32 $0x1  }
0x2: {  	[smem:$0x3F91] =	sst lr;
	_ =	strace $0xD0000000  }
0x3: {  	_ = 	snop  }
0x4: {  	_ = 	snop  }
0x5: {  	_ = 	snop  }
0x6: {  	_ = 	snop  }
0x7: {  	_ = 	snop  }
__scs_overlays_trampoline_lowered:
0x8: {  	[smem:$0x3FA0] =	sst s0  }
0x9: {  	[smem:$0x3FA1] =	sst s1  }
0xa: {  	[smem:$0x3FA2] =	sst s2  }
0xb: {  	[smem:$0x3FA3] =	sst s3  }
0xc: {  	[smem:$0x3FA4] =	sst s4  }
0xd: {  	[smem:$0x3FA5] =	sst s5  }
0xe: {  	[smem:$0x3FA6] =	sst s6  }
0xf: {  	[smem:$0x3FA7] =	sst s7  }
0x10: {  	[smem:$0x3FA8] =	sst s8  }
0x11: {  	[smem:$0x3FA9] =	sst s9;
	s0 =	simm.s32 @!p0 $0x0  }
0x12: {  	s1 =	sld [smem:$0x3F8F];
	s0 =	simm.s32 @p0 $0x1  }
0x13: {  	[smem:$0x3FAA] =	sst s0;
	s0 =	simm.s32 @!p1 $0x0  }
0x14: {  	s2 =	sld [smem:$0x3F8E];
	s0 =	simm.s32 @p1 $0x1  }
0x15: {  	[smem:$0x3FAB] =	sst s0;
	s0 =	simm.s32 @!p2 $0x0  }
0x16: {  	s3 =	sld [smem:$0x3FDB];
	s0 =	simm.s32 @p2 $0x1  }
0x17: {  	s4 =	simm.s32 $0x1BF5;
	[smem:$0x3FAD] =	sst s0  }
0x18: {  	s0 =	sld [smem:$0x3F90];
	_ =	swait.ge [sflag:s4], $0x0  }
0x19: {  	s7 =	sld [smem:$0x3F91]  }
0x1a: {  	s8 =	sadd.s32 $0xFFFFE003, lr  }
0x1b: {  	s9 =	sadd.s32 $0xFFFFFEF7, lr;
	s5 =	simm.s32 $0xFFFFFFFF;
	p2 =	slt.u32 s8, $0xFFFFF086  }
0x1c: {  	p1 =	slt.u32 s9, $0xF7A;
	s5 =	simm.s32 @!p2 $0x0  }
0x1d: {  	s5 =	simm.s32 @p1 $0x1;
	p0 =	seq.s32 s7, s2  }
0x1e: {  	s7 =	smul.u32 @!p0 $0xF7A, s2;
	p2 =	seq.s32 @!p0 s5, $0x0  }
0x1f: {  	s9 =	smul.u32 $0xF7A, s1;
	s8 =	simm.s32 @!p0 $0x1BF5;
	p2 =	por !p2, p0  }
0x20: {  	[sflag:s8] =	ssyncset.s32 @!p0 $0xFFFFF086;
	s6 =	sadd.s32 @!p0 s3, s7;
	s7 =	simm.s32 @!p0 $0x108  }
0x21: {  	s3 =	sadd.s32 s3, s9;
	s6 =	sadd.s32 @!p0 $0x88, s6;
	s7 =	simm.s32 @p2 $0x1082  }
0x22: {  	[simem:s7], [sflag:s8] =	dma.local @!p0 [hbm:s6], $0xF7A  }
0x23: {  	s9 =	sor.u32 $0xD0000000, s2;
	s6 =	simm.s32 $0x108;
	_ =	swait.ge @!p0 [sflag:s8], $0x0  }
0x24: {  	s3 =	sadd.s32 $0x88, s3;
	s6 =	simm.s32 @!p1 $0x1082;
	[sflag:s4] =	ssyncset.s32 $0xFFFFF086  }
0x25: {  	[simem:s6], [sflag:s4] =	dma.local [hbm:s3], $0xF7A  }
0x26: {  	[smem:$0x3F91] =	sst s1;
	(tag) =	ssettag s2;
	_ =	strace s9  }
0x27: {  	s1 =	sld [smem:$0x3FA1]  }
0x28: {  	s2 =	sld [smem:$0x3FA2]  }
0x29: {  	s4 =	sld [smem:$0x3FA4]  }
0x2a: {  	p0 =	seq.s32 s5, $0x0;
	s5 =	sld [smem:$0x3FA5]  }
0x2b: {  	s6 =	sld [smem:$0x3FA6]  }
0x2c: {  	s7 =	sld [smem:$0x3FA7]  }
0x2d: {  	s3 =	simm.s32 $0x108;
	s8 =	sld [smem:$0x3FA8]  }
0x2e: {  	s3 =	simm.s32 @!p0 $0x1082;
	s9 =	sld [smem:$0x3FA9]  }
0x2f: {  	lr =	sadd.s32 s0, s3;
	s0 =	sld [smem:$0x3FA0]  }
0x30: {  	s3 =	sld [smem:$0x3FA3]  }
0x31: {  	[smem:$0x3FAC] =	sst s10  }
0x32: {  	s10 =	sld [smem:$0x3FAA];
	_ =	sdelay $0x3  }
0x33: {  	p0 =	seq.s32 s10, $0x1;
	s10 =	sld [smem:$0x3FAC];
	_ =	sdelay $0x3  }
0x34: {  	[smem:$0x3FAC] =	sst s10  }
0x35: {  	s10 =	sld [smem:$0x3FAB];
	_ =	sdelay $0x3  }
0x36: {  	p1 =	seq.s32 s10, $0x1;
	s10 =	sld [smem:$0x3FAC];
	_ =	sdelay $0x3  }
0x37: {  	[smem:$0x3FAC] =	sst s10  }
0x38: {  	s10 =	sld [smem:$0x3FAD]  }
0x39: {  	_ = 	snop;
	(pc) =	sbr.ind lr, $3  }
0x3a: {  	_ = 	snop  }
0x3b: {  	_ = 	snop  }
0x3c: {  	p2 =	seq.s32 s10, $0x1;
	s10 =	sld [smem:$0x3FAC]  }
0x3d: {  	_ =	shalt  }
0x3e: {  	_ =	shalt  }
0x3f: {  	_ =	shalt  }
0x40: {  	_ =	shalt  }
0x41: {  	_ =	shalt  }
0x42: {  	_ =	shalt  }
0x43: {  	_ =	shalt  }
0x44: {  	_ =	shalt  }
0x45: {  	_ =	shalt  }
0x46: {  	_ =	shalt  }
0x47: {  	_ =	shalt  }
0x48: {  	_ =	shalt  }
0x49: {  	_ =	shalt  }
0x4a: {  	_ =	shalt  }
0x4b: {  	_ =	shalt  }
0x4c: {  	_ =	shalt  }
0x4d: {  	_ =	shalt  }
0x4e: {  	_ =	shalt  }
0x4f: {  	_ =	shalt  }
0x50: {  	_ =	shalt  }
0x51: {  	_ =	shalt  }
0x52: {  	_ =	shalt  }
0x53: {  	_ =	shalt  }
0x54: {  	_ =	shalt  }
0x55: {  	_ =	shalt  }
0x56: {  	_ =	shalt  }
0x57: {  	_ =	shalt  }
0x58: {  	_ =	shalt  }
0x59: {  	_ =	shalt  }
0x5a: {  	_ =	shalt  }
0x5b: {  	_ =	shalt  }
0x5c: {  	_ =	shalt  }
0x5d: {  	_ =	shalt  }
0x5e: {  	_ =	shalt  }
0x5f: {  	_ =	shalt  }
0x60: {  	_ =	shalt  }
0x61: {  	_ =	shalt  }
0x62: {  	_ =	shalt  }
0x63: {  	_ =	shalt  }
0x64: {  	_ =	shalt  }
0x65: {  	_ =	shalt  }
0x66: {  	_ =	shalt  }
0x67: {  	_ =	shalt  }
0x68: {  	_ =	shalt  }
0x69: {  	_ =	shalt  }
0x6a: {  	_ =	shalt  }
0x6b: {  	_ =	shalt  }
0x6c: {  	_ =	shalt  }
0x6d: {  	_ =	shalt  }
0x6e: {  	_ =	shalt  }
0x6f: {  	_ =	shalt  }
0x70: {  	_ =	shalt  }
0x71: {  	_ =	shalt  }
0x72: {  	_ =	shalt  }
0x73: {  	_ =	shalt  }
0x74: {  	_ =	shalt  }
0x75: {  	_ =	shalt  }
0x76: {  	_ =	shalt  }
0x77: {  	_ =	shalt  }
0x78: {  	_ =	shalt  }
0x79: {  	_ =	shalt  }
0x7a: {  	_ =	shalt  }
0x7b: {  	_ =	shalt  }
0x7c: {  	_ =	shalt  }
0x7d: {  	_ =	shalt  }
0x7e: {  	_ =	shalt  }
0x7f: {  	_ =	shalt  }
0x80: {  	_ =	shalt  }
0x81: {  	_ =	shalt  }
0x82: {  	_ =	shalt  }
0x83: {  	_ =	shalt  }
0x84: {  	_ =	shalt  }
0x85: {  	_ =	shalt  }
0x86: {  	_ =	shalt  }
0x87: {  	_ =	shalt  }
.Lfunc_end0:
.L_simem_size_0:
called_computation.1_lowered:
.L_overlay_start_0:
0x88: {  	s2 =	sld [smem:$0x3FD9]  }
0x89: {  	s3 =	sld [smem:$0x3FFE];
	_ =	sdelay $0x1  }
0x8a: {  	s1 =	srdreg.scid  }
0x8b: {  	s0 =	sand.u32 $0x1, s1  }
0x8c: {  	s17 =	sshll.u32 s0, $0xA;
	s2 =	sadd.s32 s3, s2  }
0x8d: {  	s2 =	sadd.s32 s2, s17  }
0x8e: {  	[smem:$0x3FB8] =	sst s2  }
0x8f: {  	_ = 	snop  }
0x90: {  	s2 =	sld [smem:$0x3FD0];
	(tm) =	ssettm $0x1  }
0x91: {  	s18 =	sld [smem:$0x3FFB];
	_ =	sdelay $0x3  }
0x92: {  	_ =	strace s18  }
0x93: {  	s3 =	sld [smem:$0x3FFC];
	_ =	sdelay $0x3  }
0x94: {  	_ =	strace s3  }
0x95: {  	s3 =	sld [smem:$0x3FFD];
	_ =	sdelay $0x3  }
0x96: {  	_ =	strace s3  }
0x97: {  	_ =	strace $0x8FFFFFFF  }
0x98: {  	s19 =	sld [smem:$0x3FDB];
	_ =	sdelay $0x1  }
0x99: {  	s4 =	simm.s32 $_scs_section_size  }
0x9a: {  	s5 =	simm.s32 $_size__tile_overlayer_lowered;
	s6 =	simm.s32 $_tile_overlayer_lowered  }
0x9b: {  	s22 =	simm.s32 $0x1BFF;
	s21 =	sshll.u32 s6, $0x1;
	s3 =	sadd.s32 s4, s19  }
0x9c: {  	s7 =	simm.s32 $0x0;
	s20 =	sshll.u32 s5, $0x1;
	s5 =	sadd.s32 s21, s3  }
0x9d: {  	[timem:s7], [sflag:s22] =	dma.local [hbm:s5], s20  }
0x9e: {  	_ =	swait.ge [sflag:s22], s20  }
0x9f: {  	s4 =	ssub.s32 $0x0, s20;
	[sflag:s22] =	ssyncset.done $0x0  }
0xa0: {  	[sflag:s22] =	ssyncadd.s32 s4;
	_ =	sdelay $0x1  }
0xa1: {  	s23 =	simm.s32 $0x1B8B  }
0xa2: {  	_ =	swait.ge [sflag:s23], $0x1  }
0xa3: {  	[sflag:s23] =	ssyncset.done $0x0  }
0xa4: {  	s25 =	simm.s32 $0x1B8E;
	s24 =	sld [smem:$0x3FFE];
	[sflag:s23] =	ssyncadd.s32 $0xFFFFFFFF  }
0xa5: {  	s26 =	simm.s32 $execute0_lowered;
	[smem:$0x3FD2] =	sst s25  }
0xa6: {  	s5 =	sshll.u32 s26, $0x1;
	_ =	strace $0x80000049;
	[dreg:$0x1] =	wrdreg $0xFFFFFFFF  }
0xa7: {  	s28 =	simm.s32 $_size_execute0_lowered;
	s3 =	sadd.s32 s3, s5;
	[dreg:$0x0] =	wrdreg $0x0  }
0xa8: {  	s5 =	sshll.u32 s28, $0x1;
	[dreg:$0x2] =	wrdreg s3  }
0xa9: {  	[dreg:$0x3] =	wrdreg s5  }
0xaa: {  	[dreg:$0x4] =	wrdreg $0xC0  }
0xab: {  	_ =	task [dreg:s7], $0x5FFFF  }
0xac: {  	[dreg:$0x1] =	wrdreg $0xFFFFFFFF  }
0xad: {  	[dreg:$0x0] =	wrdreg $0x60  }
0xae: {  	[dreg:$0x2] =	wrdreg s24  }
0xaf: {  	[dreg:$0x3] =	wrdreg s2  }
0xb0: {  	[dreg:$0x4] =	wrdreg $0x9  }
0xb1: {  	_ =	task.clear_ibuf [dreg:s7], $0x5FFFF;
	_ =	strace $0x90000049  }
0xb2: {  	s29 =	simm.s32 $0x9;
	_ =	strace $0x8000004B  }
0xb3: {  	_ =	swait.ge [sflag:s29], $0x1  }
0xb4: {  	[sflag:s29] =	ssyncadd.s32 $0xFFFFFFFF  }
0xb5: {  	_ =	strace $0x9000004B  }
0xb6: {  	_ =	sfence  }
0xb7: {  	s30 =	sld [smem:$0x0];
	_ =	sdelay $0x2  }
0xb8: {  	s31 =	sshll.u32 s1, $0xD;
	s1 =	sshrl.u32 s1, $0x2  }
0xb9: {  	s3 =	sand.u32 $0x4000, s31;
	s1 =	sadd.s32 s1, s30  }
0xba: {  	s0 =	sor.u32 s3, s0;
	s1 =	sshll.u32 s1, $0x11  }
0xbb: {  	s0 =	sor.u32 s1, s0  }
0xbc: {  	s0 =	sadd.s32 $0x8F2B, s0  }
0xbd: {  	[sflag:s0] =	ssyncadd.remote.s32 $0x1  }
0xbe: {  	_ =	sfence.sel $0xFFFF  }
0xbf: {  	[dreg:$0x0] =	wrdreg $0xFFFFFFFF;
	(pc) =	sbr.abs _section_cstart, $3  }
0xc0: {  	[dreg:$0x1] =	wrdreg $0xFFFFFFFF  }
0xc1: {  	_ =	task.clear_ibuf [dreg:s7], $0x2FFFF;
	_ =	strace $0x9FFFFFFF  }
0xc2: {  	(tm) =	ssettm $0x7FFFFFFF  }
0xc3: {  	_ =	shalt  }
tec
execute0_lowered:
.L_overlay_start_1:
0x0: {  	(tag) =	ssettag $0x1  }
0x1: {  	s0 =	rddreg [dreg:$0x0];
	s2 =	simm.s32 $0x0  }
0x2: {  	[smem:$0x7FF] =	sst s2  }
0x3: {  	s1 =	rddreg [dreg:$0x1];
	v0 =	vimm.s32 $0x0;
	_ =	strace $0x8000004A  }
0x4: {  	(xrf1) =	vunique.msk.u32 $0xffff, v0;
	_ =	sdelay $0xd  }
0x5: {  	_, v0, _ =	vpop (xrf1)  }
0x6: {  	v0 =	vxor.u32 $0x80000000, v0  }
0x7: {  	(xrf0) =	vmin.scan.msk.u32 $0xffff, v0;
	_ =	sdelay $0x5  }
0x8: {  	v0, _, _ =	vpop (xrf0)  }
0x9: {  	s3 =	srdreg.scid;
	(v2sf) =	vpush v0, $0xF  }
0xa: {  	s4 =	stileid.u32;
	s16 =	simm.s32 $0x80;
	s17 =	simm.s32 $0x400  }
0xb: {  	s18 =	simm.s32 $0x5;
	s19 =	simm.s32 $0xA000;
	s20 =	simm.s32 $0x2800  }
0xc: {  	s21 =	simm.s32 $0xC800;
	s22 =	simm.s32 $0x5000;
	s29 =	simm.s32 $0x1  }
0xd: {  	s30 =	simm.s32 $0x2;
	s3 =	sand.u32 $0x1, s3;
	s4 =	smul.u32 $0x14000, s4  }
0xe: {  	s31 =	simm.s32 $0x15F80;
	s28 =	simm.s32 $0x0;
	s5 =	sshll.u32 s3, $0x9  }
0xf: {  	s8 =	sadd.s32 $0xCE00, s0;
	s3 =	ssub.s32 $0x2, s3;
	s5 =	sor.u32 s5, s4  }
0x10: {  	s4 =	sadd.s32 $0x3000, s0;
	s6 =	sshrl.u32 s3, $0x1;
	s10 =	sshrl.u32 s5, $0x3  }
0x11: {  	s0 =	sadd.s32 $0x34E00, s0;
	s3 =	ssub.s32 s3, s6;
	s11 =	sor.u32 $0x10, s10  }
0x12: {  	s5 =	sadd.s32 s8, s10;
	s12 =	sor.u32 $0x20, s10;
	s13 =	sor.u32 $0x30, s10  }
0x13: {  	s23 =	sadd.s32 s0, s10;
	s26 =	smax.u32 s3, $0x1;
	s3 =	simm.s32 $0x3  }
0x14: {  	[dreg:$0x3] =	wrdreg s5;
	s6 =	sadd.s32 s8, s11;
	s7 =	sadd.s32 s8, s12  }
0x15: {  	s8 =	sadd.s32 s8, s13;
	[dreg:$0x4] =	wrdreg s23;
	s24 =	sadd.s32 s0, s11  }
.Ltmp0:
0x16: {  	s25 =	sadd.s32 s0, s12;
	[dreg:$0x8] =	wrdreg s26;
	(pc) =	sbr.rel .LBB2_1-.Ltmp0, $4  }
0x17: {  	s0 =	sadd.s32 s0, s13;
	s23 =	simm.s32 $0xF000;
	[dreg:$0x5] =	wrdreg s24  }
0x18: {  	s26 =	simm.s32 $0x4;
	[dreg:$0x6] =	wrdreg s25;
	s14 =	spop (v2sf)  }
0x19: {  	[dreg:$0x7] =	wrdreg s0;
	s24 =	simm.s32 $0x7800;
	s9 =	sxor.u32 $0x80000000, s14  }
0x1a: {  	vm0 =	vmxor vm0, vm0;
	v1 =	vimm.f32 $0.0e+00;
	s25 =	simm.s32 $0x11800;
	s0 =	simm.s32 $0x19E80;
	s15 =	sadd.s32 $0xFFFFFFFF, s14;
	v0 =	vmov s9  }
.LBB2_19:
0x1b: {  	s5 =	rddreg [dreg:$0x4]  }
0x1c: {  	[hbm4b:s5+s16] =	stream.strided.scatter [tilespmem:s19], [sflag:$0x5], $0x2800, s17, s16, $0x38;
	[tilespmem:$0x1BE00] =	vst v63  }
0x1d: {  	_ =	swait.ge [sflag:s18], $0x2800  }
0x1e: {  	[sflag:s18] =	ssyncset.done $0x0  }
0x1f: {  	s11 =	rddreg [dreg:$0x5];
	[sflag:s18] =	ssyncadd.s32 $0xFFFFD800  }
0x20: {  	[hbm4b:s11+s16] =	stream.strided.scatter [tilespmem:s21], [sflag:$0x5], $0x2800, s17, s16, $0x38;
	[tilespmem:$0x1BE00] =	vst v63  }
0x21: {  	_ =	swait.ge [sflag:s18], $0x2800  }
0x22: {  	[sflag:s18] =	ssyncset.done $0x0  }
0x23: {  	s12 =	rddreg [dreg:$0x6];
	[sflag:s18] =	ssyncadd.s32 $0xFFFFD800  }
0x24: {  	[hbm4b:s12+s16] =	stream.strided.scatter [tilespmem:s23], [sflag:$0x5], $0x2800, s17, s16, $0x38;
	[tilespmem:$0x1BE00] =	vst v63  }
0x25: {  	_ =	swait.ge [sflag:s18], $0x2800  }
0x26: {  	[sflag:s18] =	ssyncset.done $0x0  }
0x27: {  	s13 =	rddreg [dreg:$0x7];
	[sflag:s18] =	ssyncadd.s32 $0xFFFFD800  }
0x28: {  	[hbm4b:s13+s16] =	stream.strided.scatter [tilespmem:s25], [sflag:$0x5], $0x2800, s17, s16, $0x38;
	[tilespmem:$0x1BE00] =	vst v63  }
0x29: {  	_ =	swait.ge [sflag:s18], $0x2800  }
0x2a: {  	s28 =	sadd.s32 $0x1, s28;
	s14 =	rddreg [dreg:$0x8]  }
0x2b: {  	p0 =	sne.s32 s28, s14  }
.Ltmp1:
0x2c: {  	_ = 	snop;
	(pc) =	sbr.rel @!p0 .LBB2_20-.Ltmp1, $3  }
0x2d: {  	_ =	sdelay $0x1  }
0x2e: {  	[sflag:s18] =	ssyncset.done $0x0  }
0x2f: {  	[sflag:s18] =	ssyncadd.s32 $0xFFFFD800  }
.LBB2_1:
0x30: {  	s5 =	rddreg [dreg:$0x3]  }
0x31: {  	[tilespmem:s2], [sflag:$0x5] =	stream.strided.gather [hbm4b:s5+s16], $0x2800, s17, s16, $0x38;
	[tilespmem:$0x1BE00] =	vst v63  }
0x32: {  	_ =	swait.ge [sflag:s18], $0x2800  }
0x33: {  	[sflag:s18] =	ssyncset.done $0x0  }
0x34: {  	[sflag:s18] =	ssyncadd.s32 $0xFFFFD800  }
0x35: {  	[tilespmem:s19], [sflag:$0x5] =	stream.strided.gather [hbm4b:s5+s16], $0x2800, s17, s16, $0x38;
	[tilespmem:$0x1BE00] =	vst v63  }
0x36: {  	_ =	swait.ge [sflag:s18], $0x2800  }
0x37: {  	[sflag:s18] =	ssyncset.done $0x0  }
0x38: {  	[sflag:s18] =	ssyncadd.s32 $0xFFFFD800  }
0x39: {  	[tilespmem:s20], [sflag:$0x5] =	stream.strided.gather [hbm4b:s6+s16], $0x2800, s17, s16, $0x38;
	[tilespmem:$0x1BE00] =	vst v63  }
0x3a: {  	_ =	swait.ge [sflag:s18], $0x2800  }
0x3b: {  	[sflag:s18] =	ssyncset.done $0x0  }
0x3c: {  	[sflag:s18] =	ssyncadd.s32 $0xFFFFD800  }
0x3d: {  	[tilespmem:s21], [sflag:$0x5] =	stream.strided.gather [hbm4b:s6+s16], $0x2800, s17, s16, $0x38;
	[tilespmem:$0x1BE00] =	vst v63  }
0x3e: {  	_ =	swait.ge [sflag:s18], $0x2800  }
0x3f: {  	[sflag:s18] =	ssyncset.done $0x0  }
0x40: {  	[sflag:s18] =	ssyncadd.s32 $0xFFFFD800  }
0x41: {  	[tilespmem:s22], [sflag:$0x5] =	stream.strided.gather [hbm4b:s7+s16], $0x2800, s17, s16, $0x38;
	[tilespmem:$0x1BE00] =	vst v63  }
0x42: {  	_ =	swait.ge [sflag:s18], $0x2800  }
0x43: {  	[sflag:s18] =	ssyncset.done $0x0  }
0x44: {  	[sflag:s18] =	ssyncadd.s32 $0xFFFFD800  }
0x45: {  	[tilespmem:s23], [sflag:$0x5] =	stream.strided.gather [hbm4b:s7+s16], $0x2800, s17, s16, $0x38;
	[tilespmem:$0x1BE00] =	vst v63  }
0x46: {  	_ =	swait.ge [sflag:s18], $0x2800  }
0x47: {  	[sflag:s18] =	ssyncset.done $0x0  }
0x48: {  	[sflag:s18] =	ssyncadd.s32 $0xFFFFD800  }
0x49: {  	[tilespmem:s24], [sflag:$0x5] =	stream.strided.gather [hbm4b:s8+s16], $0x2800, s17, s16, $0x38;
	[tilespmem:$0x1BE00] =	vst v63  }
0x4a: {  	_ =	swait.ge [sflag:s18], $0x2800  }
0x4b: {  	[sflag:s18] =	ssyncset.done $0x0  }
0x4c: {  	[sflag:s18] =	ssyncadd.s32 $0xFFFFD800  }
0x4d: {  	[tilespmem:s25], [sflag:$0x5] =	stream.strided.gather [hbm4b:s8+s16], $0x2800, s17, s16, $0x38;
	[tilespmem:$0x1BE00] =	vst v63  }
0x4e: {  	_ =	swait.ge [sflag:s18], $0x2800  }
.Ltmp2:
0x4f: {  	[sflag:s18] =	ssyncset.done $0x0;
	(pc) =	sbr.rel .LBB2_2-.Ltmp2, $4  }
0x50: {  	s13 =	simm.s32 $0x14000;
	[sflag:s18] =	ssyncadd.s32 $0xFFFFD800  }
0x51: {  	[tilespmem:s13], [sflag:$0x1] =	stream.linear.gather [hbm4b:s4+s2], $0x1F40, $0x38;
	[tilespmem:$0x1BE00] =	vst v63  }
0x52: {  	s14 =	simm.s32 $0x17F00;
	s10 =	simm.s32 $0x0  }
0x53: {  	[tilespmem:s14], [sflag:$0x2] =	stream.linear.gather [hbm4b:s1+s2], $0x1F40, $0x38;
	[tilespmem:$0x1BE00] =	vst v63  }
.LBB2_18:
0x54: {  	s10 =	sadd.s32 $0x1, s10  }
0x55: {  	p0 =	sne.s32 s10, $0x14  }
.Ltmp3:
0x56: {  	_ = 	snop;
	(pc) =	sbr.rel @!p0 .LBB2_19-.Ltmp3, $1  }
0x57: {  	_ =	sdelay $0x3  }
.LBB2_2:
0x58: {  	_ =	swait.ge [sflag:s29], $0x1F40  }
0x59: {  	s11 =	smul.u32 $0x3E80, s10;
	[sflag:s29] =	ssyncset.done $0x0  }
0x5a: {  	[sflag:s29] =	ssyncadd.s32 $0xFFFFE0C0  }
0x5b: {  	s12 =	sshrl.u32 s11, $0x3;
	_ =	swait.ge [sflag:s30], $0x1F40  }
0x5c: {  	s12 =	sadd.s32 $0x3E8, s12;
	[sflag:s30] =	ssyncset.done $0x0  }
0x5d: {  	s13 =	sadd.s32 s4, s12;
	[sflag:s30] =	ssyncadd.s32 $0xFFFFE0C0  }
0x5e: {  	[tilespmem:s31], [sflag:$0x3] =	stream.linear.gather [hbm4b:s13+s2], $0x1F40, $0x38;
	[tilespmem:$0x1BE00] =	vst v63  }
0x5f: {  	s12 =	sadd.s32 s1, s12  }
0x60: {  	[tilespmem:s0], [sflag:$0x4] =	stream.linear.gather [hbm4b:s12+s2], $0x1F40, $0x38;
	[tilespmem:$0x1BE00] =	vst v63  }
0x61: {  	s14 =	simm.s32 $0x14020;
	vm1 =	vmmov vm0;
	s13 =	simm.s32 $0x17F20;
	s12 =	simm.s32 $0xFFFFFFFC  }
.LBB2_3:
0x62: {  	v2 =	vld [tilespmem:s13+$0xFFFFFFE0];
	_ =	sdelay $0x4  }
0x63: {  	(xrf1) =	vunique.msk.u32 $0xffff, v2;
	_ =	sdelay $0x1  }
0x64: {  	v3 =	vld [tilespmem:s14+$0xFFFFFFE0];
	_ =	sdelay $0x7  }
0x65: {  	v4 =	vld.idx.msk [tilespmem:v3+s2+$0x0], $0xffff  }
0x66: {  	v5 =	vld.idx.msk [tilespmem:v3+s20+$0x0], $0xffff  }
0x67: {  	v6 =	vld.idx.msk [tilespmem:v3+s22+$0x0], $0xffff  }
0x68: {  	v3 =	vld.idx.msk [tilespmem:v3+s24+$0x0], $0xffff  }
0x69: {  	v8 =	vld.idx.msk [tilespmem:v2+s19+$0x0], $0xffff;
	_, v7, vm3 =	vpop (xrf1)  }
0x6a: {  	v9 =	vld.idx.msk [tilespmem:v2+s21+$0x0], $0xffff  }
0x6b: {  	v10 =	vld.idx.msk [tilespmem:v2+s23+$0x0], $0xffff  }
0x6c: {  	v11 =	vld.idx.msk [tilespmem:v2+s25+$0x0], $0xffff;
	_ =	sdelay $0x1  }
0x6d: {  	v8 =	vmax.f32 v8, v4  }
0x6e: {  	v9 =	vmax.f32 v9, v5;
	[tilespmem:v2+s19+$0x0] =	vst.idx.msk vm3, v8  }
0x6f: {  	v28 =	vmax.f32 v10, v6;
	[tilespmem:v2+s21+$0x0] =	vst.idx.msk vm3, v9  }
0x70: {  	v29 =	vmax.f32 v11, v3;
	[tilespmem:v2+s23+$0x0] =	vst.idx.msk vm3, v28  }
0x71: {  	vm4 =	veq.s32 v7, v0;
	vm2 =	vmneg vm3;
	[tilespmem:v2+s25+$0x0] =	vst.idx.msk vm3, v29  }
0x72: {  	vm3 =	vmand vm4, vm2;
	v8 =	vld.idx.msk [tilespmem:v2+s19+$0x0], $0xffff  }
0x73: {  	v9 =	vld.idx.msk [tilespmem:v2+s21+$0x0], $0xffff  }
0x74: {  	v30 =	vld.idx.msk [tilespmem:v2+s23+$0x0], $0xffff  }
0x75: {  	v31 =	vld.idx.msk [tilespmem:v2+s25+$0x0], $0xffff;
	_ =	sdelay $0x1  }
0x76: {  	v4 =	vmax.f32 v8, v4  }
0x77: {  	v5 =	vmax.f32 v9, v5;
	[tilespmem:v2+s19+$0x0] =	vst.idx.msk vm3, v4  }
0x78: {  	v32 =	vmax.f32 v30, v6;
	[tilespmem:v2+s21+$0x0] =	vst.idx.msk vm3, v5  }
0x79: {  	v3 =	vmax.f32 v31, v3;
	[tilespmem:v2+s23+$0x0] =	vst.idx.msk vm3, v32  }
0x7a: {  	[tilespmem:v2+s25+$0x0] =	vst.idx.msk vm3, v3  }
0x7b: {  	v2 =	vld [tilespmem:s13+$0xFFFFFFF0];
	_ =	sdelay $0x4  }
0x7c: {  	(xrf1) =	vunique.msk.u32 $0xffff, v2;
	_ =	sdelay $0x1  }
0x7d: {  	v3 =	vld [tilespmem:s14+$0xFFFFFFF0];
	_ =	sdelay $0x7  }
0x7e: {  	v4 =	vld.idx.msk [tilespmem:v3+s2+$0x0], $0xffff  }
0x7f: {  	v5 =	vld.idx.msk [tilespmem:v3+s20+$0x0], $0xffff  }
0x80: {  	v33 =	vld.idx.msk [tilespmem:v3+s22+$0x0], $0xffff  }
0x81: {  	v3 =	vld.idx.msk [tilespmem:v3+s24+$0x0], $0xffff  }
0x82: {  	v35 =	vld.idx.msk [tilespmem:v2+s19+$0x0], $0xffff;
	_, v34, vm12 =	vpop (xrf1)  }
0x83: {  	v36 =	vld.idx.msk [tilespmem:v2+s21+$0x0], $0xffff  }
0x84: {  	v37 =	vld.idx.msk [tilespmem:v2+s23+$0x0], $0xffff  }
0x85: {  	v12 =	vld.idx.msk [tilespmem:v2+s25+$0x0], $0xffff;
	_ =	sdelay $0x1  }
0x86: {  	v9 =	vmax.f32 v35, v4  }
0x87: {  	v10 =	vmax.f32 v36, v5;
	[tilespmem:v2+s19+$0x0] =	vst.idx.msk vm12, v9  }
0x88: {  	v38 =	vmax.f32 v37, v33;
	[tilespmem:v2+s21+$0x0] =	vst.idx.msk vm12, v10  }
0x89: {  	v39 =	vmax.f32 v12, v3;
	[tilespmem:v2+s23+$0x0] =	vst.idx.msk vm12, v38  }
0x8a: {  	vm5 =	veq.s32 v34, v0;
	vm3 =	vmneg vm12;
	[tilespmem:v2+s25+$0x0] =	vst.idx.msk vm12, v39  }
0x8b: {  	vm13 =	vmand vm5, vm3;
	v9 =	vld.idx.msk [tilespmem:v2+s19+$0x0], $0xffff  }
0x8c: {  	v10 =	vld.idx.msk [tilespmem:v2+s21+$0x0], $0xffff  }
0x8d: {  	v40 =	vld.idx.msk [tilespmem:v2+s23+$0x0], $0xffff  }
0x8e: {  	v41 =	vld.idx.msk [tilespmem:v2+s25+$0x0], $0xffff;
	_ =	sdelay $0x1  }
0x8f: {  	v4 =	vmax.f32 v9, v4  }
0x90: {  	v5 =	vmax.f32 v10, v5;
	[tilespmem:v2+s19+$0x0] =	vst.idx.msk vm13, v4  }
0x91: {  	v42 =	vmax.f32 v40, v33;
	[tilespmem:v2+s21+$0x0] =	vst.idx.msk vm13, v5  }
0x92: {  	v3 =	vmax.f32 v41, v3;
	[tilespmem:v2+s23+$0x0] =	vst.idx.msk vm13, v42  }
0x93: {  	[tilespmem:v2+s25+$0x0] =	vst.idx.msk vm13, v3  }
0x94: {  	v2 =	vld [tilespmem:s13+$0x0];
	_ =	sdelay $0x4  }
0x95: {  	(xrf1) =	vunique.msk.u32 $0xffff, v2;
	_ =	sdelay $0x1  }
0x96: {  	v3 =	vld [tilespmem:s14+$0x0];
	_ =	sdelay $0x7  }
0x97: {  	v4 =	vld.idx.msk [tilespmem:v3+s2+$0x0], $0xffff  }
0x98: {  	v5 =	vld.idx.msk [tilespmem:v3+s20+$0x0], $0xffff  }
0x99: {  	v43 =	vld.idx.msk [tilespmem:v3+s22+$0x0], $0xffff  }
0x9a: {  	v3 =	vld.idx.msk [tilespmem:v3+s24+$0x0], $0xffff  }
0x9b: {  	v45 =	vld.idx.msk [tilespmem:v2+s19+$0x0], $0xffff;
	_, v44, vm14 =	vpop (xrf1)  }
0x9c: {  	v46 =	vld.idx.msk [tilespmem:v2+s21+$0x0], $0xffff  }
0x9d: {  	v47 =	vld.idx.msk [tilespmem:v2+s23+$0x0], $0xffff  }
0x9e: {  	v13 =	vld.idx.msk [tilespmem:v2+s25+$0x0], $0xffff;
	_ =	sdelay $0x1  }
0x9f: {  	v10 =	vmax.f32 v45, v4  }
0xa0: {  	v11 =	vmax.f32 v46, v5;
	[tilespmem:v2+s19+$0x0] =	vst.idx.msk vm14, v10  }
0xa1: {  	v48 =	vmax.f32 v47, v43;
	[tilespmem:v2+s21+$0x0] =	vst.idx.msk vm14, v11  }
0xa2: {  	v49 =	vmax.f32 v13, v3;
	[tilespmem:v2+s23+$0x0] =	vst.idx.msk vm14, v48  }
0xa3: {  	vm6 =	veq.s32 v44, v0;
	vm15 =	vmneg vm14;
	[tilespmem:v2+s25+$0x0] =	vst.idx.msk vm14, v49  }
0xa4: {  	vm10 =	vmand vm6, vm15;
	v10 =	vld.idx.msk [tilespmem:v2+s19+$0x0], $0xffff  }
0xa5: {  	v11 =	vld.idx.msk [tilespmem:v2+s21+$0x0], $0xffff  }
0xa6: {  	v50 =	vld.idx.msk [tilespmem:v2+s23+$0x0], $0xffff  }
0xa7: {  	v51 =	vld.idx.msk [tilespmem:v2+s25+$0x0], $0xffff;
	_ =	sdelay $0x1  }
0xa8: {  	v4 =	vmax.f32 v10, v4  }
0xa9: {  	v5 =	vmax.f32 v11, v5;
	[tilespmem:v2+s19+$0x0] =	vst.idx.msk vm10, v4  }
0xaa: {  	v52 =	vmax.f32 v50, v43;
	[tilespmem:v2+s21+$0x0] =	vst.idx.msk vm10, v5  }
0xab: {  	v3 =	vmax.f32 v51, v3;
	[tilespmem:v2+s23+$0x0] =	vst.idx.msk vm10, v52  }
0xac: {  	[tilespmem:v2+s25+$0x0] =	vst.idx.msk vm10, v3  }
0xad: {  	v2 =	vld [tilespmem:s13+$0x10];
	_ =	sdelay $0x4  }
0xae: {  	(xrf1) =	vunique.msk.u32 $0xffff, v2;
	_ =	sdelay $0x1  }
0xaf: {  	v3 =	vld [tilespmem:s14+$0x10];
	_ =	sdelay $0x7  }
0xb0: {  	v4 =	vld.idx.msk [tilespmem:v3+s2+$0x0], $0xffff  }
0xb1: {  	v5 =	vld.idx.msk [tilespmem:v3+s20+$0x0], $0xffff  }
0xb2: {  	v53 =	vld.idx.msk [tilespmem:v3+s22+$0x0], $0xffff  }
0xb3: {  	v3 =	vld.idx.msk [tilespmem:v3+s24+$0x0], $0xffff  }
0xb4: {  	v55 =	vld.idx.msk [tilespmem:v2+s19+$0x0], $0xffff;
	_, v54, vm11 =	vpop (xrf1)  }
0xb5: {  	v56 =	vld.idx.msk [tilespmem:v2+s21+$0x0], $0xffff  }
0xb6: {  	v57 =	vld.idx.msk [tilespmem:v2+s23+$0x0], $0xffff  }
0xb7: {  	v14 =	vld.idx.msk [tilespmem:v2+s25+$0x0], $0xffff;
	_ =	sdelay $0x1  }
0xb8: {  	v11 =	vmax.f32 v55, v4  }
0xb9: {  	v58 =	vmax.f32 v56, v5;
	[tilespmem:v2+s19+$0x0] =	vst.idx.msk vm11, v11  }
0xba: {  	v59 =	vmax.f32 v57, v53;
	[tilespmem:v2+s21+$0x0] =	vst.idx.msk vm11, v58  }
0xbb: {  	v60 =	vmax.f32 v14, v3;
	[tilespmem:v2+s23+$0x0] =	vst.idx.msk vm11, v59  }
0xbc: {  	vm12 =	veq.s32 v54, v0;
	vm7 =	vmneg vm11;
	[tilespmem:v2+s25+$0x0] =	vst.idx.msk vm11, v60  }
0xbd: {  	vm13 =	vmand vm12, vm7;
	v11 =	vld.idx.msk [tilespmem:v2+s19+$0x0], $0xffff  }
0xbe: {  	v12 =	vld.idx.msk [tilespmem:v2+s21+$0x0], $0xffff  }
0xbf: {  	v61 =	vld.idx.msk [tilespmem:v2+s23+$0x0], $0xffff  }
0xc0: {  	s12 =	sadd.s32 $0x4, s12;
	vm8 =	vne.s32 v34, v0;
	vm14 =	vne.s32 v7, v0;
	v62 =	vld.idx.msk [tilespmem:v2+s25+$0x0], $0xffff  }
0xc1: {  	p0 =	slt.u32 s12, $0x1F0;
	vm3 =	vmand vm3, vm8;
	vm2 =	vmand vm2, vm14  }
.Ltmp4:
0xc2: {  	vm2 =	vmor vm2, vm3;
	vm3 =	vne.s32 v44, v0;
	v4 =	vmax.f32 v11, v4;
	(pc) =	sbr.rel @p0 .LBB2_3-.Ltmp4, $4  }
0xc3: {  	vm3 =	vmand vm15, vm3;
	vm15 =	vne.s32 v54, v0;
	v5 =	vmax.f32 v12, v5;
	[tilespmem:v2+s19+$0x0] =	vst.idx.msk vm13, v4  }
0xc4: {  	vm2 =	vmor vm2, vm3;
	vm3 =	vmand vm7, vm15;
	v63 =	vmax.f32 v61, v53;
	[tilespmem:v2+s21+$0x0] =	vst.idx.msk vm13, v5  }
0xc5: {  	vm2 =	vmor vm2, vm3;
	v3 =	vmax.f32 v62, v3;
	[tilespmem:v2+s23+$0x0] =	vst.idx.msk vm13, v63  }
0xc6: {  	s13 =	sadd.s32 $0x40, s13;
	s14 =	sadd.s32 $0x40, s14;
	vm1 =	vmor vm1, vm2;
	[tilespmem:v2+s25+$0x0] =	vst.idx.msk vm13, v3  }
0xc7: {  	v2 =	vsel vm1, $0x3F800000, v1  }
0xc8: {  	(xrf0) =	vmax.scan.msk.f32 $0xffff, v2;
	_ =	sdelay $0x5  }
0xc9: {  	v2, _, _ =	vpop (xrf0)  }
0xca: {  	(v2sf) =	vpush v2, $0xF;
	_ =	sdelay $0xe  }
0xcb: {  	s12 =	spop (v2sf)  }
0xcc: {  	p0 =	sgt.f32 s12, $0.0e+00  }
.Ltmp5:
0xcd: {  	_ = 	snop;
	(pc) =	sbr.rel @p0 .LBB2_5-.Ltmp5, $2  }
0xce: {  	_ =	sdelay $0x2  }
0xcf: {  	s12 =	simm.s32 $0x0  }
.LBB2_10:
0xd0: {  	_ =	swait.ge [sflag:s3], $0x1F40  }
0xd1: {  	[sflag:s3] =	ssyncset.done $0x0  }
0xd2: {  	p0 =	seq.s32 s10, $0x13;
	[sflag:s3] =	ssyncadd.s32 $0xFFFFE0C0  }
0xd3: {  	s5 =	sshrl.u32 @!p0 s11, $0x3;
	_ =	swait.ge [sflag:s26], $0x1F40  }
0xd4: {  	s12 =	simm.s32 @!p0 $0x0;
	s5 =	sadd.s32 @!p0 $0x7D0, s5;
	[sflag:s26] =	ssyncset.done $0x0  }
0xd5: {  	s13 =	simm.s32 @!p0 $0x14000;
	s11 =	sadd.s32 @!p0 s4, s5;
	[sflag:s26] =	ssyncadd.s32 $0xFFFFE0C0  }
0xd6: {  	[tilespmem:s13], [sflag:$0x1] =	stream.linear.gather @!p0 [hbm4b:s11+s12], $0x1F40, $0x38;
	[tilespmem:$0x1BE00] =	vst v63  }
0xd7: {  	s5 =	sadd.s32 @!p0 s1, s5;
	s11 =	simm.s32 @!p0 $0x17F00  }
0xd8: {  	[tilespmem:s11], [sflag:$0x2] =	stream.linear.gather @!p0 [hbm4b:s5+s12], $0x1F40, $0x38;
	[tilespmem:$0x1BE00] =	vst v63  }
0xd9: {  	vm1 =	vmmov vm0;
	s13 =	simm.s32 $0x15FA0;
	s11 =	simm.s32 $0xFFFFFFFC;
	s12 =	simm.s32 $0x19EA0  }
.LBB2_11:
0xda: {  	v2 =	vld [tilespmem:s12+$0xFFFFFFE0];
	_ =	sdelay $0x4  }
0xdb: {  	(xrf1) =	vunique.msk.u32 $0xffff, v2;
	_ =	sdelay $0x1  }
0xdc: {  	v3 =	vld [tilespmem:s13+$0xFFFFFFE0];
	_ =	sdelay $0x7  }
0xdd: {  	v4 =	vld.idx.msk [tilespmem:v3+s2+$0x0], $0xffff  }
0xde: {  	v5 =	vld.idx.msk [tilespmem:v3+s20+$0x0], $0xffff  }
0xdf: {  	v6 =	vld.idx.msk [tilespmem:v3+s22+$0x0], $0xffff  }
0xe0: {  	v3 =	vld.idx.msk [tilespmem:v3+s24+$0x0], $0xffff  }
0xe1: {  	v8 =	vld.idx.msk [tilespmem:v2+s19+$0x0], $0xffff;
	_, v7, vm3 =	vpop (xrf1)  }
0xe2: {  	v9 =	vld.idx.msk [tilespmem:v2+s21+$0x0], $0xffff  }
0xe3: {  	v10 =	vld.idx.msk [tilespmem:v2+s23+$0x0], $0xffff  }
0xe4: {  	v11 =	vld.idx.msk [tilespmem:v2+s25+$0x0], $0xffff;
	_ =	sdelay $0x1  }
0xe5: {  	v8 =	vmax.f32 v8, v4  }
0xe6: {  	v9 =	vmax.f32 v9, v5;
	[tilespmem:v2+s19+$0x0] =	vst.idx.msk vm3, v8  }
0xe7: {  	v28 =	vmax.f32 v10, v6;
	[tilespmem:v2+s21+$0x0] =	vst.idx.msk vm3, v9  }
0xe8: {  	v29 =	vmax.f32 v11, v3;
	[tilespmem:v2+s23+$0x0] =	vst.idx.msk vm3, v28  }
0xe9: {  	vm4 =	veq.s32 v7, v0;
	vm2 =	vmneg vm3;
	[tilespmem:v2+s25+$0x0] =	vst.idx.msk vm3, v29  }
0xea: {  	vm3 =	vmand vm4, vm2;
	v8 =	vld.idx.msk [tilespmem:v2+s19+$0x0], $0xffff  }
0xeb: {  	v9 =	vld.idx.msk [tilespmem:v2+s21+$0x0], $0xffff  }
0xec: {  	v30 =	vld.idx.msk [tilespmem:v2+s23+$0x0], $0xffff  }
0xed: {  	v31 =	vld.idx.msk [tilespmem:v2+s25+$0x0], $0xffff;
	_ =	sdelay $0x1  }
0xee: {  	v4 =	vmax.f32 v8, v4  }
0xef: {  	v5 =	vmax.f32 v9, v5;
	[tilespmem:v2+s19+$0x0] =	vst.idx.msk vm3, v4  }
0xf0: {  	v32 =	vmax.f32 v30, v6;
	[tilespmem:v2+s21+$0x0] =	vst.idx.msk vm3, v5  }
0xf1: {  	v3 =	vmax.f32 v31, v3;
	[tilespmem:v2+s23+$0x0] =	vst.idx.msk vm3, v32  }
0xf2: {  	[tilespmem:v2+s25+$0x0] =	vst.idx.msk vm3, v3  }
0xf3: {  	v2 =	vld [tilespmem:s12+$0xFFFFFFF0];
	_ =	sdelay $0x4  }
0xf4: {  	(xrf1) =	vunique.msk.u32 $0xffff, v2;
	_ =	sdelay $0x1  }
0xf5: {  	v3 =	vld [tilespmem:s13+$0xFFFFFFF0];
	_ =	sdelay $0x7  }
0xf6: {  	v4 =	vld.idx.msk [tilespmem:v3+s2+$0x0], $0xffff  }
0xf7: {  	v5 =	vld.idx.msk [tilespmem:v3+s20+$0x0], $0xffff  }
0xf8: {  	v33 =	vld.idx.msk [tilespmem:v3+s22+$0x0], $0xffff  }
0xf9: {  	v3 =	vld.idx.msk [tilespmem:v3+s24+$0x0], $0xffff  }
0xfa: {  	v35 =	vld.idx.msk [tilespmem:v2+s19+$0x0], $0xffff;
	_, v34, vm12 =	vpop (xrf1)  }
0xfb: {  	v36 =	vld.idx.msk [tilespmem:v2+s21+$0x0], $0xffff  }
0xfc: {  	v37 =	vld.idx.msk [tilespmem:v2+s23+$0x0], $0xffff  }
0xfd: {  	v12 =	vld.idx.msk [tilespmem:v2+s25+$0x0], $0xffff;
	_ =	sdelay $0x1  }
0xfe: {  	v9 =	vmax.f32 v35, v4  }
0xff: {  	v10 =	vmax.f32 v36, v5;
	[tilespmem:v2+s19+$0x0] =	vst.idx.msk vm12, v9  }
0x100: {  	v38 =	vmax.f32 v37, v33;
	[tilespmem:v2+s21+$0x0] =	vst.idx.msk vm12, v10  }
0x101: {  	v39 =	vmax.f32 v12, v3;
	[tilespmem:v2+s23+$0x0] =	vst.idx.msk vm12, v38  }
0x102: {  	vm5 =	veq.s32 v34, v0;
	vm3 =	vmneg vm12;
	[tilespmem:v2+s25+$0x0] =	vst.idx.msk vm12, v39  }
0x103: {  	vm13 =	vmand vm5, vm3;
	v9 =	vld.idx.msk [tilespmem:v2+s19+$0x0], $0xffff  }
0x104: {  	v10 =	vld.idx.msk [tilespmem:v2+s21+$0x0], $0xffff  }
0x105: {  	v40 =	vld.idx.msk [tilespmem:v2+s23+$0x0], $0xffff  }
0x106: {  	v41 =	vld.idx.msk [tilespmem:v2+s25+$0x0], $0xffff;
	_ =	sdelay $0x1  }
0x107: {  	v4 =	vmax.f32 v9, v4  }
0x108: {  	v5 =	vmax.f32 v10, v5;
	[tilespmem:v2+s19+$0x0] =	vst.idx.msk vm13, v4  }
0x109: {  	v42 =	vmax.f32 v40, v33;
	[tilespmem:v2+s21+$0x0] =	vst.idx.msk vm13, v5  }
0x10a: {  	v3 =	vmax.f32 v41, v3;
	[tilespmem:v2+s23+$0x0] =	vst.idx.msk vm13, v42  }
0x10b: {  	[tilespmem:v2+s25+$0x0] =	vst.idx.msk vm13, v3  }
0x10c: {  	v2 =	vld [tilespmem:s12+$0x0];
	_ =	sdelay $0x4  }
0x10d: {  	(xrf1) =	vunique.msk.u32 $0xffff, v2;
	_ =	sdelay $0x1  }
0x10e: {  	v3 =	vld [tilespmem:s13+$0x0];
	_ =	sdelay $0x7  }
0x10f: {  	v4 =	vld.idx.msk [tilespmem:v3+s2+$0x0], $0xffff  }
0x110: {  	v5 =	vld.idx.msk [tilespmem:v3+s20+$0x0], $0xffff  }
0x111: {  	v43 =	vld.idx.msk [tilespmem:v3+s22+$0x0], $0xffff  }
0x112: {  	v3 =	vld.idx.msk [tilespmem:v3+s24+$0x0], $0xffff  }
0x113: {  	v45 =	vld.idx.msk [tilespmem:v2+s19+$0x0], $0xffff;
	_, v44, vm14 =	vpop (xrf1)  }
0x114: {  	v46 =	vld.idx.msk [tilespmem:v2+s21+$0x0], $0xffff  }
0x115: {  	v47 =	vld.idx.msk [tilespmem:v2+s23+$0x0], $0xffff  }
0x116: {  	v13 =	vld.idx.msk [tilespmem:v2+s25+$0x0], $0xffff;
	_ =	sdelay $0x1  }
0x117: {  	v10 =	vmax.f32 v45, v4  }
0x118: {  	v11 =	vmax.f32 v46, v5;
	[tilespmem:v2+s19+$0x0] =	vst.idx.msk vm14, v10  }
0x119: {  	v48 =	vmax.f32 v47, v43;
	[tilespmem:v2+s21+$0x0] =	vst.idx.msk vm14, v11  }
0x11a: {  	v49 =	vmax.f32 v13, v3;
	[tilespmem:v2+s23+$0x0] =	vst.idx.msk vm14, v48  }
0x11b: {  	vm6 =	veq.s32 v44, v0;
	vm15 =	vmneg vm14;
	[tilespmem:v2+s25+$0x0] =	vst.idx.msk vm14, v49  }
0x11c: {  	vm10 =	vmand vm6, vm15;
	v10 =	vld.idx.msk [tilespmem:v2+s19+$0x0], $0xffff  }
0x11d: {  	v11 =	vld.idx.msk [tilespmem:v2+s21+$0x0], $0xffff  }
0x11e: {  	v50 =	vld.idx.msk [tilespmem:v2+s23+$0x0], $0xffff  }
0x11f: {  	v51 =	vld.idx.msk [tilespmem:v2+s25+$0x0], $0xffff;
	_ =	sdelay $0x1  }
0x120: {  	v4 =	vmax.f32 v10, v4  }
0x121: {  	v5 =	vmax.f32 v11, v5;
	[tilespmem:v2+s19+$0x0] =	vst.idx.msk vm10, v4  }
0x122: {  	v52 =	vmax.f32 v50, v43;
	[tilespmem:v2+s21+$0x0] =	vst.idx.msk vm10, v5  }
0x123: {  	v3 =	vmax.f32 v51, v3;
	[tilespmem:v2+s23+$0x0] =	vst.idx.msk vm10, v52  }
0x124: {  	[tilespmem:v2+s25+$0x0] =	vst.idx.msk vm10, v3  }
0x125: {  	v2 =	vld [tilespmem:s12+$0x10];
	_ =	sdelay $0x4  }
0x126: {  	(xrf1) =	vunique.msk.u32 $0xffff, v2;
	_ =	sdelay $0x1  }
0x127: {  	v3 =	vld [tilespmem:s13+$0x10];
	_ =	sdelay $0x7  }
0x128: {  	v4 =	vld.idx.msk [tilespmem:v3+s2+$0x0], $0xffff  }
0x129: {  	v5 =	vld.idx.msk [tilespmem:v3+s20+$0x0], $0xffff  }
0x12a: {  	v53 =	vld.idx.msk [tilespmem:v3+s22+$0x0], $0xffff  }
0x12b: {  	v3 =	vld.idx.msk [tilespmem:v3+s24+$0x0], $0xffff  }
0x12c: {  	v55 =	vld.idx.msk [tilespmem:v2+s19+$0x0], $0xffff;
	_, v54, vm11 =	vpop (xrf1)  }
0x12d: {  	v56 =	vld.idx.msk [tilespmem:v2+s21+$0x0], $0xffff  }
0x12e: {  	v57 =	vld.idx.msk [tilespmem:v2+s23+$0x0], $0xffff  }
0x12f: {  	v14 =	vld.idx.msk [tilespmem:v2+s25+$0x0], $0xffff;
	_ =	sdelay $0x1  }
0x130: {  	v11 =	vmax.f32 v55, v4  }
0x131: {  	v58 =	vmax.f32 v56, v5;
	[tilespmem:v2+s19+$0x0] =	vst.idx.msk vm11, v11  }
0x132: {  	v59 =	vmax.f32 v57, v53;
	[tilespmem:v2+s21+$0x0] =	vst.idx.msk vm11, v58  }
0x133: {  	v60 =	vmax.f32 v14, v3;
	[tilespmem:v2+s23+$0x0] =	vst.idx.msk vm11, v59  }
0x134: {  	vm12 =	veq.s32 v54, v0;
	vm7 =	vmneg vm11;
	[tilespmem:v2+s25+$0x0] =	vst.idx.msk vm11, v60  }
0x135: {  	vm13 =	vmand vm12, vm7;
	v11 =	vld.idx.msk [tilespmem:v2+s19+$0x0], $0xffff  }
0x136: {  	v12 =	vld.idx.msk [tilespmem:v2+s21+$0x0], $0xffff  }
0x137: {  	v61 =	vld.idx.msk [tilespmem:v2+s23+$0x0], $0xffff  }
0x138: {  	s11 =	sadd.s32 $0x4, s11;
	vm8 =	vne.s32 v34, v0;
	vm14 =	vne.s32 v7, v0;
	v62 =	vld.idx.msk [tilespmem:v2+s25+$0x0], $0xffff  }
0x139: {  	p0 =	slt.u32 s11, $0x1F0;
	vm3 =	vmand vm3, vm8;
	vm2 =	vmand vm2, vm14  }
.Ltmp6:
0x13a: {  	vm2 =	vmor vm2, vm3;
	vm3 =	vne.s32 v44, v0;
	v4 =	vmax.f32 v11, v4;
	(pc) =	sbr.rel @p0 .LBB2_11-.Ltmp6, $4  }
0x13b: {  	vm3 =	vmand vm15, vm3;
	vm15 =	vne.s32 v54, v0;
	v5 =	vmax.f32 v12, v5;
	[tilespmem:v2+s19+$0x0] =	vst.idx.msk vm13, v4  }
0x13c: {  	vm2 =	vmor vm2, vm3;
	vm3 =	vmand vm7, vm15;
	v63 =	vmax.f32 v61, v53;
	[tilespmem:v2+s21+$0x0] =	vst.idx.msk vm13, v5  }
0x13d: {  	vm2 =	vmor vm2, vm3;
	v3 =	vmax.f32 v62, v3;
	[tilespmem:v2+s23+$0x0] =	vst.idx.msk vm13, v63  }
0x13e: {  	s12 =	sadd.s32 $0x40, s12;
	s13 =	sadd.s32 $0x40, s13;
	vm1 =	vmor vm1, vm2;
	[tilespmem:v2+s25+$0x0] =	vst.idx.msk vm13, v3  }
0x13f: {  	v2 =	vsel vm1, $0x3F800000, v1  }
0x140: {  	(xrf0) =	vmax.scan.msk.f32 $0xffff, v2;
	_ =	sdelay $0x5  }
0x141: {  	v2, _, _ =	vpop (xrf0)  }
0x142: {  	(v2sf) =	vpush v2, $0xF;
	_ =	sdelay $0xe  }
0x143: {  	s5 =	spop (v2sf)  }
0x144: {  	p0 =	sgt.f32 s5, $0.0e+00  }
.Ltmp7:
0x145: {  	_ = 	snop;
	(pc) =	sbr.rel @!p0 .LBB2_18-.Ltmp7, $4  }
.Ltmp8:
0x146: {  	_ = 	snop;
	(pc) =	sbr.rel @p0 .LBB2_13-.Ltmp8, $4  }
0x147: {  	_ = 	snop  }
0x148: {  	_ = 	snop  }
0x149: {  	s11 =	simm.s32 $0x0  }
0x14a: {  	_ = 	snop  }
.LBB2_8:
0x14b: {  	_ =	sdelay $0x4  }
0x14c: {  	[tilespmem:v2+s25+$0x0] =	vst.idx.msk vm1, v8  }
.LBB2_9:
0x14d: {  	s12 =	sadd.s32 $0x1, s12  }
0x14e: {  	p0 =	sne.s32 s12, $0x1F4  }
.Ltmp9:
0x14f: {  	_ = 	snop;
	(pc) =	sbr.rel @!p0 .LBB2_10-.Ltmp9, $1  }
0x150: {  	_ =	sdelay $0x3  }
.LBB2_5:
0x151: {  	s13 =	sshll.u32 s12, $0x4  }
0x152: {  	v2 =	vld [tilespmem:s13+$0x17F00];
	_ =	sdelay $0x4  }
0x153: {  	(xrf1) =	vunique.msk.u32 $0xffff, v2;
	_ =	sdelay $0xd  }
0x154: {  	_, v3, _ =	vpop (xrf1)  }
0x155: {  	v4 =	vxor.u32 $0x80000000, v3  }
0x156: {  	(xrf0) =	vmax.scan.msk.u32 $0xffff, v4;
	_ =	sdelay $0x5  }
0x157: {  	v4, _, _ =	vpop (xrf0)  }
0x158: {  	(v2sf) =	vpush v4, $0xF;
	_ =	sdelay $0xa  }
0x159: {  	v7 =	vld [tilespmem:s13+$0x14000];
	_ =	sdelay $0x3  }
0x15a: {  	s13 =	spop (v2sf)  }
0x15b: {  	s14 =	sadd.s32 $0x80000001, s13  }
0x15c: {  	p0 =	sge.s32 s9, s14  }
.Ltmp10:
0x15d: {  	_ = 	snop;
	(pc) =	sbr.rel @p0 .LBB2_9-.Ltmp10, $4  }
0x15e: {  	v5 =	vld.idx.msk [tilespmem:v7+s20+$0x0], $0xffff  }
0x15f: {  	v6 =	vld.idx.msk [tilespmem:v7+s22+$0x0], $0xffff  }
0x160: {  	v4 =	vld.idx.msk [tilespmem:v7+s2+$0x0], $0xffff  }
0x161: {  	v7 =	vld.idx.msk [tilespmem:v7+s24+$0x0], $0xffff  }
0x162: {  	_ =	sdelay $0x2  }
0x163: {  	s14 =	sadd.s32 $0x80000001, s15  }
0x164: {  	v8 =	vld.idx.msk [tilespmem:v2+s19+$0x0], $0xffff;
	vm1 =	veq.s32 v3, s14  }
0x165: {  	v9 =	vld.idx.msk [tilespmem:v2+s21+$0x0], $0xffff  }
0x166: {  	v10 =	vld.idx.msk [tilespmem:v2+s23+$0x0], $0xffff;
	s14 =	sadd.s32 $0x1, s15  }
0x167: {  	v11 =	vld.idx.msk [tilespmem:v2+s25+$0x0], $0xffff;
	p0 =	sne.s32 s13, s14  }
.Ltmp11:
0x168: {  	_ = 	snop;
	(pc) =	sbr.rel @!p0 .LBB2_8-.Ltmp11, $4  }
0x169: {  	v8 =	vmax.f32 v8, v4  }
0x16a: {  	v9 =	vmax.f32 v9, v5;
	[tilespmem:v2+s19+$0x0] =	vst.idx.msk vm1, v8  }
0x16b: {  	v10 =	vmax.f32 v10, v6;
	[tilespmem:v2+s21+$0x0] =	vst.idx.msk vm1, v9  }
0x16c: {  	v8 =	vmax.f32 v11, v7;
	[tilespmem:v2+s23+$0x0] =	vst.idx.msk vm1, v10  }
.LBB2_7:
0x16d: {  	[tilespmem:v2+s25+$0x0] =	vst.idx.msk vm1, v8;
	s5 =	smov.u32 s14;
	s14 =	sadd.s32 $0x1, s14  }
0x16e: {  	s5 =	sadd.s32 $0x80000001, s5;
	v8 =	vld.idx.msk [tilespmem:v2+s19+$0x0], $0xffff;
	p0 =	sne.s32 s13, s14  }
0x16f: {  	vm1 =	veq.s32 v3, s5;
	v9 =	vld.idx.msk [tilespmem:v2+s21+$0x0], $0xffff  }
0x170: {  	v10 =	vld.idx.msk [tilespmem:v2+s23+$0x0], $0xffff  }
0x171: {  	v11 =	vld.idx.msk [tilespmem:v2+s25+$0x0], $0xffff;
	_ =	sdelay $0x1  }
.Ltmp12:
0x172: {  	(pc) =	sbr.rel @p0 .LBB2_7-.Ltmp12, $4  }
0x173: {  	v8 =	vmax.f32 v8, v4  }
0x174: {  	v9 =	vmax.f32 v9, v5;
	[tilespmem:v2+s19+$0x0] =	vst.idx.msk vm1, v8  }
0x175: {  	v10 =	vmax.f32 v10, v6;
	[tilespmem:v2+s21+$0x0] =	vst.idx.msk vm1, v9  }
0x176: {  	v8 =	vmax.f32 v11, v7;
	[tilespmem:v2+s23+$0x0] =	vst.idx.msk vm1, v10  }
.Ltmp13:
0x177: {  	_ = 	snop;
	(pc) =	sbr.rel .LBB2_8-.Ltmp13, $1  }
0x178: {  	_ =	sdelay $0x3  }
.LBB2_16:
0x179: {  	_ =	sdelay $0x4  }
0x17a: {  	[tilespmem:v2+s25+$0x0] =	vst.idx.msk vm1, v8  }
.LBB2_17:
0x17b: {  	s11 =	sadd.s32 $0x1, s11  }
0x17c: {  	p0 =	sne.s32 s11, $0x1F4  }
.Ltmp14:
0x17d: {  	_ = 	snop;
	(pc) =	sbr.rel @!p0 .LBB2_18-.Ltmp14, $1  }
0x17e: {  	_ =	sdelay $0x3  }
.LBB2_13:
0x17f: {  	s5 =	sshll.u32 s11, $0x4  }
0x180: {  	v2 =	vld [tilespmem:s5+$0x19E80];
	_ =	sdelay $0x4  }
0x181: {  	(xrf1) =	vunique.msk.u32 $0xffff, v2;
	_ =	sdelay $0xd  }
0x182: {  	_, v3, _ =	vpop (xrf1)  }
0x183: {  	v4 =	vxor.u32 $0x80000000, v3  }
0x184: {  	(xrf0) =	vmax.scan.msk.u32 $0xffff, v4;
	_ =	sdelay $0x5  }
0x185: {  	v4, _, _ =	vpop (xrf0)  }
0x186: {  	(v2sf) =	vpush v4, $0xF;
	_ =	sdelay $0xa  }
0x187: {  	v7 =	vld [tilespmem:s5+$0x15F80];
	_ =	sdelay $0x3  }
0x188: {  	s12 =	spop (v2sf)  }
0x189: {  	s14 =	sadd.s32 $0x80000001, s12  }
0x18a: {  	p0 =	sge.s32 s9, s14  }
.Ltmp15:
0x18b: {  	_ = 	snop;
	(pc) =	sbr.rel @p0 .LBB2_17-.Ltmp15, $4  }
0x18c: {  	v5 =	vld.idx.msk [tilespmem:v7+s20+$0x0], $0xffff  }
0x18d: {  	v6 =	vld.idx.msk [tilespmem:v7+s22+$0x0], $0xffff  }
0x18e: {  	v4 =	vld.idx.msk [tilespmem:v7+s2+$0x0], $0xffff  }
0x18f: {  	v7 =	vld.idx.msk [tilespmem:v7+s24+$0x0], $0xffff  }
0x190: {  	_ =	sdelay $0x2  }
0x191: {  	s5 =	sadd.s32 $0x80000001, s15  }
0x192: {  	v8 =	vld.idx.msk [tilespmem:v2+s19+$0x0], $0xffff;
	vm1 =	veq.s32 v3, s5  }
0x193: {  	v9 =	vld.idx.msk [tilespmem:v2+s21+$0x0], $0xffff  }
0x194: {  	v10 =	vld.idx.msk [tilespmem:v2+s23+$0x0], $0xffff;
	s13 =	sadd.s32 $0x1, s15  }
0x195: {  	v11 =	vld.idx.msk [tilespmem:v2+s25+$0x0], $0xffff;
	p0 =	sne.s32 s12, s13  }
.Ltmp16:
0x196: {  	_ = 	snop;
	(pc) =	sbr.rel @!p0 .LBB2_16-.Ltmp16, $4  }
0x197: {  	v8 =	vmax.f32 v8, v4  }
0x198: {  	v9 =	vmax.f32 v9, v5;
	[tilespmem:v2+s19+$0x0] =	vst.idx.msk vm1, v8  }
0x199: {  	v10 =	vmax.f32 v10, v6;
	[tilespmem:v2+s21+$0x0] =	vst.idx.msk vm1, v9  }
0x19a: {  	v8 =	vmax.f32 v11, v7;
	[tilespmem:v2+s23+$0x0] =	vst.idx.msk vm1, v10  }
.LBB2_15:
0x19b: {  	[tilespmem:v2+s25+$0x0] =	vst.idx.msk vm1, v8;
	s5 =	smov.u32 s13;
	s13 =	sadd.s32 $0x1, s13  }
0x19c: {  	s5 =	sadd.s32 $0x80000001, s5;
	v8 =	vld.idx.msk [tilespmem:v2+s19+$0x0], $0xffff;
	p0 =	sne.s32 s12, s13  }
0x19d: {  	vm1 =	veq.s32 v3, s5;
	v9 =	vld.idx.msk [tilespmem:v2+s21+$0x0], $0xffff  }
0x19e: {  	v10 =	vld.idx.msk [tilespmem:v2+s23+$0x0], $0xffff  }
0x19f: {  	v11 =	vld.idx.msk [tilespmem:v2+s25+$0x0], $0xffff;
	_ =	sdelay $0x1  }
.Ltmp17:
0x1a0: {  	(pc) =	sbr.rel @p0 .LBB2_15-.Ltmp17, $4  }
0x1a1: {  	v8 =	vmax.f32 v8, v4  }
0x1a2: {  	v9 =	vmax.f32 v9, v5;
	[tilespmem:v2+s19+$0x0] =	vst.idx.msk vm1, v8  }
0x1a3: {  	v10 =	vmax.f32 v10, v6;
	[tilespmem:v2+s21+$0x0] =	vst.idx.msk vm1, v9  }
0x1a4: {  	v8 =	vmax.f32 v11, v7;
	[tilespmem:v2+s23+$0x0] =	vst.idx.msk vm1, v10  }
.Ltmp18:
0x1a5: {  	_ = 	snop;
	(pc) =	sbr.rel .LBB2_16-.Ltmp18, $1  }
0x1a6: {  	_ =	sdelay $0x3  }
.LBB2_20:
0x1a7: {  	_ =	sfence.sel $0x180000  }
0x1a8: {  	[bflag:$0x0] =	sbarrier.arrive $0xFFFF  }
0x1a9: {  	_ =	strace $0x9000004A  }
0x1aa: {  	s0 =	stileid.u32;
	[bflag:$0x2] =	sbarrier.arrive $0xFFFF  }
0x1ab: {  	p0 =	sne.s32 s0, $0x0;
	s0 =	rddreg [dreg:$0x2]  }
0x1ac: {  	s0 =	sadd.s32 @!p0 $0x100000, s0  }
0x1ad: {  	[sflag:s0] =	ssyncadd.tile.s32 @!p0 $0x1;
	_ =	shalt  }
.Lfunc_end2:
_tile_overlayer_lowered:
.L_overlay_start_2:
0x1ae: {  	(tag) =	ssettag $0x2  }
0x1af: {  	s0 =	rddreg [dreg:$0x0];
	s2 =	stileid.u32  }
0x1b0: {  	s1 =	rddreg [dreg:$0x1];
	p0 =	sne.s32 s2, $0x0  }
0x1b1: {  	s3 =	rddreg [dreg:$0x2];
	[bflag:$0x3] =	sbarrier.arrive $0xFFFF;
	s2 =	simm.s32 @!p0 $0x1C05  }
0x1b2: {  	[timem:s3], [sflag:s2] =	dma.local @!p0 [hbm:s0], s1  }
0x1b3: {  	s0 =	simm.s32 @!p0 $0x5  }
0x1b4: {  	_ =	swait.ge @!p0 [sflag:s0], s1  }
0x1b5: {  	s1 =	ssub.s32 @!p0 $0x0, s1;
	[sflag:s0] =	ssyncset.done @!p0 $0x0  }
0x1b6: {  	[sflag:s0] =	ssyncadd.s32 @!p0 s1  }
0x1b7: {  	[bflag:$0x3] =	sbarrier.arrive $0xFFFF  }
0x1b8: {  	_ =	shalt  }

// kernel: kernel.15.cloned.1.call-start
scs
__scs_entry_jumppad:
0x0: {  	(pc) =	sbr.rel $0x88, $3  }
0x1: {  	(tag) =	ssettag $0x0;
	lr =	simm.s32 $0x1  }
0x2: {  	[smem:$0x3F91] =	sst lr;
	_ =	strace $0xD0000000  }
0x3: {  	_ = 	snop  }
0x4: {  	_ = 	snop  }
0x5: {  	_ = 	snop  }
0x6: {  	_ = 	snop  }
0x7: {  	_ = 	snop  }
__scs_overlays_trampoline_lowered:
0x8: {  	[smem:$0x3FA0] =	sst s0  }
0x9: {  	[smem:$0x3FA1] =	sst s1  }
0xa: {  	[smem:$0x3FA2] =	sst s2  }
0xb: {  	[smem:$0x3FA3] =	sst s3  }
0xc: {  	[smem:$0x3FA4] =	sst s4  }
0xd: {  	[smem:$0x3FA5] =	sst s5  }
0xe: {  	[smem:$0x3FA6] =	sst s6  }
0xf: {  	[smem:$0x3FA7] =	sst s7  }
0x10: {  	[smem:$0x3FA8] =	sst s8  }
0x11: {  	[smem:$0x3FA9] =	sst s9;
	s0 =	simm.s32 @!p0 $0x0  }
0x12: {  	s1 =	sld [smem:$0x3F8F];
	s0 =	simm.s32 @p0 $0x1  }
0x13: {  	[smem:$0x3FAA] =	sst s0;
	s0 =	simm.s32 @!p1 $0x0  }
0x14: {  	s2 =	sld [smem:$0x3F8E];
	s0 =	simm.s32 @p1 $0x1  }
0x15: {  	[smem:$0x3FAB] =	sst s0;
	s0 =	simm.s32 @!p2 $0x0  }
0x16: {  	s3 =	sld [smem:$0x3FDB];
	s0 =	simm.s32 @p2 $0x1  }
0x17: {  	s4 =	simm.s32 $0x1BF5;
	[smem:$0x3FAD] =	sst s0  }
0x18: {  	s0 =	sld [smem:$0x3F90];
	_ =	swait.ge [sflag:s4], $0x0  }
0x19: {  	s7 =	sld [smem:$0x3F91]  }
0x1a: {  	s8 =	sadd.s32 $0xFFFFE003, lr  }
0x1b: {  	s9 =	sadd.s32 $0xFFFFFEF7, lr;
	s5 =	simm.s32 $0xFFFFFFFF;
	p2 =	slt.u32 s8, $0xFFFFF086  }
0x1c: {  	p1 =	slt.u32 s9, $0xF7A;
	s5 =	simm.s32 @!p2 $0x0  }
0x1d: {  	s5 =	simm.s32 @p1 $0x1;
	p0 =	seq.s32 s7, s2  }
0x1e: {  	s7 =	smul.u32 @!p0 $0xF7A, s2;
	p2 =	seq.s32 @!p0 s5, $0x0  }
0x1f: {  	s9 =	smul.u32 $0xF7A, s1;
	s8 =	simm.s32 @!p0 $0x1BF5;
	p2 =	por !p2, p0  }
0x20: {  	[sflag:s8] =	ssyncset.s32 @!p0 $0xFFFFF086;
	s6 =	sadd.s32 @!p0 s3, s7;
	s7 =	simm.s32 @!p0 $0x108  }
0x21: {  	s3 =	sadd.s32 s3, s9;
	s6 =	sadd.s32 @!p0 $0x88, s6;
	s7 =	simm.s32 @p2 $0x1082  }
0x22: {  	[simem:s7], [sflag:s8] =	dma.local @!p0 [hbm:s6], $0xF7A  }
0x23: {  	s9 =	sor.u32 $0xD0000000, s2;
	s6 =	simm.s32 $0x108;
	_ =	swait.ge @!p0 [sflag:s8], $0x0  }
0x24: {  	s3 =	sadd.s32 $0x88, s3;
	s6 =	simm.s32 @!p1 $0x1082;
	[sflag:s4] =	ssyncset.s32 $0xFFFFF086  }
0x25: {  	[simem:s6], [sflag:s4] =	dma.local [hbm:s3], $0xF7A  }
0x26: {  	[smem:$0x3F91] =	sst s1;
	(tag) =	ssettag s2;
	_ =	strace s9  }
0x27: {  	s1 =	sld [smem:$0x3FA1]  }
0x28: {  	s2 =	sld [smem:$0x3FA2]  }
0x29: {  	s4 =	sld [smem:$0x3FA4]  }
0x2a: {  	p0 =	seq.s32 s5, $0x0;
	s5 =	sld [smem:$0x3FA5]  }
0x2b: {  	s6 =	sld [smem:$0x3FA6]  }
0x2c: {  	s7 =	sld [smem:$0x3FA7]  }
0x2d: {  	s3 =	simm.s32 $0x108;
	s8 =	sld [smem:$0x3FA8]  }
0x2e: {  	s3 =	simm.s32 @!p0 $0x1082;
	s9 =	sld [smem:$0x3FA9]  }
0x2f: {  	lr =	sadd.s32 s0, s3;
	s0 =	sld [smem:$0x3FA0]  }
0x30: {  	s3 =	sld [smem:$0x3FA3]  }
0x31: {  	[smem:$0x3FAC] =	sst s10  }
0x32: {  	s10 =	sld [smem:$0x3FAA];
	_ =	sdelay $0x3  }
0x33: {  	p0 =	seq.s32 s10, $0x1;
	s10 =	sld [smem:$0x3FAC];
	_ =	sdelay $0x3  }
0x34: {  	[smem:$0x3FAC] =	sst s10  }
0x35: {  	s10 =	sld [smem:$0x3FAB];
	_ =	sdelay $0x3  }
0x36: {  	p1 =	seq.s32 s10, $0x1;
	s10 =	sld [smem:$0x3FAC];
	_ =	sdelay $0x3  }
0x37: {  	[smem:$0x3FAC] =	sst s10  }
0x38: {  	s10 =	sld [smem:$0x3FAD]  }
0x39: {  	_ = 	snop;
	(pc) =	sbr.ind lr, $3  }
0x3a: {  	_ = 	snop  }
0x3b: {  	_ = 	snop  }
0x3c: {  	p2 =	seq.s32 s10, $0x1;
	s10 =	sld [smem:$0x3FAC]  }
0x3d: {  	_ =	shalt  }
0x3e: {  	_ =	shalt  }
0x3f: {  	_ =	shalt  }
0x40: {  	_ =	shalt  }
0x41: {  	_ =	shalt  }
0x42: {  	_ =	shalt  }
0x43: {  	_ =	shalt  }
0x44: {  	_ =	shalt  }
0x45: {  	_ =	shalt  }
0x46: {  	_ =	shalt  }
0x47: {  	_ =	shalt  }
0x48: {  	_ =	shalt  }
0x49: {  	_ =	shalt  }
0x4a: {  	_ =	shalt  }
0x4b: {  	_ =	shalt  }
0x4c: {  	_ =	shalt  }
0x4d: {  	_ =	shalt  }
0x4e: {  	_ =	shalt  }
0x4f: {  	_ =	shalt  }
0x50: {  	_ =	shalt  }
0x51: {  	_ =	shalt  }
0x52: {  	_ =	shalt  }
0x53: {  	_ =	shalt  }
0x54: {  	_ =	shalt  }
0x55: {  	_ =	shalt  }
0x56: {  	_ =	shalt  }
0x57: {  	_ =	shalt  }
0x58: {  	_ =	shalt  }
0x59: {  	_ =	shalt  }
0x5a: {  	_ =	shalt  }
0x5b: {  	_ =	shalt  }
0x5c: {  	_ =	shalt  }
0x5d: {  	_ =	shalt  }
0x5e: {  	_ =	shalt  }
0x5f: {  	_ =	shalt  }
0x60: {  	_ =	shalt  }
0x61: {  	_ =	shalt  }
0x62: {  	_ =	shalt  }
0x63: {  	_ =	shalt  }
0x64: {  	_ =	shalt  }
0x65: {  	_ =	shalt  }
0x66: {  	_ =	shalt  }
0x67: {  	_ =	shalt  }
0x68: {  	_ =	shalt  }
0x69: {  	_ =	shalt  }
0x6a: {  	_ =	shalt  }
0x6b: {  	_ =	shalt  }
0x6c: {  	_ =	shalt  }
0x6d: {  	_ =	shalt  }
0x6e: {  	_ =	shalt  }
0x6f: {  	_ =	shalt  }
0x70: {  	_ =	shalt  }
0x71: {  	_ =	shalt  }
0x72: {  	_ =	shalt  }
0x73: {  	_ =	shalt  }
0x74: {  	_ =	shalt  }
0x75: {  	_ =	shalt  }
0x76: {  	_ =	shalt  }
0x77: {  	_ =	shalt  }
0x78: {  	_ =	shalt  }
0x79: {  	_ =	shalt  }
0x7a: {  	_ =	shalt  }
0x7b: {  	_ =	shalt  }
0x7c: {  	_ =	shalt  }
0x7d: {  	_ =	shalt  }
0x7e: {  	_ =	shalt  }
0x7f: {  	_ =	shalt  }
0x80: {  	_ =	shalt  }
0x81: {  	_ =	shalt  }
0x82: {  	_ =	shalt  }
0x83: {  	_ =	shalt  }
0x84: {  	_ =	shalt  }
0x85: {  	_ =	shalt  }
0x86: {  	_ =	shalt  }
0x87: {  	_ =	shalt  }
.Lfunc_end0:
.L_simem_size_0:
called_computation.2_lowered:
.L_overlay_start_0:
0x88: {  	s2 =	sld [smem:$0x3FD9]  }
0x89: {  	s3 =	sld [smem:$0x3FFE];
	_ =	sdelay $0x1  }
0x8a: {  	s1 =	srdreg.scid  }
0x8b: {  	s0 =	sand.u32 $0x1, s1  }
0x8c: {  	s17 =	sshll.u32 s0, $0xA;
	s2 =	sadd.s32 s3, s2  }
0x8d: {  	s2 =	sadd.s32 s2, s17  }
0x8e: {  	[smem:$0x3FB8] =	sst s2  }
0x8f: {  	_ = 	snop  }
0x90: {  	s2 =	sld [smem:$0x3FD0];
	(tm) =	ssettm $0x1  }
0x91: {  	s18 =	sld [smem:$0x3FFB];
	_ =	sdelay $0x3  }
0x92: {  	_ =	strace s18  }
0x93: {  	s3 =	sld [smem:$0x3FFC];
	_ =	sdelay $0x3  }
0x94: {  	_ =	strace s3  }
0x95: {  	s3 =	sld [smem:$0x3FFD];
	_ =	sdelay $0x3  }
0x96: {  	_ =	strace s3  }
0x97: {  	_ =	strace $0x8FFFFFFF  }
0x98: {  	s19 =	sld [smem:$0x3FDB];
	_ =	sdelay $0x1  }
0x99: {  	s4 =	simm.s32 $_scs_section_size  }
0x9a: {  	s5 =	simm.s32 $_size__tile_overlayer_lowered;
	s6 =	simm.s32 $_tile_overlayer_lowered  }
0x9b: {  	s22 =	simm.s32 $0x1BFF;
	s21 =	sshll.u32 s6, $0x1;
	s3 =	sadd.s32 s4, s19  }
0x9c: {  	s7 =	simm.s32 $0x0;
	s20 =	sshll.u32 s5, $0x1;
	s5 =	sadd.s32 s21, s3  }
0x9d: {  	[timem:s7], [sflag:s22] =	dma.local [hbm:s5], s20  }
0x9e: {  	_ =	swait.ge [sflag:s22], s20  }
0x9f: {  	s4 =	ssub.s32 $0x0, s20;
	[sflag:s22] =	ssyncset.done $0x0  }
0xa0: {  	[sflag:s22] =	ssyncadd.s32 s4;
	_ =	sdelay $0x1  }
0xa1: {  	s23 =	simm.s32 $0x1B8B  }
0xa2: {  	_ =	swait.ge [sflag:s23], $0x1  }
0xa3: {  	[sflag:s23] =	ssyncset.done $0x0  }
0xa4: {  	s25 =	simm.s32 $0x1B8E;
	s24 =	sld [smem:$0x3FFE];
	[sflag:s23] =	ssyncadd.s32 $0xFFFFFFFF  }
0xa5: {  	s26 =	simm.s32 $execute0_lowered;
	[smem:$0x3FD2] =	sst s25  }
0xa6: {  	s5 =	sshll.u32 s26, $0x1;
	_ =	strace $0x8000004C;
	[dreg:$0x1] =	wrdreg $0xFFFFFFFF  }
0xa7: {  	s28 =	simm.s32 $_size_execute0_lowered;
	s3 =	sadd.s32 s3, s5;
	[dreg:$0x0] =	wrdreg $0x0  }
0xa8: {  	s5 =	sshll.u32 s28, $0x1;
	[dreg:$0x2] =	wrdreg s3  }
0xa9: {  	[dreg:$0x3] =	wrdreg s5  }
0xaa: {  	[dreg:$0x4] =	wrdreg $0xC0  }
0xab: {  	_ =	task [dreg:s7], $0x5FFFF  }
0xac: {  	[dreg:$0x1] =	wrdreg $0xFFFFFFFF  }
0xad: {  	[dreg:$0x0] =	wrdreg $0x60  }
0xae: {  	[dreg:$0x2] =	wrdreg s24  }
0xaf: {  	[dreg:$0x3] =	wrdreg s2  }
0xb0: {  	[dreg:$0x4] =	wrdreg $0x9  }
0xb1: {  	_ =	task.clear_ibuf [dreg:s7], $0x5FFFF;
	_ =	strace $0x9000004C  }
0xb2: {  	s29 =	simm.s32 $0x9;
	_ =	strace $0x8000004E  }
0xb3: {  	_ =	swait.ge [sflag:s29], $0x1  }
0xb4: {  	[sflag:s29] =	ssyncadd.s32 $0xFFFFFFFF  }
0xb5: {  	_ =	strace $0x9000004E  }
0xb6: {  	_ =	sfence  }
0xb7: {  	s30 =	sld [smem:$0x0];
	_ =	sdelay $0x2  }
0xb8: {  	s31 =	sshll.u32 s1, $0xD;
	s1 =	sshrl.u32 s1, $0x2  }
0xb9: {  	s3 =	sand.u32 $0x4000, s31;
	s1 =	sadd.s32 s1, s30  }
0xba: {  	s0 =	sor.u32 s3, s0;
	s1 =	sshll.u32 s1, $0x11  }
0xbb: {  	s0 =	sor.u32 s1, s0  }
0xbc: {  	s0 =	sadd.s32 $0x8F2B, s0  }
0xbd: {  	[sflag:s0] =	ssyncadd.remote.s32 $0x1  }
0xbe: {  	_ =	sfence.sel $0xFFFF  }
0xbf: {  	[dreg:$0x0] =	wrdreg $0xFFFFFFFF;
	(pc) =	sbr.abs _section_cstart, $3  }
0xc0: {  	[dreg:$0x1] =	wrdreg $0xFFFFFFFF  }
0xc1: {  	_ =	task.clear_ibuf [dreg:s7], $0x2FFFF;
	_ =	strace $0x9FFFFFFF  }
0xc2: {  	(tm) =	ssettm $0x7FFFFFFF  }
0xc3: {  	_ =	shalt  }
tec
execute0_lowered:
.L_overlay_start_1:
0x0: {  	(tag) =	ssettag $0x1  }
0x1: {  	s0 =	rddreg [dreg:$0x0];
	s2 =	simm.s32 $0x0  }
0x2: {  	[smem:$0x7FF] =	sst s2  }
0x3: {  	s1 =	rddreg [dreg:$0x1];
	v0 =	vimm.s32 $0x0;
	_ =	strace $0x8000004D  }
0x4: {  	(xrf1) =	vunique.msk.u32 $0xffff, v0;
	_ =	sdelay $0xd  }
0x5: {  	_, v0, _ =	vpop (xrf1)  }
0x6: {  	v0 =	vxor.u32 $0x80000000, v0  }
0x7: {  	(xrf0) =	vmin.scan.msk.u32 $0xffff, v0;
	_ =	sdelay $0x5  }
0x8: {  	v0, _, _ =	vpop (xrf0)  }
0x9: {  	s3 =	srdreg.scid;
	(v2sf) =	vpush v0, $0xF  }
0xa: {  	s4 =	stileid.u32;
	s16 =	simm.s32 $0x80;
	s17 =	simm.s32 $0x400  }
0xb: {  	s18 =	simm.s32 $0x5;
	s19 =	simm.s32 $0xA000;
	s20 =	simm.s32 $0x2800  }
0xc: {  	s21 =	simm.s32 $0xC800;
	s22 =	simm.s32 $0x5000;
	s29 =	simm.s32 $0x1  }
0xd: {  	s30 =	simm.s32 $0x2;
	s3 =	sand.u32 $0x1, s3;
	s4 =	smul.u32 $0x14000, s4  }
0xe: {  	s31 =	simm.s32 $0x15F80;
	s28 =	simm.s32 $0x0;
	s5 =	sshll.u32 s3, $0x9  }
0xf: {  	s8 =	sadd.s32 $0xCE00, s0;
	s3 =	ssub.s32 $0x2, s3;
	s5 =	sor.u32 s5, s4  }
0x10: {  	s4 =	sadd.s32 $0x3000, s0;
	s6 =	sshrl.u32 s3, $0x1;
	s10 =	sshrl.u32 s5, $0x3  }
0x11: {  	s0 =	sadd.s32 $0x34E00, s0;
	s3 =	ssub.s32 s3, s6;
	s11 =	sor.u32 $0x10, s10  }
0x12: {  	s5 =	sadd.s32 s8, s10;
	s12 =	sor.u32 $0x20, s10;
	s13 =	sor.u32 $0x30, s10  }
0x13: {  	s23 =	sadd.s32 s0, s10;
	s26 =	smax.u32 s3, $0x1;
	s3 =	simm.s32 $0x3  }
0x14: {  	[dreg:$0x3] =	wrdreg s5;
	s6 =	sadd.s32 s8, s11;
	s7 =	sadd.s32 s8, s12  }
0x15: {  	s8 =	sadd.s32 s8, s13;
	[dreg:$0x4] =	wrdreg s23;
	s24 =	sadd.s32 s0, s11  }
.Ltmp0:
0x16: {  	s25 =	sadd.s32 s0, s12;
	[dreg:$0x8] =	wrdreg s26;
	(pc) =	sbr.rel .LBB2_1-.Ltmp0, $4  }
0x17: {  	s0 =	sadd.s32 s0, s13;
	s23 =	simm.s32 $0xF000;
	[dreg:$0x5] =	wrdreg s24  }
0x18: {  	s26 =	simm.s32 $0x4;
	[dreg:$0x6] =	wrdreg s25;
	s14 =	spop (v2sf)  }
0x19: {  	[dreg:$0x7] =	wrdreg s0;
	s24 =	simm.s32 $0x7800;
	s9 =	sxor.u32 $0x80000000, s14  }
0x1a: {  	vm0 =	vmxor vm0, vm0;
	v1 =	vimm.f32 $0.0e+00;
	s25 =	simm.s32 $0x11800;
	s0 =	simm.s32 $0x19E80;
	s15 =	sadd.s32 $0xFFFFFFFF, s14;
	v0 =	vmov s9  }
.LBB2_19:
0x1b: {  	s5 =	rddreg [dreg:$0x4]  }
0x1c: {  	[hbm4b:s5+s16] =	stream.strided.scatter [tilespmem:s19], [sflag:$0x5], $0x2800, s17, s16, $0x38;
	[tilespmem:$0x1BE00] =	vst v63  }
0x1d: {  	_ =	swait.ge [sflag:s18], $0x2800  }
0x1e: {  	[sflag:s18] =	ssyncset.done $0x0  }
0x1f: {  	s11 =	rddreg [dreg:$0x5];
	[sflag:s18] =	ssyncadd.s32 $0xFFFFD800  }
0x20: {  	[hbm4b:s11+s16] =	stream.strided.scatter [tilespmem:s21], [sflag:$0x5], $0x2800, s17, s16, $0x38;
	[tilespmem:$0x1BE00] =	vst v63  }
0x21: {  	_ =	swait.ge [sflag:s18], $0x2800  }
0x22: {  	[sflag:s18] =	ssyncset.done $0x0  }
0x23: {  	s12 =	rddreg [dreg:$0x6];
	[sflag:s18] =	ssyncadd.s32 $0xFFFFD800  }
0x24: {  	[hbm4b:s12+s16] =	stream.strided.scatter [tilespmem:s23], [sflag:$0x5], $0x2800, s17, s16, $0x38;
	[tilespmem:$0x1BE00] =	vst v63  }
0x25: {  	_ =	swait.ge [sflag:s18], $0x2800  }
0x26: {  	[sflag:s18] =	ssyncset.done $0x0  }
0x27: {  	s13 =	rddreg [dreg:$0x7];
	[sflag:s18] =	ssyncadd.s32 $0xFFFFD800  }
0x28: {  	[hbm4b:s13+s16] =	stream.strided.scatter [tilespmem:s25], [sflag:$0x5], $0x2800, s17, s16, $0x38;
	[tilespmem:$0x1BE00] =	vst v63  }
0x29: {  	_ =	swait.ge [sflag:s18], $0x2800  }
0x2a: {  	s28 =	sadd.s32 $0x1, s28;
	s14 =	rddreg [dreg:$0x8]  }
0x2b: {  	p0 =	sne.s32 s28, s14  }
.Ltmp1:
0x2c: {  	_ = 	snop;
	(pc) =	sbr.rel @!p0 .LBB2_20-.Ltmp1, $3  }
0x2d: {  	_ =	sdelay $0x1  }
0x2e: {  	[sflag:s18] =	ssyncset.done $0x0  }
0x2f: {  	[sflag:s18] =	ssyncadd.s32 $0xFFFFD800  }
.LBB2_1:
0x30: {  	s5 =	rddreg [dreg:$0x3]  }
0x31: {  	[tilespmem:s2], [sflag:$0x5] =	stream.strided.gather [hbm4b:s5+s16], $0x2800, s17, s16, $0x38;
	[tilespmem:$0x1BE00] =	vst v63  }
0x32: {  	_ =	swait.ge [sflag:s18], $0x2800  }
0x33: {  	[sflag:s18] =	ssyncset.done $0x0  }
0x34: {  	[sflag:s18] =	ssyncadd.s32 $0xFFFFD800  }
0x35: {  	[tilespmem:s19], [sflag:$0x5] =	stream.strided.gather [hbm4b:s5+s16], $0x2800, s17, s16, $0x38;
	[tilespmem:$0x1BE00] =	vst v63  }
0x36: {  	_ =	swait.ge [sflag:s18], $0x2800  }
0x37: {  	[sflag:s18] =	ssyncset.done $0x0  }
0x38: {  	[sflag:s18] =	ssyncadd.s32 $0xFFFFD800  }
0x39: {  	[tilespmem:s20], [sflag:$0x5] =	stream.strided.gather [hbm4b:s6+s16], $0x2800, s17, s16, $0x38;
	[tilespmem:$0x1BE00] =	vst v63  }
0x3a: {  	_ =	swait.ge [sflag:s18], $0x2800  }
0x3b: {  	[sflag:s18] =	ssyncset.done $0x0  }
0x3c: {  	[sflag:s18] =	ssyncadd.s32 $0xFFFFD800  }
0x3d: {  	[tilespmem:s21], [sflag:$0x5] =	stream.strided.gather [hbm4b:s6+s16], $0x2800, s17, s16, $0x38;
	[tilespmem:$0x1BE00] =	vst v63  }
0x3e: {  	_ =	swait.ge [sflag:s18], $0x2800  }
0x3f: {  	[sflag:s18] =	ssyncset.done $0x0  }
0x40: {  	[sflag:s18] =	ssyncadd.s32 $0xFFFFD800  }
0x41: {  	[tilespmem:s22], [sflag:$0x5] =	stream.strided.gather [hbm4b:s7+s16], $0x2800, s17, s16, $0x38;
	[tilespmem:$0x1BE00] =	vst v63  }
0x42: {  	_ =	swait.ge [sflag:s18], $0x2800  }
0x43: {  	[sflag:s18] =	ssyncset.done $0x0  }
0x44: {  	[sflag:s18] =	ssyncadd.s32 $0xFFFFD800  }
0x45: {  	[tilespmem:s23], [sflag:$0x5] =	stream.strided.gather [hbm4b:s7+s16], $0x2800, s17, s16, $0x38;
	[tilespmem:$0x1BE00] =	vst v63  }
0x46: {  	_ =	swait.ge [sflag:s18], $0x2800  }
0x47: {  	[sflag:s18] =	ssyncset.done $0x0  }
0x48: {  	[sflag:s18] =	ssyncadd.s32 $0xFFFFD800  }
0x49: {  	[tilespmem:s24], [sflag:$0x5] =	stream.strided.gather [hbm4b:s8+s16], $0x2800, s17, s16, $0x38;
	[tilespmem:$0x1BE00] =	vst v63  }
0x4a: {  	_ =	swait.ge [sflag:s18], $0x2800  }
0x4b: {  	[sflag:s18] =	ssyncset.done $0x0  }
0x4c: {  	[sflag:s18] =	ssyncadd.s32 $0xFFFFD800  }
0x4d: {  	[tilespmem:s25], [sflag:$0x5] =	stream.strided.gather [hbm4b:s8+s16], $0x2800, s17, s16, $0x38;
	[tilespmem:$0x1BE00] =	vst v63  }
0x4e: {  	_ =	swait.ge [sflag:s18], $0x2800  }
.Ltmp2:
0x4f: {  	[sflag:s18] =	ssyncset.done $0x0;
	(pc) =	sbr.rel .LBB2_2-.Ltmp2, $4  }
0x50: {  	s13 =	simm.s32 $0x14000;
	[sflag:s18] =	ssyncadd.s32 $0xFFFFD800  }
0x51: {  	[tilespmem:s13], [sflag:$0x1] =	stream.linear.gather [hbm4b:s4+s2], $0x1F40, $0x38;
	[tilespmem:$0x1BE00] =	vst v63  }
0x52: {  	s14 =	simm.s32 $0x17F00;
	s10 =	simm.s32 $0x0  }
0x53: {  	[tilespmem:s14], [sflag:$0x2] =	stream.linear.gather [hbm4b:s1+s2], $0x1F40, $0x38;
	[tilespmem:$0x1BE00] =	vst v63  }
.LBB2_18:
0x54: {  	s10 =	sadd.s32 $0x1, s10  }
0x55: {  	p0 =	sne.s32 s10, $0x14  }
.Ltmp3:
0x56: {  	_ = 	snop;
	(pc) =	sbr.rel @!p0 .LBB2_19-.Ltmp3, $1  }
0x57: {  	_ =	sdelay $0x3  }
.LBB2_2:
0x58: {  	_ =	swait.ge [sflag:s29], $0x1F40  }
0x59: {  	s11 =	smul.u32 $0x3E80, s10;
	[sflag:s29] =	ssyncset.done $0x0  }
0x5a: {  	[sflag:s29] =	ssyncadd.s32 $0xFFFFE0C0  }
0x5b: {  	s12 =	sshrl.u32 s11, $0x3;
	_ =	swait.ge [sflag:s30], $0x1F40  }
0x5c: {  	s12 =	sadd.s32 $0x3E8, s12;
	[sflag:s30] =	ssyncset.done $0x0  }
0x5d: {  	s13 =	sadd.s32 s4, s12;
	[sflag:s30] =	ssyncadd.s32 $0xFFFFE0C0  }
0x5e: {  	[tilespmem:s31], [sflag:$0x3] =	stream.linear.gather [hbm4b:s13+s2], $0x1F40, $0x38;
	[tilespmem:$0x1BE00] =	vst v63  }
0x5f: {  	s12 =	sadd.s32 s1, s12  }
0x60: {  	[tilespmem:s0], [sflag:$0x4] =	stream.linear.gather [hbm4b:s12+s2], $0x1F40, $0x38;
	[tilespmem:$0x1BE00] =	vst v63  }
0x61: {  	s14 =	simm.s32 $0x14020;
	vm1 =	vmmov vm0;
	s13 =	simm.s32 $0x17F20;
	s12 =	simm.s32 $0xFFFFFFFC  }
.LBB2_3:
0x62: {  	v2 =	vld [tilespmem:s13+$0xFFFFFFE0];
	_ =	sdelay $0x4  }
0x63: {  	(xrf1) =	vunique.msk.u32 $0xffff, v2;
	_ =	sdelay $0x1  }
0x64: {  	v3 =	vld [tilespmem:s14+$0xFFFFFFE0];
	_ =	sdelay $0x7  }
0x65: {  	v4 =	vld.idx.msk [tilespmem:v3+s2+$0x0], $0xffff  }
0x66: {  	v5 =	vld.idx.msk [tilespmem:v3+s20+$0x0], $0xffff  }
0x67: {  	v6 =	vld.idx.msk [tilespmem:v3+s22+$0x0], $0xffff  }
0x68: {  	v3 =	vld.idx.msk [tilespmem:v3+s24+$0x0], $0xffff  }
0x69: {  	v8 =	vld.idx.msk [tilespmem:v2+s19+$0x0], $0xffff;
	_, v7, vm3 =	vpop (xrf1)  }
0x6a: {  	v9 =	vld.idx.msk [tilespmem:v2+s21+$0x0], $0xffff  }
0x6b: {  	v10 =	vld.idx.msk [tilespmem:v2+s23+$0x0], $0xffff  }
0x6c: {  	v11 =	vld.idx.msk [tilespmem:v2+s25+$0x0], $0xffff;
	_ =	sdelay $0x1  }
0x6d: {  	v8 =	vmax.f32 v8, v4  }
0x6e: {  	v9 =	vmax.f32 v9, v5;
	[tilespmem:v2+s19+$0x0] =	vst.idx.msk vm3, v8  }
0x6f: {  	v28 =	vmax.f32 v10, v6;
	[tilespmem:v2+s21+$0x0] =	vst.idx.msk vm3, v9  }
0x70: {  	v29 =	vmax.f32 v11, v3;
	[tilespmem:v2+s23+$0x0] =	vst.idx.msk vm3, v28  }
0x71: {  	vm4 =	veq.s32 v7, v0;
	vm2 =	vmneg vm3;
	[tilespmem:v2+s25+$0x0] =	vst.idx.msk vm3, v29  }
0x72: {  	vm3 =	vmand vm4, vm2;
	v8 =	vld.idx.msk [tilespmem:v2+s19+$0x0], $0xffff  }
0x73: {  	v9 =	vld.idx.msk [tilespmem:v2+s21+$0x0], $0xffff  }
0x74: {  	v30 =	vld.idx.msk [tilespmem:v2+s23+$0x0], $0xffff  }
0x75: {  	v31 =	vld.idx.msk [tilespmem:v2+s25+$0x0], $0xffff;
	_ =	sdelay $0x1  }
0x76: {  	v4 =	vmax.f32 v8, v4  }
0x77: {  	v5 =	vmax.f32 v9, v5;
	[tilespmem:v2+s19+$0x0] =	vst.idx.msk vm3, v4  }
0x78: {  	v32 =	vmax.f32 v30, v6;
	[tilespmem:v2+s21+$0x0] =	vst.idx.msk vm3, v5  }
0x79: {  	v3 =	vmax.f32 v31, v3;
	[tilespmem:v2+s23+$0x0] =	vst.idx.msk vm3, v32  }
0x7a: {  	[tilespmem:v2+s25+$0x0] =	vst.idx.msk vm3, v3  }
0x7b: {  	v2 =	vld [tilespmem:s13+$0xFFFFFFF0];
	_ =	sdelay $0x4  }
0x7c: {  	(xrf1) =	vunique.msk.u32 $0xffff, v2;
	_ =	sdelay $0x1  }
0x7d: {  	v3 =	vld [tilespmem:s14+$0xFFFFFFF0];
	_ =	sdelay $0x7  }
0x7e: {  	v4 =	vld.idx.msk [tilespmem:v3+s2+$0x0], $0xffff  }
0x7f: {  	v5 =	vld.idx.msk [tilespmem:v3+s20+$0x0], $0xffff  }
0x80: {  	v33 =	vld.idx.msk [tilespmem:v3+s22+$0x0], $0xffff  }
0x81: {  	v3 =	vld.idx.msk [tilespmem:v3+s24+$0x0], $0xffff  }
0x82: {  	v35 =	vld.idx.msk [tilespmem:v2+s19+$0x0], $0xffff;
	_, v34, vm12 =	vpop (xrf1)  }
0x83: {  	v36 =	vld.idx.msk [tilespmem:v2+s21+$0x0], $0xffff  }
0x84: {  	v37 =	vld.idx.msk [tilespmem:v2+s23+$0x0], $0xffff  }
0x85: {  	v12 =	vld.idx.msk [tilespmem:v2+s25+$0x0], $0xffff;
	_ =	sdelay $0x1  }
0x86: {  	v9 =	vmax.f32 v35, v4  }
0x87: {  	v10 =	vmax.f32 v36, v5;
	[tilespmem:v2+s19+$0x0] =	vst.idx.msk vm12, v9  }
0x88: {  	v38 =	vmax.f32 v37, v33;
	[tilespmem:v2+s21+$0x0] =	vst.idx.msk vm12, v10  }
0x89: {  	v39 =	vmax.f32 v12, v3;
	[tilespmem:v2+s23+$0x0] =	vst.idx.msk vm12, v38  }
0x8a: {  	vm5 =	veq.s32 v34, v0;
	vm3 =	vmneg vm12;
	[tilespmem:v2+s25+$0x0] =	vst.idx.msk vm12, v39  }
0x8b: {  	vm13 =	vmand vm5, vm3;
	v9 =	vld.idx.msk [tilespmem:v2+s19+$0x0], $0xffff  }
0x8c: {  	v10 =	vld.idx.msk [tilespmem:v2+s21+$0x0], $0xffff  }
0x8d: {  	v40 =	vld.idx.msk [tilespmem:v2+s23+$0x0], $0xffff  }
0x8e: {  	v41 =	vld.idx.msk [tilespmem:v2+s25+$0x0], $0xffff;
	_ =	sdelay $0x1  }
0x8f: {  	v4 =	vmax.f32 v9, v4  }
0x90: {  	v5 =	vmax.f32 v10, v5;
	[tilespmem:v2+s19+$0x0] =	vst.idx.msk vm13, v4  }
0x91: {  	v42 =	vmax.f32 v40, v33;
	[tilespmem:v2+s21+$0x0] =	vst.idx.msk vm13, v5  }
0x92: {  	v3 =	vmax.f32 v41, v3;
	[tilespmem:v2+s23+$0x0] =	vst.idx.msk vm13, v42  }
0x93: {  	[tilespmem:v2+s25+$0x0] =	vst.idx.msk vm13, v3  }
0x94: {  	v2 =	vld [tilespmem:s13+$0x0];
	_ =	sdelay $0x4  }
0x95: {  	(xrf1) =	vunique.msk.u32 $0xffff, v2;
	_ =	sdelay $0x1  }
0x96: {  	v3 =	vld [tilespmem:s14+$0x0];
	_ =	sdelay $0x7  }
0x97: {  	v4 =	vld.idx.msk [tilespmem:v3+s2+$0x0], $0xffff  }
0x98: {  	v5 =	vld.idx.msk [tilespmem:v3+s20+$0x0], $0xffff  }
0x99: {  	v43 =	vld.idx.msk [tilespmem:v3+s22+$0x0], $0xffff  }
0x9a: {  	v3 =	vld.idx.msk [tilespmem:v3+s24+$0x0], $0xffff  }
0x9b: {  	v45 =	vld.idx.msk [tilespmem:v2+s19+$0x0], $0xffff;
	_, v44, vm14 =	vpop (xrf1)  }
0x9c: {  	v46 =	vld.idx.msk [tilespmem:v2+s21+$0x0], $0xffff  }
0x9d: {  	v47 =	vld.idx.msk [tilespmem:v2+s23+$0x0], $0xffff  }
0x9e: {  	v13 =	vld.idx.msk [tilespmem:v2+s25+$0x0], $0xffff;
	_ =	sdelay $0x1  }
0x9f: {  	v10 =	vmax.f32 v45, v4  }
0xa0: {  	v11 =	vmax.f32 v46, v5;
	[tilespmem:v2+s19+$0x0] =	vst.idx.msk vm14, v10  }
0xa1: {  	v48 =	vmax.f32 v47, v43;
	[tilespmem:v2+s21+$0x0] =	vst.idx.msk vm14, v11  }
0xa2: {  	v49 =	vmax.f32 v13, v3;
	[tilespmem:v2+s23+$0x0] =	vst.idx.msk vm14, v48  }
0xa3: {  	vm6 =	veq.s32 v44, v0;
	vm15 =	vmneg vm14;
	[tilespmem:v2+s25+$0x0] =	vst.idx.msk vm14, v49  }
0xa4: {  	vm10 =	vmand vm6, vm15;
	v10 =	vld.idx.msk [tilespmem:v2+s19+$0x0], $0xffff  }
0xa5: {  	v11 =	vld.idx.msk [tilespmem:v2+s21+$0x0], $0xffff  }
0xa6: {  	v50 =	vld.idx.msk [tilespmem:v2+s23+$0x0], $0xffff  }
0xa7: {  	v51 =	vld.idx.msk [tilespmem:v2+s25+$0x0], $0xffff;
	_ =	sdelay $0x1  }
0xa8: {  	v4 =	vmax.f32 v10, v4  }
0xa9: {  	v5 =	vmax.f32 v11, v5;
	[tilespmem:v2+s19+$0x0] =	vst.idx.msk vm10, v4  }
0xaa: {  	v52 =	vmax.f32 v50, v43;
	[tilespmem:v2+s21+$0x0] =	vst.idx.msk vm10, v5  }
0xab: {  	v3 =	vmax.f32 v51, v3;
	[tilespmem:v2+s23+$0x0] =	vst.idx.msk vm10, v52  }
0xac: {  	[tilespmem:v2+s25+$0x0] =	vst.idx.msk vm10, v3  }
0xad: {  	v2 =	vld [tilespmem:s13+$0x10];
	_ =	sdelay $0x4  }
0xae: {  	(xrf1) =	vunique.msk.u32 $0xffff, v2;
	_ =	sdelay $0x1  }
0xaf: {  	v3 =	vld [tilespmem:s14+$0x10];
	_ =	sdelay $0x7  }
0xb0: {  	v4 =	vld.idx.msk [tilespmem:v3+s2+$0x0], $0xffff  }
0xb1: {  	v5 =	vld.idx.msk [tilespmem:v3+s20+$0x0], $0xffff  }
0xb2: {  	v53 =	vld.idx.msk [tilespmem:v3+s22+$0x0], $0xffff  }
0xb3: {  	v3 =	vld.idx.msk [tilespmem:v3+s24+$0x0], $0xffff  }
0xb4: {  	v55 =	vld.idx.msk [tilespmem:v2+s19+$0x0], $0xffff;
	_, v54, vm11 =	vpop (xrf1)  }
0xb5: {  	v56 =	vld.idx.msk [tilespmem:v2+s21+$0x0], $0xffff  }
0xb6: {  	v57 =	vld.idx.msk [tilespmem:v2+s23+$0x0], $0xffff  }
0xb7: {  	v14 =	vld.idx.msk [tilespmem:v2+s25+$0x0], $0xffff;
	_ =	sdelay $0x1  }
0xb8: {  	v11 =	vmax.f32 v55, v4  }
0xb9: {  	v58 =	vmax.f32 v56, v5;
	[tilespmem:v2+s19+$0x0] =	vst.idx.msk vm11, v11  }
0xba: {  	v59 =	vmax.f32 v57, v53;
	[tilespmem:v2+s21+$0x0] =	vst.idx.msk vm11, v58  }
0xbb: {  	v60 =	vmax.f32 v14, v3;
	[tilespmem:v2+s23+$0x0] =	vst.idx.msk vm11, v59  }
0xbc: {  	vm12 =	veq.s32 v54, v0;
	vm7 =	vmneg vm11;
	[tilespmem:v2+s25+$0x0] =	vst.idx.msk vm11, v60  }
0xbd: {  	vm13 =	vmand vm12, vm7;
	v11 =	vld.idx.msk [tilespmem:v2+s19+$0x0], $0xffff  }
0xbe: {  	v12 =	vld.idx.msk [tilespmem:v2+s21+$0x0], $0xffff  }
0xbf: {  	v61 =	vld.idx.msk [tilespmem:v2+s23+$0x0], $0xffff  }
0xc0: {  	s12 =	sadd.s32 $0x4, s12;
	vm8 =	vne.s32 v34, v0;
	vm14 =	vne.s32 v7, v0;
	v62 =	vld.idx.msk [tilespmem:v2+s25+$0x0], $0xffff  }
0xc1: {  	p0 =	slt.u32 s12, $0x1F0;
	vm3 =	vmand vm3, vm8;
	vm2 =	vmand vm2, vm14  }
.Ltmp4:
0xc2: {  	vm2 =	vmor vm2, vm3;
	vm3 =	vne.s32 v44, v0;
	v4 =	vmax.f32 v11, v4;
	(pc) =	sbr.rel @p0 .LBB2_3-.Ltmp4, $4  }
0xc3: {  	vm3 =	vmand vm15, vm3;
	vm15 =	vne.s32 v54, v0;
	v5 =	vmax.f32 v12, v5;
	[tilespmem:v2+s19+$0x0] =	vst.idx.msk vm13, v4  }
0xc4: {  	vm2 =	vmor vm2, vm3;
	vm3 =	vmand vm7, vm15;
	v63 =	vmax.f32 v61, v53;
	[tilespmem:v2+s21+$0x0] =	vst.idx.msk vm13, v5  }
0xc5: {  	vm2 =	vmor vm2, vm3;
	v3 =	vmax.f32 v62, v3;
	[tilespmem:v2+s23+$0x0] =	vst.idx.msk vm13, v63  }
0xc6: {  	s13 =	sadd.s32 $0x40, s13;
	s14 =	sadd.s32 $0x40, s14;
	vm1 =	vmor vm1, vm2;
	[tilespmem:v2+s25+$0x0] =	vst.idx.msk vm13, v3  }
0xc7: {  	v2 =	vsel vm1, $0x3F800000, v1  }
0xc8: {  	(xrf0) =	vmax.scan.msk.f32 $0xffff, v2;
	_ =	sdelay $0x5  }
0xc9: {  	v2, _, _ =	vpop (xrf0)  }
0xca: {  	(v2sf) =	vpush v2, $0xF;
	_ =	sdelay $0xe  }
0xcb: {  	s12 =	spop (v2sf)  }
0xcc: {  	p0 =	sgt.f32 s12, $0.0e+00  }
.Ltmp5:
0xcd: {  	_ = 	snop;
	(pc) =	sbr.rel @p0 .LBB2_5-.Ltmp5, $2  }
0xce: {  	_ =	sdelay $0x2  }
0xcf: {  	s12 =	simm.s32 $0x0  }
.LBB2_10:
0xd0: {  	_ =	swait.ge [sflag:s3], $0x1F40  }
0xd1: {  	[sflag:s3] =	ssyncset.done $0x0  }
0xd2: {  	p0 =	seq.s32 s10, $0x13;
	[sflag:s3] =	ssyncadd.s32 $0xFFFFE0C0  }
0xd3: {  	s5 =	sshrl.u32 @!p0 s11, $0x3;
	_ =	swait.ge [sflag:s26], $0x1F40  }
0xd4: {  	s12 =	simm.s32 @!p0 $0x0;
	s5 =	sadd.s32 @!p0 $0x7D0, s5;
	[sflag:s26] =	ssyncset.done $0x0  }
0xd5: {  	s13 =	simm.s32 @!p0 $0x14000;
	s11 =	sadd.s32 @!p0 s4, s5;
	[sflag:s26] =	ssyncadd.s32 $0xFFFFE0C0  }
0xd6: {  	[tilespmem:s13], [sflag:$0x1] =	stream.linear.gather @!p0 [hbm4b:s11+s12], $0x1F40, $0x38;
	[tilespmem:$0x1BE00] =	vst v63  }
0xd7: {  	s5 =	sadd.s32 @!p0 s1, s5;
	s11 =	simm.s32 @!p0 $0x17F00  }
0xd8: {  	[tilespmem:s11], [sflag:$0x2] =	stream.linear.gather @!p0 [hbm4b:s5+s12], $0x1F40, $0x38;
	[tilespmem:$0x1BE00] =	vst v63  }
0xd9: {  	vm1 =	vmmov vm0;
	s13 =	simm.s32 $0x15FA0;
	s11 =	simm.s32 $0xFFFFFFFC;
	s12 =	simm.s32 $0x19EA0  }
.LBB2_11:
0xda: {  	v2 =	vld [tilespmem:s12+$0xFFFFFFE0];
	_ =	sdelay $0x4  }
0xdb: {  	(xrf1) =	vunique.msk.u32 $0xffff, v2;
	_ =	sdelay $0x1  }
0xdc: {  	v3 =	vld [tilespmem:s13+$0xFFFFFFE0];
	_ =	sdelay $0x7  }
0xdd: {  	v4 =	vld.idx.msk [tilespmem:v3+s2+$0x0], $0xffff  }
0xde: {  	v5 =	vld.idx.msk [tilespmem:v3+s20+$0x0], $0xffff  }
0xdf: {  	v6 =	vld.idx.msk [tilespmem:v3+s22+$0x0], $0xffff  }
0xe0: {  	v3 =	vld.idx.msk [tilespmem:v3+s24+$0x0], $0xffff  }
0xe1: {  	v8 =	vld.idx.msk [tilespmem:v2+s19+$0x0], $0xffff;
	_, v7, vm3 =	vpop (xrf1)  }
0xe2: {  	v9 =	vld.idx.msk [tilespmem:v2+s21+$0x0], $0xffff  }
0xe3: {  	v10 =	vld.idx.msk [tilespmem:v2+s23+$0x0], $0xffff  }
0xe4: {  	v11 =	vld.idx.msk [tilespmem:v2+s25+$0x0], $0xffff;
	_ =	sdelay $0x1  }
0xe5: {  	v8 =	vmax.f32 v8, v4  }
0xe6: {  	v9 =	vmax.f32 v9, v5;
	[tilespmem:v2+s19+$0x0] =	vst.idx.msk vm3, v8  }
0xe7: {  	v28 =	vmax.f32 v10, v6;
	[tilespmem:v2+s21+$0x0] =	vst.idx.msk vm3, v9  }
0xe8: {  	v29 =	vmax.f32 v11, v3;
	[tilespmem:v2+s23+$0x0] =	vst.idx.msk vm3, v28  }
0xe9: {  	vm4 =	veq.s32 v7, v0;
	vm2 =	vmneg vm3;
	[tilespmem:v2+s25+$0x0] =	vst.idx.msk vm3, v29  }
0xea: {  	vm3 =	vmand vm4, vm2;
	v8 =	vld.idx.msk [tilespmem:v2+s19+$0x0], $0xffff  }
0xeb: {  	v9 =	vld.idx.msk [tilespmem:v2+s21+$0x0], $0xffff  }
0xec: {  	v30 =	vld.idx.msk [tilespmem:v2+s23+$0x0], $0xffff  }
0xed: {  	v31 =	vld.idx.msk [tilespmem:v2+s25+$0x0], $0xffff;
	_ =	sdelay $0x1  }
0xee: {  	v4 =	vmax.f32 v8, v4  }
0xef: {  	v5 =	vmax.f32 v9, v5;
	[tilespmem:v2+s19+$0x0] =	vst.idx.msk vm3, v4  }
0xf0: {  	v32 =	vmax.f32 v30, v6;
	[tilespmem:v2+s21+$0x0] =	vst.idx.msk vm3, v5  }
0xf1: {  	v3 =	vmax.f32 v31, v3;
	[tilespmem:v2+s23+$0x0] =	vst.idx.msk vm3, v32  }
0xf2: {  	[tilespmem:v2+s25+$0x0] =	vst.idx.msk vm3, v3  }
0xf3: {  	v2 =	vld [tilespmem:s12+$0xFFFFFFF0];
	_ =	sdelay $0x4  }
0xf4: {  	(xrf1) =	vunique.msk.u32 $0xffff, v2;
	_ =	sdelay $0x1  }
0xf5: {  	v3 =	vld [tilespmem:s13+$0xFFFFFFF0];
	_ =	sdelay $0x7  }
0xf6: {  	v4 =	vld.idx.msk [tilespmem:v3+s2+$0x0], $0xffff  }
0xf7: {  	v5 =	vld.idx.msk [tilespmem:v3+s20+$0x0], $0xffff  }
0xf8: {  	v33 =	vld.idx.msk [tilespmem:v3+s22+$0x0], $0xffff  }
0xf9: {  	v3 =	vld.idx.msk [tilespmem:v3+s24+$0x0], $0xffff  }
0xfa: {  	v35 =	vld.idx.msk [tilespmem:v2+s19+$0x0], $0xffff;
	_, v34, vm12 =	vpop (xrf1)  }
0xfb: {  	v36 =	vld.idx.msk [tilespmem:v2+s21+$0x0], $0xffff  }
0xfc: {  	v37 =	vld.idx.msk [tilespmem:v2+s23+$0x0], $0xffff  }
0xfd: {  	v12 =	vld.idx.msk [tilespmem:v2+s25+$0x0], $0xffff;
	_ =	sdelay $0x1  }
0xfe: {  	v9 =	vmax.f32 v35, v4  }
0xff: {  	v10 =	vmax.f32 v36, v5;
	[tilespmem:v2+s19+$0x0] =	vst.idx.msk vm12, v9  }
0x100: {  	v38 =	vmax.f32 v37, v33;
	[tilespmem:v2+s21+$0x0] =	vst.idx.msk vm12, v10  }
0x101: {  	v39 =	vmax.f32 v12, v3;
	[tilespmem:v2+s23+$0x0] =	vst.idx.msk vm12, v38  }
0x102: {  	vm5 =	veq.s32 v34, v0;
	vm3 =	vmneg vm12;
	[tilespmem:v2+s25+$0x0] =	vst.idx.msk vm12, v39  }
0x103: {  	vm13 =	vmand vm5, vm3;
	v9 =	vld.idx.msk [tilespmem:v2+s19+$0x0], $0xffff  }
0x104: {  	v10 =	vld.idx.msk [tilespmem:v2+s21+$0x0], $0xffff  }
0x105: {  	v40 =	vld.idx.msk [tilespmem:v2+s23+$0x0], $0xffff  }
0x106: {  	v41 =	vld.idx.msk [tilespmem:v2+s25+$0x0], $0xffff;
	_ =	sdelay $0x1  }
0x107: {  	v4 =	vmax.f32 v9, v4  }
0x108: {  	v5 =	vmax.f32 v10, v5;
	[tilespmem:v2+s19+$0x0] =	vst.idx.msk vm13, v4  }
0x109: {  	v42 =	vmax.f32 v40, v33;
	[tilespmem:v2+s21+$0x0] =	vst.idx.msk vm13, v5  }
0x10a: {  	v3 =	vmax.f32 v41, v3;
	[tilespmem:v2+s23+$0x0] =	vst.idx.msk vm13, v42  }
0x10b: {  	[tilespmem:v2+s25+$0x0] =	vst.idx.msk vm13, v3  }
0x10c: {  	v2 =	vld [tilespmem:s12+$0x0];
	_ =	sdelay $0x4  }
0x10d: {  	(xrf1) =	vunique.msk.u32 $0xffff, v2;
	_ =	sdelay $0x1  }
0x10e: {  	v3 =	vld [tilespmem:s13+$0x0];
	_ =	sdelay $0x7  }
0x10f: {  	v4 =	vld.idx.msk [tilespmem:v3+s2+$0x0], $0xffff  }
0x110: {  	v5 =	vld.idx.msk [tilespmem:v3+s20+$0x0], $0xffff  }
0x111: {  	v43 =	vld.idx.msk [tilespmem:v3+s22+$0x0], $0xffff  }
0x112: {  	v3 =	vld.idx.msk [tilespmem:v3+s24+$0x0], $0xffff  }
0x113: {  	v45 =	vld.idx.msk [tilespmem:v2+s19+$0x0], $0xffff;
	_, v44, vm14 =	vpop (xrf1)  }
0x114: {  	v46 =	vld.idx.msk [tilespmem:v2+s21+$0x0], $0xffff  }
0x115: {  	v47 =	vld.idx.msk [tilespmem:v2+s23+$0x0], $0xffff  }
0x116: {  	v13 =	vld.idx.msk [tilespmem:v2+s25+$0x0], $0xffff;
	_ =	sdelay $0x1  }
0x117: {  	v10 =	vmax.f32 v45, v4  }
0x118: {  	v11 =	vmax.f32 v46, v5;
	[tilespmem:v2+s19+$0x0] =	vst.idx.msk vm14, v10  }
0x119: {  	v48 =	vmax.f32 v47, v43;
	[tilespmem:v2+s21+$0x0] =	vst.idx.msk vm14, v11  }
0x11a: {  	v49 =	vmax.f32 v13, v3;
	[tilespmem:v2+s23+$0x0] =	vst.idx.msk vm14, v48  }
0x11b: {  	vm6 =	veq.s32 v44, v0;
	vm15 =	vmneg vm14;
	[tilespmem:v2+s25+$0x0] =	vst.idx.msk vm14, v49  }
0x11c: {  	vm10 =	vmand vm6, vm15;
	v10 =	vld.idx.msk [tilespmem:v2+s19+$0x0], $0xffff  }
0x11d: {  	v11 =	vld.idx.msk [tilespmem:v2+s21+$0x0], $0xffff  }
0x11e: {  	v50 =	vld.idx.msk [tilespmem:v2+s23+$0x0], $0xffff  }
0x11f: {  	v51 =	vld.idx.msk [tilespmem:v2+s25+$0x0], $0xffff;
	_ =	sdelay $0x1  }
0x120: {  	v4 =	vmax.f32 v10, v4  }
0x121: {  	v5 =	vmax.f32 v11, v5;
	[tilespmem:v2+s19+$0x0] =	vst.idx.msk vm10, v4  }
0x122: {  	v52 =	vmax.f32 v50, v43;
	[tilespmem:v2+s21+$0x0] =	vst.idx.msk vm10, v5  }
0x123: {  	v3 =	vmax.f32 v51, v3;
	[tilespmem:v2+s23+$0x0] =	vst.idx.msk vm10, v52  }
0x124: {  	[tilespmem:v2+s25+$0x0] =	vst.idx.msk vm10, v3  }
0x125: {  	v2 =	vld [tilespmem:s12+$0x10];
	_ =	sdelay $0x4  }
0x126: {  	(xrf1) =	vunique.msk.u32 $0xffff, v2;
	_ =	sdelay $0x1  }
0x127: {  	v3 =	vld [tilespmem:s13+$0x10];
	_ =	sdelay $0x7  }
0x128: {  	v4 =	vld.idx.msk [tilespmem:v3+s2+$0x0], $0xffff  }
0x129: {  	v5 =	vld.idx.msk [tilespmem:v3+s20+$0x0], $0xffff  }
0x12a: {  	v53 =	vld.idx.msk [tilespmem:v3+s22+$0x0], $0xffff  }
0x12b: {  	v3 =	vld.idx.msk [tilespmem:v3+s24+$0x0], $0xffff  }
0x12c: {  	v55 =	vld.idx.msk [tilespmem:v2+s19+$0x0], $0xffff;
	_, v54, vm11 =	vpop (xrf1)  }
0x12d: {  	v56 =	vld.idx.msk [tilespmem:v2+s21+$0x0], $0xffff  }
0x12e: {  	v57 =	vld.idx.msk [tilespmem:v2+s23+$0x0], $0xffff  }
0x12f: {  	v14 =	vld.idx.msk [tilespmem:v2+s25+$0x0], $0xffff;
	_ =	sdelay $0x1  }
0x130: {  	v11 =	vmax.f32 v55, v4  }
0x131: {  	v58 =	vmax.f32 v56, v5;
	[tilespmem:v2+s19+$0x0] =	vst.idx.msk vm11, v11  }
0x132: {  	v59 =	vmax.f32 v57, v53;
	[tilespmem:v2+s21+$0x0] =	vst.idx.msk vm11, v58  }
0x133: {  	v60 =	vmax.f32 v14, v3;
	[tilespmem:v2+s23+$0x0] =	vst.idx.msk vm11, v59  }
0x134: {  	vm12 =	veq.s32 v54, v0;
	vm7 =	vmneg vm11;
	[tilespmem:v2+s25+$0x0] =	vst.idx.msk vm11, v60  }
0x135: {  	vm13 =	vmand vm12, vm7;
	v11 =	vld.idx.msk [tilespmem:v2+s19+$0x0], $0xffff  }
0x136: {  	v12 =	vld.idx.msk [tilespmem:v2+s21+$0x0], $0xffff  }
0x137: {  	v61 =	vld.idx.msk [tilespmem:v2+s23+$0x0], $0xffff  }
0x138: {  	s11 =	sadd.s32 $0x4, s11;
	vm8 =	vne.s32 v34, v0;
	vm14 =	vne.s32 v7, v0;
	v62 =	vld.idx.msk [tilespmem:v2+s25+$0x0], $0xffff  }
0x139: {  	p0 =	slt.u32 s11, $0x1F0;
	vm3 =	vmand vm3, vm8;
	vm2 =	vmand vm2, vm14  }
.Ltmp6:
0x13a: {  	vm2 =	vmor vm2, vm3;
	vm3 =	vne.s32 v44, v0;
	v4 =	vmax.f32 v11, v4;
	(pc) =	sbr.rel @p0 .LBB2_11-.Ltmp6, $4  }
0x13b: {  	vm3 =	vmand vm15, vm3;
	vm15 =	vne.s32 v54, v0;
	v5 =	vmax.f32 v12, v5;
	[tilespmem:v2+s19+$0x0] =	vst.idx.msk vm13, v4  }
0x13c: {  	vm2 =	vmor vm2, vm3;
	vm3 =	vmand vm7, vm15;
	v63 =	vmax.f32 v61, v53;
	[tilespmem:v2+s21+$0x0] =	vst.idx.msk vm13, v5  }
0x13d: {  	vm2 =	vmor vm2, vm3;
	v3 =	vmax.f32 v62, v3;
	[tilespmem:v2+s23+$0x0] =	vst.idx.msk vm13, v63  }
0x13e: {  	s12 =	sadd.s32 $0x40, s12;
	s13 =	sadd.s32 $0x40, s13;
	vm1 =	vmor vm1, vm2;
	[tilespmem:v2+s25+$0x0] =	vst.idx.msk vm13, v3  }
0x13f: {  	v2 =	vsel vm1, $0x3F800000, v1  }
0x140: {  	(xrf0) =	vmax.scan.msk.f32 $0xffff, v2;
	_ =	sdelay $0x5  }
0x141: {  	v2, _, _ =	vpop (xrf0)  }
0x142: {  	(v2sf) =	vpush v2, $0xF;
	_ =	sdelay $0xe  }
0x143: {  	s5 =	spop (v2sf)  }
0x144: {  	p0 =	sgt.f32 s5, $0.0e+00  }
.Ltmp7:
0x145: {  	_ = 	snop;
	(pc) =	sbr.rel @!p0 .LBB2_18-.Ltmp7, $4  }
.Ltmp8:
0x146: {  	_ = 	snop;
	(pc) =	sbr.rel @p0 .LBB2_13-.Ltmp8, $4  }
0x147: {  	_ = 	snop  }
0x148: {  	_ = 	snop  }
0x149: {  	s11 =	simm.s32 $0x0  }
0x14a: {  	_ = 	snop  }
.LBB2_8:
0x14b: {  	_ =	sdelay $0x4  }
0x14c: {  	[tilespmem:v2+s25+$0x0] =	vst.idx.msk vm1, v8  }
.LBB2_9:
0x14d: {  	s12 =	sadd.s32 $0x1, s12  }
0x14e: {  	p0 =	sne.s32 s12, $0x1F4  }
.Ltmp9:
0x14f: {  	_ = 	snop;
	(pc) =	sbr.rel @!p0 .LBB2_10-.Ltmp9, $1  }
0x150: {  	_ =	sdelay $0x3  }
.LBB2_5:
0x151: {  	s13 =	sshll.u32 s12, $0x4  }
0x152: {  	v2 =	vld [tilespmem:s13+$0x17F00];
	_ =	sdelay $0x4  }
0x153: {  	(xrf1) =	vunique.msk.u32 $0xffff, v2;
	_ =	sdelay $0xd  }
0x154: {  	_, v3, _ =	vpop (xrf1)  }
0x155: {  	v4 =	vxor.u32 $0x80000000, v3  }
0x156: {  	(xrf0) =	vmax.scan.msk.u32 $0xffff, v4;
	_ =	sdelay $0x5  }
0x157: {  	v4, _, _ =	vpop (xrf0)  }
0x158: {  	(v2sf) =	vpush v4, $0xF;
	_ =	sdelay $0xa  }
0x159: {  	v7 =	vld [tilespmem:s13+$0x14000];
	_ =	sdelay $0x3  }
0x15a: {  	s13 =	spop (v2sf)  }
0x15b: {  	s14 =	sadd.s32 $0x80000001, s13  }
0x15c: {  	p0 =	sge.s32 s9, s14  }
.Ltmp10:
0x15d: {  	_ = 	snop;
	(pc) =	sbr.rel @p0 .LBB2_9-.Ltmp10, $4  }
0x15e: {  	v5 =	vld.idx.msk [tilespmem:v7+s20+$0x0], $0xffff  }
0x15f: {  	v6 =	vld.idx.msk [tilespmem:v7+s22+$0x0], $0xffff  }
0x160: {  	v4 =	vld.idx.msk [tilespmem:v7+s2+$0x0], $0xffff  }
0x161: {  	v7 =	vld.idx.msk [tilespmem:v7+s24+$0x0], $0xffff  }
0x162: {  	_ =	sdelay $0x2  }
0x163: {  	s14 =	sadd.s32 $0x80000001, s15  }
0x164: {  	v8 =	vld.idx.msk [tilespmem:v2+s19+$0x0], $0xffff;
	vm1 =	veq.s32 v3, s14  }
0x165: {  	v9 =	vld.idx.msk [tilespmem:v2+s21+$0x0], $0xffff  }
0x166: {  	v10 =	vld.idx.msk [tilespmem:v2+s23+$0x0], $0xffff;
	s14 =	sadd.s32 $0x1, s15  }
0x167: {  	v11 =	vld.idx.msk [tilespmem:v2+s25+$0x0], $0xffff;
	p0 =	sne.s32 s13, s14  }
.Ltmp11:
0x168: {  	_ = 	snop;
	(pc) =	sbr.rel @!p0 .LBB2_8-.Ltmp11, $4  }
0x169: {  	v8 =	vmax.f32 v8, v4  }
0x16a: {  	v9 =	vmax.f32 v9, v5;
	[tilespmem:v2+s19+$0x0] =	vst.idx.msk vm1, v8  }
0x16b: {  	v10 =	vmax.f32 v10, v6;
	[tilespmem:v2+s21+$0x0] =	vst.idx.msk vm1, v9  }
0x16c: {  	v8 =	vmax.f32 v11, v7;
	[tilespmem:v2+s23+$0x0] =	vst.idx.msk vm1, v10  }
.LBB2_7:
0x16d: {  	[tilespmem:v2+s25+$0x0] =	vst.idx.msk vm1, v8;
	s5 =	smov.u32 s14;
	s14 =	sadd.s32 $0x1, s14  }
0x16e: {  	s5 =	sadd.s32 $0x80000001, s5;
	v8 =	vld.idx.msk [tilespmem:v2+s19+$0x0], $0xffff;
	p0 =	sne.s32 s13, s14  }
0x16f: {  	vm1 =	veq.s32 v3, s5;
	v9 =	vld.idx.msk [tilespmem:v2+s21+$0x0], $0xffff  }
0x170: {  	v10 =	vld.idx.msk [tilespmem:v2+s23+$0x0], $0xffff  }
0x171: {  	v11 =	vld.idx.msk [tilespmem:v2+s25+$0x0], $0xffff;
	_ =	sdelay $0x1  }
.Ltmp12:
0x172: {  	(pc) =	sbr.rel @p0 .LBB2_7-.Ltmp12, $4  }
0x173: {  	v8 =	vmax.f32 v8, v4  }
0x174: {  	v9 =	vmax.f32 v9, v5;
	[tilespmem:v2+s19+$0x0] =	vst.idx.msk vm1, v8  }
0x175: {  	v10 =	vmax.f32 v10, v6;
	[tilespmem:v2+s21+$0x0] =	vst.idx.msk vm1, v9  }
0x176: {  	v8 =	vmax.f32 v11, v7;
	[tilespmem:v2+s23+$0x0] =	vst.idx.msk vm1, v10  }
.Ltmp13:
0x177: {  	_ = 	snop;
	(pc) =	sbr.rel .LBB2_8-.Ltmp13, $1  }
0x178: {  	_ =	sdelay $0x3  }
.LBB2_16:
0x179: {  	_ =	sdelay $0x4  }
0x17a: {  	[tilespmem:v2+s25+$0x0] =	vst.idx.msk vm1, v8  }
.LBB2_17:
0x17b: {  	s11 =	sadd.s32 $0x1, s11  }
0x17c: {  	p0 =	sne.s32 s11, $0x1F4  }
.Ltmp14:
0x17d: {  	_ = 	snop;
	(pc) =	sbr.rel @!p0 .LBB2_18-.Ltmp14, $1  }
0x17e: {  	_ =	sdelay $0x3  }
.LBB2_13:
0x17f: {  	s5 =	sshll.u32 s11, $0x4  }
0x180: {  	v2 =	vld [tilespmem:s5+$0x19E80];
	_ =	sdelay $0x4  }
0x181: {  	(xrf1) =	vunique.msk.u32 $0xffff, v2;
	_ =	sdelay $0xd  }
0x182: {  	_, v3, _ =	vpop (xrf1)  }
0x183: {  	v4 =	vxor.u32 $0x80000000, v3  }
0x184: {  	(xrf0) =	vmax.scan.msk.u32 $0xffff, v4;
	_ =	sdelay $0x5  }
0x185: {  	v4, _, _ =	vpop (xrf0)  }
0x186: {  	(v2sf) =	vpush v4, $0xF;
	_ =	sdelay $0xa  }
0x187: {  	v7 =	vld [tilespmem:s5+$0x15F80];
	_ =	sdelay $0x3  }
0x188: {  	s12 =	spop (v2sf)  }
0x189: {  	s14 =	sadd.s32 $0x80000001, s12  }
0x18a: {  	p0 =	sge.s32 s9, s14  }
.Ltmp15:
0x18b: {  	_ = 	snop;
	(pc) =	sbr.rel @p0 .LBB2_17-.Ltmp15, $4  }
0x18c: {  	v5 =	vld.idx.msk [tilespmem:v7+s20+$0x0], $0xffff  }
0x18d: {  	v6 =	vld.idx.msk [tilespmem:v7+s22+$0x0], $0xffff  }
0x18e: {  	v4 =	vld.idx.msk [tilespmem:v7+s2+$0x0], $0xffff  }
0x18f: {  	v7 =	vld.idx.msk [tilespmem:v7+s24+$0x0], $0xffff  }
0x190: {  	_ =	sdelay $0x2  }
0x191: {  	s5 =	sadd.s32 $0x80000001, s15  }
0x192: {  	v8 =	vld.idx.msk [tilespmem:v2+s19+$0x0], $0xffff;
	vm1 =	veq.s32 v3, s5  }
0x193: {  	v9 =	vld.idx.msk [tilespmem:v2+s21+$0x0], $0xffff  }
0x194: {  	v10 =	vld.idx.msk [tilespmem:v2+s23+$0x0], $0xffff;
	s13 =	sadd.s32 $0x1, s15  }
0x195: {  	v11 =	vld.idx.msk [tilespmem:v2+s25+$0x0], $0xffff;
	p0 =	sne.s32 s12, s13  }
.Ltmp16:
0x196: {  	_ = 	snop;
	(pc) =	sbr.rel @!p0 .LBB2_16-.Ltmp16, $4  }
0x197: {  	v8 =	vmax.f32 v8, v4  }
0x198: {  	v9 =	vmax.f32 v9, v5;
	[tilespmem:v2+s19+$0x0] =	vst.idx.msk vm1, v8  }
0x199: {  	v10 =	vmax.f32 v10, v6;
	[tilespmem:v2+s21+$0x0] =	vst.idx.msk vm1, v9  }
0x19a: {  	v8 =	vmax.f32 v11, v7;
	[tilespmem:v2+s23+$0x0] =	vst.idx.msk vm1, v10  }
.LBB2_15:
0x19b: {  	[tilespmem:v2+s25+$0x0] =	vst.idx.msk vm1, v8;
	s5 =	smov.u32 s13;
	s13 =	sadd.s32 $0x1, s13  }
0x19c: {  	s5 =	sadd.s32 $0x80000001, s5;
	v8 =	vld.idx.msk [tilespmem:v2+s19+$0x0], $0xffff;
	p0 =	sne.s32 s12, s13  }
0x19d: {  	vm1 =	veq.s32 v3, s5;
	v9 =	vld.idx.msk [tilespmem:v2+s21+$0x0], $0xffff  }
0x19e: {  	v10 =	vld.idx.msk [tilespmem:v2+s23+$0x0], $0xffff  }
0x19f: {  	v11 =	vld.idx.msk [tilespmem:v2+s25+$0x0], $0xffff;
	_ =	sdelay $0x1  }
.Ltmp17:
0x1a0: {  	(pc) =	sbr.rel @p0 .LBB2_15-.Ltmp17, $4  }
0x1a1: {  	v8 =	vmax.f32 v8, v4  }
0x1a2: {  	v9 =	vmax.f32 v9, v5;
	[tilespmem:v2+s19+$0x0] =	vst.idx.msk vm1, v8  }
0x1a3: {  	v10 =	vmax.f32 v10, v6;
	[tilespmem:v2+s21+$0x0] =	vst.idx.msk vm1, v9  }
0x1a4: {  	v8 =	vmax.f32 v11, v7;
	[tilespmem:v2+s23+$0x0] =	vst.idx.msk vm1, v10  }
.Ltmp18:
0x1a5: {  	_ = 	snop;
	(pc) =	sbr.rel .LBB2_16-.Ltmp18, $1  }
0x1a6: {  	_ =	sdelay $0x3  }
.LBB2_20:
0x1a7: {  	_ =	sfence.sel $0x180000  }
0x1a8: {  	[bflag:$0x0] =	sbarrier.arrive $0xFFFF  }
0x1a9: {  	_ =	strace $0x9000004D  }
0x1aa: {  	s0 =	stileid.u32;
	[bflag:$0x2] =	sbarrier.arrive $0xFFFF  }
0x1ab: {  	p0 =	sne.s32 s0, $0x0;
	s0 =	rddreg [dreg:$0x2]  }
0x1ac: {  	s0 =	sadd.s32 @!p0 $0x100000, s0  }
0x1ad: {  	[sflag:s0] =	ssyncadd.tile.s32 @!p0 $0x1;
	_ =	shalt  }
.Lfunc_end2:
_tile_overlayer_lowered:
.L_overlay_start_2:
0x1ae: {  	(tag) =	ssettag $0x2  }
0x1af: {  	s0 =	rddreg [dreg:$0x0];
	s2 =	stileid.u32  }
0x1b0: {  	s1 =	rddreg [dreg:$0x1];
	p0 =	sne.s32 s2, $0x0  }
0x1b1: {  	s3 =	rddreg [dreg:$0x2];
	[bflag:$0x3] =	sbarrier.arrive $0xFFFF;
	s2 =	simm.s32 @!p0 $0x1C05  }
0x1b2: {  	[timem:s3], [sflag:s2] =	dma.local @!p0 [hbm:s0], s1  }
0x1b3: {  	s0 =	simm.s32 @!p0 $0x5  }
0x1b4: {  	_ =	swait.ge @!p0 [sflag:s0], s1  }
0x1b5: {  	s1 =	ssub.s32 @!p0 $0x0, s1;
	[sflag:s0] =	ssyncset.done @!p0 $0x0  }
0x1b6: {  	[sflag:s0] =	ssyncadd.s32 @!p0 s1  }
0x1b7: {  	[bflag:$0x3] =	sbarrier.arrive $0xFFFF  }
0x1b8: {  	_ =	shalt  }

// kernel: kernel.9.cloned.1.call-start
scs
__scs_entry_jumppad:
0x0: {  	(pc) =	sbr.rel $0x88, $3  }
0x1: {  	(tag) =	ssettag $0x0;
	lr =	simm.s32 $0x1  }
0x2: {  	[smem:$0x3F91] =	sst lr;
	_ =	strace $0xD0000000  }
0x3: {  	_ = 	snop  }
0x4: {  	_ = 	snop  }
0x5: {  	_ = 	snop  }
0x6: {  	_ = 	snop  }
0x7: {  	_ = 	snop  }
__scs_overlays_trampoline_lowered:
0x8: {  	[smem:$0x3FA0] =	sst s0  }
0x9: {  	[smem:$0x3FA1] =	sst s1  }
0xa: {  	[smem:$0x3FA2] =	sst s2  }
0xb: {  	[smem:$0x3FA3] =	sst s3  }
0xc: {  	[smem:$0x3FA4] =	sst s4  }
0xd: {  	[smem:$0x3FA5] =	sst s5  }
0xe: {  	[smem:$0x3FA6] =	sst s6  }
0xf: {  	[smem:$0x3FA7] =	sst s7  }
0x10: {  	[smem:$0x3FA8] =	sst s8  }
0x11: {  	[smem:$0x3FA9] =	sst s9;
	s0 =	simm.s32 @!p0 $0x0  }
0x12: {  	s1 =	sld [smem:$0x3F8F];
	s0 =	simm.s32 @p0 $0x1  }
0x13: {  	[smem:$0x3FAA] =	sst s0;
	s0 =	simm.s32 @!p1 $0x0  }
0x14: {  	s2 =	sld [smem:$0x3F8E];
	s0 =	simm.s32 @p1 $0x1  }
0x15: {  	[smem:$0x3FAB] =	sst s0;
	s0 =	simm.s32 @!p2 $0x0  }
0x16: {  	s3 =	sld [smem:$0x3FDB];
	s0 =	simm.s32 @p2 $0x1  }
0x17: {  	s4 =	simm.s32 $0x1BF5;
	[smem:$0x3FAD] =	sst s0  }
0x18: {  	s0 =	sld [smem:$0x3F90];
	_ =	swait.ge [sflag:s4], $0x0  }
0x19: {  	s7 =	sld [smem:$0x3F91]  }
0x1a: {  	s8 =	sadd.s32 $0xFFFFE003, lr  }
0x1b: {  	s9 =	sadd.s32 $0xFFFFFEF7, lr;
	s5 =	simm.s32 $0xFFFFFFFF;
	p2 =	slt.u32 s8, $0xFFFFF086  }
0x1c: {  	p1 =	slt.u32 s9, $0xF7A;
	s5 =	simm.s32 @!p2 $0x0  }
0x1d: {  	s5 =	simm.s32 @p1 $0x1;
	p0 =	seq.s32 s7, s2  }
0x1e: {  	s7 =	smul.u32 @!p0 $0xF7A, s2;
	p2 =	seq.s32 @!p0 s5, $0x0  }
0x1f: {  	s9 =	smul.u32 $0xF7A, s1;
	s8 =	simm.s32 @!p0 $0x1BF5;
	p2 =	por !p2, p0  }
0x20: {  	[sflag:s8] =	ssyncset.s32 @!p0 $0xFFFFF086;
	s6 =	sadd.s32 @!p0 s3, s7;
	s7 =	simm.s32 @!p0 $0x108  }
0x21: {  	s3 =	sadd.s32 s3, s9;
	s6 =	sadd.s32 @!p0 $0x88, s6;
	s7 =	simm.s32 @p2 $0x1082  }
0x22: {  	[simem:s7], [sflag:s8] =	dma.local @!p0 [hbm:s6], $0xF7A  }
0x23: {  	s9 =	sor.u32 $0xD0000000, s2;
	s6 =	simm.s32 $0x108;
	_ =	swait.ge @!p0 [sflag:s8], $0x0  }
0x24: {  	s3 =	sadd.s32 $0x88, s3;
	s6 =	simm.s32 @!p1 $0x1082;
	[sflag:s4] =	ssyncset.s32 $0xFFFFF086  }
0x25: {  	[simem:s6], [sflag:s4] =	dma.local [hbm:s3], $0xF7A  }
0x26: {  	[smem:$0x3F91] =	sst s1;
	(tag) =	ssettag s2;
	_ =	strace s9  }
0x27: {  	s1 =	sld [smem:$0x3FA1]  }
0x28: {  	s2 =	sld [smem:$0x3FA2]  }
0x29: {  	s4 =	sld [smem:$0x3FA4]  }
0x2a: {  	p0 =	seq.s32 s5, $0x0;
	s5 =	sld [smem:$0x3FA5]  }
0x2b: {  	s6 =	sld [smem:$0x3FA6]  }
0x2c: {  	s7 =	sld [smem:$0x3FA7]  }
0x2d: {  	s3 =	simm.s32 $0x108;
	s8 =	sld [smem:$0x3FA8]  }
0x2e: {  	s3 =	simm.s32 @!p0 $0x1082;
	s9 =	sld [smem:$0x3FA9]  }
0x2f: {  	lr =	sadd.s32 s0, s3;
	s0 =	sld [smem:$0x3FA0]  }
0x30: {  	s3 =	sld [smem:$0x3FA3]  }
0x31: {  	[smem:$0x3FAC] =	sst s10  }
0x32: {  	s10 =	sld [smem:$0x3FAA];
	_ =	sdelay $0x3  }
0x33: {  	p0 =	seq.s32 s10, $0x1;
	s10 =	sld [smem:$0x3FAC];
	_ =	sdelay $0x3  }
0x34: {  	[smem:$0x3FAC] =	sst s10  }
0x35: {  	s10 =	sld [smem:$0x3FAB];
	_ =	sdelay $0x3  }
0x36: {  	p1 =	seq.s32 s10, $0x1;
	s10 =	sld [smem:$0x3FAC];
	_ =	sdelay $0x3  }
0x37: {  	[smem:$0x3FAC] =	sst s10  }
0x38: {  	s10 =	sld [smem:$0x3FAD]  }
0x39: {  	_ = 	snop;
	(pc) =	sbr.ind lr, $3  }
0x3a: {  	_ = 	snop  }
0x3b: {  	_ = 	snop  }
0x3c: {  	p2 =	seq.s32 s10, $0x1;
	s10 =	sld [smem:$0x3FAC]  }
0x3d: {  	_ =	shalt  }
0x3e: {  	_ =	shalt  }
0x3f: {  	_ =	shalt  }
0x40: {  	_ =	shalt  }
0x41: {  	_ =	shalt  }
0x42: {  	_ =	shalt  }
0x43: {  	_ =	shalt  }
0x44: {  	_ =	shalt  }
0x45: {  	_ =	shalt  }
0x46: {  	_ =	shalt  }
0x47: {  	_ =	shalt  }
0x48: {  	_ =	shalt  }
0x49: {  	_ =	shalt  }
0x4a: {  	_ =	shalt  }
0x4b: {  	_ =	shalt  }
0x4c: {  	_ =	shalt  }
0x4d: {  	_ =	shalt  }
0x4e: {  	_ =	shalt  }
0x4f: {  	_ =	shalt  }
0x50: {  	_ =	shalt  }
0x51: {  	_ =	shalt  }
0x52: {  	_ =	shalt  }
0x53: {  	_ =	shalt  }
0x54: {  	_ =	shalt  }
0x55: {  	_ =	shalt  }
0x56: {  	_ =	shalt  }
0x57: {  	_ =	shalt  }
0x58: {  	_ =	shalt  }
0x59: {  	_ =	shalt  }
0x5a: {  	_ =	shalt  }
0x5b: {  	_ =	shalt  }
0x5c: {  	_ =	shalt  }
0x5d: {  	_ =	shalt  }
0x5e: {  	_ =	shalt  }
0x5f: {  	_ =	shalt  }
0x60: {  	_ =	shalt  }
0x61: {  	_ =	shalt  }
0x62: {  	_ =	shalt  }
0x63: {  	_ =	shalt  }
0x64: {  	_ =	shalt  }
0x65: {  	_ =	shalt  }
0x66: {  	_ =	shalt  }
0x67: {  	_ =	shalt  }
0x68: {  	_ =	shalt  }
0x69: {  	_ =	shalt  }
0x6a: {  	_ =	shalt  }
0x6b: {  	_ =	shalt  }
0x6c: {  	_ =	shalt  }
0x6d: {  	_ =	shalt  }
0x6e: {  	_ =	shalt  }
0x6f: {  	_ =	shalt  }
0x70: {  	_ =	shalt  }
0x71: {  	_ =	shalt  }
0x72: {  	_ =	shalt  }
0x73: {  	_ =	shalt  }
0x74: {  	_ =	shalt  }
0x75: {  	_ =	shalt  }
0x76: {  	_ =	shalt  }
0x77: {  	_ =	shalt  }
0x78: {  	_ =	shalt  }
0x79: {  	_ =	shalt  }
0x7a: {  	_ =	shalt  }
0x7b: {  	_ =	shalt  }
0x7c: {  	_ =	shalt  }
0x7d: {  	_ =	shalt  }
0x7e: {  	_ =	shalt  }
0x7f: {  	_ =	shalt  }
0x80: {  	_ =	shalt  }
0x81: {  	_ =	shalt  }
0x82: {  	_ =	shalt  }
0x83: {  	_ =	shalt  }
0x84: {  	_ =	shalt  }
0x85: {  	_ =	shalt  }
0x86: {  	_ =	shalt  }
0x87: {  	_ =	shalt  }
.Lfunc_end0:
.L_simem_size_0:
called_computation_lowered:
.L_overlay_start_0:
0x88: {  	s2 =	sld [smem:$0x3FD9]  }
0x89: {  	s3 =	sld [smem:$0x3FFE];
	_ =	sdelay $0x1  }
0x8a: {  	s1 =	srdreg.scid  }
0x8b: {  	s0 =	sand.u32 $0x1, s1  }
0x8c: {  	s17 =	sshll.u32 s0, $0xA;
	s2 =	sadd.s32 s3, s2  }
0x8d: {  	s2 =	sadd.s32 s2, s17  }
0x8e: {  	[smem:$0x3FB8] =	sst s2  }
0x8f: {  	_ = 	snop  }
0x90: {  	s2 =	sld [smem:$0x3FD0];
	(tm) =	ssettm $0x1  }
0x91: {  	s18 =	sld [smem:$0x3FFB];
	_ =	sdelay $0x3  }
0x92: {  	_ =	strace s18  }
0x93: {  	s3 =	sld [smem:$0x3FFC];
	_ =	sdelay $0x3  }
0x94: {  	_ =	strace s3  }
0x95: {  	s3 =	sld [smem:$0x3FFD];
	_ =	sdelay $0x3  }
0x96: {  	_ =	strace s3  }
0x97: {  	_ =	strace $0x8FFFFFFF  }
0x98: {  	s19 =	sld [smem:$0x3FDB];
	_ =	sdelay $0x1  }
0x99: {  	s4 =	simm.s32 $_scs_section_size  }
0x9a: {  	s5 =	simm.s32 $_size__tile_overlayer_lowered;
	s6 =	simm.s32 $_tile_overlayer_lowered  }
0x9b: {  	s22 =	simm.s32 $0x1BFF;
	s21 =	sshll.u32 s6, $0x1;
	s3 =	sadd.s32 s4, s19  }
0x9c: {  	s7 =	simm.s32 $0x0;
	s20 =	sshll.u32 s5, $0x1;
	s5 =	sadd.s32 s21, s3  }
0x9d: {  	[timem:s7], [sflag:s22] =	dma.local [hbm:s5], s20  }
0x9e: {  	_ =	swait.ge [sflag:s22], s20  }
0x9f: {  	s4 =	ssub.s32 $0x0, s20;
	[sflag:s22] =	ssyncset.done $0x0  }
0xa0: {  	[sflag:s22] =	ssyncadd.s32 s4;
	_ =	sdelay $0x1  }
0xa1: {  	s23 =	simm.s32 $0x1B8B  }
0xa2: {  	_ =	swait.ge [sflag:s23], $0x1  }
0xa3: {  	[sflag:s23] =	ssyncset.done $0x0  }
0xa4: {  	s25 =	simm.s32 $0x1B8E;
	s24 =	sld [smem:$0x3FFE];
	[sflag:s23] =	ssyncadd.s32 $0xFFFFFFFF  }
0xa5: {  	s26 =	simm.s32 $execute0_lowered;
	[smem:$0x3FD2] =	sst s25  }
0xa6: {  	s5 =	sshll.u32 s26, $0x1;
	_ =	strace $0x80000046;
	[dreg:$0x1] =	wrdreg $0xFFFFFFFF  }
0xa7: {  	s28 =	simm.s32 $_size_execute0_lowered;
	s3 =	sadd.s32 s3, s5;
	[dreg:$0x0] =	wrdreg $0x0  }
0xa8: {  	s5 =	sshll.u32 s28, $0x1;
	[dreg:$0x2] =	wrdreg s3  }
0xa9: {  	[dreg:$0x3] =	wrdreg s5  }
0xaa: {  	[dreg:$0x4] =	wrdreg $0xC0  }
0xab: {  	_ =	task [dreg:s7], $0x5FFFF  }
0xac: {  	[dreg:$0x1] =	wrdreg $0xFFFFFFFF  }
0xad: {  	[dreg:$0x0] =	wrdreg $0x60  }
0xae: {  	[dreg:$0x2] =	wrdreg s24  }
0xaf: {  	[dreg:$0x3] =	wrdreg s2  }
0xb0: {  	[dreg:$0x4] =	wrdreg $0x9  }
0xb1: {  	_ =	task.clear_ibuf [dreg:s7], $0x5FFFF;
	_ =	strace $0x90000046  }
0xb2: {  	s29 =	simm.s32 $0x9;
	_ =	strace $0x80000048  }
0xb3: {  	_ =	swait.ge [sflag:s29], $0x1  }
0xb4: {  	[sflag:s29] =	ssyncadd.s32 $0xFFFFFFFF  }
0xb5: {  	_ =	strace $0x90000048  }
0xb6: {  	_ =	sfence  }
0xb7: {  	s30 =	sld [smem:$0x0];
	_ =	sdelay $0x2  }
0xb8: {  	s31 =	sshll.u32 s1, $0xD;
	s1 =	sshrl.u32 s1, $0x2  }
0xb9: {  	s3 =	sand.u32 $0x4000, s31;
	s1 =	sadd.s32 s1, s30  }
0xba: {  	s0 =	sor.u32 s3, s0;
	s1 =	sshll.u32 s1, $0x11  }
0xbb: {  	s0 =	sor.u32 s1, s0  }
0xbc: {  	s0 =	sadd.s32 $0x8F2B, s0  }
0xbd: {  	[sflag:s0] =	ssyncadd.remote.s32 $0x1  }
0xbe: {  	_ =	sfence.sel $0xFFFF  }
0xbf: {  	[dreg:$0x0] =	wrdreg $0xFFFFFFFF;
	(pc) =	sbr.abs _section_cstart, $3  }
0xc0: {  	[dreg:$0x1] =	wrdreg $0xFFFFFFFF  }
0xc1: {  	_ =	task.clear_ibuf [dreg:s7], $0x2FFFF;
	_ =	strace $0x9FFFFFFF  }
0xc2: {  	(tm) =	ssettm $0x7FFFFFFF  }
0xc3: {  	_ =	shalt  }
tec
execute0_lowered:
.L_overlay_start_1:
0x0: {  	(tag) =	ssettag $0x1  }
0x1: {  	s0 =	rddreg [dreg:$0x0];
	s2 =	simm.s32 $0x0  }
0x2: {  	[smem:$0x7FF] =	sst s2  }
0x3: {  	s1 =	rddreg [dreg:$0x1];
	v0 =	vimm.s32 $0x0;
	_ =	strace $0x80000047  }
0x4: {  	(xrf1) =	vunique.msk.u32 $0xffff, v0;
	_ =	sdelay $0xd  }
0x5: {  	_, v0, _ =	vpop (xrf1)  }
0x6: {  	v0 =	vxor.u32 $0x80000000, v0  }
0x7: {  	(xrf0) =	vmin.scan.msk.u32 $0xffff, v0;
	_ =	sdelay $0x5  }
0x8: {  	v0, _, _ =	vpop (xrf0)  }
0x9: {  	s3 =	srdreg.scid;
	(v2sf) =	vpush v0, $0xF  }
0xa: {  	s4 =	stileid.u32;
	s16 =	simm.s32 $0x80;
	s17 =	simm.s32 $0x400  }
0xb: {  	s18 =	simm.s32 $0x5;
	s19 =	simm.s32 $0xA000;
	s20 =	simm.s32 $0x2800  }
0xc: {  	s21 =	simm.s32 $0xC800;
	s22 =	simm.s32 $0x5000;
	s29 =	simm.s32 $0x1  }
0xd: {  	s30 =	simm.s32 $0x2;
	s3 =	sand.u32 $0x1, s3;
	s4 =	smul.u32 $0x14000, s4  }
0xe: {  	s31 =	simm.s32 $0x15F80;
	s28 =	simm.s32 $0x0;
	s5 =	sshll.u32 s3, $0x9  }
0xf: {  	s8 =	sadd.s32 $0xCE00, s0;
	s3 =	ssub.s32 $0x2, s3;
	s5 =	sor.u32 s5, s4  }
0x10: {  	s4 =	sadd.s32 $0x3000, s0;
	s6 =	sshrl.u32 s3, $0x1;
	s10 =	sshrl.u32 s5, $0x3  }
0x11: {  	s0 =	sadd.s32 $0x34E00, s0;
	s3 =	ssub.s32 s3, s6;
	s11 =	sor.u32 $0x10, s10  }
0x12: {  	s5 =	sadd.s32 s8, s10;
	s12 =	sor.u32 $0x20, s10;
	s13 =	sor.u32 $0x30, s10  }
0x13: {  	s23 =	sadd.s32 s0, s10;
	s26 =	smax.u32 s3, $0x1;
	s3 =	simm.s32 $0x3  }
0x14: {  	[dreg:$0x3] =	wrdreg s5;
	s6 =	sadd.s32 s8, s11;
	s7 =	sadd.s32 s8, s12  }
0x15: {  	s8 =	sadd.s32 s8, s13;
	[dreg:$0x4] =	wrdreg s23;
	s24 =	sadd.s32 s0, s11  }
.Ltmp0:
0x16: {  	s25 =	sadd.s32 s0, s12;
	[dreg:$0x8] =	wrdreg s26;
	(pc) =	sbr.rel .LBB2_1-.Ltmp0, $4  }
0x17: {  	s0 =	sadd.s32 s0, s13;
	s23 =	simm.s32 $0xF000;
	[dreg:$0x5] =	wrdreg s24  }
0x18: {  	s26 =	simm.s32 $0x4;
	[dreg:$0x6] =	wrdreg s25;
	s14 =	spop (v2sf)  }
0x19: {  	[dreg:$0x7] =	wrdreg s0;
	s24 =	simm.s32 $0x7800;
	s9 =	sxor.u32 $0x80000000, s14  }
0x1a: {  	vm0 =	vmxor vm0, vm0;
	v1 =	vimm.f32 $0.0e+00;
	s25 =	simm.s32 $0x11800;
	s0 =	simm.s32 $0x19E80;
	s15 =	sadd.s32 $0xFFFFFFFF, s14;
	v0 =	vmov s9  }
.LBB2_19:
0x1b: {  	s5 =	rddreg [dreg:$0x4]  }
0x1c: {  	[hbm4b:s5+s16] =	stream.strided.scatter [tilespmem:s19], [sflag:$0x5], $0x2800, s17, s16, $0x38;
	[tilespmem:$0x1BE00] =	vst v63  }
0x1d: {  	_ =	swait.ge [sflag:s18], $0x2800  }
0x1e: {  	[sflag:s18] =	ssyncset.done $0x0  }
0x1f: {  	s11 =	rddreg [dreg:$0x5];
	[sflag:s18] =	ssyncadd.s32 $0xFFFFD800  }
0x20: {  	[hbm4b:s11+s16] =	stream.strided.scatter [tilespmem:s21], [sflag:$0x5], $0x2800, s17, s16, $0x38;
	[tilespmem:$0x1BE00] =	vst v63  }
0x21: {  	_ =	swait.ge [sflag:s18], $0x2800  }
0x22: {  	[sflag:s18] =	ssyncset.done $0x0  }
0x23: {  	s12 =	rddreg [dreg:$0x6];
	[sflag:s18] =	ssyncadd.s32 $0xFFFFD800  }
0x24: {  	[hbm4b:s12+s16] =	stream.strided.scatter [tilespmem:s23], [sflag:$0x5], $0x2800, s17, s16, $0x38;
	[tilespmem:$0x1BE00] =	vst v63  }
0x25: {  	_ =	swait.ge [sflag:s18], $0x2800  }
0x26: {  	[sflag:s18] =	ssyncset.done $0x0  }
0x27: {  	s13 =	rddreg [dreg:$0x7];
	[sflag:s18] =	ssyncadd.s32 $0xFFFFD800  }
0x28: {  	[hbm4b:s13+s16] =	stream.strided.scatter [tilespmem:s25], [sflag:$0x5], $0x2800, s17, s16, $0x38;
	[tilespmem:$0x1BE00] =	vst v63  }
0x29: {  	_ =	swait.ge [sflag:s18], $0x2800  }
0x2a: {  	s28 =	sadd.s32 $0x1, s28;
	s14 =	rddreg [dreg:$0x8]  }
0x2b: {  	p0 =	sne.s32 s28, s14  }
.Ltmp1:
0x2c: {  	_ = 	snop;
	(pc) =	sbr.rel @!p0 .LBB2_20-.Ltmp1, $3  }
0x2d: {  	_ =	sdelay $0x1  }
0x2e: {  	[sflag:s18] =	ssyncset.done $0x0  }
0x2f: {  	[sflag:s18] =	ssyncadd.s32 $0xFFFFD800  }
.LBB2_1:
0x30: {  	s5 =	rddreg [dreg:$0x3]  }
0x31: {  	[tilespmem:s2], [sflag:$0x5] =	stream.strided.gather [hbm4b:s5+s16], $0x2800, s17, s16, $0x38;
	[tilespmem:$0x1BE00] =	vst v63  }
0x32: {  	_ =	swait.ge [sflag:s18], $0x2800  }
0x33: {  	[sflag:s18] =	ssyncset.done $0x0  }
0x34: {  	[sflag:s18] =	ssyncadd.s32 $0xFFFFD800  }
0x35: {  	[tilespmem:s19], [sflag:$0x5] =	stream.strided.gather [hbm4b:s5+s16], $0x2800, s17, s16, $0x38;
	[tilespmem:$0x1BE00] =	vst v63  }
0x36: {  	_ =	swait.ge [sflag:s18], $0x2800  }
0x37: {  	[sflag:s18] =	ssyncset.done $0x0  }
0x38: {  	[sflag:s18] =	ssyncadd.s32 $0xFFFFD800  }
0x39: {  	[tilespmem:s20], [sflag:$0x5] =	stream.strided.gather [hbm4b:s6+s16], $0x2800, s17, s16, $0x38;
	[tilespmem:$0x1BE00] =	vst v63  }
0x3a: {  	_ =	swait.ge [sflag:s18], $0x2800  }
0x3b: {  	[sflag:s18] =	ssyncset.done $0x0  }
0x3c: {  	[sflag:s18] =	ssyncadd.s32 $0xFFFFD800  }
0x3d: {  	[tilespmem:s21], [sflag:$0x5] =	stream.strided.gather [hbm4b:s6+s16], $0x2800, s17, s16, $0x38;
	[tilespmem:$0x1BE00] =	vst v63  }
0x3e: {  	_ =	swait.ge [sflag:s18], $0x2800  }
0x3f: {  	[sflag:s18] =	ssyncset.done $0x0  }
0x40: {  	[sflag:s18] =	ssyncadd.s32 $0xFFFFD800  }
0x41: {  	[tilespmem:s22], [sflag:$0x5] =	stream.strided.gather [hbm4b:s7+s16], $0x2800, s17, s16, $0x38;
	[tilespmem:$0x1BE00] =	vst v63  }
0x42: {  	_ =	swait.ge [sflag:s18], $0x2800  }
0x43: {  	[sflag:s18] =	ssyncset.done $0x0  }
0x44: {  	[sflag:s18] =	ssyncadd.s32 $0xFFFFD800  }
0x45: {  	[tilespmem:s23], [sflag:$0x5] =	stream.strided.gather [hbm4b:s7+s16], $0x2800, s17, s16, $0x38;
	[tilespmem:$0x1BE00] =	vst v63  }
0x46: {  	_ =	swait.ge [sflag:s18], $0x2800  }
0x47: {  	[sflag:s18] =	ssyncset.done $0x0  }
0x48: {  	[sflag:s18] =	ssyncadd.s32 $0xFFFFD800  }
0x49: {  	[tilespmem:s24], [sflag:$0x5] =	stream.strided.gather [hbm4b:s8+s16], $0x2800, s17, s16, $0x38;
	[tilespmem:$0x1BE00] =	vst v63  }
0x4a: {  	_ =	swait.ge [sflag:s18], $0x2800  }
0x4b: {  	[sflag:s18] =	ssyncset.done $0x0  }
0x4c: {  	[sflag:s18] =	ssyncadd.s32 $0xFFFFD800  }
0x4d: {  	[tilespmem:s25], [sflag:$0x5] =	stream.strided.gather [hbm4b:s8+s16], $0x2800, s17, s16, $0x38;
	[tilespmem:$0x1BE00] =	vst v63  }
0x4e: {  	_ =	swait.ge [sflag:s18], $0x2800  }
.Ltmp2:
0x4f: {  	[sflag:s18] =	ssyncset.done $0x0;
	(pc) =	sbr.rel .LBB2_2-.Ltmp2, $4  }
0x50: {  	s13 =	simm.s32 $0x14000;
	[sflag:s18] =	ssyncadd.s32 $0xFFFFD800  }
0x51: {  	[tilespmem:s13], [sflag:$0x1] =	stream.linear.gather [hbm4b:s4+s2], $0x1F40, $0x38;
	[tilespmem:$0x1BE00] =	vst v63  }
0x52: {  	s14 =	simm.s32 $0x17F00;
	s10 =	simm.s32 $0x0  }
0x53: {  	[tilespmem:s14], [sflag:$0x2] =	stream.linear.gather [hbm4b:s1+s2], $0x1F40, $0x38;
	[tilespmem:$0x1BE00] =	vst v63  }
.LBB2_18:
0x54: {  	s10 =	sadd.s32 $0x1, s10  }
0x55: {  	p0 =	sne.s32 s10, $0x14  }
.Ltmp3:
0x56: {  	_ = 	snop;
	(pc) =	sbr.rel @!p0 .LBB2_19-.Ltmp3, $1  }
0x57: {  	_ =	sdelay $0x3  }
.LBB2_2:
0x58: {  	_ =	swait.ge [sflag:s29], $0x1F40  }
0x59: {  	s11 =	smul.u32 $0x3E80, s10;
	[sflag:s29] =	ssyncset.done $0x0  }
0x5a: {  	[sflag:s29] =	ssyncadd.s32 $0xFFFFE0C0  }
0x5b: {  	s12 =	sshrl.u32 s11, $0x3;
	_ =	swait.ge [sflag:s30], $0x1F40  }
0x5c: {  	s12 =	sadd.s32 $0x3E8, s12;
	[sflag:s30] =	ssyncset.done $0x0  }
0x5d: {  	s13 =	sadd.s32 s4, s12;
	[sflag:s30] =	ssyncadd.s32 $0xFFFFE0C0  }
0x5e: {  	[tilespmem:s31], [sflag:$0x3] =	stream.linear.gather [hbm4b:s13+s2], $0x1F40, $0x38;
	[tilespmem:$0x1BE00] =	vst v63  }
0x5f: {  	s12 =	sadd.s32 s1, s12  }
0x60: {  	[tilespmem:s0], [sflag:$0x4] =	stream.linear.gather [hbm4b:s12+s2], $0x1F40, $0x38;
	[tilespmem:$0x1BE00] =	vst v63  }
0x61: {  	s14 =	simm.s32 $0x14020;
	vm1 =	vmmov vm0;
	s13 =	simm.s32 $0x17F20;
	s12 =	simm.s32 $0xFFFFFFFC  }
.LBB2_3:
0x62: {  	v2 =	vld [tilespmem:s13+$0xFFFFFFE0];
	_ =	sdelay $0x4  }
0x63: {  	(xrf1) =	vunique.msk.u32 $0xffff, v2;
	_ =	sdelay $0x1  }
0x64: {  	v3 =	vld [tilespmem:s14+$0xFFFFFFE0];
	_ =	sdelay $0x7  }
0x65: {  	v4 =	vld.idx.msk [tilespmem:v3+s2+$0x0], $0xffff  }
0x66: {  	v5 =	vld.idx.msk [tilespmem:v3+s20+$0x0], $0xffff  }
0x67: {  	v6 =	vld.idx.msk [tilespmem:v3+s22+$0x0], $0xffff  }
0x68: {  	v3 =	vld.idx.msk [tilespmem:v3+s24+$0x0], $0xffff  }
0x69: {  	v8 =	vld.idx.msk [tilespmem:v2+s19+$0x0], $0xffff;
	_, v7, vm3 =	vpop (xrf1)  }
0x6a: {  	v9 =	vld.idx.msk [tilespmem:v2+s21+$0x0], $0xffff  }
0x6b: {  	v10 =	vld.idx.msk [tilespmem:v2+s23+$0x0], $0xffff  }
0x6c: {  	v11 =	vld.idx.msk [tilespmem:v2+s25+$0x0], $0xffff;
	_ =	sdelay $0x1  }
0x6d: {  	v8 =	vmax.f32 v8, v4  }
0x6e: {  	v9 =	vmax.f32 v9, v5;
	[tilespmem:v2+s19+$0x0] =	vst.idx.msk vm3, v8  }
0x6f: {  	v28 =	vmax.f32 v10, v6;
	[tilespmem:v2+s21+$0x0] =	vst.idx.msk vm3, v9  }
0x70: {  	v29 =	vmax.f32 v11, v3;
	[tilespmem:v2+s23+$0x0] =	vst.idx.msk vm3, v28  }
0x71: {  	vm4 =	veq.s32 v7, v0;
	vm2 =	vmneg vm3;
	[tilespmem:v2+s25+$0x0] =	vst.idx.msk vm3, v29  }
0x72: {  	vm3 =	vmand vm4, vm2;
	v8 =	vld.idx.msk [tilespmem:v2+s19+$0x0], $0xffff  }
0x73: {  	v9 =	vld.idx.msk [tilespmem:v2+s21+$0x0], $0xffff  }
0x74: {  	v30 =	vld.idx.msk [tilespmem:v2+s23+$0x0], $0xffff  }
0x75: {  	v31 =	vld.idx.msk [tilespmem:v2+s25+$0x0], $0xffff;
	_ =	sdelay $0x1  }
0x76: {  	v4 =	vmax.f32 v8, v4  }
0x77: {  	v5 =	vmax.f32 v9, v5;
	[tilespmem:v2+s19+$0x0] =	vst.idx.msk vm3, v4  }
0x78: {  	v32 =	vmax.f32 v30, v6;
	[tilespmem:v2+s21+$0x0] =	vst.idx.msk vm3, v5  }
0x79: {  	v3 =	vmax.f32 v31, v3;
	[tilespmem:v2+s23+$0x0] =	vst.idx.msk vm3, v32  }
0x7a: {  	[tilespmem:v2+s25+$0x0] =	vst.idx.msk vm3, v3  }
0x7b: {  	v2 =	vld [tilespmem:s13+$0xFFFFFFF0];
	_ =	sdelay $0x4  }
0x7c: {  	(xrf1) =	vunique.msk.u32 $0xffff, v2;
	_ =	sdelay $0x1  }
0x7d: {  	v3 =	vld [tilespmem:s14+$0xFFFFFFF0];
	_ =	sdelay $0x7  }
0x7e: {  	v4 =	vld.idx.msk [tilespmem:v3+s2+$0x0], $0xffff  }
0x7f: {  	v5 =	vld.idx.msk [tilespmem:v3+s20+$0x0], $0xffff  }
0x80: {  	v33 =	vld.idx.msk [tilespmem:v3+s22+$0x0], $0xffff  }
0x81: {  	v3 =	vld.idx.msk [tilespmem:v3+s24+$0x0], $0xffff  }
0x82: {  	v35 =	vld.idx.msk [tilespmem:v2+s19+$0x0], $0xffff;
	_, v34, vm12 =	vpop (xrf1)  }
0x83: {  	v36 =	vld.idx.msk [tilespmem:v2+s21+$0x0], $0xffff  }
0x84: {  	v37 =	vld.idx.msk [tilespmem:v2+s23+$0x0], $0xffff  }
0x85: {  	v12 =	vld.idx.msk [tilespmem:v2+s25+$0x0], $0xffff;
	_ =	sdelay $0x1  }
0x86: {  	v9 =	vmax.f32 v35, v4  }
0x87: {  	v10 =	vmax.f32 v36, v5;
	[tilespmem:v2+s19+$0x0] =	vst.idx.msk vm12, v9  }
0x88: {  	v38 =	vmax.f32 v37, v33;
	[tilespmem:v2+s21+$0x0] =	vst.idx.msk vm12, v10  }
0x89: {  	v39 =	vmax.f32 v12, v3;
	[tilespmem:v2+s23+$0x0] =	vst.idx.msk vm12, v38  }
0x8a: {  	vm5 =	veq.s32 v34, v0;
	vm3 =	vmneg vm12;
	[tilespmem:v2+s25+$0x0] =	vst.idx.msk vm12, v39  }
0x8b: {  	vm13 =	vmand vm5, vm3;
	v9 =	vld.idx.msk [tilespmem:v2+s19+$0x0], $0xffff  }
0x8c: {  	v10 =	vld.idx.msk [tilespmem:v2+s21+$0x0], $0xffff  }
0x8d: {  	v40 =	vld.idx.msk [tilespmem:v2+s23+$0x0], $0xffff  }
0x8e: {  	v41 =	vld.idx.msk [tilespmem:v2+s25+$0x0], $0xffff;
	_ =	sdelay $0x1  }
0x8f: {  	v4 =	vmax.f32 v9, v4  }
0x90: {  	v5 =	vmax.f32 v10, v5;
	[tilespmem:v2+s19+$0x0] =	vst.idx.msk vm13, v4  }
0x91: {  	v42 =	vmax.f32 v40, v33;
	[tilespmem:v2+s21+$0x0] =	vst.idx.msk vm13, v5  }
0x92: {  	v3 =	vmax.f32 v41, v3;
	[tilespmem:v2+s23+$0x0] =	vst.idx.msk vm13, v42  }
0x93: {  	[tilespmem:v2+s25+$0x0] =	vst.idx.msk vm13, v3  }
0x94: {  	v2 =	vld [tilespmem:s13+$0x0];
	_ =	sdelay $0x4  }
0x95: {  	(xrf1) =	vunique.msk.u32 $0xffff, v2;
	_ =	sdelay $0x1  }
0x96: {  	v3 =	vld [tilespmem:s14+$0x0];
	_ =	sdelay $0x7  }
0x97: {  	v4 =	vld.idx.msk [tilespmem:v3+s2+$0x0], $0xffff  }
0x98: {  	v5 =	vld.idx.msk [tilespmem:v3+s20+$0x0], $0xffff  }
0x99: {  	v43 =	vld.idx.msk [tilespmem:v3+s22+$0x0], $0xffff  }
0x9a: {  	v3 =	vld.idx.msk [tilespmem:v3+s24+$0x0], $0xffff  }
0x9b: {  	v45 =	vld.idx.msk [tilespmem:v2+s19+$0x0], $0xffff;
	_, v44, vm14 =	vpop (xrf1)  }
0x9c: {  	v46 =	vld.idx.msk [tilespmem:v2+s21+$0x0], $0xffff  }
0x9d: {  	v47 =	vld.idx.msk [tilespmem:v2+s23+$0x0], $0xffff  }
0x9e: {  	v13 =	vld.idx.msk [tilespmem:v2+s25+$0x0], $0xffff;
	_ =	sdelay $0x1  }
0x9f: {  	v10 =	vmax.f32 v45, v4  }
0xa0: {  	v11 =	vmax.f32 v46, v5;
	[tilespmem:v2+s19+$0x0] =	vst.idx.msk vm14, v10  }
0xa1: {  	v48 =	vmax.f32 v47, v43;
	[tilespmem:v2+s21+$0x0] =	vst.idx.msk vm14, v11  }
0xa2: {  	v49 =	vmax.f32 v13, v3;
	[tilespmem:v2+s23+$0x0] =	vst.idx.msk vm14, v48  }
0xa3: {  	vm6 =	veq.s32 v44, v0;
	vm15 =	vmneg vm14;
	[tilespmem:v2+s25+$0x0] =	vst.idx.msk vm14, v49  }
0xa4: {  	vm10 =	vmand vm6, vm15;
	v10 =	vld.idx.msk [tilespmem:v2+s19+$0x0], $0xffff  }
0xa5: {  	v11 =	vld.idx.msk [tilespmem:v2+s21+$0x0], $0xffff  }
0xa6: {  	v50 =	vld.idx.msk [tilespmem:v2+s23+$0x0], $0xffff  }
0xa7: {  	v51 =	vld.idx.msk [tilespmem:v2+s25+$0x0], $0xffff;
	_ =	sdelay $0x1  }
0xa8: {  	v4 =	vmax.f32 v10, v4  }
0xa9: {  	v5 =	vmax.f32 v11, v5;
	[tilespmem:v2+s19+$0x0] =	vst.idx.msk vm10, v4  }
0xaa: {  	v52 =	vmax.f32 v50, v43;
	[tilespmem:v2+s21+$0x0] =	vst.idx.msk vm10, v5  }
0xab: {  	v3 =	vmax.f32 v51, v3;
	[tilespmem:v2+s23+$0x0] =	vst.idx.msk vm10, v52  }
0xac: {  	[tilespmem:v2+s25+$0x0] =	vst.idx.msk vm10, v3  }
0xad: {  	v2 =	vld [tilespmem:s13+$0x10];
	_ =	sdelay $0x4  }
0xae: {  	(xrf1) =	vunique.msk.u32 $0xffff, v2;
	_ =	sdelay $0x1  }
0xaf: {  	v3 =	vld [tilespmem:s14+$0x10];
	_ =	sdelay $0x7  }
0xb0: {  	v4 =	vld.idx.msk [tilespmem:v3+s2+$0x0], $0xffff  }
0xb1: {  	v5 =	vld.idx.msk [tilespmem:v3+s20+$0x0], $0xffff  }
0xb2: {  	v53 =	vld.idx.msk [tilespmem:v3+s22+$0x0], $0xffff  }
0xb3: {  	v3 =	vld.idx.msk [tilespmem:v3+s24+$0x0], $0xffff  }
0xb4: {  	v55 =	vld.idx.msk [tilespmem:v2+s19+$0x0], $0xffff;
	_, v54, vm11 =	vpop (xrf1)  }
0xb5: {  	v56 =	vld.idx.msk [tilespmem:v2+s21+$0x0], $0xffff  }
0xb6: {  	v57 =	vld.idx.msk [tilespmem:v2+s23+$0x0], $0xffff  }
0xb7: {  	v14 =	vld.idx.msk [tilespmem:v2+s25+$0x0], $0xffff;
	_ =	sdelay $0x1  }
0xb8: {  	v11 =	vmax.f32 v55, v4  }
0xb9: {  	v58 =	vmax.f32 v56, v5;
	[tilespmem:v2+s19+$0x0] =	vst.idx.msk vm11, v11  }
0xba: {  	v59 =	vmax.f32 v57, v53;
	[tilespmem:v2+s21+$0x0] =	vst.idx.msk vm11, v58  }
0xbb: {  	v60 =	vmax.f32 v14, v3;
	[tilespmem:v2+s23+$0x0] =	vst.idx.msk vm11, v59  }
0xbc: {  	vm12 =	veq.s32 v54, v0;
	vm7 =	vmneg vm11;
	[tilespmem:v2+s25+$0x0] =	vst.idx.msk vm11, v60  }
0xbd: {  	vm13 =	vmand vm12, vm7;
	v11 =	vld.idx.msk [tilespmem:v2+s19+$0x0], $0xffff  }
0xbe: {  	v12 =	vld.idx.msk [tilespmem:v2+s21+$0x0], $0xffff  }
0xbf: {  	v61 =	vld.idx.msk [tilespmem:v2+s23+$0x0], $0xffff  }
0xc0: {  	s12 =	sadd.s32 $0x4, s12;
	vm8 =	vne.s32 v34, v0;
	vm14 =	vne.s32 v7, v0;
	v62 =	vld.idx.msk [tilespmem:v2+s25+$0x0], $0xffff  }
0xc1: {  	p0 =	slt.u32 s12, $0x1F0;
	vm3 =	vmand vm3, vm8;
	vm2 =	vmand vm2, vm14  }
.Ltmp4:
0xc2: {  	vm2 =	vmor vm2, vm3;
	vm3 =	vne.s32 v44, v0;
	v4 =	vmax.f32 v11, v4;
	(pc) =	sbr.rel @p0 .LBB2_3-.Ltmp4, $4  }
0xc3: {  	vm3 =	vmand vm15, vm3;
	vm15 =	vne.s32 v54, v0;
	v5 =	vmax.f32 v12, v5;
	[tilespmem:v2+s19+$0x0] =	vst.idx.msk vm13, v4  }
0xc4: {  	vm2 =	vmor vm2, vm3;
	vm3 =	vmand vm7, vm15;
	v63 =	vmax.f32 v61, v53;
	[tilespmem:v2+s21+$0x0] =	vst.idx.msk vm13, v5  }
0xc5: {  	vm2 =	vmor vm2, vm3;
	v3 =	vmax.f32 v62, v3;
	[tilespmem:v2+s23+$0x0] =	vst.idx.msk vm13, v63  }
0xc6: {  	s13 =	sadd.s32 $0x40, s13;
	s14 =	sadd.s32 $0x40, s14;
	vm1 =	vmor vm1, vm2;
	[tilespmem:v2+s25+$0x0] =	vst.idx.msk vm13, v3  }
0xc7: {  	v2 =	vsel vm1, $0x3F800000, v1  }
0xc8: {  	(xrf0) =	vmax.scan.msk.f32 $0xffff, v2;
	_ =	sdelay $0x5  }
0xc9: {  	v2, _, _ =	vpop (xrf0)  }
0xca: {  	(v2sf) =	vpush v2, $0xF;
	_ =	sdelay $0xe  }
0xcb: {  	s12 =	spop (v2sf)  }
0xcc: {  	p0 =	sgt.f32 s12, $0.0e+00  }
.Ltmp5:
0xcd: {  	_ = 	snop;
	(pc) =	sbr.rel @p0 .LBB2_5-.Ltmp5, $2  }
0xce: {  	_ =	sdelay $0x2  }
0xcf: {  	s12 =	simm.s32 $0x0  }
.LBB2_10:
0xd0: {  	_ =	swait.ge [sflag:s3], $0x1F40  }
0xd1: {  	[sflag:s3] =	ssyncset.done $0x0  }
0xd2: {  	p0 =	seq.s32 s10, $0x13;
	[sflag:s3] =	ssyncadd.s32 $0xFFFFE0C0  }
0xd3: {  	s5 =	sshrl.u32 @!p0 s11, $0x3;
	_ =	swait.ge [sflag:s26], $0x1F40  }
0xd4: {  	s12 =	simm.s32 @!p0 $0x0;
	s5 =	sadd.s32 @!p0 $0x7D0, s5;
	[sflag:s26] =	ssyncset.done $0x0  }
0xd5: {  	s13 =	simm.s32 @!p0 $0x14000;
	s11 =	sadd.s32 @!p0 s4, s5;
	[sflag:s26] =	ssyncadd.s32 $0xFFFFE0C0  }
0xd6: {  	[tilespmem:s13], [sflag:$0x1] =	stream.linear.gather @!p0 [hbm4b:s11+s12], $0x1F40, $0x38;
	[tilespmem:$0x1BE00] =	vst v63  }
0xd7: {  	s5 =	sadd.s32 @!p0 s1, s5;
	s11 =	simm.s32 @!p0 $0x17F00  }
0xd8: {  	[tilespmem:s11], [sflag:$0x2] =	stream.linear.gather @!p0 [hbm4b:s5+s12], $0x1F40, $0x38;
	[tilespmem:$0x1BE00] =	vst v63  }
0xd9: {  	vm1 =	vmmov vm0;
	s13 =	simm.s32 $0x15FA0;
	s11 =	simm.s32 $0xFFFFFFFC;
	s12 =	simm.s32 $0x19EA0  }
.LBB2_11:
0xda: {  	v2 =	vld [tilespmem:s12+$0xFFFFFFE0];
	_ =	sdelay $0x4  }
0xdb: {  	(xrf1) =	vunique.msk.u32 $0xffff, v2;
	_ =	sdelay $0x1  }
0xdc: {  	v3 =	vld [tilespmem:s13+$0xFFFFFFE0];
	_ =	sdelay $0x7  }
0xdd: {  	v4 =	vld.idx.msk [tilespmem:v3+s2+$0x0], $0xffff  }
0xde: {  	v5 =	vld.idx.msk [tilespmem:v3+s20+$0x0], $0xffff  }
0xdf: {  	v6 =	vld.idx.msk [tilespmem:v3+s22+$0x0], $0xffff  }
0xe0: {  	v3 =	vld.idx.msk [tilespmem:v3+s24+$0x0], $0xffff  }
0xe1: {  	v8 =	vld.idx.msk [tilespmem:v2+s19+$0x0], $0xffff;
	_, v7, vm3 =	vpop (xrf1)  }
0xe2: {  	v9 =	vld.idx.msk [tilespmem:v2+s21+$0x0], $0xffff  }
0xe3: {  	v10 =	vld.idx.msk [tilespmem:v2+s23+$0x0], $0xffff  }
0xe4: {  	v11 =	vld.idx.msk [tilespmem:v2+s25+$0x0], $0xffff;
	_ =	sdelay $0x1  }
0xe5: {  	v8 =	vmax.f32 v8, v4  }
0xe6: {  	v9 =	vmax.f32 v9, v5;
	[tilespmem:v2+s19+$0x0] =	vst.idx.msk vm3, v8  }
0xe7: {  	v28 =	vmax.f32 v10, v6;
	[tilespmem:v2+s21+$0x0] =	vst.idx.msk vm3, v9  }
0xe8: {  	v29 =	vmax.f32 v11, v3;
	[tilespmem:v2+s23+$0x0] =	vst.idx.msk vm3, v28  }
0xe9: {  	vm4 =	veq.s32 v7, v0;
	vm2 =	vmneg vm3;
	[tilespmem:v2+s25+$0x0] =	vst.idx.msk vm3, v29  }
0xea: {  	vm3 =	vmand vm4, vm2;
	v8 =	vld.idx.msk [tilespmem:v2+s19+$0x0], $0xffff  }
0xeb: {  	v9 =	vld.idx.msk [tilespmem:v2+s21+$0x0], $0xffff  }
0xec: {  	v30 =	vld.idx.msk [tilespmem:v2+s23+$0x0], $0xffff  }
0xed: {  	v31 =	vld.idx.msk [tilespmem:v2+s25+$0x0], $0xffff;
	_ =	sdelay $0x1  }
0xee: {  	v4 =	vmax.f32 v8, v4  }
0xef: {  	v5 =	vmax.f32 v9, v5;
	[tilespmem:v2+s19+$0x0] =	vst.idx.msk vm3, v4  }
0xf0: {  	v32 =	vmax.f32 v30, v6;
	[tilespmem:v2+s21+$0x0] =	vst.idx.msk vm3, v5  }
0xf1: {  	v3 =	vmax.f32 v31, v3;
	[tilespmem:v2+s23+$0x0] =	vst.idx.msk vm3, v32  }
0xf2: {  	[tilespmem:v2+s25+$0x0] =	vst.idx.msk vm3, v3  }
0xf3: {  	v2 =	vld [tilespmem:s12+$0xFFFFFFF0];
	_ =	sdelay $0x4  }
0xf4: {  	(xrf1) =	vunique.msk.u32 $0xffff, v2;
	_ =	sdelay $0x1  }
0xf5: {  	v3 =	vld [tilespmem:s13+$0xFFFFFFF0];
	_ =	sdelay $0x7  }
0xf6: {  	v4 =	vld.idx.msk [tilespmem:v3+s2+$0x0], $0xffff  }
0xf7: {  	v5 =	vld.idx.msk [tilespmem:v3+s20+$0x0], $0xffff  }
0xf8: {  	v33 =	vld.idx.msk [tilespmem:v3+s22+$0x0], $0xffff  }
0xf9: {  	v3 =	vld.idx.msk [tilespmem:v3+s24+$0x0], $0xffff  }
0xfa: {  	v35 =	vld.idx.msk [tilespmem:v2+s19+$0x0], $0xffff;
	_, v34, vm12 =	vpop (xrf1)  }
0xfb: {  	v36 =	vld.idx.msk [tilespmem:v2+s21+$0x0], $0xffff  }
0xfc: {  	v37 =	vld.idx.msk [tilespmem:v2+s23+$0x0], $0xffff  }
0xfd: {  	v12 =	vld.idx.msk [tilespmem:v2+s25+$0x0], $0xffff;
	_ =	sdelay $0x1  }
0xfe: {  	v9 =	vmax.f32 v35, v4  }
0xff: {  	v10 =	vmax.f32 v36, v5;
	[tilespmem:v2+s19+$0x0] =	vst.idx.msk vm12, v9  }
0x100: {  	v38 =	vmax.f32 v37, v33;
	[tilespmem:v2+s21+$0x0] =	vst.idx.msk vm12, v10  }
0x101: {  	v39 =	vmax.f32 v12, v3;
	[tilespmem:v2+s23+$0x0] =	vst.idx.msk vm12, v38  }
0x102: {  	vm5 =	veq.s32 v34, v0;
	vm3 =	vmneg vm12;
	[tilespmem:v2+s25+$0x0] =	vst.idx.msk vm12, v39  }
0x103: {  	vm13 =	vmand vm5, vm3;
	v9 =	vld.idx.msk [tilespmem:v2+s19+$0x0], $0xffff  }
0x104: {  	v10 =	vld.idx.msk [tilespmem:v2+s21+$0x0], $0xffff  }
0x105: {  	v40 =	vld.idx.msk [tilespmem:v2+s23+$0x0], $0xffff  }
0x106: {  	v41 =	vld.idx.msk [tilespmem:v2+s25+$0x0], $0xffff;
	_ =	sdelay $0x1  }
0x107: {  	v4 =	vmax.f32 v9, v4  }
0x108: {  	v5 =	vmax.f32 v10, v5;
	[tilespmem:v2+s19+$0x0] =	vst.idx.msk vm13, v4  }
0x109: {  	v42 =	vmax.f32 v40, v33;
	[tilespmem:v2+s21+$0x0] =	vst.idx.msk vm13, v5  }
0x10a: {  	v3 =	vmax.f32 v41, v3;
	[tilespmem:v2+s23+$0x0] =	vst.idx.msk vm13, v42  }
0x10b: {  	[tilespmem:v2+s25+$0x0] =	vst.idx.msk vm13, v3  }
0x10c: {  	v2 =	vld [tilespmem:s12+$0x0];
	_ =	sdelay $0x4  }
0x10d: {  	(xrf1) =	vunique.msk.u32 $0xffff, v2;
	_ =	sdelay $0x1  }
0x10e: {  	v3 =	vld [tilespmem:s13+$0x0];
	_ =	sdelay $0x7  }
0x10f: {  	v4 =	vld.idx.msk [tilespmem:v3+s2+$0x0], $0xffff  }
0x110: {  	v5 =	vld.idx.msk [tilespmem:v3+s20+$0x0], $0xffff  }
0x111: {  	v43 =	vld.idx.msk [tilespmem:v3+s22+$0x0], $0xffff  }
0x112: {  	v3 =	vld.idx.msk [tilespmem:v3+s24+$0x0], $0xffff  }
0x113: {  	v45 =	vld.idx.msk [tilespmem:v2+s19+$0x0], $0xffff;
	_, v44, vm14 =	vpop (xrf1)  }
0x114: {  	v46 =	vld.idx.msk [tilespmem:v2+s21+$0x0], $0xffff  }
0x115: {  	v47 =	vld.idx.msk [tilespmem:v2+s23+$0x0], $0xffff  }
0x116: {  	v13 =	vld.idx.msk [tilespmem:v2+s25+$0x0], $0xffff;
	_ =	sdelay $0x1  }
0x117: {  	v10 =	vmax.f32 v45, v4  }
0x118: {  	v11 =	vmax.f32 v46, v5;
	[tilespmem:v2+s19+$0x0] =	vst.idx.msk vm14, v10  }
0x119: {  	v48 =	vmax.f32 v47, v43;
	[tilespmem:v2+s21+$0x0] =	vst.idx.msk vm14, v11  }
0x11a: {  	v49 =	vmax.f32 v13, v3;
	[tilespmem:v2+s23+$0x0] =	vst.idx.msk vm14, v48  }
0x11b: {  	vm6 =	veq.s32 v44, v0;
	vm15 =	vmneg vm14;
	[tilespmem:v2+s25+$0x0] =	vst.idx.msk vm14, v49  }
0x11c: {  	vm10 =	vmand vm6, vm15;
	v10 =	vld.idx.msk [tilespmem:v2+s19+$0x0], $0xffff  }
0x11d: {  	v11 =	vld.idx.msk [tilespmem:v2+s21+$0x0], $0xffff  }
0x11e: {  	v50 =	vld.idx.msk [tilespmem:v2+s23+$0x0], $0xffff  }
0x11f: {  	v51 =	vld.idx.msk [tilespmem:v2+s25+$0x0], $0xffff;
	_ =	sdelay $0x1  }
0x120: {  	v4 =	vmax.f32 v10, v4  }
0x121: {  	v5 =	vmax.f32 v11, v5;
	[tilespmem:v2+s19+$0x0] =	vst.idx.msk vm10, v4  }
0x122: {  	v52 =	vmax.f32 v50, v43;
	[tilespmem:v2+s21+$0x0] =	vst.idx.msk vm10, v5  }
0x123: {  	v3 =	vmax.f32 v51, v3;
	[tilespmem:v2+s23+$0x0] =	vst.idx.msk vm10, v52  }
0x124: {  	[tilespmem:v2+s25+$0x0] =	vst.idx.msk vm10, v3  }
0x125: {  	v2 =	vld [tilespmem:s12+$0x10];
	_ =	sdelay $0x4  }
0x126: {  	(xrf1) =	vunique.msk.u32 $0xffff, v2;
	_ =	sdelay $0x1  }
0x127: {  	v3 =	vld [tilespmem:s13+$0x10];
	_ =	sdelay $0x7  }
0x128: {  	v4 =	vld.idx.msk [tilespmem:v3+s2+$0x0], $0xffff  }
0x129: {  	v5 =	vld.idx.msk [tilespmem:v3+s20+$0x0], $0xffff  }
0x12a: {  	v53 =	vld.idx.msk [tilespmem:v3+s22+$0x0], $0xffff  }
0x12b: {  	v3 =	vld.idx.msk [tilespmem:v3+s24+$0x0], $0xffff  }
0x12c: {  	v55 =	vld.idx.msk [tilespmem:v2+s19+$0x0], $0xffff;
	_, v54, vm11 =	vpop (xrf1)  }
0x12d: {  	v56 =	vld.idx.msk [tilespmem:v2+s21+$0x0], $0xffff  }
0x12e: {  	v57 =	vld.idx.msk [tilespmem:v2+s23+$0x0], $0xffff  }
0x12f: {  	v14 =	vld.idx.msk [tilespmem:v2+s25+$0x0], $0xffff;
	_ =	sdelay $0x1  }
0x130: {  	v11 =	vmax.f32 v55, v4  }
0x131: {  	v58 =	vmax.f32 v56, v5;
	[tilespmem:v2+s19+$0x0] =	vst.idx.msk vm11, v11  }
0x132: {  	v59 =	vmax.f32 v57, v53;
	[tilespmem:v2+s21+$0x0] =	vst.idx.msk vm11, v58  }
0x133: {  	v60 =	vmax.f32 v14, v3;
	[tilespmem:v2+s23+$0x0] =	vst.idx.msk vm11, v59  }
0x134: {  	vm12 =	veq.s32 v54, v0;
	vm7 =	vmneg vm11;
	[tilespmem:v2+s25+$0x0] =	vst.idx.msk vm11, v60  }
0x135: {  	vm13 =	vmand vm12, vm7;
	v11 =	vld.idx.msk [tilespmem:v2+s19+$0x0], $0xffff  }
0x136: {  	v12 =	vld.idx.msk [tilespmem:v2+s21+$0x0], $0xffff  }
0x137: {  	v61 =	vld.idx.msk [tilespmem:v2+s23+$0x0], $0xffff  }
0x138: {  	s11 =	sadd.s32 $0x4, s11;
	vm8 =	vne.s32 v34, v0;
	vm14 =	vne.s32 v7, v0;
	v62 =	vld.idx.msk [tilespmem:v2+s25+$0x0], $0xffff  }
0x139: {  	p0 =	slt.u32 s11, $0x1F0;
	vm3 =	vmand vm3, vm8;
	vm2 =	vmand vm2, vm14  }
.Ltmp6:
0x13a: {  	vm2 =	vmor vm2, vm3;
	vm3 =	vne.s32 v44, v0;
	v4 =	vmax.f32 v11, v4;
	(pc) =	sbr.rel @p0 .LBB2_11-.Ltmp6, $4  }
0x13b: {  	vm3 =	vmand vm15, vm3;
	vm15 =	vne.s32 v54, v0;
	v5 =	vmax.f32 v12, v5;
	[tilespmem:v2+s19+$0x0] =	vst.idx.msk vm13, v4  }
0x13c: {  	vm2 =	vmor vm2, vm3;
	vm3 =	vmand vm7, vm15;
	v63 =	vmax.f32 v61, v53;
	[tilespmem:v2+s21+$0x0] =	vst.idx.msk vm13, v5  }
0x13d: {  	vm2 =	vmor vm2, vm3;
	v3 =	vmax.f32 v62, v3;
	[tilespmem:v2+s23+$0x0] =	vst.idx.msk vm13, v63  }
0x13e: {  	s12 =	sadd.s32 $0x40, s12;
	s13 =	sadd.s32 $0x40, s13;
	vm1 =	vmor vm1, vm2;
	[tilespmem:v2+s25+$0x0] =	vst.idx.msk vm13, v3  }
0x13f: {  	v2 =	vsel vm1, $0x3F800000, v1  }
0x140: {  	(xrf0) =	vmax.scan.msk.f32 $0xffff, v2;
	_ =	sdelay $0x5  }
0x141: {  	v2, _, _ =	vpop (xrf0)  }
0x142: {  	(v2sf) =	vpush v2, $0xF;
	_ =	sdelay $0xe  }
0x143: {  	s5 =	spop (v2sf)  }
0x144: {  	p0 =	sgt.f32 s5, $0.0e+00  }
.Ltmp7:
0x145: {  	_ = 	snop;
	(pc) =	sbr.rel @!p0 .LBB2_18-.Ltmp7, $4  }
.Ltmp8:
0x146: {  	_ = 	snop;
	(pc) =	sbr.rel @p0 .LBB2_13-.Ltmp8, $4  }
0x147: {  	_ = 	snop  }
0x148: {  	_ = 	snop  }
0x149: {  	s11 =	simm.s32 $0x0  }
0x14a: {  	_ = 	snop  }
.LBB2_8:
0x14b: {  	_ =	sdelay $0x4  }
0x14c: {  	[tilespmem:v2+s25+$0x0] =	vst.idx.msk vm1, v8  }
.LBB2_9:
0x14d: {  	s12 =	sadd.s32 $0x1, s12  }
0x14e: {  	p0 =	sne.s32 s12, $0x1F4  }
.Ltmp9:
0x14f: {  	_ = 	snop;
	(pc) =	sbr.rel @!p0 .LBB2_10-.Ltmp9, $1  }
0x150: {  	_ =	sdelay $0x3  }
.LBB2_5:
0x151: {  	s13 =	sshll.u32 s12, $0x4  }
0x152: {  	v2 =	vld [tilespmem:s13+$0x17F00];
	_ =	sdelay $0x4  }
0x153: {  	(xrf1) =	vunique.msk.u32 $0xffff, v2;
	_ =	sdelay $0xd  }
0x154: {  	_, v3, _ =	vpop (xrf1)  }
0x155: {  	v4 =	vxor.u32 $0x80000000, v3  }
0x156: {  	(xrf0) =	vmax.scan.msk.u32 $0xffff, v4;
	_ =	sdelay $0x5  }
0x157: {  	v4, _, _ =	vpop (xrf0)  }
0x158: {  	(v2sf) =	vpush v4, $0xF;
	_ =	sdelay $0xa  }
0x159: {  	v7 =	vld [tilespmem:s13+$0x14000];
	_ =	sdelay $0x3  }
0x15a: {  	s13 =	spop (v2sf)  }
0x15b: {  	s14 =	sadd.s32 $0x80000001, s13  }
0x15c: {  	p0 =	sge.s32 s9, s14  }
.Ltmp10:
0x15d: {  	_ = 	snop;
	(pc) =	sbr.rel @p0 .LBB2_9-.Ltmp10, $4  }
0x15e: {  	v5 =	vld.idx.msk [tilespmem:v7+s20+$0x0], $0xffff  }
0x15f: {  	v6 =	vld.idx.msk [tilespmem:v7+s22+$0x0], $0xffff  }
0x160: {  	v4 =	vld.idx.msk [tilespmem:v7+s2+$0x0], $0xffff  }
0x161: {  	v7 =	vld.idx.msk [tilespmem:v7+s24+$0x0], $0xffff  }
0x162: {  	_ =	sdelay $0x2  }
0x163: {  	s14 =	sadd.s32 $0x80000001, s15  }
0x164: {  	v8 =	vld.idx.msk [tilespmem:v2+s19+$0x0], $0xffff;
	vm1 =	veq.s32 v3, s14  }
0x165: {  	v9 =	vld.idx.msk [tilespmem:v2+s21+$0x0], $0xffff  }
0x166: {  	v10 =	vld.idx.msk [tilespmem:v2+s23+$0x0], $0xffff;
	s14 =	sadd.s32 $0x1, s15  }
0x167: {  	v11 =	vld.idx.msk [tilespmem:v2+s25+$0x0], $0xffff;
	p0 =	sne.s32 s13, s14  }
.Ltmp11:
0x168: {  	_ = 	snop;
	(pc) =	sbr.rel @!p0 .LBB2_8-.Ltmp11, $4  }
0x169: {  	v8 =	vmax.f32 v8, v4  }
0x16a: {  	v9 =	vmax.f32 v9, v5;
	[tilespmem:v2+s19+$0x0] =	vst.idx.msk vm1, v8  }
0x16b: {  	v10 =	vmax.f32 v10, v6;
	[tilespmem:v2+s21+$0x0] =	vst.idx.msk vm1, v9  }
0x16c: {  	v8 =	vmax.f32 v11, v7;
	[tilespmem:v2+s23+$0x0] =	vst.idx.msk vm1, v10  }
.LBB2_7:
0x16d: {  	[tilespmem:v2+s25+$0x0] =	vst.idx.msk vm1, v8;
	s5 =	smov.u32 s14;
	s14 =	sadd.s32 $0x1, s14  }
0x16e: {  	s5 =	sadd.s32 $0x80000001, s5;
	v8 =	vld.idx.msk [tilespmem:v2+s19+$0x0], $0xffff;
	p0 =	sne.s32 s13, s14  }
0x16f: {  	vm1 =	veq.s32 v3, s5;
	v9 =	vld.idx.msk [tilespmem:v2+s21+$0x0], $0xffff  }
0x170: {  	v10 =	vld.idx.msk [tilespmem:v2+s23+$0x0], $0xffff  }
0x171: {  	v11 =	vld.idx.msk [tilespmem:v2+s25+$0x0], $0xffff;
	_ =	sdelay $0x1  }
.Ltmp12:
0x172: {  	(pc) =	sbr.rel @p0 .LBB2_7-.Ltmp12, $4  }
0x173: {  	v8 =	vmax.f32 v8, v4  }
0x174: {  	v9 =	vmax.f32 v9, v5;
	[tilespmem:v2+s19+$0x0] =	vst.idx.msk vm1, v8  }
0x175: {  	v10 =	vmax.f32 v10, v6;
	[tilespmem:v2+s21+$0x0] =	vst.idx.msk vm1, v9  }
0x176: {  	v8 =	vmax.f32 v11, v7;
	[tilespmem:v2+s23+$0x0] =	vst.idx.msk vm1, v10  }
.Ltmp13:
0x177: {  	_ = 	snop;
	(pc) =	sbr.rel .LBB2_8-.Ltmp13, $1  }
0x178: {  	_ =	sdelay $0x3  }
.LBB2_16:
0x179: {  	_ =	sdelay $0x4  }
0x17a: {  	[tilespmem:v2+s25+$0x0] =	vst.idx.msk vm1, v8  }
.LBB2_17:
0x17b: {  	s11 =	sadd.s32 $0x1, s11  }
0x17c: {  	p0 =	sne.s32 s11, $0x1F4  }
.Ltmp14:
0x17d: {  	_ = 	snop;
	(pc) =	sbr.rel @!p0 .LBB2_18-.Ltmp14, $1  }
0x17e: {  	_ =	sdelay $0x3  }
.LBB2_13:
0x17f: {  	s5 =	sshll.u32 s11, $0x4  }
0x180: {  	v2 =	vld [tilespmem:s5+$0x19E80];
	_ =	sdelay $0x4  }
0x181: {  	(xrf1) =	vunique.msk.u32 $0xffff, v2;
	_ =	sdelay $0xd  }
0x182: {  	_, v3, _ =	vpop (xrf1)  }
0x183: {  	v4 =	vxor.u32 $0x80000000, v3  }
0x184: {  	(xrf0) =	vmax.scan.msk.u32 $0xffff, v4;
	_ =	sdelay $0x5  }
0x185: {  	v4, _, _ =	vpop (xrf0)  }
0x186: {  	(v2sf) =	vpush v4, $0xF;
	_ =	sdelay $0xa  }
0x187: {  	v7 =	vld [tilespmem:s5+$0x15F80];
	_ =	sdelay $0x3  }
0x188: {  	s12 =	spop (v2sf)  }
0x189: {  	s14 =	sadd.s32 $0x80000001, s12  }
0x18a: {  	p0 =	sge.s32 s9, s14  }
.Ltmp15:
0x18b: {  	_ = 	snop;
	(pc) =	sbr.rel @p0 .LBB2_17-.Ltmp15, $4  }
0x18c: {  	v5 =	vld.idx.msk [tilespmem:v7+s20+$0x0], $0xffff  }
0x18d: {  	v6 =	vld.idx.msk [tilespmem:v7+s22+$0x0], $0xffff  }
0x18e: {  	v4 =	vld.idx.msk [tilespmem:v7+s2+$0x0], $0xffff  }
0x18f: {  	v7 =	vld.idx.msk [tilespmem:v7+s24+$0x0], $0xffff  }
0x190: {  	_ =	sdelay $0x2  }
0x191: {  	s5 =	sadd.s32 $0x80000001, s15  }
0x192: {  	v8 =	vld.idx.msk [tilespmem:v2+s19+$0x0], $0xffff;
	vm1 =	veq.s32 v3, s5  }
0x193: {  	v9 =	vld.idx.msk [tilespmem:v2+s21+$0x0], $0xffff  }
0x194: {  	v10 =	vld.idx.msk [tilespmem:v2+s23+$0x0], $0xffff;
	s13 =	sadd.s32 $0x1, s15  }
0x195: {  	v11 =	vld.idx.msk [tilespmem:v2+s25+$0x0], $0xffff;
	p0 =	sne.s32 s12, s13  }
.Ltmp16:
0x196: {  	_ = 	snop;
	(pc) =	sbr.rel @!p0 .LBB2_16-.Ltmp16, $4  }
0x197: {  	v8 =	vmax.f32 v8, v4  }
0x198: {  	v9 =	vmax.f32 v9, v5;
	[tilespmem:v2+s19+$0x0] =	vst.idx.msk vm1, v8  }
0x199: {  	v10 =	vmax.f32 v10, v6;
	[tilespmem:v2+s21+$0x0] =	vst.idx.msk vm1, v9  }
0x19a: {  	v8 =	vmax.f32 v11, v7;
	[tilespmem:v2+s23+$0x0] =	vst.idx.msk vm1, v10  }
.LBB2_15:
0x19b: {  	[tilespmem:v2+s25+$0x0] =	vst.idx.msk vm1, v8;
	s5 =	smov.u32 s13;
	s13 =	sadd.s32 $0x1, s13  }
0x19c: {  	s5 =	sadd.s32 $0x80000001, s5;
	v8 =	vld.idx.msk [tilespmem:v2+s19+$0x0], $0xffff;
	p0 =	sne.s32 s12, s13  }
0x19d: {  	vm1 =	veq.s32 v3, s5;
	v9 =	vld.idx.msk [tilespmem:v2+s21+$0x0], $0xffff  }
0x19e: {  	v10 =	vld.idx.msk [tilespmem:v2+s23+$0x0], $0xffff  }
0x19f: {  	v11 =	vld.idx.msk [tilespmem:v2+s25+$0x0], $0xffff;
	_ =	sdelay $0x1  }
.Ltmp17:
0x1a0: {  	(pc) =	sbr.rel @p0 .LBB2_15-.Ltmp17, $4  }
0x1a1: {  	v8 =	vmax.f32 v8, v4  }
0x1a2: {  	v9 =	vmax.f32 v9, v5;
	[tilespmem:v2+s19+$0x0] =	vst.idx.msk vm1, v8  }
0x1a3: {  	v10 =	vmax.f32 v10, v6;
	[tilespmem:v2+s21+$0x0] =	vst.idx.msk vm1, v9  }
0x1a4: {  	v8 =	vmax.f32 v11, v7;
	[tilespmem:v2+s23+$0x0] =	vst.idx.msk vm1, v10  }
.Ltmp18:
0x1a5: {  	_ = 	snop;
	(pc) =	sbr.rel .LBB2_16-.Ltmp18, $1  }
0x1a6: {  	_ =	sdelay $0x3  }
.LBB2_20:
0x1a7: {  	_ =	sfence.sel $0x180000  }
0x1a8: {  	[bflag:$0x0] =	sbarrier.arrive $0xFFFF  }
0x1a9: {  	_ =	strace $0x90000047  }
0x1aa: {  	s0 =	stileid.u32;
	[bflag:$0x2] =	sbarrier.arrive $0xFFFF  }
0x1ab: {  	p0 =	sne.s32 s0, $0x0;
	s0 =	rddreg [dreg:$0x2]  }
0x1ac: {  	s0 =	sadd.s32 @!p0 $0x100000, s0  }
0x1ad: {  	[sflag:s0] =	ssyncadd.tile.s32 @!p0 $0x1;
	_ =	shalt  }
.Lfunc_end2:
_tile_overlayer_lowered:
.L_overlay_start_2:
0x1ae: {  	(tag) =	ssettag $0x2  }
0x1af: {  	s0 =	rddreg [dreg:$0x0];
	s2 =	stileid.u32  }
0x1b0: {  	s1 =	rddreg [dreg:$0x1];
	p0 =	sne.s32 s2, $0x0  }
0x1b1: {  	s3 =	rddreg [dreg:$0x2];
	[bflag:$0x3] =	sbarrier.arrive $0xFFFF;
	s2 =	simm.s32 @!p0 $0x1C05  }
0x1b2: {  	[timem:s3], [sflag:s2] =	dma.local @!p0 [hbm:s0], s1  }
0x1b3: {  	s0 =	simm.s32 @!p0 $0x5  }
0x1b4: {  	_ =	swait.ge @!p0 [sflag:s0], s1  }
0x1b5: {  	s1 =	ssub.s32 @!p0 $0x0, s1;
	[sflag:s0] =	ssyncset.done @!p0 $0x0  }
0x1b6: {  	[sflag:s0] =	ssyncadd.s32 @!p0 s1  }
0x1b7: {  	[bflag:$0x3] =	sbarrier.arrive $0xFFFF  }
0x1b8: {  	_ =	shalt  }

</sc_bundles>
